<compile_context>
chip_gen: v7x
topology: tpu7x:2x2x1
jax: 0.10.2.dev20260603
libtpu: 0.0.44.dev20260713+nightly
codegen_flags: <defaults>
</compile_context>

<pallas_src>
import functools
import jax
import jax.numpy as jnp
from jax import lax
from jax.experimental import pallas as pl
from jax.experimental.pallas import tpu as pltpu
from jax.experimental.pallas import tpu_sc as plsc

N_TOKEN = 10000
E_TOK = 160000
B = 32
L = 100
N_INST = B * L
E_INST = 51200
IN_DIM = 256
HID = 256
HEADS = 4
OUT = 256
NUM_CLASSES = 50
LSTM_H = 128
FINAL = 2 * OUT

_NC = 2
_NS = 16

f32 = jnp.float32
import numpy as _np
_Z = _np.int32(0)
i32 = jnp.int32



def _sc_mesh():
    return plsc.VectorSubcoreMesh(core_axis_name="c", subcore_axis_name="s")


def _sc_gather(table, idx, k, n_workers):
    T, D = table.shape
    (E,) = idx.shape
    per_w = E // n_workers
    iters = per_w // k
    assert per_w * n_workers == E and iters * k == per_w and k % 8 == 0

    @functools.partial(
        pl.kernel,
        out_type=jax.ShapeDtypeStruct((E, D), f32),
        mesh=_sc_mesh(),
        scratch_types=[
            pltpu.VMEM((k,), i32),
            pltpu.VMEM((k, D), f32),
            pltpu.SemaphoreType.DMA,
        ],
    )
    def kern(table_hbm, idx_hbm, out_hbm, idx_v, rows_v, sem):
        cid = lax.axis_index("c")
        sid = lax.axis_index("s")
        if n_workers == _NC * _NS:
            wid = sid * jnp.int32(_NC) + cid
            active = cid >= 0
        else:
            wid = sid
            active = cid == 0

        @pl.when(active)
        def _():
            def body(i, carry):
                base = wid * jnp.int32(per_w) + i * jnp.int32(k)
                pltpu.sync_copy(idx_hbm.at[pl.ds(base, k)], idx_v)
                pltpu.async_copy(table_hbm.at[idx_v], rows_v, sem).wait()
                pltpu.sync_copy(rows_v, out_hbm.at[pl.ds(base, k)])
                return carry

            lax.fori_loop(jnp.int32(0), jnp.int32(iters), body, jnp.int32(0))

    return kern(table, idx)


def _sc_seg_sum(vals, dst, n_out, k=None):
    E, D = vals.shape
    C = 320
    assert E % C == 0
    dst3 = dst.reshape(E // C, 1, C)

    def body(dst_ref, vals_ref, o_ref):
        @pl.when(pl.program_id(0) == 0)
        def _():
            o_ref[:] = jnp.zeros_like(o_ref)

        def step(j, carry):
            idx = dst_ref[0, 0, j]
            o_ref[pl.ds(idx, 1), :] += vals_ref[pl.ds(j, 1), :]
            return carry

        lax.fori_loop(jnp.int32(0), jnp.int32(C), step, jnp.int32(0))

    return pl.pallas_call(
        body,
        grid=(E // C,),
        in_specs=[
            pl.BlockSpec((1, 1, C), lambda i: (i, _Z, _Z),
                         memory_space=pltpu.SMEM),
            pl.BlockSpec((C, D), lambda i: (i, _Z)),
        ],
        out_specs=pl.BlockSpec((n_out, D), lambda i: (_Z, _Z)),
        out_shape=jax.ShapeDtypeStruct((n_out, D), f32),
    )(dst3, vals)



def _pad_rows(x, m):
    M = x.shape[0]
    r = (-M) % m
    if r:
        x = jnp.pad(x, ((0, r),) + ((0, 0),) * (x.ndim - 1))
    return x


def _matmul(a, b, act=None, bm=256):
    M, K = a.shape
    K2, N = b.shape
    bn = min(256, N)
    ap = _pad_rows(a, bm)
    Mp = ap.shape[0]

    def body(a_ref, b_ref, o_ref):
        x = jnp.dot(a_ref[:], b_ref[:], preferred_element_type=f32)
        if act is not None:
            x = act(x)
        o_ref[:] = x

    out = pl.pallas_call(
        body,
        grid=(Mp // bm, N // bn),
        in_specs=[
            pl.BlockSpec((bm, K), lambda i, j: (i, _Z)),
            pl.BlockSpec((K, bn), lambda i, j: (_Z, j)),
        ],
        out_specs=pl.BlockSpec((bm, bn), lambda i, j: (i, j)),
        out_shape=jax.ShapeDtypeStruct((Mp, N), f32),
    )(ap, b)
    return out[:M]


def _mul_bcast(a, s, act=None, bm=256):
    M, N = a.shape
    ap = _pad_rows(a, bm)
    sp = _pad_rows(s, bm)
    Mp = ap.shape[0]

    def body(a_ref, s_ref, o_ref):
        x = a_ref[:] * s_ref[:]
        if act is not None:
            x = act(x)
        o_ref[:] = x

    out = pl.pallas_call(
        body,
        grid=(Mp // bm,),
        in_specs=[
            pl.BlockSpec((bm, N), lambda i: (i, _Z)),
            pl.BlockSpec((bm, 1), lambda i: (i, _Z)),
        ],
        out_specs=pl.BlockSpec((bm, N), lambda i: (i, _Z)),
        out_shape=jax.ShapeDtypeStruct((Mp, N), f32),
    )(ap, sp)
    return out[:M]


def _ew1(a, fn, bm=256):
    M, N = a.shape
    ap = _pad_rows(a, bm)
    Mp = ap.shape[0]

    def body(a_ref, o_ref):
        o_ref[:] = fn(a_ref[:])

    out = pl.pallas_call(
        body,
        grid=(Mp // bm,),
        in_specs=[pl.BlockSpec((bm, N), lambda i: (i, _Z))],
        out_specs=pl.BlockSpec((bm, N), lambda i: (i, _Z)),
        out_shape=jax.ShapeDtypeStruct((Mp, N), f32),
    )(ap)
    return out[:M]


def _ew2(a, b, fn, bm=256):
    M, N = a.shape
    ap = _pad_rows(a, bm)
    bp = _pad_rows(b, bm)
    Mp = ap.shape[0]

    def body(a_ref, b_ref, o_ref):
        o_ref[:] = fn(a_ref[:], b_ref[:])

    out = pl.pallas_call(
        body,
        grid=(Mp // bm,),
        in_specs=[
            pl.BlockSpec((bm, N), lambda i: (i, _Z)),
            pl.BlockSpec((bm, N), lambda i: (i, _Z)),
        ],
        out_specs=pl.BlockSpec((bm, N), lambda i: (i, _Z)),
        out_shape=jax.ShapeDtypeStruct((Mp, N), f32),
    )(ap, bp)
    return out[:M]


def _lstm_dir(xw, whh, bias, reverse):
    H = LSTM_H

    def body(xw_ref, whh_ref, b_ref, o_ref):
        def step(t, hc):
            h, c = hc
            tt = (jnp.int32(L - 1) - t) if reverse else t
            z = xw_ref[tt] + jnp.dot(h, whh_ref[:], preferred_element_type=f32) + b_ref[:]
            ii = z[:, 0 * H:1 * H]
            ff = z[:, 1 * H:2 * H]
            gg = z[:, 2 * H:3 * H]
            oo = z[:, 3 * H:4 * H]
            c = jax.nn.sigmoid(ff) * c + jax.nn.sigmoid(ii) * jnp.tanh(gg)
            h = jax.nn.sigmoid(oo) * jnp.tanh(c)
            return (h, c)

        init = (jnp.zeros((B, H), f32), jnp.zeros((B, H), f32))
        h, c = lax.fori_loop(jnp.int32(0), jnp.int32(L), step, init)
        o_ref[:] = h

    return pl.pallas_call(
        body,
        in_specs=[
            pl.BlockSpec((L, B, 4 * H), lambda: (_Z, _Z, _Z)),
            pl.BlockSpec((H, 4 * H), lambda: (_Z, _Z)),
            pl.BlockSpec((1, 4 * H), lambda: (_Z, _Z)),
        ],
        out_specs=pl.BlockSpec((B, H), lambda: (_Z, _Z)),
        out_shape=jax.ShapeDtypeStruct((B, H), f32),
    )(xw, whh, bias.reshape(1, 4 * H))


def _linear_bias(x, w, b):
    M, K = x.shape
    _, N = w.shape

    def body(x_ref, w_ref, b_ref, o_ref):
        o_ref[:] = jnp.dot(x_ref[:], w_ref[:], preferred_element_type=f32) + b_ref[:]

    return pl.pallas_call(
        body,
        in_specs=[
            pl.BlockSpec((M, K), lambda: (_Z, _Z)),
            pl.BlockSpec((K, N), lambda: (_Z, _Z)),
            pl.BlockSpec((1, N), lambda: (_Z, _Z)),
        ],
        out_specs=pl.BlockSpec((M, N), lambda: (_Z, _Z)),
        out_shape=jax.ShapeDtypeStruct((M, N), f32),
    )(x, w, b.reshape(1, N))



def _head_proj_weights(a, width, heads):
    w = jnp.zeros((heads * width, 128), f32)
    rows = jnp.arange(heads * width, dtype=i32)
    cols = jnp.repeat(jnp.arange(heads, dtype=i32), width)
    return w.at[rows, cols].set(a.reshape(-1).astype(f32))


def _relu(x):
    return jnp.maximum(x, 0.0)


def _elu(x):
    return jnp.where(x > 0, x, jnp.exp(x) - 1.0)


def _exp_leaky(a, b):
    z = a + b
    return jnp.exp(jnp.where(z >= 0, z, 0.2 * z))


def _recip_eps(x):
    return 1.0 / (x + 1e-9)


def _rsqrt_clip(x):
    return lax.rsqrt(jnp.clip(x, 1.0, None))



def kernel(instance_batch, instance_batch_embs, instance_batch_local_token_ids,
           node_counts, instance_batch_global_token_ids, A, X,
           W_gcn1, W_gcn2, W_gat1, a_l1, a_r1, W_gat2, a_l2, a_r2,
           Wih_f, Whh_f, b_f, Wih_b, Whh_b, b_b, W_fc, b_fc):
    e_src = instance_batch[0].astype(i32)
    e_dst = instance_batch[1].astype(i32)
    a_src = A[0].astype(i32)
    a_dst = A[1].astype(i32)

    def _gcn_agg(hs):
        return jnp.concatenate([
            _sc_seg_sum(_sc_gather(hs[:, c * 128:(c + 1) * 128], a_src,
                                   k=200, n_workers=32),
                        a_dst, N_TOKEN, k=200)
            for c in range(2)
        ], axis=1)

    ones_e = jnp.ones((E_TOK, 128), f32)
    deg = _sc_seg_sum(ones_e, a_dst, N_TOKEN, k=200)
    dinv = _ew1(deg, _rsqrt_clip)[:, :1]

    h = _matmul(X, W_gcn1)
    hs = _mul_bcast(h, dinv)
    h1 = _mul_bcast(_gcn_agg(hs), dinv, act=_relu)
    h2 = _matmul(h1, W_gcn2)
    hs2 = _mul_bcast(h2, dinv)
    Xg = _mul_bcast(_gcn_agg(hs2), dinv)

    hw = _matmul(instance_batch_embs, W_gat1)
    er = _matmul(hw, _head_proj_weights(a_r1, HID, HEADS))
    ers = _sc_gather(er, e_dst, k=320, n_workers=32)
    hwsrc = _sc_gather(hw, e_src, k=64, n_workers=32)
    els = _matmul(hwsrc, _head_proj_weights(a_l1, HID, HEADS))
    ex = _ew2(els, ers, _exp_leaky)
    denom = _sc_seg_sum(ex, e_dst, N_INST, k=320)
    invden = _ew1(denom, _recip_eps)

    vals = _mul_bcast(hwsrc.reshape(E_INST * HEADS, HID),
                      ex[:, :HEADS].reshape(-1, 1)).reshape(E_INST, HEADS * HID)
    acc = jnp.concatenate([
        _sc_seg_sum(vals[:, c * 256:(c + 1) * 256], e_dst, N_INST, k=128)
        for c in range(4)
    ], axis=1)
    h_gat = _mul_bcast(acc.reshape(N_INST * HEADS, HID),
                       invden[:, :HEADS].reshape(-1, 1),
                       act=_elu).reshape(N_INST, HEADS * HID)

    hw2 = _matmul(h_gat, W_gat2)
    er2 = _matmul(hw2, _head_proj_weights(a_r2, OUT, 1))
    ers2 = _sc_gather(er2, e_dst, k=320, n_workers=32)
    hw2src = _sc_gather(hw2, e_src, k=200, n_workers=32)
    els2 = _matmul(hw2src, _head_proj_weights(a_l2, OUT, 1))
    ex2 = _ew2(els2, ers2, _exp_leaky)
    den2 = _sc_seg_sum(ex2, e_dst, N_INST, k=320)
    invd2 = _ew1(den2, _recip_eps)
    vals2 = _mul_bcast(hw2src, ex2[:, :1])
    acc2 = _sc_seg_sum(vals2, e_dst, N_INST, k=128)
    inst = _mul_bcast(acc2, invd2[:, :1])

    gids = instance_batch_global_token_ids.reshape(-1).astype(i32)
    tok = _sc_gather(Xg, gids, k=200, n_workers=16)
    lids = (instance_batch_local_token_ids.astype(i32)
            + (jnp.arange(B, dtype=i32) * L)[:, None]).reshape(-1)
    instg = _sc_gather(inst, lids, k=200, n_workers=16)

    combined = jnp.concatenate([tok.reshape(B, L, OUT),
                                instg.reshape(B, L, OUT)], axis=-1)
    xs = combined.transpose(1, 0, 2).reshape(L * B, FINAL)
    xw_f = _matmul(xs, Wih_f).reshape(L, B, 4 * LSTM_H)
    xw_b = _matmul(xs, Wih_b).reshape(L, B, 4 * LSTM_H)
    hf = _lstm_dir(xw_f, Whh_f, b_f, reverse=False)
    hb = _lstm_dir(xw_b, Whh_b, b_b, reverse=True)

    hcat = jnp.concatenate([hf, hb], axis=1)
    w_fc_p = jnp.pad(W_fc.astype(f32), ((0, 0), (0, 128 - NUM_CLASSES)))
    b_fc_p = jnp.pad(b_fc.astype(f32), (0, 128 - NUM_CLASSES))
    preds = _linear_bias(hcat, w_fc_p, b_fc_p)[:, :NUM_CLASSES]
    return preds

# --- scband reference (transcript-rebuilt; emitter-appended) ---
"""Pipeline reference for scband-glen-classifier-32392643347083 (READ-ONLY COPY).

The authoritative reference and input builder live on the scoring server;
editing this copy changes nothing except your own understanding.
"""

import jax, jax.numpy as jnp
import numpy as np
jax.config.update("jax_enable_x64", True)

N_TOKEN = 10000
E_TOK = 160000
B = 32
L = 100
N_INST = B * L
E_INST = 51200
IN_DIM = 256
HID = 256
HEADS = 4
OUT = 256
NUM_CLASSES = 50
LSTM_H = 128
FINAL = 2 * OUT


def _gcn(A, X, W1, W2):
    src, dst = A[0], A[1]
    deg = jnp.zeros((N_TOKEN,), jnp.float32).at[dst].add(1.0)
    deg = jnp.clip(deg, 1.0, None)
    norm = jax.lax.rsqrt(deg[src] * deg[dst])
    h = X @ W1
    h = jax.ops.segment_sum(norm[:, None] * h[src], dst, num_segments=N_TOKEN)
    h = jax.nn.relu(h)
    h = h @ W2
    h = jax.ops.segment_sum(norm[:, None] * h[src], dst, num_segments=N_TOKEN)
    return h


def _gat_layer(edge, h, W, a_l, a_r, heads, dim, n_nodes):
    src, dst = edge[0], edge[1]
    hw = (h @ W).reshape(n_nodes, heads, dim)
    el = (hw * a_l[None]).sum(-1)
    er = (hw * a_r[None]).sum(-1)
    e = jax.nn.leaky_relu(el[src] + er[dst], 0.2)
    m = jax.ops.segment_max(e, dst, num_segments=n_nodes)
    m = jnp.where(jnp.isfinite(m), m, 0.0)
    ex = jnp.exp(e - m[dst])
    denom = jax.ops.segment_sum(ex, dst, num_segments=n_nodes) + 1e-9
    alpha = ex / denom[dst]
    return jax.ops.segment_sum(alpha[:, :, None] * hw[src], dst, num_segments=n_nodes)


def _lstm(xs, Wih, Whh, b, reverse):
    bsz = xs.shape[1]
    def step(carry, x):
        h, c = carry
        z = x @ Wih + h @ Whh + b
        i, f, g, o = jnp.split(z, 4, axis=-1)
        c = jax.nn.sigmoid(f) * c + jax.nn.sigmoid(i) * jnp.tanh(g)
        h = jax.nn.sigmoid(o) * jnp.tanh(c)
        return (h, c), h
    init = (jnp.zeros((bsz, LSTM_H), xs.dtype), jnp.zeros((bsz, LSTM_H), xs.dtype))
    (h, c), _ = jax.lax.scan(step, init, xs, reverse=reverse)
    return h


def setup_inputs(seed: int = 0):
    key = jax.random.key(seed)
    ks = jax.random.split(key, 24)
    s = 0.05
    inp = {}
    inp["instance_batch"] = jax.random.randint(ks[0], (2, E_INST), 0, N_INST, dtype=jnp.int64)
    inp["instance_batch_embs"] = jax.random.normal(ks[1], (N_INST, IN_DIM), jnp.float32)
    inp["instance_batch_local_token_ids"] = jax.random.randint(ks[2], (B, L), 0, L, dtype=jnp.int64)
    inp["node_counts"] = jnp.full((B,), L, dtype=jnp.int64)
    inp["instance_batch_global_token_ids"] = jax.random.randint(ks[3], (B, L), 0, N_TOKEN, dtype=jnp.int64)
    inp["A"] = jax.random.randint(ks[4], (2, E_TOK), 0, N_TOKEN, dtype=jnp.int64)
    inp["X"] = jax.random.normal(ks[5], (N_TOKEN, IN_DIM), jnp.float32)
    inp["W_gcn1"] = jax.random.normal(ks[6], (IN_DIM, HID), jnp.float32) * s
    inp["W_gcn2"] = jax.random.normal(ks[7], (HID, OUT), jnp.float32) * s
    inp["W_gat1"] = jax.random.normal(ks[8], (IN_DIM, HEADS * HID), jnp.float32) * s
    inp["a_l1"] = jax.random.normal(ks[9], (HEADS, HID), jnp.float32) * s
    inp["a_r1"] = jax.random.normal(ks[10], (HEADS, HID), jnp.float32) * s
    inp["W_gat2"] = jax.random.normal(ks[11], (HEADS * HID, OUT), jnp.float32) * s
    inp["a_l2"] = jax.random.normal(ks[12], (1, OUT), jnp.float32) * s
    inp["a_r2"] = jax.random.normal(ks[13], (1, OUT), jnp.float32) * s
    inp["Wih_f"] = jax.random.normal(ks[14], (FINAL, 4 * LSTM_H), jnp.float32) * s
    inp["Whh_f"] = jax.random.normal(ks[15], (LSTM_H, 4 * LSTM_H), jnp.float32) * s
    inp["b_f"] = jnp.zeros((4 * LSTM_H,), jnp.float32)
    inp["Wih_b"] = jax.random.normal(ks[16], (FINAL, 4 * LSTM_H), jnp.float32) * s
    inp["Whh_b"] = jax.random.normal(ks[17], (LSTM_H, 4 * LSTM_H), jnp.float32) * s
    inp["b_b"] = jnp.zeros((4 * LSTM_H,), jnp.float32)
    inp["W_fc"] = jax.random.normal(ks[18], (2 * LSTM_H, NUM_CLASSES), jnp.float32) * s
    inp["b_fc"] = jnp.zeros((NUM_CLASSES,), jnp.float32)
    return inp


def reference(instance_batch, instance_batch_embs, instance_batch_local_token_ids, node_counts, instance_batch_global_token_ids, A, X, W_gcn1, W_gcn2, W_gat1, a_l1, a_r1, W_gat2, a_l2, a_r2, Wih_f, Whh_f, b_f, Wih_b, Whh_b, b_b, W_fc, b_fc):
    # Instance_GAT_dgl: 2-layer GAT (multi-head -> single head) with ELU between layers
    h = _gat_layer(instance_batch, instance_batch_embs, W_gat1, a_l1, a_r1, HEADS, HID, N_INST)
    h = jax.nn.elu(h.reshape(N_INST, HEADS * HID))
    inst = _gat_layer(instance_batch, h, W_gat2, a_l2, a_r2, 1, OUT, N_INST).reshape(N_INST, OUT)
    # Pretrain_GCN: 2-layer symmetric-normalized GCN over token graph
    Xg = _gcn(A, X, W_gcn1, W_gcn2)
    # Per-instance combine (vectorized: all node_counts == L)
    tok = Xg[instance_batch_global_token_ids]                      # [B, L, OUT]
    inst_b = inst.reshape(B, L, OUT)
    inst_g = jnp.take_along_axis(inst_b, instance_batch_local_token_ids[:, :, None], axis=1)
    combined = jnp.concatenate([tok, inst_g], axis=-1)             # [B, L, 2*OUT]
    # BiLSTM_Classifier: BiLSTM over each instance sequence, final hidden -> linear
    xs = combined.transpose(1, 0, 2)                               # [L, B, 2*OUT]
    hf = _lstm(xs, Wih_f, Whh_f, b_f, False)
    hb = _lstm(xs, Wih_b, Whh_b, b_b, True)
    preds = jnp.concatenate([hf, hb], axis=-1) @ W_fc + b_fc       # [B, NUM_CLASSES]
    return preds

if __name__ == "__main__":
    import jax
    _d = setup_inputs()
    print(jax.jit(kernel)(*tuple(_d.values())))

</pallas_src>

<mosaic_0001>
#map = affine_map<(d0, d1) -> (0, 0)>
#map1 = affine_map<(d0, d1) -> (0)>
module attributes {stable_mosaic.version = 14 : i64} {
  func.func @kern(%arg0: i32, %arg1: i32, %arg2: memref<10000x128xf32, #tpu.memory_space<hbm>>, %arg3: memref<160000xi32, #tpu.memory_space<hbm>>, %arg4: memref<160000x128xf32, #tpu.memory_space<hbm>>, %arg5: memref<200xi32, #tpu.memory_space<vmem>>, %arg6: memref<200x128xf32, #tpu.memory_space<vmem>>, %arg7: memref<!tpu.dma_semaphore, #tpu.memory_space<semaphore_mem>>) attributes {dimension_semantics = [#tpu.dimension_semantics<core_parallel>, #tpu.dimension_semantics<subcore_parallel>], iteration_bounds = array<i64: 2, 16>, scalar_prefetch = 0 : i64, scratch_operands = 3 : i64, tpu.core_type = #tpu.core_type<sc_vector_subcore>, window_params = [{transform_indices = #map}, {transform_indices = #map1}, {transform_indices = #map}]} {
    %mul3A = arith.constant 2 : i32
    %mul3A_0 = arith.muli %arg1, %mul3A : i32
    %add3A = arith.addi %mul3A_0, %arg0 : i32
    %ge3A = arith.constant 0 : i32
    %ge3A_1 = arith.cmpi sge, %arg0, %ge3A : i32
    %convert_element_type3A = arith.extui %ge3A_1 : i1 to i32
    %cond3A = arith.constant 0 : i32
    %cond3A_2 = arith.cmpi ne, %convert_element_type3A, %cond3A : i32
    scf.if %cond3A_2 {
      %while3A = arith.constant 0 : i32
      %while3A_3 = arith.constant 0 : i32
      %while3A_4 = arith.constant 25 : i32
      %while3A_5 = arith.subi %while3A_4, %while3A_3 : i32
      %while3A_6 = arith.addi %while3A_3, %while3A_5 : i32
      %while3A_7 = arith.constant 1 : i32
      %while3A_8 = arith.divsi %while3A_5, %while3A_7 : i32
      %while3A_9 = arith.muli %while3A_8, %while3A_7 : i32
      %while3A_10 = arith.addi %while3A_3, %while3A_9 : i32
      %while3A_11 = arith.constant 1 : i32
      scf.for %while3A_13 = %while3A_3 to %while3A_10 step %while3A_11  : i32 {
        %mul3A_14 = arith.constant 5000 : i32
        %mul3A_15 = arith.muli %add3A, %mul3A_14 : i32
        %mul3A_16 = arith.constant 200 : i32
        %mul3A_17 = arith.muli %while3A_13, %mul3A_16 : i32
        %add3A_18 = arith.addi %mul3A_15, %mul3A_17 : i32
        "tpu.region"() ({
          %run_scoped3A = tpu.sem_alloc : memref<!tpu.dma_semaphore, #tpu.memory_space<semaphore_mem>>
          %dma_start3A_23 = tpu.memref_slice %arg3[%add3A_18] : memref<160000xi32, #tpu.memory_space<hbm>> -> memref<200xi32, #tpu.memory_space<hbm>>
          %dma_start3A_24 = tpu.memref_slice %arg3[%add3A_18] : memref<160000xi32, #tpu.memory_space<hbm>> -> memref<200xi32, #tpu.memory_space<hbm>>
          tpu.enqueue_dma source(%dma_start3A_24 : memref<200xi32, #tpu.memory_space<hbm>>) target(%arg5 : memref<200xi32, #tpu.memory_space<vmem>>) target_semaphore(%run_scoped3A : memref<!tpu.dma_semaphore, #tpu.memory_space<semaphore_mem>>)
          %dma_wait3A_25 = tpu.memref_slice %arg3[%add3A_18] : memref<160000xi32, #tpu.memory_space<hbm>> -> memref<200xi32, #tpu.memory_space<hbm>>
          %dma_wait3A_26 = tpu.memref_slice %arg3[%add3A_18] : memref<160000xi32, #tpu.memory_space<hbm>> -> memref<200xi32, #tpu.memory_space<hbm>>
          tpu.wait_dma2 semaphore(%run_scoped3A : memref<!tpu.dma_semaphore, #tpu.memory_space<semaphore_mem>>) src(%dma_wait3A_26 : memref<200xi32, #tpu.memory_space<hbm>>) dst(%arg5 : memref<200xi32, #tpu.memory_space<vmem>>)
          tpu.yield
        }) : () -> ()
        %dma_start3A = arith.constant 0 : i32
        %dma_start3A_19 = arith.constant 0 : i32
        %dma_start3A_20 = tpu.memref_slice %arg2[%dma_start3A, %dma_start3A_19] : memref<10000x128xf32, #tpu.memory_space<hbm>> -> memref<10000x128xf32, #tpu.memory_space<hbm>>
        tpu.enqueue_indirect_dma source(%dma_start3A_20 : memref<10000x128xf32, #tpu.memory_space<hbm>>) target(%arg6 : memref<200x128xf32, #tpu.memory_space<vmem>>) offsets(%arg5 : memref<200xi32, #tpu.memory_space<vmem>>) semaphore(%arg7 : memref<!tpu.dma_semaphore, #tpu.memory_space<semaphore_mem>>)
        %dma_wait3A = arith.constant 0 : i32
        %dma_wait3A_21 = arith.constant 0 : i32
        %dma_wait3A_22 = tpu.memref_slice %arg2[%dma_wait3A, %dma_wait3A_21] : memref<10000x128xf32, #tpu.memory_space<hbm>> -> memref<10000x128xf32, #tpu.memory_space<hbm>>
        tpu.wait_indirect_dma semaphore(%arg7 : memref<!tpu.dma_semaphore, #tpu.memory_space<semaphore_mem>>) src(%dma_wait3A_22 : memref<10000x128xf32, #tpu.memory_space<hbm>>) dst(%arg6 : memref<200x128xf32, #tpu.memory_space<vmem>>)
        "tpu.region"() ({
          %run_scoped3A = tpu.sem_alloc : memref<!tpu.dma_semaphore, #tpu.memory_space<semaphore_mem>>
          %dma_start3A_23 = arith.constant 0 : i32
          %dma_start3A_24 = tpu.memref_slice %arg4[%add3A_18, %dma_start3A_23] : memref<160000x128xf32, #tpu.memory_space<hbm>> -> memref<200x128xf32, #tpu.memory_space<hbm>>
          %dma_start3A_25 = arith.constant 0 : i32
          %dma_start3A_26 = tpu.memref_slice %arg4[%add3A_18, %dma_start3A_25] : memref<160000x128xf32, #tpu.memory_space<hbm>> -> memref<200x128xf32, #tpu.memory_space<hbm>>
          tpu.enqueue_dma source(%arg6 : memref<200x128xf32, #tpu.memory_space<vmem>>) target(%dma_start3A_26 : memref<200x128xf32, #tpu.memory_space<hbm>>) target_semaphore(%run_scoped3A : memref<!tpu.dma_semaphore, #tpu.memory_space<semaphore_mem>>)
          %dma_wait3A_27 = arith.constant 0 : i32
          %dma_wait3A_28 = tpu.memref_slice %arg4[%add3A_18, %dma_wait3A_27] : memref<160000x128xf32, #tpu.memory_space<hbm>> -> memref<200x128xf32, #tpu.memory_space<hbm>>
          %dma_wait3A_29 = arith.constant 0 : i32
          %dma_wait3A_30 = tpu.memref_slice %arg4[%add3A_18, %dma_wait3A_29] : memref<160000x128xf32, #tpu.memory_space<hbm>> -> memref<200x128xf32, #tpu.memory_space<hbm>>
          tpu.wait_dma2 semaphore(%run_scoped3A : memref<!tpu.dma_semaphore, #tpu.memory_space<semaphore_mem>>) src(%arg6 : memref<200x128xf32, #tpu.memory_space<vmem>>) dst(%dma_wait3A_30 : memref<200x128xf32, #tpu.memory_space<hbm>>)
          tpu.yield
        }) : () -> ()
      }
      %while3A_12 = arith.constant 1 : i32
      scf.for %while3A_13 = %while3A_10 to %while3A_6 step %while3A_12  : i32 {
        %mul3A_14 = arith.constant 5000 : i32
        %mul3A_15 = arith.muli %add3A, %mul3A_14 : i32
        %mul3A_16 = arith.constant 200 : i32
        %mul3A_17 = arith.muli %while3A_13, %mul3A_16 : i32
        %add3A_18 = arith.addi %mul3A_15, %mul3A_17 : i32
        "tpu.region"() ({
          %run_scoped3A = tpu.sem_alloc : memref<!tpu.dma_semaphore, #tpu.memory_space<semaphore_mem>>
          %dma_start3A_23 = tpu.memref_slice %arg3[%add3A_18] : memref<160000xi32, #tpu.memory_space<hbm>> -> memref<200xi32, #tpu.memory_space<hbm>>
          %dma_start3A_24 = tpu.memref_slice %arg3[%add3A_18] : memref<160000xi32, #tpu.memory_space<hbm>> -> memref<200xi32, #tpu.memory_space<hbm>>
          tpu.enqueue_dma source(%dma_start3A_24 : memref<200xi32, #tpu.memory_space<hbm>>) target(%arg5 : memref<200xi32, #tpu.memory_space<vmem>>) target_semaphore(%run_scoped3A : memref<!tpu.dma_semaphore, #tpu.memory_space<semaphore_mem>>)
          %dma_wait3A_25 = tpu.memref_slice %arg3[%add3A_18] : memref<160000xi32, #tpu.memory_space<hbm>> -> memref<200xi32, #tpu.memory_space<hbm>>
          %dma_wait3A_26 = tpu.memref_slice %arg3[%add3A_18] : memref<160000xi32, #tpu.memory_space<hbm>> -> memref<200xi32, #tpu.memory_space<hbm>>
          tpu.wait_dma2 semaphore(%run_scoped3A : memref<!tpu.dma_semaphore, #tpu.memory_space<semaphore_mem>>) src(%dma_wait3A_26 : memref<200xi32, #tpu.memory_space<hbm>>) dst(%arg5 : memref<200xi32, #tpu.memory_space<vmem>>)
          tpu.yield
        }) : () -> ()
        %dma_start3A = arith.constant 0 : i32
        %dma_start3A_19 = arith.constant 0 : i32
        %dma_start3A_20 = tpu.memref_slice %arg2[%dma_start3A, %dma_start3A_19] : memref<10000x128xf32, #tpu.memory_space<hbm>> -> memref<10000x128xf32, #tpu.memory_space<hbm>>
        tpu.enqueue_indirect_dma source(%dma_start3A_20 : memref<10000x128xf32, #tpu.memory_space<hbm>>) target(%arg6 : memref<200x128xf32, #tpu.memory_space<vmem>>) offsets(%arg5 : memref<200xi32, #tpu.memory_space<vmem>>) semaphore(%arg7 : memref<!tpu.dma_semaphore, #tpu.memory_space<semaphore_mem>>)
        %dma_wait3A = arith.constant 0 : i32
        %dma_wait3A_21 = arith.constant 0 : i32
        %dma_wait3A_22 = tpu.memref_slice %arg2[%dma_wait3A, %dma_wait3A_21] : memref<10000x128xf32, #tpu.memory_space<hbm>> -> memref<10000x128xf32, #tpu.memory_space<hbm>>
        tpu.wait_indirect_dma semaphore(%arg7 : memref<!tpu.dma_semaphore, #tpu.memory_space<semaphore_mem>>) src(%dma_wait3A_22 : memref<10000x128xf32, #tpu.memory_space<hbm>>) dst(%arg6 : memref<200x128xf32, #tpu.memory_space<vmem>>)
        "tpu.region"() ({
          %run_scoped3A = tpu.sem_alloc : memref<!tpu.dma_semaphore, #tpu.memory_space<semaphore_mem>>
          %dma_start3A_23 = arith.constant 0 : i32
          %dma_start3A_24 = tpu.memref_slice %arg4[%add3A_18, %dma_start3A_23] : memref<160000x128xf32, #tpu.memory_space<hbm>> -> memref<200x128xf32, #tpu.memory_space<hbm>>
          %dma_start3A_25 = arith.constant 0 : i32
          %dma_start3A_26 = tpu.memref_slice %arg4[%add3A_18, %dma_start3A_25] : memref<160000x128xf32, #tpu.memory_space<hbm>> -> memref<200x128xf32, #tpu.memory_space<hbm>>
          tpu.enqueue_dma source(%arg6 : memref<200x128xf32, #tpu.memory_space<vmem>>) target(%dma_start3A_26 : memref<200x128xf32, #tpu.memory_space<hbm>>) target_semaphore(%run_scoped3A : memref<!tpu.dma_semaphore, #tpu.memory_space<semaphore_mem>>)
          %dma_wait3A_27 = arith.constant 0 : i32
          %dma_wait3A_28 = tpu.memref_slice %arg4[%add3A_18, %dma_wait3A_27] : memref<160000x128xf32, #tpu.memory_space<hbm>> -> memref<200x128xf32, #tpu.memory_space<hbm>>
          %dma_wait3A_29 = arith.constant 0 : i32
          %dma_wait3A_30 = tpu.memref_slice %arg4[%add3A_18, %dma_wait3A_29] : memref<160000x128xf32, #tpu.memory_space<hbm>> -> memref<200x128xf32, #tpu.memory_space<hbm>>
          tpu.wait_dma2 semaphore(%run_scoped3A : memref<!tpu.dma_semaphore, #tpu.memory_space<semaphore_mem>>) src(%arg6 : memref<200x128xf32, #tpu.memory_space<vmem>>) dst(%dma_wait3A_30 : memref<200x128xf32, #tpu.memory_space<hbm>>)
          tpu.yield
        }) : () -> ()
      }
    } else {
    }
    return
  }
}

#map = affine_map<(d0, d1) -> (0, 0)>
#map1 = affine_map<(d0, d1) -> (0)>
module attributes {stable_mosaic.version = 14 : i64} {
  func.func @kern(%arg0: i32, %arg1: i32, %arg2: memref<10000x128xf32, #tpu.memory_space<hbm>>, %arg3: memref<160000xi32, #tpu.memory_space<hbm>>, %arg4: memref<160000x128xf32, #tpu.memory_space<hbm>>, %arg5: memref<200xi32, #tpu.memory_space<vmem>>, %arg6: memref<200x128xf32, #tpu.memory_space<vmem>>, %arg7: memref<!tpu.dma_semaphore, #tpu.memory_space<semaphore_mem>>) attributes {dimension_semantics = [#tpu.dimension_semantics<core_parallel>, #tpu.dimension_semantics<subcore_parallel>], iteration_bounds = array<i64: 2, 16>, scalar_prefetch = 0 : i64, scratch_operands = 3 : i64, tpu.core_type = #tpu.core_type<sc_vector_subcore>, window_params = [{transform_indices = #map}, {transform_indices = #map1}, {transform_indices = #map}]} {
    %mul3A = arith.constant 2 : i32
    %mul3A_0 = arith.muli %arg1, %mul3A : i32
    %add3A = arith.addi %mul3A_0, %arg0 : i32
    %ge3A = arith.constant 0 : i32
    %ge3A_1 = arith.cmpi sge, %arg0, %ge3A : i32
    %convert_element_type3A = arith.extui %ge3A_1 : i1 to i32
    %cond3A = arith.constant 0 : i32
    %cond3A_2 = arith.cmpi ne, %convert_element_type3A, %cond3A : i32
    scf.if %cond3A_2 {
      %while3A = arith.constant 0 : i32
      %while3A_3 = arith.constant 0 : i32
      %while3A_4 = arith.constant 25 : i32
      %while3A_5 = arith.subi %while3A_4, %while3A_3 : i32
      %while3A_6 = arith.addi %while3A_3, %while3A_5 : i32
      %while3A_7 = arith.constant 1 : i32
      %while3A_8 = arith.divsi %while3A_5, %while3A_7 : i32
      %while3A_9 = arith.muli %while3A_8, %while3A_7 : i32
      %while3A_10 = arith.addi %while3A_3, %while3A_9 : i32
      %while3A_11 = arith.constant 1 : i32
      scf.for %while3A_13 = %while3A_3 to %while3A_10 step %while3A_11  : i32 {
        %mul3A_14 = arith.constant 5000 : i32
        %mul3A_15 = arith.muli %add3A, %mul3A_14 : i32
        %mul3A_16 = arith.constant 200 : i32
        %mul3A_17 = arith.muli %while3A_13, %mul3A_16 : i32
        %add3A_18 = arith.addi %mul3A_15, %mul3A_17 : i32
        "tpu.region"() ({
          %run_scoped3A = tpu.sem_alloc : memref<!tpu.dma_semaphore, #tpu.memory_space<semaphore_mem>>
          %dma_start3A_23 = tpu.memref_slice %arg3[%add3A_18] : memref<160000xi32, #tpu.memory_space<hbm>> -> memref<200xi32, #tpu.memory_space<hbm>>
          %dma_start3A_24 = tpu.memref_slice %arg3[%add3A_18] : memref<160000xi32, #tpu.memory_space<hbm>> -> memref<200xi32, #tpu.memory_space<hbm>>
          tpu.enqueue_dma source(%dma_start3A_24 : memref<200xi32, #tpu.memory_space<hbm>>) target(%arg5 : memref<200xi32, #tpu.memory_space<vmem>>) target_semaphore(%run_scoped3A : memref<!tpu.dma_semaphore, #tpu.memory_space<semaphore_mem>>)
          %dma_wait3A_25 = tpu.memref_slice %arg3[%add3A_18] : memref<160000xi32, #tpu.memory_space<hbm>> -> memref<200xi32, #tpu.memory_space<hbm>>
          %dma_wait3A_26 = tpu.memref_slice %arg3[%add3A_18] : memref<160000xi32, #tpu.memory_space<hbm>> -> memref<200xi32, #tpu.memory_space<hbm>>
          tpu.wait_dma2 semaphore(%run_scoped3A : memref<!tpu.dma_semaphore, #tpu.memory_space<semaphore_mem>>) src(%dma_wait3A_26 : memref<200xi32, #tpu.memory_space<hbm>>) dst(%arg5 : memref<200xi32, #tpu.memory_space<vmem>>)
          tpu.yield
        }) : () -> ()
        %dma_start3A = arith.constant 0 : i32
        %dma_start3A_19 = arith.constant 0 : i32
        %dma_start3A_20 = tpu.memref_slice %arg2[%dma_start3A, %dma_start3A_19] : memref<10000x128xf32, #tpu.memory_space<hbm>> -> memref<10000x128xf32, #tpu.memory_space<hbm>>
        tpu.enqueue_indirect_dma source(%dma_start3A_20 : memref<10000x128xf32, #tpu.memory_space<hbm>>) target(%arg6 : memref<200x128xf32, #tpu.memory_space<vmem>>) offsets(%arg5 : memref<200xi32, #tpu.memory_space<vmem>>) semaphore(%arg7 : memref<!tpu.dma_semaphore, #tpu.memory_space<semaphore_mem>>)
        %dma_wait3A = arith.constant 0 : i32
        %dma_wait3A_21 = arith.constant 0 : i32
        %dma_wait3A_22 = tpu.memref_slice %arg2[%dma_wait3A, %dma_wait3A_21] : memref<10000x128xf32, #tpu.memory_space<hbm>> -> memref<10000x128xf32, #tpu.memory_space<hbm>>
        tpu.wait_indirect_dma semaphore(%arg7 : memref<!tpu.dma_semaphore, #tpu.memory_space<semaphore_mem>>) src(%dma_wait3A_22 : memref<10000x128xf32, #tpu.memory_space<hbm>>) dst(%arg6 : memref<200x128xf32, #tpu.memory_space<vmem>>)
        "tpu.region"() ({
          %run_scoped3A = tpu.sem_alloc : memref<!tpu.dma_semaphore, #tpu.memory_space<semaphore_mem>>
          %dma_start3A_23 = arith.constant 0 : i32
          %dma_start3A_24 = tpu.memref_slice %arg4[%add3A_18, %dma_start3A_23] : memref<160000x128xf32, #tpu.memory_space<hbm>> -> memref<200x128xf32, #tpu.memory_space<hbm>>
          %dma_start3A_25 = arith.constant 0 : i32
          %dma_start3A_26 = tpu.memref_slice %arg4[%add3A_18, %dma_start3A_25] : memref<160000x128xf32, #tpu.memory_space<hbm>> -> memref<200x128xf32, #tpu.memory_space<hbm>>
          tpu.enqueue_dma source(%arg6 : memref<200x128xf32, #tpu.memory_space<vmem>>) target(%dma_start3A_26 : memref<200x128xf32, #tpu.memory_space<hbm>>) target_semaphore(%run_scoped3A : memref<!tpu.dma_semaphore, #tpu.memory_space<semaphore_mem>>)
          %dma_wait3A_27 = arith.constant 0 : i32
          %dma_wait3A_28 = tpu.memref_slice %arg4[%add3A_18, %dma_wait3A_27] : memref<160000x128xf32, #tpu.memory_space<hbm>> -> memref<200x128xf32, #tpu.memory_space<hbm>>
          %dma_wait3A_29 = arith.constant 0 : i32
          %dma_wait3A_30 = tpu.memref_slice %arg4[%add3A_18, %dma_wait3A_29] : memref<160000x128xf32, #tpu.memory_space<hbm>> -> memref<200x128xf32, #tpu.memory_space<hbm>>
          tpu.wait_dma2 semaphore(%run_scoped3A : memref<!tpu.dma_semaphore, #tpu.memory_space<semaphore_mem>>) src(%arg6 : memref<200x128xf32, #tpu.memory_space<vmem>>) dst(%dma_wait3A_30 : memref<200x128xf32, #tpu.memory_space<hbm>>)
          tpu.yield
        }) : () -> ()
      }
      %while3A_12 = arith.constant 1 : i32
      scf.for %while3A_13 = %while3A_10 to %while3A_6 step %while3A_12  : i32 {
        %mul3A_14 = arith.constant 5000 : i32
        %mul3A_15 = arith.muli %add3A, %mul3A_14 : i32
        %mul3A_16 = arith.constant 200 : i32
        %mul3A_17 = arith.muli %while3A_13, %mul3A_16 : i32
        %add3A_18 = arith.addi %mul3A_15, %mul3A_17 : i32
        "tpu.region"() ({
          %run_scoped3A = tpu.sem_alloc : memref<!tpu.dma_semaphore, #tpu.memory_space<semaphore_mem>>
          %dma_start3A_23 = tpu.memref_slice %arg3[%add3A_18] : memref<160000xi32, #tpu.memory_space<hbm>> -> memref<200xi32, #tpu.memory_space<hbm>>
          %dma_start3A_24 = tpu.memref_slice %arg3[%add3A_18] : memref<160000xi32, #tpu.memory_space<hbm>> -> memref<200xi32, #tpu.memory_space<hbm>>
          tpu.enqueue_dma source(%dma_start3A_24 : memref<200xi32, #tpu.memory_space<hbm>>) target(%arg5 : memref<200xi32, #tpu.memory_space<vmem>>) target_semaphore(%run_scoped3A : memref<!tpu.dma_semaphore, #tpu.memory_space<semaphore_mem>>)
          %dma_wait3A_25 = tpu.memref_slice %arg3[%add3A_18] : memref<160000xi32, #tpu.memory_space<hbm>> -> memref<200xi32, #tpu.memory_space<hbm>>
          %dma_wait3A_26 = tpu.memref_slice %arg3[%add3A_18] : memref<160000xi32, #tpu.memory_space<hbm>> -> memref<200xi32, #tpu.memory_space<hbm>>
          tpu.wait_dma2 semaphore(%run_scoped3A : memref<!tpu.dma_semaphore, #tpu.memory_space<semaphore_mem>>) src(%dma_wait3A_26 : memref<200xi32, #tpu.memory_space<hbm>>) dst(%arg5 : memref<200xi32, #tpu.memory_space<vmem>>)
          tpu.yield
        }) : () -> ()
        %dma_start3A = arith.constant 0 : i32
        %dma_start3A_19 = arith.constant 0 : i32
        %dma_start3A_20 = tpu.memref_slice %arg2[%dma_start3A, %dma_start3A_19] : memref<10000x128xf32, #tpu.memory_space<hbm>> -> memref<10000x128xf32, #tpu.memory_space<hbm>>
        tpu.enqueue_indirect_dma source(%dma_start3A_20 : memref<10000x128xf32, #tpu.memory_space<hbm>>) target(%arg6 : memref<200x128xf32, #tpu.memory_space<vmem>>) offsets(%arg5 : memref<200xi32, #tpu.memory_space<vmem>>) semaphore(%arg7 : memref<!tpu.dma_semaphore, #tpu.memory_space<semaphore_mem>>)
        %dma_wait3A = arith.constant 0 : i32
        %dma_wait3A_21 = arith.constant 0 : i32
        %dma_wait3A_22 = tpu.memref_slice %arg2[%dma_wait3A, %dma_wait3A_21] : memref<10000x128xf32, #tpu.memory_space<hbm>> -> memref<10000x128xf32, #tpu.memory_space<hbm>>
        tpu.wait_indirect_dma semaphore(%arg7 : memref<!tpu.dma_semaphore, #tpu.memory_space<semaphore_mem>>) src(%dma_wait3A_22 : memref<10000x128xf32, #tpu.memory_space<hbm>>) dst(%arg6 : memref<200x128xf32, #tpu.memory_space<vmem>>)
        "tpu.region"() ({
          %run_scoped3A = tpu.sem_alloc : memref<!tpu.dma_semaphore, #tpu.memory_space<semaphore_mem>>
          %dma_start3A_23 = arith.constant 0 : i32
          %dma_start3A_24 = tpu.memref_slice %arg4[%add3A_18, %dma_start3A_23] : memref<160000x128xf32, #tpu.memory_space<hbm>> -> memref<200x128xf32, #tpu.memory_space<hbm>>
          %dma_start3A_25 = arith.constant 0 : i32
          %dma_start3A_26 = tpu.memref_slice %arg4[%add3A_18, %dma_start3A_25] : memref<160000x128xf32, #tpu.memory_space<hbm>> -> memref<200x128xf32, #tpu.memory_space<hbm>>
          tpu.enqueue_dma source(%arg6 : memref<200x128xf32, #tpu.memory_space<vmem>>) target(%dma_start3A_26 : memref<200x128xf32, #tpu.memory_space<hbm>>) target_semaphore(%run_scoped3A : memref<!tpu.dma_semaphore, #tpu.memory_space<semaphore_mem>>)
          %dma_wait3A_27 = arith.constant 0 : i32
          %dma_wait3A_28 = tpu.memref_slice %arg4[%add3A_18, %dma_wait3A_27] : memref<160000x128xf32, #tpu.memory_space<hbm>> -> memref<200x128xf32, #tpu.memory_space<hbm>>
          %dma_wait3A_29 = arith.constant 0 : i32
          %dma_wait3A_30 = tpu.memref_slice %arg4[%add3A_18, %dma_wait3A_29] : memref<160000x128xf32, #tpu.memory_space<hbm>> -> memref<200x128xf32, #tpu.memory_space<hbm>>
          tpu.wait_dma2 semaphore(%run_scoped3A : memref<!tpu.dma_semaphore, #tpu.memory_space<semaphore_mem>>) src(%arg6 : memref<200x128xf32, #tpu.memory_space<vmem>>) dst(%dma_wait3A_30 : memref<200x128xf32, #tpu.memory_space<hbm>>)
          tpu.yield
        }) : () -> ()
      }
    } else {
    }
    return
  }
}

#map = affine_map<(d0, d1) -> (0, 0)>
#map1 = affine_map<(d0, d1) -> (0)>
module attributes {stable_mosaic.version = 14 : i64} {
  func.func @kern(%arg0: i32, %arg1: i32, %arg2: memref<3200x1024xf32, #tpu.memory_space<hbm>>, %arg3: memref<51200xi32, #tpu.memory_space<hbm>>, %arg4: memref<51200x1024xf32, #tpu.memory_space<hbm>>, %arg5: memref<64xi32, #tpu.memory_space<vmem>>, %arg6: memref<64x1024xf32, #tpu.memory_space<vmem>>, %arg7: memref<!tpu.dma_semaphore, #tpu.memory_space<semaphore_mem>>) attributes {dimension_semantics = [#tpu.dimension_semantics<core_parallel>, #tpu.dimension_semantics<subcore_parallel>], iteration_bounds = array<i64: 2, 16>, scalar_prefetch = 0 : i64, scratch_operands = 3 : i64, tpu.core_type = #tpu.core_type<sc_vector_subcore>, window_params = [{transform_indices = #map}, {transform_indices = #map1}, {transform_indices = #map}]} {
    %mul3A = arith.constant 2 : i32
    %mul3A_0 = arith.muli %arg1, %mul3A : i32
    %add3A = arith.addi %mul3A_0, %arg0 : i32
    %ge3A = arith.constant 0 : i32
    %ge3A_1 = arith.cmpi sge, %arg0, %ge3A : i32
    %convert_element_type3A = arith.extui %ge3A_1 : i1 to i32
    %cond3A = arith.constant 0 : i32
    %cond3A_2 = arith.cmpi ne, %convert_element_type3A, %cond3A : i32
    scf.if %cond3A_2 {
      %while3A = arith.constant 0 : i32
      %while3A_3 = arith.constant 0 : i32
      %while3A_4 = arith.constant 25 : i32
      %while3A_5 = arith.subi %while3A_4, %while3A_3 : i32
      %while3A_6 = arith.addi %while3A_3, %while3A_5 : i32
      %while3A_7 = arith.constant 1 : i32
      %while3A_8 = arith.divsi %while3A_5, %while3A_7 : i32
      %while3A_9 = arith.muli %while3A_8, %while3A_7 : i32
      %while3A_10 = arith.addi %while3A_3, %while3A_9 : i32
      %while3A_11 = arith.constant 1 : i32
      scf.for %while3A_13 = %while3A_3 to %while3A_10 step %while3A_11  : i32 {
        %mul3A_14 = arith.constant 1600 : i32
        %mul3A_15 = arith.muli %add3A, %mul3A_14 : i32
        %mul3A_16 = arith.constant 64 : i32
        %mul3A_17 = arith.muli %while3A_13, %mul3A_16 : i32
        %add3A_18 = arith.addi %mul3A_15, %mul3A_17 : i32
        "tpu.region"() ({
          %run_scoped3A = tpu.sem_alloc : memref<!tpu.dma_semaphore, #tpu.memory_space<semaphore_mem>>
          %dma_start3A_23 = tpu.memref_slice %arg3[%add3A_18] : memref<51200xi32, #tpu.memory_space<hbm>> -> memref<64xi32, #tpu.memory_space<hbm>>
          %dma_start3A_24 = tpu.memref_slice %arg3[%add3A_18] : memref<51200xi32, #tpu.memory_space<hbm>> -> memref<64xi32, #tpu.memory_space<hbm>>
          tpu.enqueue_dma source(%dma_start3A_24 : memref<64xi32, #tpu.memory_space<hbm>>) target(%arg5 : memref<64xi32, #tpu.memory_space<vmem>>) target_semaphore(%run_scoped3A : memref<!tpu.dma_semaphore, #tpu.memory_space<semaphore_mem>>)
          %dma_wait3A_25 = tpu.memref_slice %arg3[%add3A_18] : memref<51200xi32, #tpu.memory_space<hbm>> -> memref<64xi32, #tpu.memory_space<hbm>>
          %dma_wait3A_26 = tpu.memref_slice %arg3[%add3A_18] : memref<51200xi32, #tpu.memory_space<hbm>> -> memref<64xi32, #tpu.memory_space<hbm>>
          tpu.wait_dma2 semaphore(%run_scoped3A : memref<!tpu.dma_semaphore, #tpu.memory_space<semaphore_mem>>) src(%dma_wait3A_26 : memref<64xi32, #tpu.memory_space<hbm>>) dst(%arg5 : memref<64xi32, #tpu.memory_space<vmem>>)
          tpu.yield
        }) : () -> ()
        %dma_start3A = arith.constant 0 : i32
        %dma_start3A_19 = arith.constant 0 : i32
        %dma_start3A_20 = tpu.memref_slice %arg2[%dma_start3A, %dma_start3A_19] : memref<3200x1024xf32, #tpu.memory_space<hbm>> -> memref<3200x1024xf32, #tpu.memory_space<hbm>>
        tpu.enqueue_indirect_dma source(%dma_start3A_20 : memref<3200x1024xf32, #tpu.memory_space<hbm>>) target(%arg6 : memref<64x1024xf32, #tpu.memory_space<vmem>>) offsets(%arg5 : memref<64xi32, #tpu.memory_space<vmem>>) semaphore(%arg7 : memref<!tpu.dma_semaphore, #tpu.memory_space<semaphore_mem>>)
        %dma_wait3A = arith.constant 0 : i32
        %dma_wait3A_21 = arith.constant 0 : i32
        %dma_wait3A_22 = tpu.memref_slice %arg2[%dma_wait3A, %dma_wait3A_21] : memref<3200x1024xf32, #tpu.memory_space<hbm>> -> memref<3200x1024xf32, #tpu.memory_space<hbm>>
        tpu.wait_indirect_dma semaphore(%arg7 : memref<!tpu.dma_semaphore, #tpu.memory_space<semaphore_mem>>) src(%dma_wait3A_22 : memref<3200x1024xf32, #tpu.memory_space<hbm>>) dst(%arg6 : memref<64x1024xf32, #tpu.memory_space<vmem>>)
        "tpu.region"() ({
          %run_scoped3A = tpu.sem_alloc : memref<!tpu.dma_semaphore, #tpu.memory_space<semaphore_mem>>
          %dma_start3A_23 = arith.constant 0 : i32
          %dma_start3A_24 = tpu.memref_slice %arg4[%add3A_18, %dma_start3A_23] : memref<51200x1024xf32, #tpu.memory_space<hbm>> -> memref<64x1024xf32, #tpu.memory_space<hbm>>
          %dma_start3A_25 = arith.constant 0 : i32
          %dma_start3A_26 = tpu.memref_slice %arg4[%add3A_18, %dma_start3A_25] : memref<51200x1024xf32, #tpu.memory_space<hbm>> -> memref<64x1024xf32, #tpu.memory_space<hbm>>
          tpu.enqueue_dma source(%arg6 : memref<64x1024xf32, #tpu.memory_space<vmem>>) target(%dma_start3A_26 : memref<64x1024xf32, #tpu.memory_space<hbm>>) target_semaphore(%run_scoped3A : memref<!tpu.dma_semaphore, #tpu.memory_space<semaphore_mem>>)
          %dma_wait3A_27 = arith.constant 0 : i32
          %dma_wait3A_28 = tpu.memref_slice %arg4[%add3A_18, %dma_wait3A_27] : memref<51200x1024xf32, #tpu.memory_space<hbm>> -> memref<64x1024xf32, #tpu.memory_space<hbm>>
          %dma_wait3A_29 = arith.constant 0 : i32
          %dma_wait3A_30 = tpu.memref_slice %arg4[%add3A_18, %dma_wait3A_29] : memref<51200x1024xf32, #tpu.memory_space<hbm>> -> memref<64x1024xf32, #tpu.memory_space<hbm>>
          tpu.wait_dma2 semaphore(%run_scoped3A : memref<!tpu.dma_semaphore, #tpu.memory_space<semaphore_mem>>) src(%arg6 : memref<64x1024xf32, #tpu.memory_space<vmem>>) dst(%dma_wait3A_30 : memref<64x1024xf32, #tpu.memory_space<hbm>>)
          tpu.yield
        }) : () -> ()
      }
      %while3A_12 = arith.constant 1 : i32
      scf.for %while3A_13 = %while3A_10 to %while3A_6 step %while3A_12  : i32 {
        %mul3A_14 = arith.constant 1600 : i32
        %mul3A_15 = arith.muli %add3A, %mul3A_14 : i32
        %mul3A_16 = arith.constant 64 : i32
        %mul3A_17 = arith.muli %while3A_13, %mul3A_16 : i32
        %add3A_18 = arith.addi %mul3A_15, %mul3A_17 : i32
        "tpu.region"() ({
          %run_scoped3A = tpu.sem_alloc : memref<!tpu.dma_semaphore, #tpu.memory_space<semaphore_mem>>
          %dma_start3A_23 = tpu.memref_slice %arg3[%add3A_18] : memref<51200xi32, #tpu.memory_space<hbm>> -> memref<64xi32, #tpu.memory_space<hbm>>
          %dma_start3A_24 = tpu.memref_slice %arg3[%add3A_18] : memref<51200xi32, #tpu.memory_space<hbm>> -> memref<64xi32, #tpu.memory_space<hbm>>
          tpu.enqueue_dma source(%dma_start3A_24 : memref<64xi32, #tpu.memory_space<hbm>>) target(%arg5 : memref<64xi32, #tpu.memory_space<vmem>>) target_semaphore(%run_scoped3A : memref<!tpu.dma_semaphore, #tpu.memory_space<semaphore_mem>>)
          %dma_wait3A_25 = tpu.memref_slice %arg3[%add3A_18] : memref<51200xi32, #tpu.memory_space<hbm>> -> memref<64xi32, #tpu.memory_space<hbm>>
          %dma_wait3A_26 = tpu.memref_slice %arg3[%add3A_18] : memref<51200xi32, #tpu.memory_space<hbm>> -> memref<64xi32, #tpu.memory_space<hbm>>
          tpu.wait_dma2 semaphore(%run_scoped3A : memref<!tpu.dma_semaphore, #tpu.memory_space<semaphore_mem>>) src(%dma_wait3A_26 : memref<64xi32, #tpu.memory_space<hbm>>) dst(%arg5 : memref<64xi32, #tpu.memory_space<vmem>>)
          tpu.yield
        }) : () -> ()
        %dma_start3A = arith.constant 0 : i32
        %dma_start3A_19 = arith.constant 0 : i32
        %dma_start3A_20 = tpu.memref_slice %arg2[%dma_start3A, %dma_start3A_19] : memref<3200x1024xf32, #tpu.memory_space<hbm>> -> memref<3200x1024xf32, #tpu.memory_space<hbm>>
        tpu.enqueue_indirect_dma source(%dma_start3A_20 : memref<3200x1024xf32, #tpu.memory_space<hbm>>) target(%arg6 : memref<64x1024xf32, #tpu.memory_space<vmem>>) offsets(%arg5 : memref<64xi32, #tpu.memory_space<vmem>>) semaphore(%arg7 : memref<!tpu.dma_semaphore, #tpu.memory_space<semaphore_mem>>)
        %dma_wait3A = arith.constant 0 : i32
        %dma_wait3A_21 = arith.constant 0 : i32
        %dma_wait3A_22 = tpu.memref_slice %arg2[%dma_wait3A, %dma_wait3A_21] : memref<3200x1024xf32, #tpu.memory_space<hbm>> -> memref<3200x1024xf32, #tpu.memory_space<hbm>>
        tpu.wait_indirect_dma semaphore(%arg7 : memref<!tpu.dma_semaphore, #tpu.memory_space<semaphore_mem>>) src(%dma_wait3A_22 : memref<3200x1024xf32, #tpu.memory_space<hbm>>) dst(%arg6 : memref<64x1024xf32, #tpu.memory_space<vmem>>)
        "tpu.region"() ({
          %run_scoped3A = tpu.sem_alloc : memref<!tpu.dma_semaphore, #tpu.memory_space<semaphore_mem>>
          %dma_start3A_23 = arith.constant 0 : i32
          %dma_start3A_24 = tpu.memref_slice %arg4[%add3A_18, %dma_start3A_23] : memref<51200x1024xf32, #tpu.memory_space<hbm>> -> memref<64x1024xf32, #tpu.memory_space<hbm>>
          %dma_start3A_25 = arith.constant 0 : i32
          %dma_start3A_26 = tpu.memref_slice %arg4[%add3A_18, %dma_start3A_25] : memref<51200x1024xf32, #tpu.memory_space<hbm>> -> memref<64x1024xf32, #tpu.memory_space<hbm>>
          tpu.enqueue_dma source(%arg6 : memref<64x1024xf32, #tpu.memory_space<vmem>>) target(%dma_start3A_26 : memref<64x1024xf32, #tpu.memory_space<hbm>>) target_semaphore(%run_scoped3A : memref<!tpu.dma_semaphore, #tpu.memory_space<semaphore_mem>>)
          %dma_wait3A_27 = arith.constant 0 : i32
          %dma_wait3A_28 = tpu.memref_slice %arg4[%add3A_18, %dma_wait3A_27] : memref<51200x1024xf32, #tpu.memory_space<hbm>> -> memref<64x1024xf32, #tpu.memory_space<hbm>>
          %dma_wait3A_29 = arith.constant 0 : i32
          %dma_wait3A_30 = tpu.memref_slice %arg4[%add3A_18, %dma_wait3A_29] : memref<51200x1024xf32, #tpu.memory_space<hbm>> -> memref<64x1024xf32, #tpu.memory_space<hbm>>
          tpu.wait_dma2 semaphore(%run_scoped3A : memref<!tpu.dma_semaphore, #tpu.memory_space<semaphore_mem>>) src(%arg6 : memref<64x1024xf32, #tpu.memory_space<vmem>>) dst(%dma_wait3A_30 : memref<64x1024xf32, #tpu.memory_space<hbm>>)
          tpu.yield
        }) : () -> ()
      }
    } else {
    }
    return
  }
}

#map = affine_map<(d0, d1) -> (0, 0)>
#map1 = affine_map<(d0, d1) -> (0)>
module attributes {stable_mosaic.version = 14 : i64} {
  func.func @kern(%arg0: i32, %arg1: i32, %arg2: memref<3200x128xf32, #tpu.memory_space<hbm>>, %arg3: memref<51200xi32, #tpu.memory_space<hbm>>, %arg4: memref<51200x128xf32, #tpu.memory_space<hbm>>, %arg5: memref<320xi32, #tpu.memory_space<vmem>>, %arg6: memref<320x128xf32, #tpu.memory_space<vmem>>, %arg7: memref<!tpu.dma_semaphore, #tpu.memory_space<semaphore_mem>>) attributes {dimension_semantics = [#tpu.dimension_semantics<core_parallel>, #tpu.dimension_semantics<subcore_parallel>], iteration_bounds = array<i64: 2, 16>, scalar_prefetch = 0 : i64, scratch_operands = 3 : i64, tpu.core_type = #tpu.core_type<sc_vector_subcore>, window_params = [{transform_indices = #map}, {transform_indices = #map1}, {transform_indices = #map}]} {
    %mul3A = arith.constant 2 : i32
    %mul3A_0 = arith.muli %arg1, %mul3A : i32
    %add3A = arith.addi %mul3A_0, %arg0 : i32
    %ge3A = arith.constant 0 : i32
    %ge3A_1 = arith.cmpi sge, %arg0, %ge3A : i32
    %convert_element_type3A = arith.extui %ge3A_1 : i1 to i32
    %cond3A = arith.constant 0 : i32
    %cond3A_2 = arith.cmpi ne, %convert_element_type3A, %cond3A : i32
    scf.if %cond3A_2 {
      %while3A = arith.constant 0 : i32
      %while3A_3 = arith.constant 0 : i32
      %while3A_4 = arith.constant 5 : i32
      %while3A_5 = arith.subi %while3A_4, %while3A_3 : i32
      %while3A_6 = arith.addi %while3A_3, %while3A_5 : i32
      %while3A_7 = arith.constant 1 : i32
      %while3A_8 = arith.divsi %while3A_5, %while3A_7 : i32
      %while3A_9 = arith.muli %while3A_8, %while3A_7 : i32
      %while3A_10 = arith.addi %while3A_3, %while3A_9 : i32
      %while3A_11 = arith.constant 1 : i32
      scf.for %while3A_13 = %while3A_3 to %while3A_10 step %while3A_11  : i32 {
        %mul3A_14 = arith.constant 1600 : i32
        %mul3A_15 = arith.muli %add3A, %mul3A_14 : i32
        %mul3A_16 = arith.constant 320 : i32
        %mul3A_17 = arith.muli %while3A_13, %mul3A_16 : i32
        %add3A_18 = arith.addi %mul3A_15, %mul3A_17 : i32
        "tpu.region"() ({
          %run_scoped3A = tpu.sem_alloc : memref<!tpu.dma_semaphore, #tpu.memory_space<semaphore_mem>>
          %dma_start3A_23 = tpu.memref_slice %arg3[%add3A_18] : memref<51200xi32, #tpu.memory_space<hbm>> -> memref<320xi32, #tpu.memory_space<hbm>>
          %dma_start3A_24 = tpu.memref_slice %arg3[%add3A_18] : memref<51200xi32, #tpu.memory_space<hbm>> -> memref<320xi32, #tpu.memory_space<hbm>>
          tpu.enqueue_dma source(%dma_start3A_24 : memref<320xi32, #tpu.memory_space<hbm>>) target(%arg5 : memref<320xi32, #tpu.memory_space<vmem>>) target_semaphore(%run_scoped3A : memref<!tpu.dma_semaphore, #tpu.memory_space<semaphore_mem>>)
          %dma_wait3A_25 = tpu.memref_slice %arg3[%add3A_18] : memref<51200xi32, #tpu.memory_space<hbm>> -> memref<320xi32, #tpu.memory_space<hbm>>
          %dma_wait3A_26 = tpu.memref_slice %arg3[%add3A_18] : memref<51200xi32, #tpu.memory_space<hbm>> -> memref<320xi32, #tpu.memory_space<hbm>>
          tpu.wait_dma2 semaphore(%run_scoped3A : memref<!tpu.dma_semaphore, #tpu.memory_space<semaphore_mem>>) src(%dma_wait3A_26 : memref<320xi32, #tpu.memory_space<hbm>>) dst(%arg5 : memref<320xi32, #tpu.memory_space<vmem>>)
          tpu.yield
        }) : () -> ()
        %dma_start3A = arith.constant 0 : i32
        %dma_start3A_19 = arith.constant 0 : i32
        %dma_start3A_20 = tpu.memref_slice %arg2[%dma_start3A, %dma_start3A_19] : memref<3200x128xf32, #tpu.memory_space<hbm>> -> memref<3200x128xf32, #tpu.memory_space<hbm>>
        tpu.enqueue_indirect_dma source(%dma_start3A_20 : memref<3200x128xf32, #tpu.memory_space<hbm>>) target(%arg6 : memref<320x128xf32, #tpu.memory_space<vmem>>) offsets(%arg5 : memref<320xi32, #tpu.memory_space<vmem>>) semaphore(%arg7 : memref<!tpu.dma_semaphore, #tpu.memory_space<semaphore_mem>>)
        %dma_wait3A = arith.constant 0 : i32
        %dma_wait3A_21 = arith.constant 0 : i32
        %dma_wait3A_22 = tpu.memref_slice %arg2[%dma_wait3A, %dma_wait3A_21] : memref<3200x128xf32, #tpu.memory_space<hbm>> -> memref<3200x128xf32, #tpu.memory_space<hbm>>
        tpu.wait_indirect_dma semaphore(%arg7 : memref<!tpu.dma_semaphore, #tpu.memory_space<semaphore_mem>>) src(%dma_wait3A_22 : memref<3200x128xf32, #tpu.memory_space<hbm>>) dst(%arg6 : memref<320x128xf32, #tpu.memory_space<vmem>>)
        "tpu.region"() ({
          %run_scoped3A = tpu.sem_alloc : memref<!tpu.dma_semaphore, #tpu.memory_space<semaphore_mem>>
          %dma_start3A_23 = arith.constant 0 : i32
          %dma_start3A_24 = tpu.memref_slice %arg4[%add3A_18, %dma_start3A_23] : memref<51200x128xf32, #tpu.memory_space<hbm>> -> memref<320x128xf32, #tpu.memory_space<hbm>>
          %dma_start3A_25 = arith.constant 0 : i32
          %dma_start3A_26 = tpu.memref_slice %arg4[%add3A_18, %dma_start3A_25] : memref<51200x128xf32, #tpu.memory_space<hbm>> -> memref<320x128xf32, #tpu.memory_space<hbm>>
          tpu.enqueue_dma source(%arg6 : memref<320x128xf32, #tpu.memory_space<vmem>>) target(%dma_start3A_26 : memref<320x128xf32, #tpu.memory_space<hbm>>) target_semaphore(%run_scoped3A : memref<!tpu.dma_semaphore, #tpu.memory_space<semaphore_mem>>)
          %dma_wait3A_27 = arith.constant 0 : i32
          %dma_wait3A_28 = tpu.memref_slice %arg4[%add3A_18, %dma_wait3A_27] : memref<51200x128xf32, #tpu.memory_space<hbm>> -> memref<320x128xf32, #tpu.memory_space<hbm>>
          %dma_wait3A_29 = arith.constant 0 : i32
          %dma_wait3A_30 = tpu.memref_slice %arg4[%add3A_18, %dma_wait3A_29] : memref<51200x128xf32, #tpu.memory_space<hbm>> -> memref<320x128xf32, #tpu.memory_space<hbm>>
          tpu.wait_dma2 semaphore(%run_scoped3A : memref<!tpu.dma_semaphore, #tpu.memory_space<semaphore_mem>>) src(%arg6 : memref<320x128xf32, #tpu.memory_space<vmem>>) dst(%dma_wait3A_30 : memref<320x128xf32, #tpu.memory_space<hbm>>)
          tpu.yield
        }) : () -> ()
      }
      %while3A_12 = arith.constant 1 : i32
      scf.for %while3A_13 = %while3A_10 to %while3A_6 step %while3A_12  : i32 {
        %mul3A_14 = arith.constant 1600 : i32
        %mul3A_15 = arith.muli %add3A, %mul3A_14 : i32
        %mul3A_16 = arith.constant 320 : i32
        %mul3A_17 = arith.muli %while3A_13, %mul3A_16 : i32
        %add3A_18 = arith.addi %mul3A_15, %mul3A_17 : i32
        "tpu.region"() ({
          %run_scoped3A = tpu.sem_alloc : memref<!tpu.dma_semaphore, #tpu.memory_space<semaphore_mem>>
          %dma_start3A_23 = tpu.memref_slice %arg3[%add3A_18] : memref<51200xi32, #tpu.memory_space<hbm>> -> memref<320xi32, #tpu.memory_space<hbm>>
          %dma_start3A_24 = tpu.memref_slice %arg3[%add3A_18] : memref<51200xi32, #tpu.memory_space<hbm>> -> memref<320xi32, #tpu.memory_space<hbm>>
          tpu.enqueue_dma source(%dma_start3A_24 : memref<320xi32, #tpu.memory_space<hbm>>) target(%arg5 : memref<320xi32, #tpu.memory_space<vmem>>) target_semaphore(%run_scoped3A : memref<!tpu.dma_semaphore, #tpu.memory_space<semaphore_mem>>)
          %dma_wait3A_25 = tpu.memref_slice %arg3[%add3A_18] : memref<51200xi32, #tpu.memory_space<hbm>> -> memref<320xi32, #tpu.memory_space<hbm>>
          %dma_wait3A_26 = tpu.memref_slice %arg3[%add3A_18] : memref<51200xi32, #tpu.memory_space<hbm>> -> memref<320xi32, #tpu.memory_space<hbm>>
          tpu.wait_dma2 semaphore(%run_scoped3A : memref<!tpu.dma_semaphore, #tpu.memory_space<semaphore_mem>>) src(%dma_wait3A_26 : memref<320xi32, #tpu.memory_space<hbm>>) dst(%arg5 : memref<320xi32, #tpu.memory_space<vmem>>)
          tpu.yield
        }) : () -> ()
        %dma_start3A = arith.constant 0 : i32
        %dma_start3A_19 = arith.constant 0 : i32
        %dma_start3A_20 = tpu.memref_slice %arg2[%dma_start3A, %dma_start3A_19] : memref<3200x128xf32, #tpu.memory_space<hbm>> -> memref<3200x128xf32, #tpu.memory_space<hbm>>
        tpu.enqueue_indirect_dma source(%dma_start3A_20 : memref<3200x128xf32, #tpu.memory_space<hbm>>) target(%arg6 : memref<320x128xf32, #tpu.memory_space<vmem>>) offsets(%arg5 : memref<320xi32, #tpu.memory_space<vmem>>) semaphore(%arg7 : memref<!tpu.dma_semaphore, #tpu.memory_space<semaphore_mem>>)
        %dma_wait3A = arith.constant 0 : i32
        %dma_wait3A_21 = arith.constant 0 : i32
        %dma_wait3A_22 = tpu.memref_slice %arg2[%dma_wait3A, %dma_wait3A_21] : memref<3200x128xf32, #tpu.memory_space<hbm>> -> memref<3200x128xf32, #tpu.memory_space<hbm>>
        tpu.wait_indirect_dma semaphore(%arg7 : memref<!tpu.dma_semaphore, #tpu.memory_space<semaphore_mem>>) src(%dma_wait3A_22 : memref<3200x128xf32, #tpu.memory_space<hbm>>) dst(%arg6 : memref<320x128xf32, #tpu.memory_space<vmem>>)
        "tpu.region"() ({
          %run_scoped3A = tpu.sem_alloc : memref<!tpu.dma_semaphore, #tpu.memory_space<semaphore_mem>>
          %dma_start3A_23 = arith.constant 0 : i32
          %dma_start3A_24 = tpu.memref_slice %arg4[%add3A_18, %dma_start3A_23] : memref<51200x128xf32, #tpu.memory_space<hbm>> -> memref<320x128xf32, #tpu.memory_space<hbm>>
          %dma_start3A_25 = arith.constant 0 : i32
          %dma_start3A_26 = tpu.memref_slice %arg4[%add3A_18, %dma_start3A_25] : memref<51200x128xf32, #tpu.memory_space<hbm>> -> memref<320x128xf32, #tpu.memory_space<hbm>>
          tpu.enqueue_dma source(%arg6 : memref<320x128xf32, #tpu.memory_space<vmem>>) target(%dma_start3A_26 : memref<320x128xf32, #tpu.memory_space<hbm>>) target_semaphore(%run_scoped3A : memref<!tpu.dma_semaphore, #tpu.memory_space<semaphore_mem>>)
          %dma_wait3A_27 = arith.constant 0 : i32
          %dma_wait3A_28 = tpu.memref_slice %arg4[%add3A_18, %dma_wait3A_27] : memref<51200x128xf32, #tpu.memory_space<hbm>> -> memref<320x128xf32, #tpu.memory_space<hbm>>
          %dma_wait3A_29 = arith.constant 0 : i32
          %dma_wait3A_30 = tpu.memref_slice %arg4[%add3A_18, %dma_wait3A_29] : memref<51200x128xf32, #tpu.memory_space<hbm>> -> memref<320x128xf32, #tpu.memory_space<hbm>>
          tpu.wait_dma2 semaphore(%run_scoped3A : memref<!tpu.dma_semaphore, #tpu.memory_space<semaphore_mem>>) src(%arg6 : memref<320x128xf32, #tpu.memory_space<vmem>>) dst(%dma_wait3A_30 : memref<320x128xf32, #tpu.memory_space<hbm>>)
          tpu.yield
        }) : () -> ()
      }
    } else {
    }
    return
  }
}

#map = affine_map<(d0, d1) -> (0, 0)>
#map1 = affine_map<(d0, d1) -> (0)>
module attributes {stable_mosaic.version = 14 : i64} {
  func.func @kern(%arg0: i32, %arg1: i32, %arg2: memref<10000x128xf32, #tpu.memory_space<hbm>>, %arg3: memref<160000xi32, #tpu.memory_space<hbm>>, %arg4: memref<160000x128xf32, #tpu.memory_space<hbm>>, %arg5: memref<200xi32, #tpu.memory_space<vmem>>, %arg6: memref<200x128xf32, #tpu.memory_space<vmem>>, %arg7: memref<!tpu.dma_semaphore, #tpu.memory_space<semaphore_mem>>) attributes {dimension_semantics = [#tpu.dimension_semantics<core_parallel>, #tpu.dimension_semantics<subcore_parallel>], iteration_bounds = array<i64: 2, 16>, scalar_prefetch = 0 : i64, scratch_operands = 3 : i64, tpu.core_type = #tpu.core_type<sc_vector_subcore>, window_params = [{transform_indices = #map}, {transform_indices = #map1}, {transform_indices = #map}]} {
    %mul3A = arith.constant 2 : i32
    %mul3A_0 = arith.muli %arg1, %mul3A : i32
    %add3A = arith.addi %mul3A_0, %arg0 : i32
    %ge3A = arith.constant 0 : i32
    %ge3A_1 = arith.cmpi sge, %arg0, %ge3A : i32
    %convert_element_type3A = arith.extui %ge3A_1 : i1 to i32
    %cond3A = arith.constant 0 : i32
    %cond3A_2 = arith.cmpi ne, %convert_element_type3A, %cond3A : i32
    scf.if %cond3A_2 {
      %while3A = arith.constant 0 : i32
      %while3A_3 = arith.constant 0 : i32
      %while3A_4 = arith.constant 25 : i32
      %while3A_5 = arith.subi %while3A_4, %while3A_3 : i32
      %while3A_6 = arith.addi %while3A_3, %while3A_5 : i32
      %while3A_7 = arith.constant 1 : i32
      %while3A_8 = arith.divsi %while3A_5, %while3A_7 : i32
      %while3A_9 = arith.muli %while3A_8, %while3A_7 : i32
      %while3A_10 = arith.addi %while3A_3, %while3A_9 : i32
      %while3A_11 = arith.constant 1 : i32
      scf.for %while3A_13 = %while3A_3 to %while3A_10 step %while3A_11  : i32 {
        %mul3A_14 = arith.constant 5000 : i32
        %mul3A_15 = arith.muli %add3A, %mul3A_14 : i32
        %mul3A_16 = arith.constant 200 : i32
        %mul3A_17 = arith.muli %while3A_13, %mul3A_16 : i32
        %add3A_18 = arith.addi %mul3A_15, %mul3A_17 : i32
        "tpu.region"() ({
          %run_scoped3A = tpu.sem_alloc : memref<!tpu.dma_semaphore, #tpu.memory_space<semaphore_mem>>
          %dma_start3A_23 = tpu.memref_slice %arg3[%add3A_18] : memref<160000xi32, #tpu.memory_space<hbm>> -> memref<200xi32, #tpu.memory_space<hbm>>
          %dma_start3A_24 = tpu.memref_slice %arg3[%add3A_18] : memref<160000xi32, #tpu.memory_space<hbm>> -> memref<200xi32, #tpu.memory_space<hbm>>
          tpu.enqueue_dma source(%dma_start3A_24 : memref<200xi32, #tpu.memory_space<hbm>>) target(%arg5 : memref<200xi32, #tpu.memory_space<vmem>>) target_semaphore(%run_scoped3A : memref<!tpu.dma_semaphore, #tpu.memory_space<semaphore_mem>>)
          %dma_wait3A_25 = tpu.memref_slice %arg3[%add3A_18] : memref<160000xi32, #tpu.memory_space<hbm>> -> memref<200xi32, #tpu.memory_space<hbm>>
          %dma_wait3A_26 = tpu.memref_slice %arg3[%add3A_18] : memref<160000xi32, #tpu.memory_space<hbm>> -> memref<200xi32, #tpu.memory_space<hbm>>
          tpu.wait_dma2 semaphore(%run_scoped3A : memref<!tpu.dma_semaphore, #tpu.memory_space<semaphore_mem>>) src(%dma_wait3A_26 : memref<200xi32, #tpu.memory_space<hbm>>) dst(%arg5 : memref<200xi32, #tpu.memory_space<vmem>>)
          tpu.yield
        }) : () -> ()
        %dma_start3A = arith.constant 0 : i32
        %dma_start3A_19 = arith.constant 0 : i32
        %dma_start3A_20 = tpu.memref_slice %arg2[%dma_start3A, %dma_start3A_19] : memref<10000x128xf32, #tpu.memory_space<hbm>> -> memref<10000x128xf32, #tpu.memory_space<hbm>>
        tpu.enqueue_indirect_dma source(%dma_start3A_20 : memref<10000x128xf32, #tpu.memory_space<hbm>>) target(%arg6 : memref<200x128xf32, #tpu.memory_space<vmem>>) offsets(%arg5 : memref<200xi32, #tpu.memory_space<vmem>>) semaphore(%arg7 : memref<!tpu.dma_semaphore, #tpu.memory_space<semaphore_mem>>)
        %dma_wait3A = arith.constant 0 : i32
        %dma_wait3A_21 = arith.constant 0 : i32
        %dma_wait3A_22 = tpu.memref_slice %arg2[%dma_wait3A, %dma_wait3A_21] : memref<10000x128xf32, #tpu.memory_space<hbm>> -> memref<10000x128xf32, #tpu.memory_space<hbm>>
        tpu.wait_indirect_dma semaphore(%arg7 : memref<!tpu.dma_semaphore, #tpu.memory_space<semaphore_mem>>) src(%dma_wait3A_22 : memref<10000x128xf32, #tpu.memory_space<hbm>>) dst(%arg6 : memref<200x128xf32, #tpu.memory_space<vmem>>)
        "tpu.region"() ({
          %run_scoped3A = tpu.sem_alloc : memref<!tpu.dma_semaphore, #tpu.memory_space<semaphore_mem>>
          %dma_start3A_23 = arith.constant 0 : i32
          %dma_start3A_24 = tpu.memref_slice %arg4[%add3A_18, %dma_start3A_23] : memref<160000x128xf32, #tpu.memory_space<hbm>> -> memref<200x128xf32, #tpu.memory_space<hbm>>
          %dma_start3A_25 = arith.constant 0 : i32
          %dma_start3A_26 = tpu.memref_slice %arg4[%add3A_18, %dma_start3A_25] : memref<160000x128xf32, #tpu.memory_space<hbm>> -> memref<200x128xf32, #tpu.memory_space<hbm>>
          tpu.enqueue_dma source(%arg6 : memref<200x128xf32, #tpu.memory_space<vmem>>) target(%dma_start3A_26 : memref<200x128xf32, #tpu.memory_space<hbm>>) target_semaphore(%run_scoped3A : memref<!tpu.dma_semaphore, #tpu.memory_space<semaphore_mem>>)
          %dma_wait3A_27 = arith.constant 0 : i32
          %dma_wait3A_28 = tpu.memref_slice %arg4[%add3A_18, %dma_wait3A_27] : memref<160000x128xf32, #tpu.memory_space<hbm>> -> memref<200x128xf32, #tpu.memory_space<hbm>>
          %dma_wait3A_29 = arith.constant 0 : i32
          %dma_wait3A_30 = tpu.memref_slice %arg4[%add3A_18, %dma_wait3A_29] : memref<160000x128xf32, #tpu.memory_space<hbm>> -> memref<200x128xf32, #tpu.memory_space<hbm>>
          tpu.wait_dma2 semaphore(%run_scoped3A : memref<!tpu.dma_semaphore, #tpu.memory_space<semaphore_mem>>) src(%arg6 : memref<200x128xf32, #tpu.memory_space<vmem>>) dst(%dma_wait3A_30 : memref<200x128xf32, #tpu.memory_space<hbm>>)
          tpu.yield
        }) : () -> ()
      }
      %while3A_12 = arith.constant 1 : i32
      scf.for %while3A_13 = %while3A_10 to %while3A_6 step %while3A_12  : i32 {
        %mul3A_14 = arith.constant 5000 : i32
        %mul3A_15 = arith.muli %add3A, %mul3A_14 : i32
        %mul3A_16 = arith.constant 200 : i32
        %mul3A_17 = arith.muli %while3A_13, %mul3A_16 : i32
        %add3A_18 = arith.addi %mul3A_15, %mul3A_17 : i32
        "tpu.region"() ({
          %run_scoped3A = tpu.sem_alloc : memref<!tpu.dma_semaphore, #tpu.memory_space<semaphore_mem>>
          %dma_start3A_23 = tpu.memref_slice %arg3[%add3A_18] : memref<160000xi32, #tpu.memory_space<hbm>> -> memref<200xi32, #tpu.memory_space<hbm>>
          %dma_start3A_24 = tpu.memref_slice %arg3[%add3A_18] : memref<160000xi32, #tpu.memory_space<hbm>> -> memref<200xi32, #tpu.memory_space<hbm>>
          tpu.enqueue_dma source(%dma_start3A_24 : memref<200xi32, #tpu.memory_space<hbm>>) target(%arg5 : memref<200xi32, #tpu.memory_space<vmem>>) target_semaphore(%run_scoped3A : memref<!tpu.dma_semaphore, #tpu.memory_space<semaphore_mem>>)
          %dma_wait3A_25 = tpu.memref_slice %arg3[%add3A_18] : memref<160000xi32, #tpu.memory_space<hbm>> -> memref<200xi32, #tpu.memory_space<hbm>>
          %dma_wait3A_26 = tpu.memref_slice %arg3[%add3A_18] : memref<160000xi32, #tpu.memory_space<hbm>> -> memref<200xi32, #tpu.memory_space<hbm>>
          tpu.wait_dma2 semaphore(%run_scoped3A : memref<!tpu.dma_semaphore, #tpu.memory_space<semaphore_mem>>) src(%dma_wait3A_26 : memref<200xi32, #tpu.memory_space<hbm>>) dst(%arg5 : memref<200xi32, #tpu.memory_space<vmem>>)
          tpu.yield
        }) : () -> ()
        %dma_start3A = arith.constant 0 : i32
        %dma_start3A_19 = arith.constant 0 : i32
        %dma_start3A_20 = tpu.memref_slice %arg2[%dma_start3A, %dma_start3A_19] : memref<10000x128xf32, #tpu.memory_space<hbm>> -> memref<10000x128xf32, #tpu.memory_space<hbm>>
        tpu.enqueue_indirect_dma source(%dma_start3A_20 : memref<10000x128xf32, #tpu.memory_space<hbm>>) target(%arg6 : memref<200x128xf32, #tpu.memory_space<vmem>>) offsets(%arg5 : memref<200xi32, #tpu.memory_space<vmem>>) semaphore(%arg7 : memref<!tpu.dma_semaphore, #tpu.memory_space<semaphore_mem>>)
        %dma_wait3A = arith.constant 0 : i32
        %dma_wait3A_21 = arith.constant 0 : i32
        %dma_wait3A_22 = tpu.memref_slice %arg2[%dma_wait3A, %dma_wait3A_21] : memref<10000x128xf32, #tpu.memory_space<hbm>> -> memref<10000x128xf32, #tpu.memory_space<hbm>>
        tpu.wait_indirect_dma semaphore(%arg7 : memref<!tpu.dma_semaphore, #tpu.memory_space<semaphore_mem>>) src(%dma_wait3A_22 : memref<10000x128xf32, #tpu.memory_space<hbm>>) dst(%arg6 : memref<200x128xf32, #tpu.memory_space<vmem>>)
        "tpu.region"() ({
          %run_scoped3A = tpu.sem_alloc : memref<!tpu.dma_semaphore, #tpu.memory_space<semaphore_mem>>
          %dma_start3A_23 = arith.constant 0 : i32
          %dma_start3A_24 = tpu.memref_slice %arg4[%add3A_18, %dma_start3A_23] : memref<160000x128xf32, #tpu.memory_space<hbm>> -> memref<200x128xf32, #tpu.memory_space<hbm>>
          %dma_start3A_25 = arith.constant 0 : i32
          %dma_start3A_26 = tpu.memref_slice %arg4[%add3A_18, %dma_start3A_25] : memref<160000x128xf32, #tpu.memory_space<hbm>> -> memref<200x128xf32, #tpu.memory_space<hbm>>
          tpu.enqueue_dma source(%arg6 : memref<200x128xf32, #tpu.memory_space<vmem>>) target(%dma_start3A_26 : memref<200x128xf32, #tpu.memory_space<hbm>>) target_semaphore(%run_scoped3A : memref<!tpu.dma_semaphore, #tpu.memory_space<semaphore_mem>>)
          %dma_wait3A_27 = arith.constant 0 : i32
          %dma_wait3A_28 = tpu.memref_slice %arg4[%add3A_18, %dma_wait3A_27] : memref<160000x128xf32, #tpu.memory_space<hbm>> -> memref<200x128xf32, #tpu.memory_space<hbm>>
          %dma_wait3A_29 = arith.constant 0 : i32
          %dma_wait3A_30 = tpu.memref_slice %arg4[%add3A_18, %dma_wait3A_29] : memref<160000x128xf32, #tpu.memory_space<hbm>> -> memref<200x128xf32, #tpu.memory_space<hbm>>
          tpu.wait_dma2 semaphore(%run_scoped3A : memref<!tpu.dma_semaphore, #tpu.memory_space<semaphore_mem>>) src(%arg6 : memref<200x128xf32, #tpu.memory_space<vmem>>) dst(%dma_wait3A_30 : memref<200x128xf32, #tpu.memory_space<hbm>>)
          tpu.yield
        }) : () -> ()
      }
    } else {
    }
    return
  }
}

#map = affine_map<(d0, d1) -> (0, 0)>
#map1 = affine_map<(d0, d1) -> (0)>
module attributes {stable_mosaic.version = 14 : i64} {
  func.func @kern(%arg0: i32, %arg1: i32, %arg2: memref<10000x128xf32, #tpu.memory_space<hbm>>, %arg3: memref<160000xi32, #tpu.memory_space<hbm>>, %arg4: memref<160000x128xf32, #tpu.memory_space<hbm>>, %arg5: memref<200xi32, #tpu.memory_space<vmem>>, %arg6: memref<200x128xf32, #tpu.memory_space<vmem>>, %arg7: memref<!tpu.dma_semaphore, #tpu.memory_space<semaphore_mem>>) attributes {dimension_semantics = [#tpu.dimension_semantics<core_parallel>, #tpu.dimension_semantics<subcore_parallel>], iteration_bounds = array<i64: 2, 16>, scalar_prefetch = 0 : i64, scratch_operands = 3 : i64, tpu.core_type = #tpu.core_type<sc_vector_subcore>, window_params = [{transform_indices = #map}, {transform_indices = #map1}, {transform_indices = #map}]} {
    %mul3A = arith.constant 2 : i32
    %mul3A_0 = arith.muli %arg1, %mul3A : i32
    %add3A = arith.addi %mul3A_0, %arg0 : i32
    %ge3A = arith.constant 0 : i32
    %ge3A_1 = arith.cmpi sge, %arg0, %ge3A : i32
    %convert_element_type3A = arith.extui %ge3A_1 : i1 to i32
    %cond3A = arith.constant 0 : i32
    %cond3A_2 = arith.cmpi ne, %convert_element_type3A, %cond3A : i32
    scf.if %cond3A_2 {
      %while3A = arith.constant 0 : i32
      %while3A_3 = arith.constant 0 : i32
      %while3A_4 = arith.constant 25 : i32
      %while3A_5 = arith.subi %while3A_4, %while3A_3 : i32
      %while3A_6 = arith.addi %while3A_3, %while3A_5 : i32
      %while3A_7 = arith.constant 1 : i32
      %while3A_8 = arith.divsi %while3A_5, %while3A_7 : i32
      %while3A_9 = arith.muli %while3A_8, %while3A_7 : i32
      %while3A_10 = arith.addi %while3A_3, %while3A_9 : i32
      %while3A_11 = arith.constant 1 : i32
      scf.for %while3A_13 = %while3A_3 to %while3A_10 step %while3A_11  : i32 {
        %mul3A_14 = arith.constant 5000 : i32
        %mul3A_15 = arith.muli %add3A, %mul3A_14 : i32
        %mul3A_16 = arith.constant 200 : i32
        %mul3A_17 = arith.muli %while3A_13, %mul3A_16 : i32
        %add3A_18 = arith.addi %mul3A_15, %mul3A_17 : i32
        "tpu.region"() ({
          %run_scoped3A = tpu.sem_alloc : memref<!tpu.dma_semaphore, #tpu.memory_space<semaphore_mem>>
          %dma_start3A_23 = tpu.memref_slice %arg3[%add3A_18] : memref<160000xi32, #tpu.memory_space<hbm>> -> memref<200xi32, #tpu.memory_space<hbm>>
          %dma_start3A_24 = tpu.memref_slice %arg3[%add3A_18] : memref<160000xi32, #tpu.memory_space<hbm>> -> memref<200xi32, #tpu.memory_space<hbm>>
          tpu.enqueue_dma source(%dma_start3A_24 : memref<200xi32, #tpu.memory_space<hbm>>) target(%arg5 : memref<200xi32, #tpu.memory_space<vmem>>) target_semaphore(%run_scoped3A : memref<!tpu.dma_semaphore, #tpu.memory_space<semaphore_mem>>)
          %dma_wait3A_25 = tpu.memref_slice %arg3[%add3A_18] : memref<160000xi32, #tpu.memory_space<hbm>> -> memref<200xi32, #tpu.memory_space<hbm>>
          %dma_wait3A_26 = tpu.memref_slice %arg3[%add3A_18] : memref<160000xi32, #tpu.memory_space<hbm>> -> memref<200xi32, #tpu.memory_space<hbm>>
          tpu.wait_dma2 semaphore(%run_scoped3A : memref<!tpu.dma_semaphore, #tpu.memory_space<semaphore_mem>>) src(%dma_wait3A_26 : memref<200xi32, #tpu.memory_space<hbm>>) dst(%arg5 : memref<200xi32, #tpu.memory_space<vmem>>)
          tpu.yield
        }) : () -> ()
        %dma_start3A = arith.constant 0 : i32
        %dma_start3A_19 = arith.constant 0 : i32
        %dma_start3A_20 = tpu.memref_slice %arg2[%dma_start3A, %dma_start3A_19] : memref<10000x128xf32, #tpu.memory_space<hbm>> -> memref<10000x128xf32, #tpu.memory_space<hbm>>
        tpu.enqueue_indirect_dma source(%dma_start3A_20 : memref<10000x128xf32, #tpu.memory_space<hbm>>) target(%arg6 : memref<200x128xf32, #tpu.memory_space<vmem>>) offsets(%arg5 : memref<200xi32, #tpu.memory_space<vmem>>) semaphore(%arg7 : memref<!tpu.dma_semaphore, #tpu.memory_space<semaphore_mem>>)
        %dma_wait3A = arith.constant 0 : i32
        %dma_wait3A_21 = arith.constant 0 : i32
        %dma_wait3A_22 = tpu.memref_slice %arg2[%dma_wait3A, %dma_wait3A_21] : memref<10000x128xf32, #tpu.memory_space<hbm>> -> memref<10000x128xf32, #tpu.memory_space<hbm>>
        tpu.wait_indirect_dma semaphore(%arg7 : memref<!tpu.dma_semaphore, #tpu.memory_space<semaphore_mem>>) src(%dma_wait3A_22 : memref<10000x128xf32, #tpu.memory_space<hbm>>) dst(%arg6 : memref<200x128xf32, #tpu.memory_space<vmem>>)
        "tpu.region"() ({
          %run_scoped3A = tpu.sem_alloc : memref<!tpu.dma_semaphore, #tpu.memory_space<semaphore_mem>>
          %dma_start3A_23 = arith.constant 0 : i32
          %dma_start3A_24 = tpu.memref_slice %arg4[%add3A_18, %dma_start3A_23] : memref<160000x128xf32, #tpu.memory_space<hbm>> -> memref<200x128xf32, #tpu.memory_space<hbm>>
          %dma_start3A_25 = arith.constant 0 : i32
          %dma_start3A_26 = tpu.memref_slice %arg4[%add3A_18, %dma_start3A_25] : memref<160000x128xf32, #tpu.memory_space<hbm>> -> memref<200x128xf32, #tpu.memory_space<hbm>>
          tpu.enqueue_dma source(%arg6 : memref<200x128xf32, #tpu.memory_space<vmem>>) target(%dma_start3A_26 : memref<200x128xf32, #tpu.memory_space<hbm>>) target_semaphore(%run_scoped3A : memref<!tpu.dma_semaphore, #tpu.memory_space<semaphore_mem>>)
          %dma_wait3A_27 = arith.constant 0 : i32
          %dma_wait3A_28 = tpu.memref_slice %arg4[%add3A_18, %dma_wait3A_27] : memref<160000x128xf32, #tpu.memory_space<hbm>> -> memref<200x128xf32, #tpu.memory_space<hbm>>
          %dma_wait3A_29 = arith.constant 0 : i32
          %dma_wait3A_30 = tpu.memref_slice %arg4[%add3A_18, %dma_wait3A_29] : memref<160000x128xf32, #tpu.memory_space<hbm>> -> memref<200x128xf32, #tpu.memory_space<hbm>>
          tpu.wait_dma2 semaphore(%run_scoped3A : memref<!tpu.dma_semaphore, #tpu.memory_space<semaphore_mem>>) src(%arg6 : memref<200x128xf32, #tpu.memory_space<vmem>>) dst(%dma_wait3A_30 : memref<200x128xf32, #tpu.memory_space<hbm>>)
          tpu.yield
        }) : () -> ()
      }
      %while3A_12 = arith.constant 1 : i32
      scf.for %while3A_13 = %while3A_10 to %while3A_6 step %while3A_12  : i32 {
        %mul3A_14 = arith.constant 5000 : i32
        %mul3A_15 = arith.muli %add3A, %mul3A_14 : i32
        %mul3A_16 = arith.constant 200 : i32
        %mul3A_17 = arith.muli %while3A_13, %mul3A_16 : i32
        %add3A_18 = arith.addi %mul3A_15, %mul3A_17 : i32
        "tpu.region"() ({
          %run_scoped3A = tpu.sem_alloc : memref<!tpu.dma_semaphore, #tpu.memory_space<semaphore_mem>>
          %dma_start3A_23 = tpu.memref_slice %arg3[%add3A_18] : memref<160000xi32, #tpu.memory_space<hbm>> -> memref<200xi32, #tpu.memory_space<hbm>>
          %dma_start3A_24 = tpu.memref_slice %arg3[%add3A_18] : memref<160000xi32, #tpu.memory_space<hbm>> -> memref<200xi32, #tpu.memory_space<hbm>>
          tpu.enqueue_dma source(%dma_start3A_24 : memref<200xi32, #tpu.memory_space<hbm>>) target(%arg5 : memref<200xi32, #tpu.memory_space<vmem>>) target_semaphore(%run_scoped3A : memref<!tpu.dma_semaphore, #tpu.memory_space<semaphore_mem>>)
          %dma_wait3A_25 = tpu.memref_slice %arg3[%add3A_18] : memref<160000xi32, #tpu.memory_space<hbm>> -> memref<200xi32, #tpu.memory_space<hbm>>
          %dma_wait3A_26 = tpu.memref_slice %arg3[%add3A_18] : memref<160000xi32, #tpu.memory_space<hbm>> -> memref<200xi32, #tpu.memory_space<hbm>>
          tpu.wait_dma2 semaphore(%run_scoped3A : memref<!tpu.dma_semaphore, #tpu.memory_space<semaphore_mem>>) src(%dma_wait3A_26 : memref<200xi32, #tpu.memory_space<hbm>>) dst(%arg5 : memref<200xi32, #tpu.memory_space<vmem>>)
          tpu.yield
        }) : () -> ()
        %dma_start3A = arith.constant 0 : i32
        %dma_start3A_19 = arith.constant 0 : i32
        %dma_start3A_20 = tpu.memref_slice %arg2[%dma_start3A, %dma_start3A_19] : memref<10000x128xf32, #tpu.memory_space<hbm>> -> memref<10000x128xf32, #tpu.memory_space<hbm>>
        tpu.enqueue_indirect_dma source(%dma_start3A_20 : memref<10000x128xf32, #tpu.memory_space<hbm>>) target(%arg6 : memref<200x128xf32, #tpu.memory_space<vmem>>) offsets(%arg5 : memref<200xi32, #tpu.memory_space<vmem>>) semaphore(%arg7 : memref<!tpu.dma_semaphore, #tpu.memory_space<semaphore_mem>>)
        %dma_wait3A = arith.constant 0 : i32
        %dma_wait3A_21 = arith.constant 0 : i32
        %dma_wait3A_22 = tpu.memref_slice %arg2[%dma_wait3A, %dma_wait3A_21] : memref<10000x128xf32, #tpu.memory_space<hbm>> -> memref<10000x128xf32, #tpu.memory_space<hbm>>
        tpu.wait_indirect_dma semaphore(%arg7 : memref<!tpu.dma_semaphore, #tpu.memory_space<semaphore_mem>>) src(%dma_wait3A_22 : memref<10000x128xf32, #tpu.memory_space<hbm>>) dst(%arg6 : memref<200x128xf32, #tpu.memory_space<vmem>>)
        "tpu.region"() ({
          %run_scoped3A = tpu.sem_alloc : memref<!tpu.dma_semaphore, #tpu.memory_space<semaphore_mem>>
          %dma_start3A_23 = arith.constant 0 : i32
          %dma_start3A_24 = tpu.memref_slice %arg4[%add3A_18, %dma_start3A_23] : memref<160000x128xf32, #tpu.memory_space<hbm>> -> memref<200x128xf32, #tpu.memory_space<hbm>>
          %dma_start3A_25 = arith.constant 0 : i32
          %dma_start3A_26 = tpu.memref_slice %arg4[%add3A_18, %dma_start3A_25] : memref<160000x128xf32, #tpu.memory_space<hbm>> -> memref<200x128xf32, #tpu.memory_space<hbm>>
          tpu.enqueue_dma source(%arg6 : memref<200x128xf32, #tpu.memory_space<vmem>>) target(%dma_start3A_26 : memref<200x128xf32, #tpu.memory_space<hbm>>) target_semaphore(%run_scoped3A : memref<!tpu.dma_semaphore, #tpu.memory_space<semaphore_mem>>)
          %dma_wait3A_27 = arith.constant 0 : i32
          %dma_wait3A_28 = tpu.memref_slice %arg4[%add3A_18, %dma_wait3A_27] : memref<160000x128xf32, #tpu.memory_space<hbm>> -> memref<200x128xf32, #tpu.memory_space<hbm>>
          %dma_wait3A_29 = arith.constant 0 : i32
          %dma_wait3A_30 = tpu.memref_slice %arg4[%add3A_18, %dma_wait3A_29] : memref<160000x128xf32, #tpu.memory_space<hbm>> -> memref<200x128xf32, #tpu.memory_space<hbm>>
          tpu.wait_dma2 semaphore(%run_scoped3A : memref<!tpu.dma_semaphore, #tpu.memory_space<semaphore_mem>>) src(%arg6 : memref<200x128xf32, #tpu.memory_space<vmem>>) dst(%dma_wait3A_30 : memref<200x128xf32, #tpu.memory_space<hbm>>)
          tpu.yield
        }) : () -> ()
      }
    } else {
    }
    return
  }
}

#map = affine_map<(d0, d1) -> (0, 0)>
#map1 = affine_map<(d0, d1) -> (0)>
module attributes {stable_mosaic.version = 14 : i64} {
  func.func @kern(%arg0: i32, %arg1: i32, %arg2: memref<3200x256xf32, #tpu.memory_space<hbm>>, %arg3: memref<51200xi32, #tpu.memory_space<hbm>>, %arg4: memref<51200x256xf32, #tpu.memory_space<hbm>>, %arg5: memref<200xi32, #tpu.memory_space<vmem>>, %arg6: memref<200x256xf32, #tpu.memory_space<vmem>>, %arg7: memref<!tpu.dma_semaphore, #tpu.memory_space<semaphore_mem>>) attributes {dimension_semantics = [#tpu.dimension_semantics<core_parallel>, #tpu.dimension_semantics<subcore_parallel>], iteration_bounds = array<i64: 2, 16>, scalar_prefetch = 0 : i64, scratch_operands = 3 : i64, tpu.core_type = #tpu.core_type<sc_vector_subcore>, window_params = [{transform_indices = #map}, {transform_indices = #map1}, {transform_indices = #map}]} {
    %mul3A = arith.constant 2 : i32
    %mul3A_0 = arith.muli %arg1, %mul3A : i32
    %add3A = arith.addi %mul3A_0, %arg0 : i32
    %ge3A = arith.constant 0 : i32
    %ge3A_1 = arith.cmpi sge, %arg0, %ge3A : i32
    %convert_element_type3A = arith.extui %ge3A_1 : i1 to i32
    %cond3A = arith.constant 0 : i32
    %cond3A_2 = arith.cmpi ne, %convert_element_type3A, %cond3A : i32
    scf.if %cond3A_2 {
      %while3A = arith.constant 0 : i32
      %while3A_3 = arith.constant 0 : i32
      %while3A_4 = arith.constant 8 : i32
      %while3A_5 = arith.subi %while3A_4, %while3A_3 : i32
      %while3A_6 = arith.addi %while3A_3, %while3A_5 : i32
      %while3A_7 = arith.constant 1 : i32
      %while3A_8 = arith.divsi %while3A_5, %while3A_7 : i32
      %while3A_9 = arith.muli %while3A_8, %while3A_7 : i32
      %while3A_10 = arith.addi %while3A_3, %while3A_9 : i32
      %while3A_11 = arith.constant 1 : i32
      scf.for %while3A_13 = %while3A_3 to %while3A_10 step %while3A_11  : i32 {
        %mul3A_14 = arith.constant 1600 : i32
        %mul3A_15 = arith.muli %add3A, %mul3A_14 : i32
        %mul3A_16 = arith.constant 200 : i32
        %mul3A_17 = arith.muli %while3A_13, %mul3A_16 : i32
        %add3A_18 = arith.addi %mul3A_15, %mul3A_17 : i32
        "tpu.region"() ({
          %run_scoped3A = tpu.sem_alloc : memref<!tpu.dma_semaphore, #tpu.memory_space<semaphore_mem>>
          %dma_start3A_23 = tpu.memref_slice %arg3[%add3A_18] : memref<51200xi32, #tpu.memory_space<hbm>> -> memref<200xi32, #tpu.memory_space<hbm>>
          %dma_start3A_24 = tpu.memref_slice %arg3[%add3A_18] : memref<51200xi32, #tpu.memory_space<hbm>> -> memref<200xi32, #tpu.memory_space<hbm>>
          tpu.enqueue_dma source(%dma_start3A_24 : memref<200xi32, #tpu.memory_space<hbm>>) target(%arg5 : memref<200xi32, #tpu.memory_space<vmem>>) target_semaphore(%run_scoped3A : memref<!tpu.dma_semaphore, #tpu.memory_space<semaphore_mem>>)
          %dma_wait3A_25 = tpu.memref_slice %arg3[%add3A_18] : memref<51200xi32, #tpu.memory_space<hbm>> -> memref<200xi32, #tpu.memory_space<hbm>>
          %dma_wait3A_26 = tpu.memref_slice %arg3[%add3A_18] : memref<51200xi32, #tpu.memory_space<hbm>> -> memref<200xi32, #tpu.memory_space<hbm>>
          tpu.wait_dma2 semaphore(%run_scoped3A : memref<!tpu.dma_semaphore, #tpu.memory_space<semaphore_mem>>) src(%dma_wait3A_26 : memref<200xi32, #tpu.memory_space<hbm>>) dst(%arg5 : memref<200xi32, #tpu.memory_space<vmem>>)
          tpu.yield
        }) : () -> ()
        %dma_start3A = arith.constant 0 : i32
        %dma_start3A_19 = arith.constant 0 : i32
        %dma_start3A_20 = tpu.memref_slice %arg2[%dma_start3A, %dma_start3A_19] : memref<3200x256xf32, #tpu.memory_space<hbm>> -> memref<3200x256xf32, #tpu.memory_space<hbm>>
        tpu.enqueue_indirect_dma source(%dma_start3A_20 : memref<3200x256xf32, #tpu.memory_space<hbm>>) target(%arg6 : memref<200x256xf32, #tpu.memory_space<vmem>>) offsets(%arg5 : memref<200xi32, #tpu.memory_space<vmem>>) semaphore(%arg7 : memref<!tpu.dma_semaphore, #tpu.memory_space<semaphore_mem>>)
        %dma_wait3A = arith.constant 0 : i32
        %dma_wait3A_21 = arith.constant 0 : i32
        %dma_wait3A_22 = tpu.memref_slice %arg2[%dma_wait3A, %dma_wait3A_21] : memref<3200x256xf32, #tpu.memory_space<hbm>> -> memref<3200x256xf32, #tpu.memory_space<hbm>>
        tpu.wait_indirect_dma semaphore(%arg7 : memref<!tpu.dma_semaphore, #tpu.memory_space<semaphore_mem>>) src(%dma_wait3A_22 : memref<3200x256xf32, #tpu.memory_space<hbm>>) dst(%arg6 : memref<200x256xf32, #tpu.memory_space<vmem>>)
        "tpu.region"() ({
          %run_scoped3A = tpu.sem_alloc : memref<!tpu.dma_semaphore, #tpu.memory_space<semaphore_mem>>
          %dma_start3A_23 = arith.constant 0 : i32
          %dma_start3A_24 = tpu.memref_slice %arg4[%add3A_18, %dma_start3A_23] : memref<51200x256xf32, #tpu.memory_space<hbm>> -> memref<200x256xf32, #tpu.memory_space<hbm>>
          %dma_start3A_25 = arith.constant 0 : i32
          %dma_start3A_26 = tpu.memref_slice %arg4[%add3A_18, %dma_start3A_25] : memref<51200x256xf32, #tpu.memory_space<hbm>> -> memref<200x256xf32, #tpu.memory_space<hbm>>
          tpu.enqueue_dma source(%arg6 : memref<200x256xf32, #tpu.memory_space<vmem>>) target(%dma_start3A_26 : memref<200x256xf32, #tpu.memory_space<hbm>>) target_semaphore(%run_scoped3A : memref<!tpu.dma_semaphore, #tpu.memory_space<semaphore_mem>>)
          %dma_wait3A_27 = arith.constant 0 : i32
          %dma_wait3A_28 = tpu.memref_slice %arg4[%add3A_18, %dma_wait3A_27] : memref<51200x256xf32, #tpu.memory_space<hbm>> -> memref<200x256xf32, #tpu.memory_space<hbm>>
          %dma_wait3A_29 = arith.constant 0 : i32
          %dma_wait3A_30 = tpu.memref_slice %arg4[%add3A_18, %dma_wait3A_29] : memref<51200x256xf32, #tpu.memory_space<hbm>> -> memref<200x256xf32, #tpu.memory_space<hbm>>
          tpu.wait_dma2 semaphore(%run_scoped3A : memref<!tpu.dma_semaphore, #tpu.memory_space<semaphore_mem>>) src(%arg6 : memref<200x256xf32, #tpu.memory_space<vmem>>) dst(%dma_wait3A_30 : memref<200x256xf32, #tpu.memory_space<hbm>>)
          tpu.yield
        }) : () -> ()
      }
      %while3A_12 = arith.constant 1 : i32
      scf.for %while3A_13 = %while3A_10 to %while3A_6 step %while3A_12  : i32 {
        %mul3A_14 = arith.constant 1600 : i32
        %mul3A_15 = arith.muli %add3A, %mul3A_14 : i32
        %mul3A_16 = arith.constant 200 : i32
        %mul3A_17 = arith.muli %while3A_13, %mul3A_16 : i32
        %add3A_18 = arith.addi %mul3A_15, %mul3A_17 : i32
        "tpu.region"() ({
          %run_scoped3A = tpu.sem_alloc : memref<!tpu.dma_semaphore, #tpu.memory_space<semaphore_mem>>
          %dma_start3A_23 = tpu.memref_slice %arg3[%add3A_18] : memref<51200xi32, #tpu.memory_space<hbm>> -> memref<200xi32, #tpu.memory_space<hbm>>
          %dma_start3A_24 = tpu.memref_slice %arg3[%add3A_18] : memref<51200xi32, #tpu.memory_space<hbm>> -> memref<200xi32, #tpu.memory_space<hbm>>
          tpu.enqueue_dma source(%dma_start3A_24 : memref<200xi32, #tpu.memory_space<hbm>>) target(%arg5 : memref<200xi32, #tpu.memory_space<vmem>>) target_semaphore(%run_scoped3A : memref<!tpu.dma_semaphore, #tpu.memory_space<semaphore_mem>>)
          %dma_wait3A_25 = tpu.memref_slice %arg3[%add3A_18] : memref<51200xi32, #tpu.memory_space<hbm>> -> memref<200xi32, #tpu.memory_space<hbm>>
          %dma_wait3A_26 = tpu.memref_slice %arg3[%add3A_18] : memref<51200xi32, #tpu.memory_space<hbm>> -> memref<200xi32, #tpu.memory_space<hbm>>
          tpu.wait_dma2 semaphore(%run_scoped3A : memref<!tpu.dma_semaphore, #tpu.memory_space<semaphore_mem>>) src(%dma_wait3A_26 : memref<200xi32, #tpu.memory_space<hbm>>) dst(%arg5 : memref<200xi32, #tpu.memory_space<vmem>>)
          tpu.yield
        }) : () -> ()
        %dma_start3A = arith.constant 0 : i32
        %dma_start3A_19 = arith.constant 0 : i32
        %dma_start3A_20 = tpu.memref_slice %arg2[%dma_start3A, %dma_start3A_19] : memref<3200x256xf32, #tpu.memory_space<hbm>> -> memref<3200x256xf32, #tpu.memory_space<hbm>>
        tpu.enqueue_indirect_dma source(%dma_start3A_20 : memref<3200x256xf32, #tpu.memory_space<hbm>>) target(%arg6 : memref<200x256xf32, #tpu.memory_space<vmem>>) offsets(%arg5 : memref<200xi32, #tpu.memory_space<vmem>>) semaphore(%arg7 : memref<!tpu.dma_semaphore, #tpu.memory_space<semaphore_mem>>)
        %dma_wait3A = arith.constant 0 : i32
        %dma_wait3A_21 = arith.constant 0 : i32
        %dma_wait3A_22 = tpu.memref_slice %arg2[%dma_wait3A, %dma_wait3A_21] : memref<3200x256xf32, #tpu.memory_space<hbm>> -> memref<3200x256xf32, #tpu.memory_space<hbm>>
        tpu.wait_indirect_dma semaphore(%arg7 : memref<!tpu.dma_semaphore, #tpu.memory_space<semaphore_mem>>) src(%dma_wait3A_22 : memref<3200x256xf32, #tpu.memory_space<hbm>>) dst(%arg6 : memref<200x256xf32, #tpu.memory_space<vmem>>)
        "tpu.region"() ({
          %run_scoped3A = tpu.sem_alloc : memref<!tpu.dma_semaphore, #tpu.memory_space<semaphore_mem>>
          %dma_start3A_23 = arith.constant 0 : i32
          %dma_start3A_24 = tpu.memref_slice %arg4[%add3A_18, %dma_start3A_23] : memref<51200x256xf32, #tpu.memory_space<hbm>> -> memref<200x256xf32, #tpu.memory_space<hbm>>
          %dma_start3A_25 = arith.constant 0 : i32
          %dma_start3A_26 = tpu.memref_slice %arg4[%add3A_18, %dma_start3A_25] : memref<51200x256xf32, #tpu.memory_space<hbm>> -> memref<200x256xf32, #tpu.memory_space<hbm>>
          tpu.enqueue_dma source(%arg6 : memref<200x256xf32, #tpu.memory_space<vmem>>) target(%dma_start3A_26 : memref<200x256xf32, #tpu.memory_space<hbm>>) target_semaphore(%run_scoped3A : memref<!tpu.dma_semaphore, #tpu.memory_space<semaphore_mem>>)
          %dma_wait3A_27 = arith.constant 0 : i32
          %dma_wait3A_28 = tpu.memref_slice %arg4[%add3A_18, %dma_wait3A_27] : memref<51200x256xf32, #tpu.memory_space<hbm>> -> memref<200x256xf32, #tpu.memory_space<hbm>>
          %dma_wait3A_29 = arith.constant 0 : i32
          %dma_wait3A_30 = tpu.memref_slice %arg4[%add3A_18, %dma_wait3A_29] : memref<51200x256xf32, #tpu.memory_space<hbm>> -> memref<200x256xf32, #tpu.memory_space<hbm>>
          tpu.wait_dma2 semaphore(%run_scoped3A : memref<!tpu.dma_semaphore, #tpu.memory_space<semaphore_mem>>) src(%arg6 : memref<200x256xf32, #tpu.memory_space<vmem>>) dst(%dma_wait3A_30 : memref<200x256xf32, #tpu.memory_space<hbm>>)
          tpu.yield
        }) : () -> ()
      }
    } else {
    }
    return
  }
}

#map = affine_map<(d0, d1) -> (0, 0)>
#map1 = affine_map<(d0, d1) -> (0)>
module attributes {stable_mosaic.version = 14 : i64} {
  func.func @kern(%arg0: i32, %arg1: i32, %arg2: memref<3200x128xf32, #tpu.memory_space<hbm>>, %arg3: memref<51200xi32, #tpu.memory_space<hbm>>, %arg4: memref<51200x128xf32, #tpu.memory_space<hbm>>, %arg5: memref<320xi32, #tpu.memory_space<vmem>>, %arg6: memref<320x128xf32, #tpu.memory_space<vmem>>, %arg7: memref<!tpu.dma_semaphore, #tpu.memory_space<semaphore_mem>>) attributes {dimension_semantics = [#tpu.dimension_semantics<core_parallel>, #tpu.dimension_semantics<subcore_parallel>], iteration_bounds = array<i64: 2, 16>, scalar_prefetch = 0 : i64, scratch_operands = 3 : i64, tpu.core_type = #tpu.core_type<sc_vector_subcore>, window_params = [{transform_indices = #map}, {transform_indices = #map1}, {transform_indices = #map}]} {
    %mul3A = arith.constant 2 : i32
    %mul3A_0 = arith.muli %arg1, %mul3A : i32
    %add3A = arith.addi %mul3A_0, %arg0 : i32
    %ge3A = arith.constant 0 : i32
    %ge3A_1 = arith.cmpi sge, %arg0, %ge3A : i32
    %convert_element_type3A = arith.extui %ge3A_1 : i1 to i32
    %cond3A = arith.constant 0 : i32
    %cond3A_2 = arith.cmpi ne, %convert_element_type3A, %cond3A : i32
    scf.if %cond3A_2 {
      %while3A = arith.constant 0 : i32
      %while3A_3 = arith.constant 0 : i32
      %while3A_4 = arith.constant 5 : i32
      %while3A_5 = arith.subi %while3A_4, %while3A_3 : i32
      %while3A_6 = arith.addi %while3A_3, %while3A_5 : i32
      %while3A_7 = arith.constant 1 : i32
      %while3A_8 = arith.divsi %while3A_5, %while3A_7 : i32
      %while3A_9 = arith.muli %while3A_8, %while3A_7 : i32
      %while3A_10 = arith.addi %while3A_3, %while3A_9 : i32
      %while3A_11 = arith.constant 1 : i32
      scf.for %while3A_13 = %while3A_3 to %while3A_10 step %while3A_11  : i32 {
        %mul3A_14 = arith.constant 1600 : i32
        %mul3A_15 = arith.muli %add3A, %mul3A_14 : i32
        %mul3A_16 = arith.constant 320 : i32
        %mul3A_17 = arith.muli %while3A_13, %mul3A_16 : i32
        %add3A_18 = arith.addi %mul3A_15, %mul3A_17 : i32
        "tpu.region"() ({
          %run_scoped3A = tpu.sem_alloc : memref<!tpu.dma_semaphore, #tpu.memory_space<semaphore_mem>>
          %dma_start3A_23 = tpu.memref_slice %arg3[%add3A_18] : memref<51200xi32, #tpu.memory_space<hbm>> -> memref<320xi32, #tpu.memory_space<hbm>>
          %dma_start3A_24 = tpu.memref_slice %arg3[%add3A_18] : memref<51200xi32, #tpu.memory_space<hbm>> -> memref<320xi32, #tpu.memory_space<hbm>>
          tpu.enqueue_dma source(%dma_start3A_24 : memref<320xi32, #tpu.memory_space<hbm>>) target(%arg5 : memref<320xi32, #tpu.memory_space<vmem>>) target_semaphore(%run_scoped3A : memref<!tpu.dma_semaphore, #tpu.memory_space<semaphore_mem>>)
          %dma_wait3A_25 = tpu.memref_slice %arg3[%add3A_18] : memref<51200xi32, #tpu.memory_space<hbm>> -> memref<320xi32, #tpu.memory_space<hbm>>
          %dma_wait3A_26 = tpu.memref_slice %arg3[%add3A_18] : memref<51200xi32, #tpu.memory_space<hbm>> -> memref<320xi32, #tpu.memory_space<hbm>>
          tpu.wait_dma2 semaphore(%run_scoped3A : memref<!tpu.dma_semaphore, #tpu.memory_space<semaphore_mem>>) src(%dma_wait3A_26 : memref<320xi32, #tpu.memory_space<hbm>>) dst(%arg5 : memref<320xi32, #tpu.memory_space<vmem>>)
          tpu.yield
        }) : () -> ()
        %dma_start3A = arith.constant 0 : i32
        %dma_start3A_19 = arith.constant 0 : i32
        %dma_start3A_20 = tpu.memref_slice %arg2[%dma_start3A, %dma_start3A_19] : memref<3200x128xf32, #tpu.memory_space<hbm>> -> memref<3200x128xf32, #tpu.memory_space<hbm>>
        tpu.enqueue_indirect_dma source(%dma_start3A_20 : memref<3200x128xf32, #tpu.memory_space<hbm>>) target(%arg6 : memref<320x128xf32, #tpu.memory_space<vmem>>) offsets(%arg5 : memref<320xi32, #tpu.memory_space<vmem>>) semaphore(%arg7 : memref<!tpu.dma_semaphore, #tpu.memory_space<semaphore_mem>>)
        %dma_wait3A = arith.constant 0 : i32
        %dma_wait3A_21 = arith.constant 0 : i32
        %dma_wait3A_22 = tpu.memref_slice %arg2[%dma_wait3A, %dma_wait3A_21] : memref<3200x128xf32, #tpu.memory_space<hbm>> -> memref<3200x128xf32, #tpu.memory_space<hbm>>
        tpu.wait_indirect_dma semaphore(%arg7 : memref<!tpu.dma_semaphore, #tpu.memory_space<semaphore_mem>>) src(%dma_wait3A_22 : memref<3200x128xf32, #tpu.memory_space<hbm>>) dst(%arg6 : memref<320x128xf32, #tpu.memory_space<vmem>>)
        "tpu.region"() ({
          %run_scoped3A = tpu.sem_alloc : memref<!tpu.dma_semaphore, #tpu.memory_space<semaphore_mem>>
          %dma_start3A_23 = arith.constant 0 : i32
          %dma_start3A_24 = tpu.memref_slice %arg4[%add3A_18, %dma_start3A_23] : memref<51200x128xf32, #tpu.memory_space<hbm>> -> memref<320x128xf32, #tpu.memory_space<hbm>>
          %dma_start3A_25 = arith.constant 0 : i32
          %dma_start3A_26 = tpu.memref_slice %arg4[%add3A_18, %dma_start3A_25] : memref<51200x128xf32, #tpu.memory_space<hbm>> -> memref<320x128xf32, #tpu.memory_space<hbm>>
          tpu.enqueue_dma source(%arg6 : memref<320x128xf32, #tpu.memory_space<vmem>>) target(%dma_start3A_26 : memref<320x128xf32, #tpu.memory_space<hbm>>) target_semaphore(%run_scoped3A : memref<!tpu.dma_semaphore, #tpu.memory_space<semaphore_mem>>)
          %dma_wait3A_27 = arith.constant 0 : i32
          %dma_wait3A_28 = tpu.memref_slice %arg4[%add3A_18, %dma_wait3A_27] : memref<51200x128xf32, #tpu.memory_space<hbm>> -> memref<320x128xf32, #tpu.memory_space<hbm>>
          %dma_wait3A_29 = arith.constant 0 : i32
          %dma_wait3A_30 = tpu.memref_slice %arg4[%add3A_18, %dma_wait3A_29] : memref<51200x128xf32, #tpu.memory_space<hbm>> -> memref<320x128xf32, #tpu.memory_space<hbm>>
          tpu.wait_dma2 semaphore(%run_scoped3A : memref<!tpu.dma_semaphore, #tpu.memory_space<semaphore_mem>>) src(%arg6 : memref<320x128xf32, #tpu.memory_space<vmem>>) dst(%dma_wait3A_30 : memref<320x128xf32, #tpu.memory_space<hbm>>)
          tpu.yield
        }) : () -> ()
      }
      %while3A_12 = arith.constant 1 : i32
      scf.for %while3A_13 = %while3A_10 to %while3A_6 step %while3A_12  : i32 {
        %mul3A_14 = arith.constant 1600 : i32
        %mul3A_15 = arith.muli %add3A, %mul3A_14 : i32
        %mul3A_16 = arith.constant 320 : i32
        %mul3A_17 = arith.muli %while3A_13, %mul3A_16 : i32
        %add3A_18 = arith.addi %mul3A_15, %mul3A_17 : i32
        "tpu.region"() ({
          %run_scoped3A = tpu.sem_alloc : memref<!tpu.dma_semaphore, #tpu.memory_space<semaphore_mem>>
          %dma_start3A_23 = tpu.memref_slice %arg3[%add3A_18] : memref<51200xi32, #tpu.memory_space<hbm>> -> memref<320xi32, #tpu.memory_space<hbm>>
          %dma_start3A_24 = tpu.memref_slice %arg3[%add3A_18] : memref<51200xi32, #tpu.memory_space<hbm>> -> memref<320xi32, #tpu.memory_space<hbm>>
          tpu.enqueue_dma source(%dma_start3A_24 : memref<320xi32, #tpu.memory_space<hbm>>) target(%arg5 : memref<320xi32, #tpu.memory_space<vmem>>) target_semaphore(%run_scoped3A : memref<!tpu.dma_semaphore, #tpu.memory_space<semaphore_mem>>)
          %dma_wait3A_25 = tpu.memref_slice %arg3[%add3A_18] : memref<51200xi32, #tpu.memory_space<hbm>> -> memref<320xi32, #tpu.memory_space<hbm>>
          %dma_wait3A_26 = tpu.memref_slice %arg3[%add3A_18] : memref<51200xi32, #tpu.memory_space<hbm>> -> memref<320xi32, #tpu.memory_space<hbm>>
          tpu.wait_dma2 semaphore(%run_scoped3A : memref<!tpu.dma_semaphore, #tpu.memory_space<semaphore_mem>>) src(%dma_wait3A_26 : memref<320xi32, #tpu.memory_space<hbm>>) dst(%arg5 : memref<320xi32, #tpu.memory_space<vmem>>)
          tpu.yield
        }) : () -> ()
        %dma_start3A = arith.constant 0 : i32
        %dma_start3A_19 = arith.constant 0 : i32
        %dma_start3A_20 = tpu.memref_slice %arg2[%dma_start3A, %dma_start3A_19] : memref<3200x128xf32, #tpu.memory_space<hbm>> -> memref<3200x128xf32, #tpu.memory_space<hbm>>
        tpu.enqueue_indirect_dma source(%dma_start3A_20 : memref<3200x128xf32, #tpu.memory_space<hbm>>) target(%arg6 : memref<320x128xf32, #tpu.memory_space<vmem>>) offsets(%arg5 : memref<320xi32, #tpu.memory_space<vmem>>) semaphore(%arg7 : memref<!tpu.dma_semaphore, #tpu.memory_space<semaphore_mem>>)
        %dma_wait3A = arith.constant 0 : i32
        %dma_wait3A_21 = arith.constant 0 : i32
        %dma_wait3A_22 = tpu.memref_slice %arg2[%dma_wait3A, %dma_wait3A_21] : memref<3200x128xf32, #tpu.memory_space<hbm>> -> memref<3200x128xf32, #tpu.memory_space<hbm>>
        tpu.wait_indirect_dma semaphore(%arg7 : memref<!tpu.dma_semaphore, #tpu.memory_space<semaphore_mem>>) src(%dma_wait3A_22 : memref<3200x128xf32, #tpu.memory_space<hbm>>) dst(%arg6 : memref<320x128xf32, #tpu.memory_space<vmem>>)
        "tpu.region"() ({
          %run_scoped3A = tpu.sem_alloc : memref<!tpu.dma_semaphore, #tpu.memory_space<semaphore_mem>>
          %dma_start3A_23 = arith.constant 0 : i32
          %dma_start3A_24 = tpu.memref_slice %arg4[%add3A_18, %dma_start3A_23] : memref<51200x128xf32, #tpu.memory_space<hbm>> -> memref<320x128xf32, #tpu.memory_space<hbm>>
          %dma_start3A_25 = arith.constant 0 : i32
          %dma_start3A_26 = tpu.memref_slice %arg4[%add3A_18, %dma_start3A_25] : memref<51200x128xf32, #tpu.memory_space<hbm>> -> memref<320x128xf32, #tpu.memory_space<hbm>>
          tpu.enqueue_dma source(%arg6 : memref<320x128xf32, #tpu.memory_space<vmem>>) target(%dma_start3A_26 : memref<320x128xf32, #tpu.memory_space<hbm>>) target_semaphore(%run_scoped3A : memref<!tpu.dma_semaphore, #tpu.memory_space<semaphore_mem>>)
          %dma_wait3A_27 = arith.constant 0 : i32
          %dma_wait3A_28 = tpu.memref_slice %arg4[%add3A_18, %dma_wait3A_27] : memref<51200x128xf32, #tpu.memory_space<hbm>> -> memref<320x128xf32, #tpu.memory_space<hbm>>
          %dma_wait3A_29 = arith.constant 0 : i32
          %dma_wait3A_30 = tpu.memref_slice %arg4[%add3A_18, %dma_wait3A_29] : memref<51200x128xf32, #tpu.memory_space<hbm>> -> memref<320x128xf32, #tpu.memory_space<hbm>>
          tpu.wait_dma2 semaphore(%run_scoped3A : memref<!tpu.dma_semaphore, #tpu.memory_space<semaphore_mem>>) src(%arg6 : memref<320x128xf32, #tpu.memory_space<vmem>>) dst(%dma_wait3A_30 : memref<320x128xf32, #tpu.memory_space<hbm>>)
          tpu.yield
        }) : () -> ()
      }
    } else {
    }
    return
  }
}

#map = affine_map<(d0, d1) -> (0, 0)>
#map1 = affine_map<(d0, d1) -> (0)>
module attributes {stable_mosaic.version = 14 : i64} {
  func.func @kern(%arg0: i32, %arg1: i32, %arg2: memref<10000x256xf32, #tpu.memory_space<hbm>>, %arg3: memref<3200xi32, #tpu.memory_space<hbm>>, %arg4: memref<3200x256xf32, #tpu.memory_space<hbm>>, %arg5: memref<200xi32, #tpu.memory_space<vmem>>, %arg6: memref<200x256xf32, #tpu.memory_space<vmem>>, %arg7: memref<!tpu.dma_semaphore, #tpu.memory_space<semaphore_mem>>) attributes {dimension_semantics = [#tpu.dimension_semantics<core_parallel>, #tpu.dimension_semantics<subcore_parallel>], iteration_bounds = array<i64: 2, 16>, scalar_prefetch = 0 : i64, scratch_operands = 3 : i64, tpu.core_type = #tpu.core_type<sc_vector_subcore>, window_params = [{transform_indices = #map}, {transform_indices = #map1}, {transform_indices = #map}]} {
    %eq3A = arith.constant 0 : i32
    %eq3A_0 = arith.cmpi eq, %arg0, %eq3A : i32
    %convert_element_type3A = arith.extui %eq3A_0 : i1 to i32
    %cond3A = arith.constant 0 : i32
    %cond3A_1 = arith.cmpi ne, %convert_element_type3A, %cond3A : i32
    scf.if %cond3A_1 {
      %while3A = arith.constant 0 : i32
      %while3A_2 = arith.constant 0 : i32
      %while3A_3 = arith.constant 1 : i32
      %while3A_4 = arith.subi %while3A_3, %while3A_2 : i32
      %while3A_5 = arith.addi %while3A_2, %while3A_4 : i32
      %while3A_6 = arith.constant 1 : i32
      %while3A_7 = arith.divsi %while3A_4, %while3A_6 : i32
      %while3A_8 = arith.muli %while3A_7, %while3A_6 : i32
      %while3A_9 = arith.addi %while3A_2, %while3A_8 : i32
      %while3A_10 = arith.constant 1 : i32
      scf.for %while3A_12 = %while3A_2 to %while3A_9 step %while3A_10  : i32 {
        %mul3A = arith.constant 200 : i32
        %mul3A_13 = arith.muli %arg1, %mul3A : i32
        %mul3A_14 = arith.constant 200 : i32
        %mul3A_15 = arith.muli %while3A_12, %mul3A_14 : i32
        %add3A = arith.addi %mul3A_13, %mul3A_15 : i32
        "tpu.region"() ({
          %run_scoped3A = tpu.sem_alloc : memref<!tpu.dma_semaphore, #tpu.memory_space<semaphore_mem>>
          %dma_start3A_20 = tpu.memref_slice %arg3[%add3A] : memref<3200xi32, #tpu.memory_space<hbm>> -> memref<200xi32, #tpu.memory_space<hbm>>
          %dma_start3A_21 = tpu.memref_slice %arg3[%add3A] : memref<3200xi32, #tpu.memory_space<hbm>> -> memref<200xi32, #tpu.memory_space<hbm>>
          tpu.enqueue_dma source(%dma_start3A_21 : memref<200xi32, #tpu.memory_space<hbm>>) target(%arg5 : memref<200xi32, #tpu.memory_space<vmem>>) target_semaphore(%run_scoped3A : memref<!tpu.dma_semaphore, #tpu.memory_space<semaphore_mem>>)
          %dma_wait3A_22 = tpu.memref_slice %arg3[%add3A] : memref<3200xi32, #tpu.memory_space<hbm>> -> memref<200xi32, #tpu.memory_space<hbm>>
          %dma_wait3A_23 = tpu.memref_slice %arg3[%add3A] : memref<3200xi32, #tpu.memory_space<hbm>> -> memref<200xi32, #tpu.memory_space<hbm>>
          tpu.wait_dma2 semaphore(%run_scoped3A : memref<!tpu.dma_semaphore, #tpu.memory_space<semaphore_mem>>) src(%dma_wait3A_23 : memref<200xi32, #tpu.memory_space<hbm>>) dst(%arg5 : memref<200xi32, #tpu.memory_space<vmem>>)
          tpu.yield
        }) : () -> ()
        %dma_start3A = arith.constant 0 : i32
        %dma_start3A_16 = arith.constant 0 : i32
        %dma_start3A_17 = tpu.memref_slice %arg2[%dma_start3A, %dma_start3A_16] : memref<10000x256xf32, #tpu.memory_space<hbm>> -> memref<10000x256xf32, #tpu.memory_space<hbm>>
        tpu.enqueue_indirect_dma source(%dma_start3A_17 : memref<10000x256xf32, #tpu.memory_space<hbm>>) target(%arg6 : memref<200x256xf32, #tpu.memory_space<vmem>>) offsets(%arg5 : memref<200xi32, #tpu.memory_space<vmem>>) semaphore(%arg7 : memref<!tpu.dma_semaphore, #tpu.memory_space<semaphore_mem>>)
        %dma_wait3A = arith.constant 0 : i32
        %dma_wait3A_18 = arith.constant 0 : i32
        %dma_wait3A_19 = tpu.memref_slice %arg2[%dma_wait3A, %dma_wait3A_18] : memref<10000x256xf32, #tpu.memory_space<hbm>> -> memref<10000x256xf32, #tpu.memory_space<hbm>>
        tpu.wait_indirect_dma semaphore(%arg7 : memref<!tpu.dma_semaphore, #tpu.memory_space<semaphore_mem>>) src(%dma_wait3A_19 : memref<10000x256xf32, #tpu.memory_space<hbm>>) dst(%arg6 : memref<200x256xf32, #tpu.memory_space<vmem>>)
        "tpu.region"() ({
          %run_scoped3A = tpu.sem_alloc : memref<!tpu.dma_semaphore, #tpu.memory_space<semaphore_mem>>
          %dma_start3A_20 = arith.constant 0 : i32
          %dma_start3A_21 = tpu.memref_slice %arg4[%add3A, %dma_start3A_20] : memref<3200x256xf32, #tpu.memory_space<hbm>> -> memref<200x256xf32, #tpu.memory_space<hbm>>
          %dma_start3A_22 = arith.constant 0 : i32
          %dma_start3A_23 = tpu.memref_slice %arg4[%add3A, %dma_start3A_22] : memref<3200x256xf32, #tpu.memory_space<hbm>> -> memref<200x256xf32, #tpu.memory_space<hbm>>
          tpu.enqueue_dma source(%arg6 : memref<200x256xf32, #tpu.memory_space<vmem>>) target(%dma_start3A_23 : memref<200x256xf32, #tpu.memory_space<hbm>>) target_semaphore(%run_scoped3A : memref<!tpu.dma_semaphore, #tpu.memory_space<semaphore_mem>>)
          %dma_wait3A_24 = arith.constant 0 : i32
          %dma_wait3A_25 = tpu.memref_slice %arg4[%add3A, %dma_wait3A_24] : memref<3200x256xf32, #tpu.memory_space<hbm>> -> memref<200x256xf32, #tpu.memory_space<hbm>>
          %dma_wait3A_26 = arith.constant 0 : i32
          %dma_wait3A_27 = tpu.memref_slice %arg4[%add3A, %dma_wait3A_26] : memref<3200x256xf32, #tpu.memory_space<hbm>> -> memref<200x256xf32, #tpu.memory_space<hbm>>
          tpu.wait_dma2 semaphore(%run_scoped3A : memref<!tpu.dma_semaphore, #tpu.memory_space<semaphore_mem>>) src(%arg6 : memref<200x256xf32, #tpu.memory_space<vmem>>) dst(%dma_wait3A_27 : memref<200x256xf32, #tpu.memory_space<hbm>>)
          tpu.yield
        }) : () -> ()
      }
      %while3A_11 = arith.constant 1 : i32
      scf.for %while3A_12 = %while3A_9 to %while3A_5 step %while3A_11  : i32 {
        %mul3A = arith.constant 200 : i32
        %mul3A_13 = arith.muli %arg1, %mul3A : i32
        %mul3A_14 = arith.constant 200 : i32
        %mul3A_15 = arith.muli %while3A_12, %mul3A_14 : i32
        %add3A = arith.addi %mul3A_13, %mul3A_15 : i32
        "tpu.region"() ({
          %run_scoped3A = tpu.sem_alloc : memref<!tpu.dma_semaphore, #tpu.memory_space<semaphore_mem>>
          %dma_start3A_20 = tpu.memref_slice %arg3[%add3A] : memref<3200xi32, #tpu.memory_space<hbm>> -> memref<200xi32, #tpu.memory_space<hbm>>
          %dma_start3A_21 = tpu.memref_slice %arg3[%add3A] : memref<3200xi32, #tpu.memory_space<hbm>> -> memref<200xi32, #tpu.memory_space<hbm>>
          tpu.enqueue_dma source(%dma_start3A_21 : memref<200xi32, #tpu.memory_space<hbm>>) target(%arg5 : memref<200xi32, #tpu.memory_space<vmem>>) target_semaphore(%run_scoped3A : memref<!tpu.dma_semaphore, #tpu.memory_space<semaphore_mem>>)
          %dma_wait3A_22 = tpu.memref_slice %arg3[%add3A] : memref<3200xi32, #tpu.memory_space<hbm>> -> memref<200xi32, #tpu.memory_space<hbm>>
          %dma_wait3A_23 = tpu.memref_slice %arg3[%add3A] : memref<3200xi32, #tpu.memory_space<hbm>> -> memref<200xi32, #tpu.memory_space<hbm>>
          tpu.wait_dma2 semaphore(%run_scoped3A : memref<!tpu.dma_semaphore, #tpu.memory_space<semaphore_mem>>) src(%dma_wait3A_23 : memref<200xi32, #tpu.memory_space<hbm>>) dst(%arg5 : memref<200xi32, #tpu.memory_space<vmem>>)
          tpu.yield
        }) : () -> ()
        %dma_start3A = arith.constant 0 : i32
        %dma_start3A_16 = arith.constant 0 : i32
        %dma_start3A_17 = tpu.memref_slice %arg2[%dma_start3A, %dma_start3A_16] : memref<10000x256xf32, #tpu.memory_space<hbm>> -> memref<10000x256xf32, #tpu.memory_space<hbm>>
        tpu.enqueue_indirect_dma source(%dma_start3A_17 : memref<10000x256xf32, #tpu.memory_space<hbm>>) target(%arg6 : memref<200x256xf32, #tpu.memory_space<vmem>>) offsets(%arg5 : memref<200xi32, #tpu.memory_space<vmem>>) semaphore(%arg7 : memref<!tpu.dma_semaphore, #tpu.memory_space<semaphore_mem>>)
        %dma_wait3A = arith.constant 0 : i32
        %dma_wait3A_18 = arith.constant 0 : i32
        %dma_wait3A_19 = tpu.memref_slice %arg2[%dma_wait3A, %dma_wait3A_18] : memref<10000x256xf32, #tpu.memory_space<hbm>> -> memref<10000x256xf32, #tpu.memory_space<hbm>>
        tpu.wait_indirect_dma semaphore(%arg7 : memref<!tpu.dma_semaphore, #tpu.memory_space<semaphore_mem>>) src(%dma_wait3A_19 : memref<10000x256xf32, #tpu.memory_space<hbm>>) dst(%arg6 : memref<200x256xf32, #tpu.memory_space<vmem>>)
        "tpu.region"() ({
          %run_scoped3A = tpu.sem_alloc : memref<!tpu.dma_semaphore, #tpu.memory_space<semaphore_mem>>
          %dma_start3A_20 = arith.constant 0 : i32
          %dma_start3A_21 = tpu.memref_slice %arg4[%add3A, %dma_start3A_20] : memref<3200x256xf32, #tpu.memory_space<hbm>> -> memref<200x256xf32, #tpu.memory_space<hbm>>
          %dma_start3A_22 = arith.constant 0 : i32
          %dma_start3A_23 = tpu.memref_slice %arg4[%add3A, %dma_start3A_22] : memref<3200x256xf32, #tpu.memory_space<hbm>> -> memref<200x256xf32, #tpu.memory_space<hbm>>
          tpu.enqueue_dma source(%arg6 : memref<200x256xf32, #tpu.memory_space<vmem>>) target(%dma_start3A_23 : memref<200x256xf32, #tpu.memory_space<hbm>>) target_semaphore(%run_scoped3A : memref<!tpu.dma_semaphore, #tpu.memory_space<semaphore_mem>>)
          %dma_wait3A_24 = arith.constant 0 : i32
          %dma_wait3A_25 = tpu.memref_slice %arg4[%add3A, %dma_wait3A_24] : memref<3200x256xf32, #tpu.memory_space<hbm>> -> memref<200x256xf32, #tpu.memory_space<hbm>>
          %dma_wait3A_26 = arith.constant 0 : i32
          %dma_wait3A_27 = tpu.memref_slice %arg4[%add3A, %dma_wait3A_26] : memref<3200x256xf32, #tpu.memory_space<hbm>> -> memref<200x256xf32, #tpu.memory_space<hbm>>
          tpu.wait_dma2 semaphore(%run_scoped3A : memref<!tpu.dma_semaphore, #tpu.memory_space<semaphore_mem>>) src(%arg6 : memref<200x256xf32, #tpu.memory_space<vmem>>) dst(%dma_wait3A_27 : memref<200x256xf32, #tpu.memory_space<hbm>>)
          tpu.yield
        }) : () -> ()
      }
    } else {
    }
    return
  }
}

#map = affine_map<(d0, d1) -> (0, 0)>
#map1 = affine_map<(d0, d1) -> (0)>
module attributes {stable_mosaic.version = 14 : i64} {
  func.func @kern(%arg0: i32, %arg1: i32, %arg2: memref<3200x256xf32, #tpu.memory_space<hbm>>, %arg3: memref<3200xi32, #tpu.memory_space<hbm>>, %arg4: memref<3200x256xf32, #tpu.memory_space<hbm>>, %arg5: memref<200xi32, #tpu.memory_space<vmem>>, %arg6: memref<200x256xf32, #tpu.memory_space<vmem>>, %arg7: memref<!tpu.dma_semaphore, #tpu.memory_space<semaphore_mem>>) attributes {dimension_semantics = [#tpu.dimension_semantics<core_parallel>, #tpu.dimension_semantics<subcore_parallel>], iteration_bounds = array<i64: 2, 16>, scalar_prefetch = 0 : i64, scratch_operands = 3 : i64, tpu.core_type = #tpu.core_type<sc_vector_subcore>, window_params = [{transform_indices = #map}, {transform_indices = #map1}, {transform_indices = #map}]} {
    %eq3A = arith.constant 0 : i32
    %eq3A_0 = arith.cmpi eq, %arg0, %eq3A : i32
    %convert_element_type3A = arith.extui %eq3A_0 : i1 to i32
    %cond3A = arith.constant 0 : i32
    %cond3A_1 = arith.cmpi ne, %convert_element_type3A, %cond3A : i32
    scf.if %cond3A_1 {
      %while3A = arith.constant 0 : i32
      %while3A_2 = arith.constant 0 : i32
      %while3A_3 = arith.constant 1 : i32
      %while3A_4 = arith.subi %while3A_3, %while3A_2 : i32
      %while3A_5 = arith.addi %while3A_2, %while3A_4 : i32
      %while3A_6 = arith.constant 1 : i32
      %while3A_7 = arith.divsi %while3A_4, %while3A_6 : i32
      %while3A_8 = arith.muli %while3A_7, %while3A_6 : i32
      %while3A_9 = arith.addi %while3A_2, %while3A_8 : i32
      %while3A_10 = arith.constant 1 : i32
      scf.for %while3A_12 = %while3A_2 to %while3A_9 step %while3A_10  : i32 {
        %mul3A = arith.constant 200 : i32
        %mul3A_13 = arith.muli %arg1, %mul3A : i32
        %mul3A_14 = arith.constant 200 : i32
        %mul3A_15 = arith.muli %while3A_12, %mul3A_14 : i32
        %add3A = arith.addi %mul3A_13, %mul3A_15 : i32
        "tpu.region"() ({
          %run_scoped3A = tpu.sem_alloc : memref<!tpu.dma_semaphore, #tpu.memory_space<semaphore_mem>>
          %dma_start3A_20 = tpu.memref_slice %arg3[%add3A] : memref<3200xi32, #tpu.memory_space<hbm>> -> memref<200xi32, #tpu.memory_space<hbm>>
          %dma_start3A_21 = tpu.memref_slice %arg3[%add3A] : memref<3200xi32, #tpu.memory_space<hbm>> -> memref<200xi32, #tpu.memory_space<hbm>>
          tpu.enqueue_dma source(%dma_start3A_21 : memref<200xi32, #tpu.memory_space<hbm>>) target(%arg5 : memref<200xi32, #tpu.memory_space<vmem>>) target_semaphore(%run_scoped3A : memref<!tpu.dma_semaphore, #tpu.memory_space<semaphore_mem>>)
          %dma_wait3A_22 = tpu.memref_slice %arg3[%add3A] : memref<3200xi32, #tpu.memory_space<hbm>> -> memref<200xi32, #tpu.memory_space<hbm>>
          %dma_wait3A_23 = tpu.memref_slice %arg3[%add3A] : memref<3200xi32, #tpu.memory_space<hbm>> -> memref<200xi32, #tpu.memory_space<hbm>>
          tpu.wait_dma2 semaphore(%run_scoped3A : memref<!tpu.dma_semaphore, #tpu.memory_space<semaphore_mem>>) src(%dma_wait3A_23 : memref<200xi32, #tpu.memory_space<hbm>>) dst(%arg5 : memref<200xi32, #tpu.memory_space<vmem>>)
          tpu.yield
        }) : () -> ()
        %dma_start3A = arith.constant 0 : i32
        %dma_start3A_16 = arith.constant 0 : i32
        %dma_start3A_17 = tpu.memref_slice %arg2[%dma_start3A, %dma_start3A_16] : memref<3200x256xf32, #tpu.memory_space<hbm>> -> memref<3200x256xf32, #tpu.memory_space<hbm>>
        tpu.enqueue_indirect_dma source(%dma_start3A_17 : memref<3200x256xf32, #tpu.memory_space<hbm>>) target(%arg6 : memref<200x256xf32, #tpu.memory_space<vmem>>) offsets(%arg5 : memref<200xi32, #tpu.memory_space<vmem>>) semaphore(%arg7 : memref<!tpu.dma_semaphore, #tpu.memory_space<semaphore_mem>>)
        %dma_wait3A = arith.constant 0 : i32
        %dma_wait3A_18 = arith.constant 0 : i32
        %dma_wait3A_19 = tpu.memref_slice %arg2[%dma_wait3A, %dma_wait3A_18] : memref<3200x256xf32, #tpu.memory_space<hbm>> -> memref<3200x256xf32, #tpu.memory_space<hbm>>
        tpu.wait_indirect_dma semaphore(%arg7 : memref<!tpu.dma_semaphore, #tpu.memory_space<semaphore_mem>>) src(%dma_wait3A_19 : memref<3200x256xf32, #tpu.memory_space<hbm>>) dst(%arg6 : memref<200x256xf32, #tpu.memory_space<vmem>>)
        "tpu.region"() ({
          %run_scoped3A = tpu.sem_alloc : memref<!tpu.dma_semaphore, #tpu.memory_space<semaphore_mem>>
          %dma_start3A_20 = arith.constant 0 : i32
          %dma_start3A_21 = tpu.memref_slice %arg4[%add3A, %dma_start3A_20] : memref<3200x256xf32, #tpu.memory_space<hbm>> -> memref<200x256xf32, #tpu.memory_space<hbm>>
          %dma_start3A_22 = arith.constant 0 : i32
          %dma_start3A_23 = tpu.memref_slice %arg4[%add3A, %dma_start3A_22] : memref<3200x256xf32, #tpu.memory_space<hbm>> -> memref<200x256xf32, #tpu.memory_space<hbm>>
          tpu.enqueue_dma source(%arg6 : memref<200x256xf32, #tpu.memory_space<vmem>>) target(%dma_start3A_23 : memref<200x256xf32, #tpu.memory_space<hbm>>) target_semaphore(%run_scoped3A : memref<!tpu.dma_semaphore, #tpu.memory_space<semaphore_mem>>)
          %dma_wait3A_24 = arith.constant 0 : i32
          %dma_wait3A_25 = tpu.memref_slice %arg4[%add3A, %dma_wait3A_24] : memref<3200x256xf32, #tpu.memory_space<hbm>> -> memref<200x256xf32, #tpu.memory_space<hbm>>
          %dma_wait3A_26 = arith.constant 0 : i32
          %dma_wait3A_27 = tpu.memref_slice %arg4[%add3A, %dma_wait3A_26] : memref<3200x256xf32, #tpu.memory_space<hbm>> -> memref<200x256xf32, #tpu.memory_space<hbm>>
          tpu.wait_dma2 semaphore(%run_scoped3A : memref<!tpu.dma_semaphore, #tpu.memory_space<semaphore_mem>>) src(%arg6 : memref<200x256xf32, #tpu.memory_space<vmem>>) dst(%dma_wait3A_27 : memref<200x256xf32, #tpu.memory_space<hbm>>)
          tpu.yield
        }) : () -> ()
      }
      %while3A_11 = arith.constant 1 : i32
      scf.for %while3A_12 = %while3A_9 to %while3A_5 step %while3A_11  : i32 {
        %mul3A = arith.constant 200 : i32
        %mul3A_13 = arith.muli %arg1, %mul3A : i32
        %mul3A_14 = arith.constant 200 : i32
        %mul3A_15 = arith.muli %while3A_12, %mul3A_14 : i32
        %add3A = arith.addi %mul3A_13, %mul3A_15 : i32
        "tpu.region"() ({
          %run_scoped3A = tpu.sem_alloc : memref<!tpu.dma_semaphore, #tpu.memory_space<semaphore_mem>>
          %dma_start3A_20 = tpu.memref_slice %arg3[%add3A] : memref<3200xi32, #tpu.memory_space<hbm>> -> memref<200xi32, #tpu.memory_space<hbm>>
          %dma_start3A_21 = tpu.memref_slice %arg3[%add3A] : memref<3200xi32, #tpu.memory_space<hbm>> -> memref<200xi32, #tpu.memory_space<hbm>>
          tpu.enqueue_dma source(%dma_start3A_21 : memref<200xi32, #tpu.memory_space<hbm>>) target(%arg5 : memref<200xi32, #tpu.memory_space<vmem>>) target_semaphore(%run_scoped3A : memref<!tpu.dma_semaphore, #tpu.memory_space<semaphore_mem>>)
          %dma_wait3A_22 = tpu.memref_slice %arg3[%add3A] : memref<3200xi32, #tpu.memory_space<hbm>> -> memref<200xi32, #tpu.memory_space<hbm>>
          %dma_wait3A_23 = tpu.memref_slice %arg3[%add3A] : memref<3200xi32, #tpu.memory_space<hbm>> -> memref<200xi32, #tpu.memory_space<hbm>>
          tpu.wait_dma2 semaphore(%run_scoped3A : memref<!tpu.dma_semaphore, #tpu.memory_space<semaphore_mem>>) src(%dma_wait3A_23 : memref<200xi32, #tpu.memory_space<hbm>>) dst(%arg5 : memref<200xi32, #tpu.memory_space<vmem>>)
          tpu.yield
        }) : () -> ()
        %dma_start3A = arith.constant 0 : i32
        %dma_start3A_16 = arith.constant 0 : i32
        %dma_start3A_17 = tpu.memref_slice %arg2[%dma_start3A, %dma_start3A_16] : memref<3200x256xf32, #tpu.memory_space<hbm>> -> memref<3200x256xf32, #tpu.memory_space<hbm>>
        tpu.enqueue_indirect_dma source(%dma_start3A_17 : memref<3200x256xf32, #tpu.memory_space<hbm>>) target(%arg6 : memref<200x256xf32, #tpu.memory_space<vmem>>) offsets(%arg5 : memref<200xi32, #tpu.memory_space<vmem>>) semaphore(%arg7 : memref<!tpu.dma_semaphore, #tpu.memory_space<semaphore_mem>>)
        %dma_wait3A = arith.constant 0 : i32
        %dma_wait3A_18 = arith.constant 0 : i32
        %dma_wait3A_19 = tpu.memref_slice %arg2[%dma_wait3A, %dma_wait3A_18] : memref<3200x256xf32, #tpu.memory_space<hbm>> -> memref<3200x256xf32, #tpu.memory_space<hbm>>
        tpu.wait_indirect_dma semaphore(%arg7 : memref<!tpu.dma_semaphore, #tpu.memory_space<semaphore_mem>>) src(%dma_wait3A_19 : memref<3200x256xf32, #tpu.memory_space<hbm>>) dst(%arg6 : memref<200x256xf32, #tpu.memory_space<vmem>>)
        "tpu.region"() ({
          %run_scoped3A = tpu.sem_alloc : memref<!tpu.dma_semaphore, #tpu.memory_space<semaphore_mem>>
          %dma_start3A_20 = arith.constant 0 : i32
          %dma_start3A_21 = tpu.memref_slice %arg4[%add3A, %dma_start3A_20] : memref<3200x256xf32, #tpu.memory_space<hbm>> -> memref<200x256xf32, #tpu.memory_space<hbm>>
          %dma_start3A_22 = arith.constant 0 : i32
          %dma_start3A_23 = tpu.memref_slice %arg4[%add3A, %dma_start3A_22] : memref<3200x256xf32, #tpu.memory_space<hbm>> -> memref<200x256xf32, #tpu.memory_space<hbm>>
          tpu.enqueue_dma source(%arg6 : memref<200x256xf32, #tpu.memory_space<vmem>>) target(%dma_start3A_23 : memref<200x256xf32, #tpu.memory_space<hbm>>) target_semaphore(%run_scoped3A : memref<!tpu.dma_semaphore, #tpu.memory_space<semaphore_mem>>)
          %dma_wait3A_24 = arith.constant 0 : i32
          %dma_wait3A_25 = tpu.memref_slice %arg4[%add3A, %dma_wait3A_24] : memref<3200x256xf32, #tpu.memory_space<hbm>> -> memref<200x256xf32, #tpu.memory_space<hbm>>
          %dma_wait3A_26 = arith.constant 0 : i32
          %dma_wait3A_27 = tpu.memref_slice %arg4[%add3A, %dma_wait3A_26] : memref<3200x256xf32, #tpu.memory_space<hbm>> -> memref<200x256xf32, #tpu.memory_space<hbm>>
          tpu.wait_dma2 semaphore(%run_scoped3A : memref<!tpu.dma_semaphore, #tpu.memory_space<semaphore_mem>>) src(%arg6 : memref<200x256xf32, #tpu.memory_space<vmem>>) dst(%dma_wait3A_27 : memref<200x256xf32, #tpu.memory_space<hbm>>)
          tpu.yield
        }) : () -> ()
      }
    } else {
    }
    return
  }
}

module attributes {stable_mosaic.version = 14 : i64} {
  func.func @body(%arg0: i32, %arg1: memref<1x1x320xi32, #tpu.memory_space<smem>>, %arg2: memref<320x128xf32, #tpu.memory_space<vmem>>, %arg3: memref<10000x128xf32, #tpu.memory_space<vmem>>) attributes {dimension_semantics = [#tpu.dimension_semantics<arbitrary>], iteration_bounds = array<i64: 500>, scalar_prefetch = 0 : i64, scratch_operands = 0 : i64, tpu.core_type = #tpu.core_type<tc>, window_params = [{transform_indices = @transform_0, window_bounds = array<i64: 1, 1, 320>}, {transform_indices = @transform_1, window_bounds = array<i64: 320, 128>}, {pipeline_mode = #tpu.pipeline_mode<synchronous>, transform_indices = @transform_2, window_bounds = array<i64: 10000, 128>}]} {
    %eq3A = arith.constant 0 : i32
    %eq3A_0 = arith.cmpi eq, %arg0, %eq3A : i32
    %convert_element_type3A = arith.extui %eq3A_0 : i1 to i32
    %cond3A = arith.constant 0 : i32
    %cond3A_1 = arith.cmpi ne, %convert_element_type3A, %cond3A : i32
    scf.if %cond3A_1 {
      %broadcast_in_dim3A = arith.constant 0.000000e+00 : f32
      %broadcast_in_dim3A_12 = vector.broadcast %broadcast_in_dim3A : f32 to vector<10000x128xf32>
      %swap3A = arith.constant 0 : index
      %swap3A_13 = arith.constant 0 : index
      %swap3A_14 = vector.load %arg3[%swap3A, %swap3A_13] : memref<10000x128xf32, #tpu.memory_space<vmem>>, vector<10000x128xf32>
      tpu.vector_store %arg3[%swap3A, %swap3A_13], %broadcast_in_dim3A_12 {strides = array<i32>} : memref<10000x128xf32, #tpu.memory_space<vmem>>, vector<10000x128xf32>,
    } else {
    }
    %while3A = arith.constant 0 : i32
    %while3A_2 = arith.constant 0 : i32
    %while3A_3 = arith.constant 320 : i32
    %while3A_4 = arith.subi %while3A_3, %while3A_2 : i32
    %while3A_5 = arith.addi %while3A_2, %while3A_4 : i32
    %while3A_6 = arith.constant 1 : i32
    %while3A_7 = arith.divsi %while3A_4, %while3A_6 : i32
    %while3A_8 = arith.muli %while3A_7, %while3A_6 : i32
    %while3A_9 = arith.addi %while3A_2, %while3A_8 : i32
    %while3A_10 = arith.constant 1 : i32
    scf.for %while3A_12 = %while3A_2 to %while3A_9 step %while3A_10  : i32 {
      %get3A = arith.constant 0 : index
      %get3A_13 = arith.constant 0 : index
      %get3A_14 = arith.index_cast %while3A_12 : i32 to index
      %get3A_15 = memref.load %arg1[%get3A, %get3A_13, %get3A_14] : memref<1x1x320xi32, #tpu.memory_space<smem>>
      %get3A_16 = arith.index_cast %get3A_15 : i32 to index
      %get3A_17 = arith.constant 0 : index
      %get3A_18 = vector.load %arg3[%get3A_16, %get3A_17] : memref<10000x128xf32, #tpu.memory_space<vmem>>, vector<1x128xf32>
      %get3A_19 = arith.index_cast %while3A_12 : i32 to index
      %get3A_20 = arith.constant 0 : index
      %get3A_21 = vector.load %arg2[%get3A_19, %get3A_20] : memref<320x128xf32, #tpu.memory_space<vmem>>, vector<1x128xf32>
      %add3A = arith.addf %get3A_18, %get3A_21 : vector<1x128xf32>
      %swap3A = arith.index_cast %get3A_15 : i32 to index
      %swap3A_22 = arith.constant 0 : index
      %swap3A_23 = vector.load %arg3[%swap3A, %swap3A_22] : memref<10000x128xf32, #tpu.memory_space<vmem>>, vector<1x128xf32>
      tpu.vector_store %arg3[%swap3A, %swap3A_22], %add3A {strides = array<i32>} : memref<10000x128xf32, #tpu.memory_space<vmem>>, vector<1x128xf32>,
    }
    %while3A_11 = arith.constant 1 : i32
    scf.for %while3A_12 = %while3A_9 to %while3A_5 step %while3A_11  : i32 {
      %get3A = arith.constant 0 : index
      %get3A_13 = arith.constant 0 : index
      %get3A_14 = arith.index_cast %while3A_12 : i32 to index
      %get3A_15 = memref.load %arg1[%get3A, %get3A_13, %get3A_14] : memref<1x1x320xi32, #tpu.memory_space<smem>>
      %get3A_16 = arith.index_cast %get3A_15 : i32 to index
      %get3A_17 = arith.constant 0 : index
      %get3A_18 = vector.load %arg3[%get3A_16, %get3A_17] : memref<10000x128xf32, #tpu.memory_space<vmem>>, vector<1x128xf32>
      %get3A_19 = arith.index_cast %while3A_12 : i32 to index
      %get3A_20 = arith.constant 0 : index
      %get3A_21 = vector.load %arg2[%get3A_19, %get3A_20] : memref<320x128xf32, #tpu.memory_space<vmem>>, vector<1x128xf32>
      %add3A = arith.addf %get3A_18, %get3A_21 : vector<1x128xf32>
      %swap3A = arith.index_cast %get3A_15 : i32 to index
      %swap3A_22 = arith.constant 0 : index
      %swap3A_23 = vector.load %arg3[%swap3A, %swap3A_22] : memref<10000x128xf32, #tpu.memory_space<vmem>>, vector<1x128xf32>
      tpu.vector_store %arg3[%swap3A, %swap3A_22], %add3A {strides = array<i32>} : memref<10000x128xf32, #tpu.memory_space<vmem>>, vector<1x128xf32>,
    }
    return
  }
  func.func @transform_0(%arg0: i32) -> (i32, i32, i32) {
    %c0_i32 = arith.constant 0 : i32
    %c0_i32_0 = arith.constant 0 : i32
    %c0_i32_1 = arith.constant 0 : i32
    return %arg0, %c0_i32, %c0_i32_0 : i32, i32, i32
  }
  func.func @transform_1(%arg0: i32) -> (i32, i32) {
    %c0_i32 = arith.constant 0 : i32
    %c0_i32_0 = arith.constant 0 : i32
    return %arg0, %c0_i32 : i32, i32
  }
  func.func @transform_2(%arg0: i32) -> (i32, i32) {
    %c0_i32 = arith.constant 0 : i32
    %c0_i32_0 = arith.constant 0 : i32
    %c0_i32_1 = arith.constant 0 : i32
    return %c0_i32, %c0_i32_0 : i32, i32
  }
}

module attributes {stable_mosaic.version = 14 : i64} {
  func.func @body(%arg0: i32, %arg1: memref<256x128xf32, #tpu.memory_space<vmem>>, %arg2: memref<256x128xf32, #tpu.memory_space<vmem>>) attributes {dimension_semantics = [#tpu.dimension_semantics<arbitrary>], iteration_bounds = array<i64: 40>, scalar_prefetch = 0 : i64, scratch_operands = 0 : i64, tpu.core_type = #tpu.core_type<tc>, window_params = [{transform_indices = @transform_0, window_bounds = array<i64: 256, 128>}, {transform_indices = @transform_1, window_bounds = array<i64: 256, 128>}]} {
    %get3A = arith.constant 0 : index
    %get3A_0 = arith.constant 0 : index
    %get3A_1 = vector.load %arg1[%get3A, %get3A_0] : memref<256x128xf32, #tpu.memory_space<vmem>>, vector<256x128xf32>
    %jit3A = arith.constant 1.000000e+00 : f64
    %convert_element_type3A = arith.truncf %jit3A : f64 to f32
    %max3A = vector.broadcast %convert_element_type3A : f32 to vector<256x128xf32>
    %max3A_2 = arith.maximumf %max3A, %get3A_1 : vector<256x128xf32>
    %rsqrt3A = math.rsqrt %max3A_2 : vector<256x128xf32>
    %swap3A = arith.constant 0 : index
    %swap3A_3 = arith.constant 0 : index
    %swap3A_4 = vector.load %arg2[%swap3A, %swap3A_3] : memref<256x128xf32, #tpu.memory_space<vmem>>, vector<256x128xf32>
    tpu.vector_store %arg2[%swap3A, %swap3A_3], %rsqrt3A {strides = array<i32>} : memref<256x128xf32, #tpu.memory_space<vmem>>, vector<256x128xf32>,
    return
  }
  func.func @transform_0(%arg0: i32) -> (i32, i32) {
    %c0_i32 = arith.constant 0 : i32
    %c0_i32_0 = arith.constant 0 : i32
    return %arg0, %c0_i32 : i32, i32
  }
  func.func @transform_1(%arg0: i32) -> (i32, i32) {
    %c0_i32 = arith.constant 0 : i32
    %c0_i32_0 = arith.constant 0 : i32
    return %arg0, %c0_i32 : i32, i32
  }
}

module attributes {stable_mosaic.version = 14 : i64} {
  func.func @body(%arg0: i32, %arg1: i32, %arg2: memref<256x256xf32, #tpu.memory_space<vmem>>, %arg3: memref<256x256xf32, #tpu.memory_space<vmem>>, %arg4: memref<256x256xf32, #tpu.memory_space<vmem>>) attributes {dimension_semantics = [#tpu.dimension_semantics<arbitrary>, #tpu.dimension_semantics<arbitrary>], iteration_bounds = array<i64: 40, 1>, scalar_prefetch = 0 : i64, scratch_operands = 0 : i64, tpu.core_type = #tpu.core_type<tc>, window_params = [{transform_indices = @transform_0, window_bounds = array<i64: 256, 256>}, {transform_indices = @transform_1, window_bounds = array<i64: 256, 256>}, {transform_indices = @transform_2, window_bounds = array<i64: 256, 256>}]} {
    %get3A = arith.constant 0 : index
    %get3A_0 = arith.constant 0 : index
    %get3A_1 = vector.load %arg2[%get3A, %get3A_0] : memref<256x256xf32, #tpu.memory_space<vmem>>, vector<256x256xf32>
    %get3A_2 = arith.constant 0 : index
    %get3A_3 = arith.constant 0 : index
    %get3A_4 = vector.load %arg3[%get3A_2, %get3A_3] : memref<256x256xf32, #tpu.memory_space<vmem>>, vector<256x256xf32>
    %dot_general3A = arith.constant dense<0.000000e+00> : vector<256x256xf32>
    %dot_general3A_5 = tpu.matmul %get3A_1, %get3A_4, %dot_general3A {dimension_numbers = #tpu.dot_dimension_numbers<[1], [0], [0], [1], [0, 0, 1, 1], [], []>, transpose_lhs_hint = false} : vector<256x256xf32>, vector<256x256xf32>, vector<256x256xf32> -> vector<256x256xf32>
    %swap3A = arith.constant 0 : index
    %swap3A_6 = arith.constant 0 : index
    %swap3A_7 = vector.load %arg4[%swap3A, %swap3A_6] : memref<256x256xf32, #tpu.memory_space<vmem>>, vector<256x256xf32>
    tpu.vector_store %arg4[%swap3A, %swap3A_6], %dot_general3A_5 {strides = array<i32>} : memref<256x256xf32, #tpu.memory_space<vmem>>, vector<256x256xf32>,
    return
  }
  func.func @transform_0(%arg0: i32, %arg1: i32) -> (i32, i32) {
    %c0_i32 = arith.constant 0 : i32
    %c0_i32_0 = arith.constant 0 : i32
    return %arg0, %c0_i32 : i32, i32
  }
  func.func @transform_1(%arg0: i32, %arg1: i32) -> (i32, i32) {
    %c0_i32 = arith.constant 0 : i32
    %c0_i32_0 = arith.constant 0 : i32
    return %c0_i32, %arg1 : i32, i32
  }
  func.func @transform_2(%arg0: i32, %arg1: i32) -> (i32, i32) {
    %c0_i32 = arith.constant 0 : i32
    return %arg0, %arg1 : i32, i32
  }
}

module attributes {stable_mosaic.version = 14 : i64} {
  func.func @body(%arg0: i32, %arg1: memref<256x256xf32, #tpu.memory_space<vmem>>, %arg2: memref<256x1xf32, #tpu.memory_space<vmem>>, %arg3: memref<256x256xf32, #tpu.memory_space<vmem>>) attributes {dimension_semantics = [#tpu.dimension_semantics<arbitrary>], iteration_bounds = array<i64: 40>, scalar_prefetch = 0 : i64, scratch_operands = 0 : i64, tpu.core_type = #tpu.core_type<tc>, window_params = [{transform_indices = @transform_0, window_bounds = array<i64: 256, 256>}, {transform_indices = @transform_1, window_bounds = array<i64: 256, 1>}, {transform_indices = @transform_2, window_bounds = array<i64: 256, 256>}]} {
    %get3A = arith.constant 0 : index
    %get3A_0 = arith.constant 0 : index
    %get3A_1 = vector.load %arg1[%get3A, %get3A_0] : memref<256x256xf32, #tpu.memory_space<vmem>>, vector<256x256xf32>
    %get3A_2 = arith.constant 0 : index
    %get3A_3 = arith.constant 0 : index
    %get3A_4 = vector.load %arg2[%get3A_2, %get3A_3] : memref<256x1xf32, #tpu.memory_space<vmem>>, vector<256x1xf32>
    %mul3A = vector.broadcast %get3A_4 : vector<256x1xf32> to vector<256x256xf32>
    %mul3A_5 = arith.mulf %get3A_1, %mul3A : vector<256x256xf32>
    %swap3A = arith.constant 0 : index
    %swap3A_6 = arith.constant 0 : index
    %swap3A_7 = vector.load %arg3[%swap3A, %swap3A_6] : memref<256x256xf32, #tpu.memory_space<vmem>>, vector<256x256xf32>
    tpu.vector_store %arg3[%swap3A, %swap3A_6], %mul3A_5 {strides = array<i32>} : memref<256x256xf32, #tpu.memory_space<vmem>>, vector<256x256xf32>,
    return
  }
  func.func @transform_0(%arg0: i32) -> (i32, i32) {
    %c0_i32 = arith.constant 0 : i32
    %c0_i32_0 = arith.constant 0 : i32
    return %arg0, %c0_i32 : i32, i32
  }
  func.func @transform_1(%arg0: i32) -> (i32, i32) {
    %c0_i32 = arith.constant 0 : i32
    %c0_i32_0 = arith.constant 0 : i32
    return %arg0, %c0_i32 : i32, i32
  }
  func.func @transform_2(%arg0: i32) -> (i32, i32) {
    %c0_i32 = arith.constant 0 : i32
    %c0_i32_0 = arith.constant 0 : i32
    return %arg0, %c0_i32 : i32, i32
  }
}

module attributes {stable_mosaic.version = 14 : i64} {
  func.func @body(%arg0: i32, %arg1: i32, %arg2: memref<256x256xf32, #tpu.memory_space<vmem>>, %arg3: memref<256x256xf32, #tpu.memory_space<vmem>>, %arg4: memref<256x256xf32, #tpu.memory_space<vmem>>) attributes {dimension_semantics = [#tpu.dimension_semantics<arbitrary>, #tpu.dimension_semantics<arbitrary>], iteration_bounds = array<i64: 13, 4>, scalar_prefetch = 0 : i64, scratch_operands = 0 : i64, tpu.core_type = #tpu.core_type<tc>, window_params = [{transform_indices = @transform_0, window_bounds = array<i64: 256, 256>}, {transform_indices = @transform_1, window_bounds = array<i64: 256, 256>}, {transform_indices = @transform_2, window_bounds = array<i64: 256, 256>}]} {
    %get3A = arith.constant 0 : index
    %get3A_0 = arith.constant 0 : index
    %get3A_1 = vector.load %arg2[%get3A, %get3A_0] : memref<256x256xf32, #tpu.memory_space<vmem>>, vector<256x256xf32>
    %get3A_2 = arith.constant 0 : index
    %get3A_3 = arith.constant 0 : index
    %get3A_4 = vector.load %arg3[%get3A_2, %get3A_3] : memref<256x256xf32, #tpu.memory_space<vmem>>, vector<256x256xf32>
    %dot_general3A = arith.constant dense<0.000000e+00> : vector<256x256xf32>
    %dot_general3A_5 = tpu.matmul %get3A_1, %get3A_4, %dot_general3A {dimension_numbers = #tpu.dot_dimension_numbers<[1], [0], [0], [1], [0, 0, 1, 1], [], []>, transpose_lhs_hint = false} : vector<256x256xf32>, vector<256x256xf32>, vector<256x256xf32> -> vector<256x256xf32>
    %swap3A = arith.constant 0 : index
    %swap3A_6 = arith.constant 0 : index
    %swap3A_7 = vector.load %arg4[%swap3A, %swap3A_6] : memref<256x256xf32, #tpu.memory_space<vmem>>, vector<256x256xf32>
    tpu.vector_store %arg4[%swap3A, %swap3A_6], %dot_general3A_5 {strides = array<i32>} : memref<256x256xf32, #tpu.memory_space<vmem>>, vector<256x256xf32>,
    return
  }
  func.func @transform_0(%arg0: i32, %arg1: i32) -> (i32, i32) {
    %c0_i32 = arith.constant 0 : i32
    %c0_i32_0 = arith.constant 0 : i32
    return %arg0, %c0_i32 : i32, i32
  }
  func.func @transform_1(%arg0: i32, %arg1: i32) -> (i32, i32) {
    %c0_i32 = arith.constant 0 : i32
    %c0_i32_0 = arith.constant 0 : i32
    return %c0_i32, %arg1 : i32, i32
  }
  func.func @transform_2(%arg0: i32, %arg1: i32) -> (i32, i32) {
    %c0_i32 = arith.constant 0 : i32
    return %arg0, %arg1 : i32, i32
  }
}

module attributes {stable_mosaic.version = 14 : i64} {
  func.func @body(%arg0: i32, %arg1: i32, %arg2: memref<256x1024xf32, #tpu.memory_space<vmem>>, %arg3: memref<1024x128xf32, #tpu.memory_space<vmem>>, %arg4: memref<256x128xf32, #tpu.memory_space<vmem>>) attributes {dimension_semantics = [#tpu.dimension_semantics<arbitrary>, #tpu.dimension_semantics<arbitrary>], iteration_bounds = array<i64: 13, 1>, scalar_prefetch = 0 : i64, scratch_operands = 0 : i64, tpu.core_type = #tpu.core_type<tc>, window_params = [{transform_indices = @transform_0, window_bounds = array<i64: 256, 1024>}, {transform_indices = @transform_1, window_bounds = array<i64: 1024, 128>}, {transform_indices = @transform_2, window_bounds = array<i64: 256, 128>}]} {
    %get3A = arith.constant 0 : index
    %get3A_0 = arith.constant 0 : index
    %get3A_1 = vector.load %arg2[%get3A, %get3A_0] : memref<256x1024xf32, #tpu.memory_space<vmem>>, vector<256x1024xf32>
    %get3A_2 = arith.constant 0 : index
    %get3A_3 = arith.constant 0 : index
    %get3A_4 = vector.load %arg3[%get3A_2, %get3A_3] : memref<1024x128xf32, #tpu.memory_space<vmem>>, vector<1024x128xf32>
    %dot_general3A = arith.constant dense<0.000000e+00> : vector<256x128xf32>
    %dot_general3A_5 = tpu.matmul %get3A_1, %get3A_4, %dot_general3A {dimension_numbers = #tpu.dot_dimension_numbers<[1], [0], [0], [1], [0, 0, 1, 1], [], []>, transpose_lhs_hint = false} : vector<256x1024xf32>, vector<1024x128xf32>, vector<256x128xf32> -> vector<256x128xf32>
    %swap3A = arith.constant 0 : index
    %swap3A_6 = arith.constant 0 : index
    %swap3A_7 = vector.load %arg4[%swap3A, %swap3A_6] : memref<256x128xf32, #tpu.memory_space<vmem>>, vector<256x128xf32>
    tpu.vector_store %arg4[%swap3A, %swap3A_6], %dot_general3A_5 {strides = array<i32>} : memref<256x128xf32, #tpu.memory_space<vmem>>, vector<256x128xf32>,
    return
  }
  func.func @transform_0(%arg0: i32, %arg1: i32) -> (i32, i32) {
    %c0_i32 = arith.constant 0 : i32
    %c0_i32_0 = arith.constant 0 : i32
    return %arg0, %c0_i32 : i32, i32
  }
  func.func @transform_1(%arg0: i32, %arg1: i32) -> (i32, i32) {
    %c0_i32 = arith.constant 0 : i32
    %c0_i32_0 = arith.constant 0 : i32
    return %c0_i32, %arg1 : i32, i32
  }
  func.func @transform_2(%arg0: i32, %arg1: i32) -> (i32, i32) {
    %c0_i32 = arith.constant 0 : i32
    return %arg0, %arg1 : i32, i32
  }
}

module attributes {stable_mosaic.version = 14 : i64} {
  func.func @body(%arg0: i32, %arg1: memref<256x256xf32, #tpu.memory_space<vmem>>, %arg2: memref<256x1xf32, #tpu.memory_space<vmem>>, %arg3: memref<256x256xf32, #tpu.memory_space<vmem>>) attributes {dimension_semantics = [#tpu.dimension_semantics<arbitrary>], iteration_bounds = array<i64: 40>, scalar_prefetch = 0 : i64, scratch_operands = 0 : i64, tpu.core_type = #tpu.core_type<tc>, window_params = [{transform_indices = @transform_0, window_bounds = array<i64: 256, 256>}, {transform_indices = @transform_1, window_bounds = array<i64: 256, 1>}, {transform_indices = @transform_2, window_bounds = array<i64: 256, 256>}]} {
    %get3A = arith.constant 0 : index
    %get3A_0 = arith.constant 0 : index
    %get3A_1 = vector.load %arg1[%get3A, %get3A_0] : memref<256x256xf32, #tpu.memory_space<vmem>>, vector<256x256xf32>
    %get3A_2 = arith.constant 0 : index
    %get3A_3 = arith.constant 0 : index
    %get3A_4 = vector.load %arg2[%get3A_2, %get3A_3] : memref<256x1xf32, #tpu.memory_space<vmem>>, vector<256x1xf32>
    %mul3A = vector.broadcast %get3A_4 : vector<256x1xf32> to vector<256x256xf32>
    %mul3A_5 = arith.mulf %get3A_1, %mul3A : vector<256x256xf32>
    %max3A = arith.constant 0.000000e+00 : f32
    %max3A_6 = vector.broadcast %max3A : f32 to vector<256x256xf32>
    %max3A_7 = arith.maximumf %mul3A_5, %max3A_6 : vector<256x256xf32>
    %swap3A = arith.constant 0 : index
    %swap3A_8 = arith.constant 0 : index
    %swap3A_9 = vector.load %arg3[%swap3A, %swap3A_8] : memref<256x256xf32, #tpu.memory_space<vmem>>, vector<256x256xf32>
    tpu.vector_store %arg3[%swap3A, %swap3A_8], %max3A_7 {strides = array<i32>} : memref<256x256xf32, #tpu.memory_space<vmem>>, vector<256x256xf32>,
    return
  }
  func.func @transform_0(%arg0: i32) -> (i32, i32) {
    %c0_i32 = arith.constant 0 : i32
    %c0_i32_0 = arith.constant 0 : i32
    return %arg0, %c0_i32 : i32, i32
  }
  func.func @transform_1(%arg0: i32) -> (i32, i32) {
    %c0_i32 = arith.constant 0 : i32
    %c0_i32_0 = arith.constant 0 : i32
    return %arg0, %c0_i32 : i32, i32
  }
  func.func @transform_2(%arg0: i32) -> (i32, i32) {
    %c0_i32 = arith.constant 0 : i32
    %c0_i32_0 = arith.constant 0 : i32
    return %arg0, %c0_i32 : i32, i32
  }
}

module attributes {stable_mosaic.version = 14 : i64} {
  func.func @body(%arg0: i32, %arg1: i32, %arg2: memref<256x1024xf32, #tpu.memory_space<vmem>>, %arg3: memref<1024x128xf32, #tpu.memory_space<vmem>>, %arg4: memref<256x128xf32, #tpu.memory_space<vmem>>) attributes {dimension_semantics = [#tpu.dimension_semantics<arbitrary>, #tpu.dimension_semantics<arbitrary>], iteration_bounds = array<i64: 200, 1>, scalar_prefetch = 0 : i64, scratch_operands = 0 : i64, tpu.core_type = #tpu.core_type<tc>, window_params = [{transform_indices = @transform_0, window_bounds = array<i64: 256, 1024>}, {transform_indices = @transform_1, window_bounds = array<i64: 1024, 128>}, {transform_indices = @transform_2, window_bounds = array<i64: 256, 128>}]} {
    %get3A = arith.constant 0 : index
    %get3A_0 = arith.constant 0 : index
    %get3A_1 = vector.load %arg2[%get3A, %get3A_0] : memref<256x1024xf32, #tpu.memory_space<vmem>>, vector<256x1024xf32>
    %get3A_2 = arith.constant 0 : index
    %get3A_3 = arith.constant 0 : index
    %get3A_4 = vector.load %arg3[%get3A_2, %get3A_3] : memref<1024x128xf32, #tpu.memory_space<vmem>>, vector<1024x128xf32>
    %dot_general3A = arith.constant dense<0.000000e+00> : vector<256x128xf32>
    %dot_general3A_5 = tpu.matmul %get3A_1, %get3A_4, %dot_general3A {dimension_numbers = #tpu.dot_dimension_numbers<[1], [0], [0], [1], [0, 0, 1, 1], [], []>, transpose_lhs_hint = false} : vector<256x1024xf32>, vector<1024x128xf32>, vector<256x128xf32> -> vector<256x128xf32>
    %swap3A = arith.constant 0 : index
    %swap3A_6 = arith.constant 0 : index
    %swap3A_7 = vector.load %arg4[%swap3A, %swap3A_6] : memref<256x128xf32, #tpu.memory_space<vmem>>, vector<256x128xf32>
    tpu.vector_store %arg4[%swap3A, %swap3A_6], %dot_general3A_5 {strides = array<i32>} : memref<256x128xf32, #tpu.memory_space<vmem>>, vector<256x128xf32>,
    return
  }
  func.func @transform_0(%arg0: i32, %arg1: i32) -> (i32, i32) {
    %c0_i32 = arith.constant 0 : i32
    %c0_i32_0 = arith.constant 0 : i32
    return %arg0, %c0_i32 : i32, i32
  }
  func.func @transform_1(%arg0: i32, %arg1: i32) -> (i32, i32) {
    %c0_i32 = arith.constant 0 : i32
    %c0_i32_0 = arith.constant 0 : i32
    return %c0_i32, %arg1 : i32, i32
  }
  func.func @transform_2(%arg0: i32, %arg1: i32) -> (i32, i32) {
    %c0_i32 = arith.constant 0 : i32
    return %arg0, %arg1 : i32, i32
  }
}

module attributes {stable_mosaic.version = 14 : i64} {
  func.func @body(%arg0: i32, %arg1: memref<256x128xf32, #tpu.memory_space<vmem>>, %arg2: memref<256x128xf32, #tpu.memory_space<vmem>>, %arg3: memref<256x128xf32, #tpu.memory_space<vmem>>) attributes {dimension_semantics = [#tpu.dimension_semantics<arbitrary>], iteration_bounds = array<i64: 200>, scalar_prefetch = 0 : i64, scratch_operands = 0 : i64, tpu.core_type = #tpu.core_type<tc>, window_params = [{transform_indices = @transform_0, window_bounds = array<i64: 256, 128>}, {transform_indices = @transform_1, window_bounds = array<i64: 256, 128>}, {transform_indices = @transform_2, window_bounds = array<i64: 256, 128>}]} {
    %get3A = arith.constant 0 : index
    %get3A_0 = arith.constant 0 : index
    %get3A_1 = vector.load %arg1[%get3A, %get3A_0] : memref<256x128xf32, #tpu.memory_space<vmem>>, vector<256x128xf32>
    %get3A_2 = arith.constant 0 : index
    %get3A_3 = arith.constant 0 : index
    %get3A_4 = vector.load %arg2[%get3A_2, %get3A_3] : memref<256x128xf32, #tpu.memory_space<vmem>>, vector<256x128xf32>
    %add3A = arith.addf %get3A_1, %get3A_4 : vector<256x128xf32>
    %ge3A = arith.constant 0.000000e+00 : f32
    %ge3A_5 = vector.broadcast %ge3A : f32 to vector<256x128xf32>
    %ge3A_6 = arith.cmpf oge, %add3A, %ge3A_5 : vector<256x128xf32>
    %mul3A = arith.constant 2.000000e-01 : f32
    %mul3A_7 = vector.broadcast %mul3A : f32 to vector<256x128xf32>
    %mul3A_8 = arith.mulf %mul3A_7, %add3A : vector<256x128xf32>
    %select_n3A = arith.select %ge3A_6, %add3A, %mul3A_8 : vector<256x128xi1>, vector<256x128xf32>
    %exp3A = math.exp %select_n3A : vector<256x128xf32>
    %swap3A = arith.constant 0 : index
    %swap3A_9 = arith.constant 0 : index
    %swap3A_10 = vector.load %arg3[%swap3A, %swap3A_9] : memref<256x128xf32, #tpu.memory_space<vmem>>, vector<256x128xf32>
    tpu.vector_store %arg3[%swap3A, %swap3A_9], %exp3A {strides = array<i32>} : memref<256x128xf32, #tpu.memory_space<vmem>>, vector<256x128xf32>,
    return
  }
  func.func @transform_0(%arg0: i32) -> (i32, i32) {
    %c0_i32 = arith.constant 0 : i32
    %c0_i32_0 = arith.constant 0 : i32
    return %arg0, %c0_i32 : i32, i32
  }
  func.func @transform_1(%arg0: i32) -> (i32, i32) {
    %c0_i32 = arith.constant 0 : i32
    %c0_i32_0 = arith.constant 0 : i32
    return %arg0, %c0_i32 : i32, i32
  }
  func.func @transform_2(%arg0: i32) -> (i32, i32) {
    %c0_i32 = arith.constant 0 : i32
    %c0_i32_0 = arith.constant 0 : i32
    return %arg0, %c0_i32 : i32, i32
  }
}

module attributes {stable_mosaic.version = 14 : i64} {
  func.func @body(%arg0: i32, %arg1: memref<1x1x320xi32, #tpu.memory_space<smem>>, %arg2: memref<320x128xf32, #tpu.memory_space<vmem>>, %arg3: memref<3200x128xf32, #tpu.memory_space<vmem>>) attributes {dimension_semantics = [#tpu.dimension_semantics<arbitrary>], iteration_bounds = array<i64: 160>, scalar_prefetch = 0 : i64, scratch_operands = 0 : i64, tpu.core_type = #tpu.core_type<tc>, window_params = [{transform_indices = @transform_0, window_bounds = array<i64: 1, 1, 320>}, {transform_indices = @transform_1, window_bounds = array<i64: 320, 128>}, {pipeline_mode = #tpu.pipeline_mode<synchronous>, transform_indices = @transform_2, window_bounds = array<i64: 3200, 128>}]} {
    %eq3A = arith.constant 0 : i32
    %eq3A_0 = arith.cmpi eq, %arg0, %eq3A : i32
    %convert_element_type3A = arith.extui %eq3A_0 : i1 to i32
    %cond3A = arith.constant 0 : i32
    %cond3A_1 = arith.cmpi ne, %convert_element_type3A, %cond3A : i32
    scf.if %cond3A_1 {
      %broadcast_in_dim3A = arith.constant 0.000000e+00 : f32
      %broadcast_in_dim3A_12 = vector.broadcast %broadcast_in_dim3A : f32 to vector<3200x128xf32>
      %swap3A = arith.constant 0 : index
      %swap3A_13 = arith.constant 0 : index
      %swap3A_14 = vector.load %arg3[%swap3A, %swap3A_13] : memref<3200x128xf32, #tpu.memory_space<vmem>>, vector<3200x128xf32>
      tpu.vector_store %arg3[%swap3A, %swap3A_13], %broadcast_in_dim3A_12 {strides = array<i32>} : memref<3200x128xf32, #tpu.memory_space<vmem>>, vector<3200x128xf32>,
    } else {
    }
    %while3A = arith.constant 0 : i32
    %while3A_2 = arith.constant 0 : i32
    %while3A_3 = arith.constant 320 : i32
    %while3A_4 = arith.subi %while3A_3, %while3A_2 : i32
    %while3A_5 = arith.addi %while3A_2, %while3A_4 : i32
    %while3A_6 = arith.constant 1 : i32
    %while3A_7 = arith.divsi %while3A_4, %while3A_6 : i32
    %while3A_8 = arith.muli %while3A_7, %while3A_6 : i32
    %while3A_9 = arith.addi %while3A_2, %while3A_8 : i32
    %while3A_10 = arith.constant 1 : i32
    scf.for %while3A_12 = %while3A_2 to %while3A_9 step %while3A_10  : i32 {
      %get3A = arith.constant 0 : index
      %get3A_13 = arith.constant 0 : index
      %get3A_14 = arith.index_cast %while3A_12 : i32 to index
      %get3A_15 = memref.load %arg1[%get3A, %get3A_13, %get3A_14] : memref<1x1x320xi32, #tpu.memory_space<smem>>
      %get3A_16 = arith.index_cast %get3A_15 : i32 to index
      %get3A_17 = arith.constant 0 : index
      %get3A_18 = vector.load %arg3[%get3A_16, %get3A_17] : memref<3200x128xf32, #tpu.memory_space<vmem>>, vector<1x128xf32>
      %get3A_19 = arith.index_cast %while3A_12 : i32 to index
      %get3A_20 = arith.constant 0 : index
      %get3A_21 = vector.load %arg2[%get3A_19, %get3A_20] : memref<320x128xf32, #tpu.memory_space<vmem>>, vector<1x128xf32>
      %add3A = arith.addf %get3A_18, %get3A_21 : vector<1x128xf32>
      %swap3A = arith.index_cast %get3A_15 : i32 to index
      %swap3A_22 = arith.constant 0 : index
      %swap3A_23 = vector.load %arg3[%swap3A, %swap3A_22] : memref<3200x128xf32, #tpu.memory_space<vmem>>, vector<1x128xf32>
      tpu.vector_store %arg3[%swap3A, %swap3A_22], %add3A {strides = array<i32>} : memref<3200x128xf32, #tpu.memory_space<vmem>>, vector<1x128xf32>,
    }
    %while3A_11 = arith.constant 1 : i32
    scf.for %while3A_12 = %while3A_9 to %while3A_5 step %while3A_11  : i32 {
      %get3A = arith.constant 0 : index
      %get3A_13 = arith.constant 0 : index
      %get3A_14 = arith.index_cast %while3A_12 : i32 to index
      %get3A_15 = memref.load %arg1[%get3A, %get3A_13, %get3A_14] : memref<1x1x320xi32, #tpu.memory_space<smem>>
      %get3A_16 = arith.index_cast %get3A_15 : i32 to index
      %get3A_17 = arith.constant 0 : index
      %get3A_18 = vector.load %arg3[%get3A_16, %get3A_17] : memref<3200x128xf32, #tpu.memory_space<vmem>>, vector<1x128xf32>
      %get3A_19 = arith.index_cast %while3A_12 : i32 to index
      %get3A_20 = arith.constant 0 : index
      %get3A_21 = vector.load %arg2[%get3A_19, %get3A_20] : memref<320x128xf32, #tpu.memory_space<vmem>>, vector<1x128xf32>
      %add3A = arith.addf %get3A_18, %get3A_21 : vector<1x128xf32>
      %swap3A = arith.index_cast %get3A_15 : i32 to index
      %swap3A_22 = arith.constant 0 : index
      %swap3A_23 = vector.load %arg3[%swap3A, %swap3A_22] : memref<3200x128xf32, #tpu.memory_space<vmem>>, vector<1x128xf32>
      tpu.vector_store %arg3[%swap3A, %swap3A_22], %add3A {strides = array<i32>} : memref<3200x128xf32, #tpu.memory_space<vmem>>, vector<1x128xf32>,
    }
    return
  }
  func.func @transform_0(%arg0: i32) -> (i32, i32, i32) {
    %c0_i32 = arith.constant 0 : i32
    %c0_i32_0 = arith.constant 0 : i32
    %c0_i32_1 = arith.constant 0 : i32
    return %arg0, %c0_i32, %c0_i32_0 : i32, i32, i32
  }
  func.func @transform_1(%arg0: i32) -> (i32, i32) {
    %c0_i32 = arith.constant 0 : i32
    %c0_i32_0 = arith.constant 0 : i32
    return %arg0, %c0_i32 : i32, i32
  }
  func.func @transform_2(%arg0: i32) -> (i32, i32) {
    %c0_i32 = arith.constant 0 : i32
    %c0_i32_0 = arith.constant 0 : i32
    %c0_i32_1 = arith.constant 0 : i32
    return %c0_i32, %c0_i32_0 : i32, i32
  }
}

module attributes {stable_mosaic.version = 14 : i64} {
  func.func @body(%arg0: i32, %arg1: memref<256x128xf32, #tpu.memory_space<vmem>>, %arg2: memref<256x128xf32, #tpu.memory_space<vmem>>) attributes {dimension_semantics = [#tpu.dimension_semantics<arbitrary>], iteration_bounds = array<i64: 13>, scalar_prefetch = 0 : i64, scratch_operands = 0 : i64, tpu.core_type = #tpu.core_type<tc>, window_params = [{transform_indices = @transform_0, window_bounds = array<i64: 256, 128>}, {transform_indices = @transform_1, window_bounds = array<i64: 256, 128>}]} {
    %get3A = arith.constant 0 : index
    %get3A_0 = arith.constant 0 : index
    %get3A_1 = vector.load %arg1[%get3A, %get3A_0] : memref<256x128xf32, #tpu.memory_space<vmem>>, vector<256x128xf32>
    %add3A = arith.constant 9.99999971E-10 : f32
    %add3A_2 = vector.broadcast %add3A : f32 to vector<256x128xf32>
    %add3A_3 = arith.addf %get3A_1, %add3A_2 : vector<256x128xf32>
    %div3A = arith.constant 1.000000e+00 : f32
    %div3A_4 = vector.broadcast %div3A : f32 to vector<256x128xf32>
    %div3A_5 = arith.divf %div3A_4, %add3A_3 : vector<256x128xf32>
    %swap3A = arith.constant 0 : index
    %swap3A_6 = arith.constant 0 : index
    %swap3A_7 = vector.load %arg2[%swap3A, %swap3A_6] : memref<256x128xf32, #tpu.memory_space<vmem>>, vector<256x128xf32>
    tpu.vector_store %arg2[%swap3A, %swap3A_6], %div3A_5 {strides = array<i32>} : memref<256x128xf32, #tpu.memory_space<vmem>>, vector<256x128xf32>,
    return
  }
  func.func @transform_0(%arg0: i32) -> (i32, i32) {
    %c0_i32 = arith.constant 0 : i32
    %c0_i32_0 = arith.constant 0 : i32
    return %arg0, %c0_i32 : i32, i32
  }
  func.func @transform_1(%arg0: i32) -> (i32, i32) {
    %c0_i32 = arith.constant 0 : i32
    %c0_i32_0 = arith.constant 0 : i32
    return %arg0, %c0_i32 : i32, i32
  }
}

module attributes {stable_mosaic.version = 14 : i64} {
  func.func @body(%arg0: i32, %arg1: memref<256x256xf32, #tpu.memory_space<vmem>>, %arg2: memref<256x1xf32, #tpu.memory_space<vmem>>, %arg3: memref<256x256xf32, #tpu.memory_space<vmem>>) attributes {dimension_semantics = [#tpu.dimension_semantics<arbitrary>], iteration_bounds = array<i64: 800>, scalar_prefetch = 0 : i64, scratch_operands = 0 : i64, tpu.core_type = #tpu.core_type<tc>, window_params = [{transform_indices = @transform_0, window_bounds = array<i64: 256, 256>}, {transform_indices = @transform_1, window_bounds = array<i64: 256, 1>}, {transform_indices = @transform_2, window_bounds = array<i64: 256, 256>}]} {
    %get3A = arith.constant 0 : index
    %get3A_0 = arith.constant 0 : index
    %get3A_1 = vector.load %arg1[%get3A, %get3A_0] : memref<256x256xf32, #tpu.memory_space<vmem>>, vector<256x256xf32>
    %get3A_2 = arith.constant 0 : index
    %get3A_3 = arith.constant 0 : index
    %get3A_4 = vector.load %arg2[%get3A_2, %get3A_3] : memref<256x1xf32, #tpu.memory_space<vmem>>, vector<256x1xf32>
    %mul3A = vector.broadcast %get3A_4 : vector<256x1xf32> to vector<256x256xf32>
    %mul3A_5 = arith.mulf %get3A_1, %mul3A : vector<256x256xf32>
    %swap3A = arith.constant 0 : index
    %swap3A_6 = arith.constant 0 : index
    %swap3A_7 = vector.load %arg3[%swap3A, %swap3A_6] : memref<256x256xf32, #tpu.memory_space<vmem>>, vector<256x256xf32>
    tpu.vector_store %arg3[%swap3A, %swap3A_6], %mul3A_5 {strides = array<i32>} : memref<256x256xf32, #tpu.memory_space<vmem>>, vector<256x256xf32>,
    return
  }
  func.func @transform_0(%arg0: i32) -> (i32, i32) {
    %c0_i32 = arith.constant 0 : i32
    %c0_i32_0 = arith.constant 0 : i32
    return %arg0, %c0_i32 : i32, i32
  }
  func.func @transform_1(%arg0: i32) -> (i32, i32) {
    %c0_i32 = arith.constant 0 : i32
    %c0_i32_0 = arith.constant 0 : i32
    return %arg0, %c0_i32 : i32, i32
  }
  func.func @transform_2(%arg0: i32) -> (i32, i32) {
    %c0_i32 = arith.constant 0 : i32
    %c0_i32_0 = arith.constant 0 : i32
    return %arg0, %c0_i32 : i32, i32
  }
}

module attributes {stable_mosaic.version = 14 : i64} {
  func.func @body(%arg0: i32, %arg1: memref<1x1x320xi32, #tpu.memory_space<smem>>, %arg2: memref<320x256xf32, #tpu.memory_space<vmem>>, %arg3: memref<3200x256xf32, #tpu.memory_space<vmem>>) attributes {dimension_semantics = [#tpu.dimension_semantics<arbitrary>], iteration_bounds = array<i64: 160>, scalar_prefetch = 0 : i64, scratch_operands = 0 : i64, tpu.core_type = #tpu.core_type<tc>, window_params = [{transform_indices = @transform_0, window_bounds = array<i64: 1, 1, 320>}, {transform_indices = @transform_1, window_bounds = array<i64: 320, 256>}, {pipeline_mode = #tpu.pipeline_mode<synchronous>, transform_indices = @transform_2, window_bounds = array<i64: 3200, 256>}]} {
    %eq3A = arith.constant 0 : i32
    %eq3A_0 = arith.cmpi eq, %arg0, %eq3A : i32
    %convert_element_type3A = arith.extui %eq3A_0 : i1 to i32
    %cond3A = arith.constant 0 : i32
    %cond3A_1 = arith.cmpi ne, %convert_element_type3A, %cond3A : i32
    scf.if %cond3A_1 {
      %broadcast_in_dim3A = arith.constant 0.000000e+00 : f32
      %broadcast_in_dim3A_12 = vector.broadcast %broadcast_in_dim3A : f32 to vector<3200x256xf32>
      %swap3A = arith.constant 0 : index
      %swap3A_13 = arith.constant 0 : index
      %swap3A_14 = vector.load %arg3[%swap3A, %swap3A_13] : memref<3200x256xf32, #tpu.memory_space<vmem>>, vector<3200x256xf32>
      tpu.vector_store %arg3[%swap3A, %swap3A_13], %broadcast_in_dim3A_12 {strides = array<i32>} : memref<3200x256xf32, #tpu.memory_space<vmem>>, vector<3200x256xf32>,
    } else {
    }
    %while3A = arith.constant 0 : i32
    %while3A_2 = arith.constant 0 : i32
    %while3A_3 = arith.constant 320 : i32
    %while3A_4 = arith.subi %while3A_3, %while3A_2 : i32
    %while3A_5 = arith.addi %while3A_2, %while3A_4 : i32
    %while3A_6 = arith.constant 1 : i32
    %while3A_7 = arith.divsi %while3A_4, %while3A_6 : i32
    %while3A_8 = arith.muli %while3A_7, %while3A_6 : i32
    %while3A_9 = arith.addi %while3A_2, %while3A_8 : i32
    %while3A_10 = arith.constant 1 : i32
    scf.for %while3A_12 = %while3A_2 to %while3A_9 step %while3A_10  : i32 {
      %get3A = arith.constant 0 : index
      %get3A_13 = arith.constant 0 : index
      %get3A_14 = arith.index_cast %while3A_12 : i32 to index
      %get3A_15 = memref.load %arg1[%get3A, %get3A_13, %get3A_14] : memref<1x1x320xi32, #tpu.memory_space<smem>>
      %get3A_16 = arith.index_cast %get3A_15 : i32 to index
      %get3A_17 = arith.constant 0 : index
      %get3A_18 = vector.load %arg3[%get3A_16, %get3A_17] : memref<3200x256xf32, #tpu.memory_space<vmem>>, vector<1x256xf32>
      %get3A_19 = arith.index_cast %while3A_12 : i32 to index
      %get3A_20 = arith.constant 0 : index
      %get3A_21 = vector.load %arg2[%get3A_19, %get3A_20] : memref<320x256xf32, #tpu.memory_space<vmem>>, vector<1x256xf32>
      %add3A = arith.addf %get3A_18, %get3A_21 : vector<1x256xf32>
      %swap3A = arith.index_cast %get3A_15 : i32 to index
      %swap3A_22 = arith.constant 0 : index
      %swap3A_23 = vector.load %arg3[%swap3A, %swap3A_22] : memref<3200x256xf32, #tpu.memory_space<vmem>>, vector<1x256xf32>
      tpu.vector_store %arg3[%swap3A, %swap3A_22], %add3A {strides = array<i32>} : memref<3200x256xf32, #tpu.memory_space<vmem>>, vector<1x256xf32>,
    }
    %while3A_11 = arith.constant 1 : i32
    scf.for %while3A_12 = %while3A_9 to %while3A_5 step %while3A_11  : i32 {
      %get3A = arith.constant 0 : index
      %get3A_13 = arith.constant 0 : index
      %get3A_14 = arith.index_cast %while3A_12 : i32 to index
      %get3A_15 = memref.load %arg1[%get3A, %get3A_13, %get3A_14] : memref<1x1x320xi32, #tpu.memory_space<smem>>
      %get3A_16 = arith.index_cast %get3A_15 : i32 to index
      %get3A_17 = arith.constant 0 : index
      %get3A_18 = vector.load %arg3[%get3A_16, %get3A_17] : memref<3200x256xf32, #tpu.memory_space<vmem>>, vector<1x256xf32>
      %get3A_19 = arith.index_cast %while3A_12 : i32 to index
      %get3A_20 = arith.constant 0 : index
      %get3A_21 = vector.load %arg2[%get3A_19, %get3A_20] : memref<320x256xf32, #tpu.memory_space<vmem>>, vector<1x256xf32>
      %add3A = arith.addf %get3A_18, %get3A_21 : vector<1x256xf32>
      %swap3A = arith.index_cast %get3A_15 : i32 to index
      %swap3A_22 = arith.constant 0 : index
      %swap3A_23 = vector.load %arg3[%swap3A, %swap3A_22] : memref<3200x256xf32, #tpu.memory_space<vmem>>, vector<1x256xf32>
      tpu.vector_store %arg3[%swap3A, %swap3A_22], %add3A {strides = array<i32>} : memref<3200x256xf32, #tpu.memory_space<vmem>>, vector<1x256xf32>,
    }
    return
  }
  func.func @transform_0(%arg0: i32) -> (i32, i32, i32) {
    %c0_i32 = arith.constant 0 : i32
    %c0_i32_0 = arith.constant 0 : i32
    %c0_i32_1 = arith.constant 0 : i32
    return %arg0, %c0_i32, %c0_i32_0 : i32, i32, i32
  }
  func.func @transform_1(%arg0: i32) -> (i32, i32) {
    %c0_i32 = arith.constant 0 : i32
    %c0_i32_0 = arith.constant 0 : i32
    return %arg0, %c0_i32 : i32, i32
  }
  func.func @transform_2(%arg0: i32) -> (i32, i32) {
    %c0_i32 = arith.constant 0 : i32
    %c0_i32_0 = arith.constant 0 : i32
    %c0_i32_1 = arith.constant 0 : i32
    return %c0_i32, %c0_i32_0 : i32, i32
  }
}

module attributes {stable_mosaic.version = 14 : i64} {
  func.func @body(%arg0: i32, %arg1: memref<256x256xf32, #tpu.memory_space<vmem>>, %arg2: memref<256x1xf32, #tpu.memory_space<vmem>>, %arg3: memref<256x256xf32, #tpu.memory_space<vmem>>) attributes {dimension_semantics = [#tpu.dimension_semantics<arbitrary>], iteration_bounds = array<i64: 50>, scalar_prefetch = 0 : i64, scratch_operands = 0 : i64, tpu.core_type = #tpu.core_type<tc>, window_params = [{transform_indices = @transform_0, window_bounds = array<i64: 256, 256>}, {transform_indices = @transform_1, window_bounds = array<i64: 256, 1>}, {transform_indices = @transform_2, window_bounds = array<i64: 256, 256>}]} {
    %get3A = arith.constant 0 : index
    %get3A_0 = arith.constant 0 : index
    %get3A_1 = vector.load %arg1[%get3A, %get3A_0] : memref<256x256xf32, #tpu.memory_space<vmem>>, vector<256x256xf32>
    %get3A_2 = arith.constant 0 : index
    %get3A_3 = arith.constant 0 : index
    %get3A_4 = vector.load %arg2[%get3A_2, %get3A_3] : memref<256x1xf32, #tpu.memory_space<vmem>>, vector<256x1xf32>
    %mul3A = vector.broadcast %get3A_4 : vector<256x1xf32> to vector<256x256xf32>
    %mul3A_5 = arith.mulf %get3A_1, %mul3A : vector<256x256xf32>
    %gt3A = arith.constant 0.000000e+00 : f32
    %gt3A_6 = vector.broadcast %gt3A : f32 to vector<256x256xf32>
    %gt3A_7 = arith.cmpf ogt, %mul3A_5, %gt3A_6 : vector<256x256xf32>
    %exp3A = math.exp %mul3A_5 : vector<256x256xf32>
    %sub3A = arith.constant 1.000000e+00 : f32
    %sub3A_8 = vector.broadcast %sub3A : f32 to vector<256x256xf32>
    %sub3A_9 = arith.subf %exp3A, %sub3A_8 : vector<256x256xf32>
    %select_n3A = arith.select %gt3A_7, %mul3A_5, %sub3A_9 : vector<256x256xi1>, vector<256x256xf32>
    %swap3A = arith.constant 0 : index
    %swap3A_10 = arith.constant 0 : index
    %swap3A_11 = vector.load %arg3[%swap3A, %swap3A_10] : memref<256x256xf32, #tpu.memory_space<vmem>>, vector<256x256xf32>
    tpu.vector_store %arg3[%swap3A, %swap3A_10], %select_n3A {strides = array<i32>} : memref<256x256xf32, #tpu.memory_space<vmem>>, vector<256x256xf32>,
    return
  }
  func.func @transform_0(%arg0: i32) -> (i32, i32) {
    %c0_i32 = arith.constant 0 : i32
    %c0_i32_0 = arith.constant 0 : i32
    return %arg0, %c0_i32 : i32, i32
  }
  func.func @transform_1(%arg0: i32) -> (i32, i32) {
    %c0_i32 = arith.constant 0 : i32
    %c0_i32_0 = arith.constant 0 : i32
    return %arg0, %c0_i32 : i32, i32
  }
  func.func @transform_2(%arg0: i32) -> (i32, i32) {
    %c0_i32 = arith.constant 0 : i32
    %c0_i32_0 = arith.constant 0 : i32
    return %arg0, %c0_i32 : i32, i32
  }
}

module attributes {stable_mosaic.version = 14 : i64} {
  func.func @body(%arg0: i32, %arg1: i32, %arg2: memref<256x1024xf32, #tpu.memory_space<vmem>>, %arg3: memref<1024x256xf32, #tpu.memory_space<vmem>>, %arg4: memref<256x256xf32, #tpu.memory_space<vmem>>) attributes {dimension_semantics = [#tpu.dimension_semantics<arbitrary>, #tpu.dimension_semantics<arbitrary>], iteration_bounds = array<i64: 13, 1>, scalar_prefetch = 0 : i64, scratch_operands = 0 : i64, tpu.core_type = #tpu.core_type<tc>, window_params = [{transform_indices = @transform_0, window_bounds = array<i64: 256, 1024>}, {transform_indices = @transform_1, window_bounds = array<i64: 1024, 256>}, {transform_indices = @transform_2, window_bounds = array<i64: 256, 256>}]} {
    %get3A = arith.constant 0 : index
    %get3A_0 = arith.constant 0 : index
    %get3A_1 = vector.load %arg2[%get3A, %get3A_0] : memref<256x1024xf32, #tpu.memory_space<vmem>>, vector<256x1024xf32>
    %get3A_2 = arith.constant 0 : index
    %get3A_3 = arith.constant 0 : index
    %get3A_4 = vector.load %arg3[%get3A_2, %get3A_3] : memref<1024x256xf32, #tpu.memory_space<vmem>>, vector<1024x256xf32>
    %dot_general3A = arith.constant dense<0.000000e+00> : vector<256x256xf32>
    %dot_general3A_5 = tpu.matmul %get3A_1, %get3A_4, %dot_general3A {dimension_numbers = #tpu.dot_dimension_numbers<[1], [0], [0], [1], [0, 0, 1, 1], [], []>, transpose_lhs_hint = false} : vector<256x1024xf32>, vector<1024x256xf32>, vector<256x256xf32> -> vector<256x256xf32>
    %swap3A = arith.constant 0 : index
    %swap3A_6 = arith.constant 0 : index
    %swap3A_7 = vector.load %arg4[%swap3A, %swap3A_6] : memref<256x256xf32, #tpu.memory_space<vmem>>, vector<256x256xf32>
    tpu.vector_store %arg4[%swap3A, %swap3A_6], %dot_general3A_5 {strides = array<i32>} : memref<256x256xf32, #tpu.memory_space<vmem>>, vector<256x256xf32>,
    return
  }
  func.func @transform_0(%arg0: i32, %arg1: i32) -> (i32, i32) {
    %c0_i32 = arith.constant 0 : i32
    %c0_i32_0 = arith.constant 0 : i32
    return %arg0, %c0_i32 : i32, i32
  }
  func.func @transform_1(%arg0: i32, %arg1: i32) -> (i32, i32) {
    %c0_i32 = arith.constant 0 : i32
    %c0_i32_0 = arith.constant 0 : i32
    return %c0_i32, %arg1 : i32, i32
  }
  func.func @transform_2(%arg0: i32, %arg1: i32) -> (i32, i32) {
    %c0_i32 = arith.constant 0 : i32
    return %arg0, %arg1 : i32, i32
  }
}

module attributes {stable_mosaic.version = 14 : i64} {
  func.func @body(%arg0: i32, %arg1: i32, %arg2: memref<256x256xf32, #tpu.memory_space<vmem>>, %arg3: memref<256x128xf32, #tpu.memory_space<vmem>>, %arg4: memref<256x128xf32, #tpu.memory_space<vmem>>) attributes {dimension_semantics = [#tpu.dimension_semantics<arbitrary>, #tpu.dimension_semantics<arbitrary>], iteration_bounds = array<i64: 13, 1>, scalar_prefetch = 0 : i64, scratch_operands = 0 : i64, tpu.core_type = #tpu.core_type<tc>, window_params = [{transform_indices = @transform_0, window_bounds = array<i64: 256, 256>}, {transform_indices = @transform_1, window_bounds = array<i64: 256, 128>}, {transform_indices = @transform_2, window_bounds = array<i64: 256, 128>}]} {
    %get3A = arith.constant 0 : index
    %get3A_0 = arith.constant 0 : index
    %get3A_1 = vector.load %arg2[%get3A, %get3A_0] : memref<256x256xf32, #tpu.memory_space<vmem>>, vector<256x256xf32>
    %get3A_2 = arith.constant 0 : index
    %get3A_3 = arith.constant 0 : index
    %get3A_4 = vector.load %arg3[%get3A_2, %get3A_3] : memref<256x128xf32, #tpu.memory_space<vmem>>, vector<256x128xf32>
    %dot_general3A = arith.constant dense<0.000000e+00> : vector<256x128xf32>
    %dot_general3A_5 = tpu.matmul %get3A_1, %get3A_4, %dot_general3A {dimension_numbers = #tpu.dot_dimension_numbers<[1], [0], [0], [1], [0, 0, 1, 1], [], []>, transpose_lhs_hint = false} : vector<256x256xf32>, vector<256x128xf32>, vector<256x128xf32> -> vector<256x128xf32>
    %swap3A = arith.constant 0 : index
    %swap3A_6 = arith.constant 0 : index
    %swap3A_7 = vector.load %arg4[%swap3A, %swap3A_6] : memref<256x128xf32, #tpu.memory_space<vmem>>, vector<256x128xf32>
    tpu.vector_store %arg4[%swap3A, %swap3A_6], %dot_general3A_5 {strides = array<i32>} : memref<256x128xf32, #tpu.memory_space<vmem>>, vector<256x128xf32>,
    return
  }
  func.func @transform_0(%arg0: i32, %arg1: i32) -> (i32, i32) {
    %c0_i32 = arith.constant 0 : i32
    %c0_i32_0 = arith.constant 0 : i32
    return %arg0, %c0_i32 : i32, i32
  }
  func.func @transform_1(%arg0: i32, %arg1: i32) -> (i32, i32) {
    %c0_i32 = arith.constant 0 : i32
    %c0_i32_0 = arith.constant 0 : i32
    return %c0_i32, %arg1 : i32, i32
  }
  func.func @transform_2(%arg0: i32, %arg1: i32) -> (i32, i32) {
    %c0_i32 = arith.constant 0 : i32
    return %arg0, %arg1 : i32, i32
  }
}

module attributes {stable_mosaic.version = 14 : i64} {
  func.func @body(%arg0: i32, %arg1: i32, %arg2: memref<256x256xf32, #tpu.memory_space<vmem>>, %arg3: memref<256x128xf32, #tpu.memory_space<vmem>>, %arg4: memref<256x128xf32, #tpu.memory_space<vmem>>) attributes {dimension_semantics = [#tpu.dimension_semantics<arbitrary>, #tpu.dimension_semantics<arbitrary>], iteration_bounds = array<i64: 200, 1>, scalar_prefetch = 0 : i64, scratch_operands = 0 : i64, tpu.core_type = #tpu.core_type<tc>, window_params = [{transform_indices = @transform_0, window_bounds = array<i64: 256, 256>}, {transform_indices = @transform_1, window_bounds = array<i64: 256, 128>}, {transform_indices = @transform_2, window_bounds = array<i64: 256, 128>}]} {
    %get3A = arith.constant 0 : index
    %get3A_0 = arith.constant 0 : index
    %get3A_1 = vector.load %arg2[%get3A, %get3A_0] : memref<256x256xf32, #tpu.memory_space<vmem>>, vector<256x256xf32>
    %get3A_2 = arith.constant 0 : index
    %get3A_3 = arith.constant 0 : index
    %get3A_4 = vector.load %arg3[%get3A_2, %get3A_3] : memref<256x128xf32, #tpu.memory_space<vmem>>, vector<256x128xf32>
    %dot_general3A = arith.constant dense<0.000000e+00> : vector<256x128xf32>
    %dot_general3A_5 = tpu.matmul %get3A_1, %get3A_4, %dot_general3A {dimension_numbers = #tpu.dot_dimension_numbers<[1], [0], [0], [1], [0, 0, 1, 1], [], []>, transpose_lhs_hint = false} : vector<256x256xf32>, vector<256x128xf32>, vector<256x128xf32> -> vector<256x128xf32>
    %swap3A = arith.constant 0 : index
    %swap3A_6 = arith.constant 0 : index
    %swap3A_7 = vector.load %arg4[%swap3A, %swap3A_6] : memref<256x128xf32, #tpu.memory_space<vmem>>, vector<256x128xf32>
    tpu.vector_store %arg4[%swap3A, %swap3A_6], %dot_general3A_5 {strides = array<i32>} : memref<256x128xf32, #tpu.memory_space<vmem>>, vector<256x128xf32>,
    return
  }
  func.func @transform_0(%arg0: i32, %arg1: i32) -> (i32, i32) {
    %c0_i32 = arith.constant 0 : i32
    %c0_i32_0 = arith.constant 0 : i32
    return %arg0, %c0_i32 : i32, i32
  }
  func.func @transform_1(%arg0: i32, %arg1: i32) -> (i32, i32) {
    %c0_i32 = arith.constant 0 : i32
    %c0_i32_0 = arith.constant 0 : i32
    return %c0_i32, %arg1 : i32, i32
  }
  func.func @transform_2(%arg0: i32, %arg1: i32) -> (i32, i32) {
    %c0_i32 = arith.constant 0 : i32
    return %arg0, %arg1 : i32, i32
  }
}

module attributes {stable_mosaic.version = 14 : i64} {
  func.func @body(%arg0: i32, %arg1: memref<256x256xf32, #tpu.memory_space<vmem>>, %arg2: memref<256x1xf32, #tpu.memory_space<vmem>>, %arg3: memref<256x256xf32, #tpu.memory_space<vmem>>) attributes {dimension_semantics = [#tpu.dimension_semantics<arbitrary>], iteration_bounds = array<i64: 200>, scalar_prefetch = 0 : i64, scratch_operands = 0 : i64, tpu.core_type = #tpu.core_type<tc>, window_params = [{transform_indices = @transform_0, window_bounds = array<i64: 256, 256>}, {transform_indices = @transform_1, window_bounds = array<i64: 256, 1>}, {transform_indices = @transform_2, window_bounds = array<i64: 256, 256>}]} {
    %get3A = arith.constant 0 : index
    %get3A_0 = arith.constant 0 : index
    %get3A_1 = vector.load %arg1[%get3A, %get3A_0] : memref<256x256xf32, #tpu.memory_space<vmem>>, vector<256x256xf32>
    %get3A_2 = arith.constant 0 : index
    %get3A_3 = arith.constant 0 : index
    %get3A_4 = vector.load %arg2[%get3A_2, %get3A_3] : memref<256x1xf32, #tpu.memory_space<vmem>>, vector<256x1xf32>
    %mul3A = vector.broadcast %get3A_4 : vector<256x1xf32> to vector<256x256xf32>
    %mul3A_5 = arith.mulf %get3A_1, %mul3A : vector<256x256xf32>
    %swap3A = arith.constant 0 : index
    %swap3A_6 = arith.constant 0 : index
    %swap3A_7 = vector.load %arg3[%swap3A, %swap3A_6] : memref<256x256xf32, #tpu.memory_space<vmem>>, vector<256x256xf32>
    tpu.vector_store %arg3[%swap3A, %swap3A_6], %mul3A_5 {strides = array<i32>} : memref<256x256xf32, #tpu.memory_space<vmem>>, vector<256x256xf32>,
    return
  }
  func.func @transform_0(%arg0: i32) -> (i32, i32) {
    %c0_i32 = arith.constant 0 : i32
    %c0_i32_0 = arith.constant 0 : i32
    return %arg0, %c0_i32 : i32, i32
  }
  func.func @transform_1(%arg0: i32) -> (i32, i32) {
    %c0_i32 = arith.constant 0 : i32
    %c0_i32_0 = arith.constant 0 : i32
    return %arg0, %c0_i32 : i32, i32
  }
  func.func @transform_2(%arg0: i32) -> (i32, i32) {
    %c0_i32 = arith.constant 0 : i32
    %c0_i32_0 = arith.constant 0 : i32
    return %arg0, %c0_i32 : i32, i32
  }
}

module attributes {stable_mosaic.version = 14 : i64} {
  func.func @body(%arg0: i32, %arg1: memref<256x256xf32, #tpu.memory_space<vmem>>, %arg2: memref<256x1xf32, #tpu.memory_space<vmem>>, %arg3: memref<256x256xf32, #tpu.memory_space<vmem>>) attributes {dimension_semantics = [#tpu.dimension_semantics<arbitrary>], iteration_bounds = array<i64: 13>, scalar_prefetch = 0 : i64, scratch_operands = 0 : i64, tpu.core_type = #tpu.core_type<tc>, window_params = [{transform_indices = @transform_0, window_bounds = array<i64: 256, 256>}, {transform_indices = @transform_1, window_bounds = array<i64: 256, 1>}, {transform_indices = @transform_2, window_bounds = array<i64: 256, 256>}]} {
    %get3A = arith.constant 0 : index
    %get3A_0 = arith.constant 0 : index
    %get3A_1 = vector.load %arg1[%get3A, %get3A_0] : memref<256x256xf32, #tpu.memory_space<vmem>>, vector<256x256xf32>
    %get3A_2 = arith.constant 0 : index
    %get3A_3 = arith.constant 0 : index
    %get3A_4 = vector.load %arg2[%get3A_2, %get3A_3] : memref<256x1xf32, #tpu.memory_space<vmem>>, vector<256x1xf32>
    %mul3A = vector.broadcast %get3A_4 : vector<256x1xf32> to vector<256x256xf32>
    %mul3A_5 = arith.mulf %get3A_1, %mul3A : vector<256x256xf32>
    %swap3A = arith.constant 0 : index
    %swap3A_6 = arith.constant 0 : index
    %swap3A_7 = vector.load %arg3[%swap3A, %swap3A_6] : memref<256x256xf32, #tpu.memory_space<vmem>>, vector<256x256xf32>
    tpu.vector_store %arg3[%swap3A, %swap3A_6], %mul3A_5 {strides = array<i32>} : memref<256x256xf32, #tpu.memory_space<vmem>>, vector<256x256xf32>,
    return
  }
  func.func @transform_0(%arg0: i32) -> (i32, i32) {
    %c0_i32 = arith.constant 0 : i32
    %c0_i32_0 = arith.constant 0 : i32
    return %arg0, %c0_i32 : i32, i32
  }
  func.func @transform_1(%arg0: i32) -> (i32, i32) {
    %c0_i32 = arith.constant 0 : i32
    %c0_i32_0 = arith.constant 0 : i32
    return %arg0, %c0_i32 : i32, i32
  }
  func.func @transform_2(%arg0: i32) -> (i32, i32) {
    %c0_i32 = arith.constant 0 : i32
    %c0_i32_0 = arith.constant 0 : i32
    return %arg0, %c0_i32 : i32, i32
  }
}

module attributes {stable_mosaic.version = 14 : i64} {
  func.func @body(%arg0: i32, %arg1: i32, %arg2: memref<256x512xf32, #tpu.memory_space<vmem>>, %arg3: memref<512x256xf32, #tpu.memory_space<vmem>>, %arg4: memref<256x256xf32, #tpu.memory_space<vmem>>) attributes {dimension_semantics = [#tpu.dimension_semantics<arbitrary>, #tpu.dimension_semantics<arbitrary>], iteration_bounds = array<i64: 13, 2>, scalar_prefetch = 0 : i64, scratch_operands = 0 : i64, tpu.core_type = #tpu.core_type<tc>, window_params = [{transform_indices = @transform_0, window_bounds = array<i64: 256, 512>}, {transform_indices = @transform_1, window_bounds = array<i64: 512, 256>}, {transform_indices = @transform_2, window_bounds = array<i64: 256, 256>}]} {
    %get3A = arith.constant 0 : index
    %get3A_0 = arith.constant 0 : index
    %get3A_1 = vector.load %arg2[%get3A, %get3A_0] : memref<256x512xf32, #tpu.memory_space<vmem>>, vector<256x512xf32>
    %get3A_2 = arith.constant 0 : index
    %get3A_3 = arith.constant 0 : index
    %get3A_4 = vector.load %arg3[%get3A_2, %get3A_3] : memref<512x256xf32, #tpu.memory_space<vmem>>, vector<512x256xf32>
    %dot_general3A = arith.constant dense<0.000000e+00> : vector<256x256xf32>
    %dot_general3A_5 = tpu.matmul %get3A_1, %get3A_4, %dot_general3A {dimension_numbers = #tpu.dot_dimension_numbers<[1], [0], [0], [1], [0, 0, 1, 1], [], []>, transpose_lhs_hint = false} : vector<256x512xf32>, vector<512x256xf32>, vector<256x256xf32> -> vector<256x256xf32>
    %swap3A = arith.constant 0 : index
    %swap3A_6 = arith.constant 0 : index
    %swap3A_7 = vector.load %arg4[%swap3A, %swap3A_6] : memref<256x256xf32, #tpu.memory_space<vmem>>, vector<256x256xf32>
    tpu.vector_store %arg4[%swap3A, %swap3A_6], %dot_general3A_5 {strides = array<i32>} : memref<256x256xf32, #tpu.memory_space<vmem>>, vector<256x256xf32>,
    return
  }
  func.func @transform_0(%arg0: i32, %arg1: i32) -> (i32, i32) {
    %c0_i32 = arith.constant 0 : i32
    %c0_i32_0 = arith.constant 0 : i32
    return %arg0, %c0_i32 : i32, i32
  }
  func.func @transform_1(%arg0: i32, %arg1: i32) -> (i32, i32) {
    %c0_i32 = arith.constant 0 : i32
    %c0_i32_0 = arith.constant 0 : i32
    return %c0_i32, %arg1 : i32, i32
  }
  func.func @transform_2(%arg0: i32, %arg1: i32) -> (i32, i32) {
    %c0_i32 = arith.constant 0 : i32
    return %arg0, %arg1 : i32, i32
  }
}

module attributes {stable_mosaic.version = 14 : i64} {
  func.func @body(%arg0: memref<100x32x512xf32, #tpu.memory_space<vmem>>, %arg1: memref<128x512xf32, #tpu.memory_space<vmem>>, %arg2: memref<1x512xf32, #tpu.memory_space<vmem>>, %arg3: memref<32x128xf32, #tpu.memory_space<vmem>>) attributes {dimension_semantics = [], scalar_prefetch = 0 : i64, scratch_operands = 0 : i64, tpu.core_type = #tpu.core_type<tc>} {
    %broadcast_in_dim3A = arith.constant 0.000000e+00 : f32
    %broadcast_in_dim3A_0 = vector.broadcast %broadcast_in_dim3A : f32 to vector<32x128xf32>
    %broadcast_in_dim3A_1 = arith.constant 0.000000e+00 : f32
    %broadcast_in_dim3A_2 = vector.broadcast %broadcast_in_dim3A_1 : f32 to vector<32x128xf32>
    %while3A = arith.constant 0 : i32
    %while3A_3 = arith.constant 100 : i32
    %while3A_4 = arith.subi %while3A_3, %while3A : i32
    %while3A_5 = arith.addi %while3A, %while3A_4 : i32
    %while3A_6 = arith.constant 1 : i32
    %while3A_7 = arith.divsi %while3A_4, %while3A_6 : i32
    %while3A_8 = arith.muli %while3A_7, %while3A_6 : i32
    %while3A_9 = arith.addi %while3A, %while3A_8 : i32
    %while3A_10 = arith.constant 1 : i32
    %while3A_11:2 = scf.for %while3A_16 = %while3A to %while3A_9 step %while3A_10 iter_args(%while3A_17 = %broadcast_in_dim3A_0, %while3A_18 = %broadcast_in_dim3A_2) -> (vector<32x128xf32>, vector<32x128xf32>)  : i32 {
      %sub3A = arith.constant 99 : i32
      %sub3A_19 = arith.subi %sub3A, %while3A_16 : i32
      %get3A = arith.index_cast %sub3A_19 : i32 to index
      %get3A_20 = arith.constant 0 : index
      %get3A_21 = arith.constant 0 : index
      %get3A_22 = vector.load %arg0[%get3A, %get3A_20, %get3A_21] : memref<100x32x512xf32, #tpu.memory_space<vmem>>, vector<1x32x512xf32>
      %get3A_23 = vector.shape_cast %get3A_22 : vector<1x32x512xf32> to vector<32x512xf32>
      %get3A_24 = arith.constant 0 : index
      %get3A_25 = arith.constant 0 : index
      %get3A_26 = vector.load %arg1[%get3A_24, %get3A_25] : memref<128x512xf32, #tpu.memory_space<vmem>>, vector<128x512xf32>
      %dot_general3A = arith.constant dense<0.000000e+00> : vector<32x512xf32>
      %dot_general3A_27 = tpu.matmul %while3A_17, %get3A_26, %dot_general3A {dimension_numbers = #tpu.dot_dimension_numbers<[1], [0], [0], [1], [0, 0, 1, 1], [], []>, transpose_lhs_hint = false} : vector<32x128xf32>, vector<128x512xf32>, vector<32x512xf32> -> vector<32x512xf32>
      %add3A = arith.addf %get3A_23, %dot_general3A_27 : vector<32x512xf32>
      %get3A_28 = arith.constant 0 : index
      %get3A_29 = arith.constant 0 : index
      %get3A_30 = vector.load %arg2[%get3A_28, %get3A_29] : memref<1x512xf32, #tpu.memory_space<vmem>>, vector<1x512xf32>
      %add3A_31 = vector.broadcast %get3A_30 : vector<1x512xf32> to vector<32x512xf32>
      %add3A_32 = arith.addf %add3A, %add3A_31 : vector<32x512xf32>
      %slice3A = vector.extract_strided_slice %add3A_32 {offsets = [0, 0], sizes = [32, 128], strides = [1, 1]} : vector<32x512xf32> to vector<32x128xf32>
      %slice3A_33 = vector.extract_strided_slice %add3A_32 {offsets = [0, 128], sizes = [32, 128], strides = [1, 1]} : vector<32x512xf32> to vector<32x128xf32>
      %slice3A_34 = vector.extract_strided_slice %add3A_32 {offsets = [0, 256], sizes = [32, 128], strides = [1, 1]} : vector<32x512xf32> to vector<32x128xf32>
      %slice3A_35 = vector.extract_strided_slice %add3A_32 {offsets = [0, 384], sizes = [32, 128], strides = [1, 1]} : vector<32x512xf32> to vector<32x128xf32>
      %logistic3A = arith.negf %slice3A_33 : vector<32x128xf32>
      %logistic3A_36 = math.exp %logistic3A : vector<32x128xf32>
      %logistic3A_37 = arith.constant 1.000000e+00 : f32
      %logistic3A_38 = vector.broadcast %logistic3A_37 : f32 to vector<32x128xf32>
      %logistic3A_39 = arith.addf %logistic3A_38, %logistic3A_36 : vector<32x128xf32>
      %logistic3A_40 = arith.divf %logistic3A_38, %logistic3A_39 : vector<32x128xf32>
      %mul3A = arith.mulf %logistic3A_40, %while3A_18 : vector<32x128xf32>
      %logistic3A_41 = arith.negf %slice3A : vector<32x128xf32>
      %logistic3A_42 = math.exp %logistic3A_41 : vector<32x128xf32>
      %logistic3A_43 = arith.constant 1.000000e+00 : f32
      %logistic3A_44 = vector.broadcast %logistic3A_43 : f32 to vector<32x128xf32>
      %logistic3A_45 = arith.addf %logistic3A_44, %logistic3A_42 : vector<32x128xf32>
      %logistic3A_46 = arith.divf %logistic3A_44, %logistic3A_45 : vector<32x128xf32>
      %tanh3A = math.tanh %slice3A_34 : vector<32x128xf32>
      %mul3A_47 = arith.mulf %logistic3A_46, %tanh3A : vector<32x128xf32>
      %add3A_48 = arith.addf %mul3A, %mul3A_47 : vector<32x128xf32>
      %logistic3A_49 = arith.negf %slice3A_35 : vector<32x128xf32>
      %logistic3A_50 = math.exp %logistic3A_49 : vector<32x128xf32>
      %logistic3A_51 = arith.constant 1.000000e+00 : f32
      %logistic3A_52 = vector.broadcast %logistic3A_51 : f32 to vector<32x128xf32>
      %logistic3A_53 = arith.addf %logistic3A_52, %logistic3A_50 : vector<32x128xf32>
      %logistic3A_54 = arith.divf %logistic3A_52, %logistic3A_53 : vector<32x128xf32>
      %tanh3A_55 = math.tanh %add3A_48 : vector<32x128xf32>
      %mul3A_56 = arith.mulf %logistic3A_54, %tanh3A_55 : vector<32x128xf32>
      scf.yield %mul3A_56, %add3A_48 : vector<32x128xf32>, vector<32x128xf32>
    }
    %while3A_12 = arith.constant 1 : i32
    %while3A_13:2 = scf.for %while3A_16 = %while3A_9 to %while3A_5 step %while3A_12 iter_args(%while3A_17 = %while3A_11#0, %while3A_18 = %while3A_11#1) -> (vector<32x128xf32>, vector<32x128xf32>)  : i32 {
      %sub3A = arith.constant 99 : i32
      %sub3A_19 = arith.subi %sub3A, %while3A_16 : i32
      %get3A = arith.index_cast %sub3A_19 : i32 to index
      %get3A_20 = arith.constant 0 : index
      %get3A_21 = arith.constant 0 : index
      %get3A_22 = vector.load %arg0[%get3A, %get3A_20, %get3A_21] : memref<100x32x512xf32, #tpu.memory_space<vmem>>, vector<1x32x512xf32>
      %get3A_23 = vector.shape_cast %get3A_22 : vector<1x32x512xf32> to vector<32x512xf32>
      %get3A_24 = arith.constant 0 : index
      %get3A_25 = arith.constant 0 : index
      %get3A_26 = vector.load %arg1[%get3A_24, %get3A_25] : memref<128x512xf32, #tpu.memory_space<vmem>>, vector<128x512xf32>
      %dot_general3A = arith.constant dense<0.000000e+00> : vector<32x512xf32>
      %dot_general3A_27 = tpu.matmul %while3A_17, %get3A_26, %dot_general3A {dimension_numbers = #tpu.dot_dimension_numbers<[1], [0], [0], [1], [0, 0, 1, 1], [], []>, transpose_lhs_hint = false} : vector<32x128xf32>, vector<128x512xf32>, vector<32x512xf32> -> vector<32x512xf32>
      %add3A = arith.addf %get3A_23, %dot_general3A_27 : vector<32x512xf32>
      %get3A_28 = arith.constant 0 : index
      %get3A_29 = arith.constant 0 : index
      %get3A_30 = vector.load %arg2[%get3A_28, %get3A_29] : memref<1x512xf32, #tpu.memory_space<vmem>>, vector<1x512xf32>
      %add3A_31 = vector.broadcast %get3A_30 : vector<1x512xf32> to vector<32x512xf32>
      %add3A_32 = arith.addf %add3A, %add3A_31 : vector<32x512xf32>
      %slice3A = vector.extract_strided_slice %add3A_32 {offsets = [0, 0], sizes = [32, 128], strides = [1, 1]} : vector<32x512xf32> to vector<32x128xf32>
      %slice3A_33 = vector.extract_strided_slice %add3A_32 {offsets = [0, 128], sizes = [32, 128], strides = [1, 1]} : vector<32x512xf32> to vector<32x128xf32>
      %slice3A_34 = vector.extract_strided_slice %add3A_32 {offsets = [0, 256], sizes = [32, 128], strides = [1, 1]} : vector<32x512xf32> to vector<32x128xf32>
      %slice3A_35 = vector.extract_strided_slice %add3A_32 {offsets = [0, 384], sizes = [32, 128], strides = [1, 1]} : vector<32x512xf32> to vector<32x128xf32>
      %logistic3A = arith.negf %slice3A_33 : vector<32x128xf32>
      %logistic3A_36 = math.exp %logistic3A : vector<32x128xf32>
      %logistic3A_37 = arith.constant 1.000000e+00 : f32
      %logistic3A_38 = vector.broadcast %logistic3A_37 : f32 to vector<32x128xf32>
      %logistic3A_39 = arith.addf %logistic3A_38, %logistic3A_36 : vector<32x128xf32>
      %logistic3A_40 = arith.divf %logistic3A_38, %logistic3A_39 : vector<32x128xf32>
      %mul3A = arith.mulf %logistic3A_40, %while3A_18 : vector<32x128xf32>
      %logistic3A_41 = arith.negf %slice3A : vector<32x128xf32>
      %logistic3A_42 = math.exp %logistic3A_41 : vector<32x128xf32>
      %logistic3A_43 = arith.constant 1.000000e+00 : f32
      %logistic3A_44 = vector.broadcast %logistic3A_43 : f32 to vector<32x128xf32>
      %logistic3A_45 = arith.addf %logistic3A_44, %logistic3A_42 : vector<32x128xf32>
      %logistic3A_46 = arith.divf %logistic3A_44, %logistic3A_45 : vector<32x128xf32>
      %tanh3A = math.tanh %slice3A_34 : vector<32x128xf32>
      %mul3A_47 = arith.mulf %logistic3A_46, %tanh3A : vector<32x128xf32>
      %add3A_48 = arith.addf %mul3A, %mul3A_47 : vector<32x128xf32>
      %logistic3A_49 = arith.negf %slice3A_35 : vector<32x128xf32>
      %logistic3A_50 = math.exp %logistic3A_49 : vector<32x128xf32>
      %logistic3A_51 = arith.constant 1.000000e+00 : f32
      %logistic3A_52 = vector.broadcast %logistic3A_51 : f32 to vector<32x128xf32>
      %logistic3A_53 = arith.addf %logistic3A_52, %logistic3A_50 : vector<32x128xf32>
      %logistic3A_54 = arith.divf %logistic3A_52, %logistic3A_53 : vector<32x128xf32>
      %tanh3A_55 = math.tanh %add3A_48 : vector<32x128xf32>
      %mul3A_56 = arith.mulf %logistic3A_54, %tanh3A_55 : vector<32x128xf32>
      scf.yield %mul3A_56, %add3A_48 : vector<32x128xf32>, vector<32x128xf32>
    }
    %swap3A = arith.constant 0 : index
    %swap3A_14 = arith.constant 0 : index
    %swap3A_15 = vector.load %arg3[%swap3A, %swap3A_14] : memref<32x128xf32, #tpu.memory_space<vmem>>, vector<32x128xf32>
    tpu.vector_store %arg3[%swap3A, %swap3A_14], %while3A_13#0 {strides = array<i32>} : memref<32x128xf32, #tpu.memory_space<vmem>>, vector<32x128xf32>,
    return
  }
}

module attributes {stable_mosaic.version = 14 : i64} {
  func.func @body(%arg0: memref<100x32x512xf32, #tpu.memory_space<vmem>>, %arg1: memref<128x512xf32, #tpu.memory_space<vmem>>, %arg2: memref<1x512xf32, #tpu.memory_space<vmem>>, %arg3: memref<32x128xf32, #tpu.memory_space<vmem>>) attributes {dimension_semantics = [], scalar_prefetch = 0 : i64, scratch_operands = 0 : i64, tpu.core_type = #tpu.core_type<tc>} {
    %broadcast_in_dim3A = arith.constant 0.000000e+00 : f32
    %broadcast_in_dim3A_0 = vector.broadcast %broadcast_in_dim3A : f32 to vector<32x128xf32>
    %broadcast_in_dim3A_1 = arith.constant 0.000000e+00 : f32
    %broadcast_in_dim3A_2 = vector.broadcast %broadcast_in_dim3A_1 : f32 to vector<32x128xf32>
    %while3A = arith.constant 0 : i32
    %while3A_3 = arith.constant 100 : i32
    %while3A_4 = arith.subi %while3A_3, %while3A : i32
    %while3A_5 = arith.addi %while3A, %while3A_4 : i32
    %while3A_6 = arith.constant 1 : i32
    %while3A_7 = arith.divsi %while3A_4, %while3A_6 : i32
    %while3A_8 = arith.muli %while3A_7, %while3A_6 : i32
    %while3A_9 = arith.addi %while3A, %while3A_8 : i32
    %while3A_10 = arith.constant 1 : i32
    %while3A_11:2 = scf.for %while3A_16 = %while3A to %while3A_9 step %while3A_10 iter_args(%while3A_17 = %broadcast_in_dim3A_0, %while3A_18 = %broadcast_in_dim3A_2) -> (vector<32x128xf32>, vector<32x128xf32>)  : i32 {
      %get3A = arith.index_cast %while3A_16 : i32 to index
      %get3A_19 = arith.constant 0 : index
      %get3A_20 = arith.constant 0 : index
      %get3A_21 = vector.load %arg0[%get3A, %get3A_19, %get3A_20] : memref<100x32x512xf32, #tpu.memory_space<vmem>>, vector<1x32x512xf32>
      %get3A_22 = vector.shape_cast %get3A_21 : vector<1x32x512xf32> to vector<32x512xf32>
      %get3A_23 = arith.constant 0 : index
      %get3A_24 = arith.constant 0 : index
      %get3A_25 = vector.load %arg1[%get3A_23, %get3A_24] : memref<128x512xf32, #tpu.memory_space<vmem>>, vector<128x512xf32>
      %dot_general3A = arith.constant dense<0.000000e+00> : vector<32x512xf32>
      %dot_general3A_26 = tpu.matmul %while3A_17, %get3A_25, %dot_general3A {dimension_numbers = #tpu.dot_dimension_numbers<[1], [0], [0], [1], [0, 0, 1, 1], [], []>, transpose_lhs_hint = false} : vector<32x128xf32>, vector<128x512xf32>, vector<32x512xf32> -> vector<32x512xf32>
      %add3A = arith.addf %get3A_22, %dot_general3A_26 : vector<32x512xf32>
      %get3A_27 = arith.constant 0 : index
      %get3A_28 = arith.constant 0 : index
      %get3A_29 = vector.load %arg2[%get3A_27, %get3A_28] : memref<1x512xf32, #tpu.memory_space<vmem>>, vector<1x512xf32>
      %add3A_30 = vector.broadcast %get3A_29 : vector<1x512xf32> to vector<32x512xf32>
      %add3A_31 = arith.addf %add3A, %add3A_30 : vector<32x512xf32>
      %slice3A = vector.extract_strided_slice %add3A_31 {offsets = [0, 0], sizes = [32, 128], strides = [1, 1]} : vector<32x512xf32> to vector<32x128xf32>
      %slice3A_32 = vector.extract_strided_slice %add3A_31 {offsets = [0, 128], sizes = [32, 128], strides = [1, 1]} : vector<32x512xf32> to vector<32x128xf32>
      %slice3A_33 = vector.extract_strided_slice %add3A_31 {offsets = [0, 256], sizes = [32, 128], strides = [1, 1]} : vector<32x512xf32> to vector<32x128xf32>
      %slice3A_34 = vector.extract_strided_slice %add3A_31 {offsets = [0, 384], sizes = [32, 128], strides = [1, 1]} : vector<32x512xf32> to vector<32x128xf32>
      %logistic3A = arith.negf %slice3A_32 : vector<32x128xf32>
      %logistic3A_35 = math.exp %logistic3A : vector<32x128xf32>
      %logistic3A_36 = arith.constant 1.000000e+00 : f32
      %logistic3A_37 = vector.broadcast %logistic3A_36 : f32 to vector<32x128xf32>
      %logistic3A_38 = arith.addf %logistic3A_37, %logistic3A_35 : vector<32x128xf32>
      %logistic3A_39 = arith.divf %logistic3A_37, %logistic3A_38 : vector<32x128xf32>
      %mul3A = arith.mulf %logistic3A_39, %while3A_18 : vector<32x128xf32>
      %logistic3A_40 = arith.negf %slice3A : vector<32x128xf32>
      %logistic3A_41 = math.exp %logistic3A_40 : vector<32x128xf32>
      %logistic3A_42 = arith.constant 1.000000e+00 : f32
      %logistic3A_43 = vector.broadcast %logistic3A_42 : f32 to vector<32x128xf32>
      %logistic3A_44 = arith.addf %logistic3A_43, %logistic3A_41 : vector<32x128xf32>
      %logistic3A_45 = arith.divf %logistic3A_43, %logistic3A_44 : vector<32x128xf32>
      %tanh3A = math.tanh %slice3A_33 : vector<32x128xf32>
      %mul3A_46 = arith.mulf %logistic3A_45, %tanh3A : vector<32x128xf32>
      %add3A_47 = arith.addf %mul3A, %mul3A_46 : vector<32x128xf32>
      %logistic3A_48 = arith.negf %slice3A_34 : vector<32x128xf32>
      %logistic3A_49 = math.exp %logistic3A_48 : vector<32x128xf32>
      %logistic3A_50 = arith.constant 1.000000e+00 : f32
      %logistic3A_51 = vector.broadcast %logistic3A_50 : f32 to vector<32x128xf32>
      %logistic3A_52 = arith.addf %logistic3A_51, %logistic3A_49 : vector<32x128xf32>
      %logistic3A_53 = arith.divf %logistic3A_51, %logistic3A_52 : vector<32x128xf32>
      %tanh3A_54 = math.tanh %add3A_47 : vector<32x128xf32>
      %mul3A_55 = arith.mulf %logistic3A_53, %tanh3A_54 : vector<32x128xf32>
      scf.yield %mul3A_55, %add3A_47 : vector<32x128xf32>, vector<32x128xf32>
    }
    %while3A_12 = arith.constant 1 : i32
    %while3A_13:2 = scf.for %while3A_16 = %while3A_9 to %while3A_5 step %while3A_12 iter_args(%while3A_17 = %while3A_11#0, %while3A_18 = %while3A_11#1) -> (vector<32x128xf32>, vector<32x128xf32>)  : i32 {
      %get3A = arith.index_cast %while3A_16 : i32 to index
      %get3A_19 = arith.constant 0 : index
      %get3A_20 = arith.constant 0 : index
      %get3A_21 = vector.load %arg0[%get3A, %get3A_19, %get3A_20] : memref<100x32x512xf32, #tpu.memory_space<vmem>>, vector<1x32x512xf32>
      %get3A_22 = vector.shape_cast %get3A_21 : vector<1x32x512xf32> to vector<32x512xf32>
      %get3A_23 = arith.constant 0 : index
      %get3A_24 = arith.constant 0 : index
      %get3A_25 = vector.load %arg1[%get3A_23, %get3A_24] : memref<128x512xf32, #tpu.memory_space<vmem>>, vector<128x512xf32>
      %dot_general3A = arith.constant dense<0.000000e+00> : vector<32x512xf32>
      %dot_general3A_26 = tpu.matmul %while3A_17, %get3A_25, %dot_general3A {dimension_numbers = #tpu.dot_dimension_numbers<[1], [0], [0], [1], [0, 0, 1, 1], [], []>, transpose_lhs_hint = false} : vector<32x128xf32>, vector<128x512xf32>, vector<32x512xf32> -> vector<32x512xf32>
      %add3A = arith.addf %get3A_22, %dot_general3A_26 : vector<32x512xf32>
      %get3A_27 = arith.constant 0 : index
      %get3A_28 = arith.constant 0 : index
      %get3A_29 = vector.load %arg2[%get3A_27, %get3A_28] : memref<1x512xf32, #tpu.memory_space<vmem>>, vector<1x512xf32>
      %add3A_30 = vector.broadcast %get3A_29 : vector<1x512xf32> to vector<32x512xf32>
      %add3A_31 = arith.addf %add3A, %add3A_30 : vector<32x512xf32>
      %slice3A = vector.extract_strided_slice %add3A_31 {offsets = [0, 0], sizes = [32, 128], strides = [1, 1]} : vector<32x512xf32> to vector<32x128xf32>
      %slice3A_32 = vector.extract_strided_slice %add3A_31 {offsets = [0, 128], sizes = [32, 128], strides = [1, 1]} : vector<32x512xf32> to vector<32x128xf32>
      %slice3A_33 = vector.extract_strided_slice %add3A_31 {offsets = [0, 256], sizes = [32, 128], strides = [1, 1]} : vector<32x512xf32> to vector<32x128xf32>
      %slice3A_34 = vector.extract_strided_slice %add3A_31 {offsets = [0, 384], sizes = [32, 128], strides = [1, 1]} : vector<32x512xf32> to vector<32x128xf32>
      %logistic3A = arith.negf %slice3A_32 : vector<32x128xf32>
      %logistic3A_35 = math.exp %logistic3A : vector<32x128xf32>
      %logistic3A_36 = arith.constant 1.000000e+00 : f32
      %logistic3A_37 = vector.broadcast %logistic3A_36 : f32 to vector<32x128xf32>
      %logistic3A_38 = arith.addf %logistic3A_37, %logistic3A_35 : vector<32x128xf32>
      %logistic3A_39 = arith.divf %logistic3A_37, %logistic3A_38 : vector<32x128xf32>
      %mul3A = arith.mulf %logistic3A_39, %while3A_18 : vector<32x128xf32>
      %logistic3A_40 = arith.negf %slice3A : vector<32x128xf32>
      %logistic3A_41 = math.exp %logistic3A_40 : vector<32x128xf32>
      %logistic3A_42 = arith.constant 1.000000e+00 : f32
      %logistic3A_43 = vector.broadcast %logistic3A_42 : f32 to vector<32x128xf32>
      %logistic3A_44 = arith.addf %logistic3A_43, %logistic3A_41 : vector<32x128xf32>
      %logistic3A_45 = arith.divf %logistic3A_43, %logistic3A_44 : vector<32x128xf32>
      %tanh3A = math.tanh %slice3A_33 : vector<32x128xf32>
      %mul3A_46 = arith.mulf %logistic3A_45, %tanh3A : vector<32x128xf32>
      %add3A_47 = arith.addf %mul3A, %mul3A_46 : vector<32x128xf32>
      %logistic3A_48 = arith.negf %slice3A_34 : vector<32x128xf32>
      %logistic3A_49 = math.exp %logistic3A_48 : vector<32x128xf32>
      %logistic3A_50 = arith.constant 1.000000e+00 : f32
      %logistic3A_51 = vector.broadcast %logistic3A_50 : f32 to vector<32x128xf32>
      %logistic3A_52 = arith.addf %logistic3A_51, %logistic3A_49 : vector<32x128xf32>
      %logistic3A_53 = arith.divf %logistic3A_51, %logistic3A_52 : vector<32x128xf32>
      %tanh3A_54 = math.tanh %add3A_47 : vector<32x128xf32>
      %mul3A_55 = arith.mulf %logistic3A_53, %tanh3A_54 : vector<32x128xf32>
      scf.yield %mul3A_55, %add3A_47 : vector<32x128xf32>, vector<32x128xf32>
    }
    %swap3A = arith.constant 0 : index
    %swap3A_14 = arith.constant 0 : index
    %swap3A_15 = vector.load %arg3[%swap3A, %swap3A_14] : memref<32x128xf32, #tpu.memory_space<vmem>>, vector<32x128xf32>
    tpu.vector_store %arg3[%swap3A, %swap3A_14], %while3A_13#0 {strides = array<i32>} : memref<32x128xf32, #tpu.memory_space<vmem>>, vector<32x128xf32>,
    return
  }
}

module attributes {stable_mosaic.version = 14 : i64} {
  func.func @body(%arg0: memref<32x256xf32, #tpu.memory_space<vmem>>, %arg1: memref<256x128xf32, #tpu.memory_space<vmem>>, %arg2: memref<1x128xf32, #tpu.memory_space<vmem>>, %arg3: memref<32x128xf32, #tpu.memory_space<vmem>>) attributes {dimension_semantics = [], scalar_prefetch = 0 : i64, scratch_operands = 0 : i64, tpu.core_type = #tpu.core_type<tc>} {
    %get3A = arith.constant 0 : index
    %get3A_0 = arith.constant 0 : index
    %get3A_1 = vector.load %arg0[%get3A, %get3A_0] : memref<32x256xf32, #tpu.memory_space<vmem>>, vector<32x256xf32>
    %get3A_2 = arith.constant 0 : index
    %get3A_3 = arith.constant 0 : index
    %get3A_4 = vector.load %arg1[%get3A_2, %get3A_3] : memref<256x128xf32, #tpu.memory_space<vmem>>, vector<256x128xf32>
    %dot_general3A = arith.constant dense<0.000000e+00> : vector<32x128xf32>
    %dot_general3A_5 = tpu.matmul %get3A_1, %get3A_4, %dot_general3A {dimension_numbers = #tpu.dot_dimension_numbers<[1], [0], [0], [1], [0, 0, 1, 1], [], []>, transpose_lhs_hint = false} : vector<32x256xf32>, vector<256x128xf32>, vector<32x128xf32> -> vector<32x128xf32>
    %get3A_6 = arith.constant 0 : index
    %get3A_7 = arith.constant 0 : index
    %get3A_8 = vector.load %arg2[%get3A_6, %get3A_7] : memref<1x128xf32, #tpu.memory_space<vmem>>, vector<1x128xf32>
    %add3A = vector.broadcast %get3A_8 : vector<1x128xf32> to vector<32x128xf32>
    %add3A_9 = arith.addf %dot_general3A_5, %add3A : vector<32x128xf32>
    %swap3A = arith.constant 0 : index
    %swap3A_10 = arith.constant 0 : index
    %swap3A_11 = vector.load %arg3[%swap3A, %swap3A_10] : memref<32x128xf32, #tpu.memory_space<vmem>>, vector<32x128xf32>
    tpu.vector_store %arg3[%swap3A, %swap3A_10], %add3A_9 {strides = array<i32>} : memref<32x128xf32, #tpu.memory_space<vmem>>, vector<32x128xf32>,
    return
  }
}

</mosaic_0001>

<sc_bundles>
// kernel: kernel.50.cloned.1.call-start
scs
__scs_entry_jumppad:
0x0: {  	(pc) =	sbr.rel $0x88, $3  }
0x1: {  	(tag) =	ssettag $0x0;
	lr =	simm.s32 $0x1  }
0x2: {  	[smem:$0x3F8B] =	sst lr;
	_ =	strace $0xD0000000  }
0x3: {  	_ = 	snop  }
0x4: {  	_ = 	snop  }
0x5: {  	_ = 	snop  }
0x6: {  	_ = 	snop  }
0x7: {  	_ = 	snop  }
__scs_overlays_trampoline_lowered:
0x8: {  	[smem:$0x3F9A] =	sst s0  }
0x9: {  	[smem:$0x3F9B] =	sst s1  }
0xa: {  	[smem:$0x3F9C] =	sst s2  }
0xb: {  	[smem:$0x3F9D] =	sst s3  }
0xc: {  	[smem:$0x3F9E] =	sst s4  }
0xd: {  	[smem:$0x3F9F] =	sst s5  }
0xe: {  	[smem:$0x3FA0] =	sst s6  }
0xf: {  	[smem:$0x3FA1] =	sst s7  }
0x10: {  	[smem:$0x3FA2] =	sst s8  }
0x11: {  	[smem:$0x3FA3] =	sst s9;
	s0 =	simm.s32 @!p0 $0x0  }
0x12: {  	s1 =	sld [smem:$0x3F89];
	s0 =	simm.s32 @p0 $0x1  }
0x13: {  	[smem:$0x3FA4] =	sst s0;
	s0 =	simm.s32 @!p1 $0x0  }
0x14: {  	s2 =	sld [smem:$0x3F88];
	s0 =	simm.s32 @p1 $0x1  }
0x15: {  	[smem:$0x3FA5] =	sst s0;
	s0 =	simm.s32 @!p2 $0x0  }
0x16: {  	s3 =	sld [smem:$0x3FDB];
	s0 =	simm.s32 @p2 $0x1  }
0x17: {  	s4 =	simm.s32 $0x1BF5;
	[smem:$0x3FA7] =	sst s0  }
0x18: {  	s0 =	sld [smem:$0x3F8A];
	_ =	swait.ge [sflag:s4], $0x0  }
0x19: {  	s7 =	sld [smem:$0x3F8B]  }
0x1a: {  	s8 =	sadd.s32 $0xFFFFE003, lr  }
0x1b: {  	s9 =	sadd.s32 $0xFFFFFEF7, lr;
	s5 =	simm.s32 $0xFFFFFFFF;
	p2 =	slt.u32 s8, $0xFFFFF086  }
0x1c: {  	p1 =	slt.u32 s9, $0xF7A;
	s5 =	simm.s32 @!p2 $0x0  }
0x1d: {  	s5 =	simm.s32 @p1 $0x1;
	p0 =	seq.s32 s7, s2  }
0x1e: {  	s7 =	smul.u32 @!p0 $0xF7A, s2;
	p2 =	seq.s32 @!p0 s5, $0x0  }
0x1f: {  	s9 =	smul.u32 $0xF7A, s1;
	s8 =	simm.s32 @!p0 $0x1BF5;
	p2 =	por !p2, p0  }
0x20: {  	[sflag:s8] =	ssyncset.s32 @!p0 $0xFFFFF086;
	s6 =	sadd.s32 @!p0 s3, s7;
	s7 =	simm.s32 @!p0 $0x108  }
0x21: {  	s3 =	sadd.s32 s3, s9;
	s6 =	sadd.s32 @!p0 $0x88, s6;
	s7 =	simm.s32 @p2 $0x1082  }
0x22: {  	[simem:s7], [sflag:s8] =	dma.local @!p0 [hbm:s6], $0xF7A  }
0x23: {  	s9 =	sor.u32 $0xD0000000, s2;
	s6 =	simm.s32 $0x108;
	_ =	swait.ge @!p0 [sflag:s8], $0x0  }
0x24: {  	s3 =	sadd.s32 $0x88, s3;
	s6 =	simm.s32 @!p1 $0x1082;
	[sflag:s4] =	ssyncset.s32 $0xFFFFF086  }
0x25: {  	[simem:s6], [sflag:s4] =	dma.local [hbm:s3], $0xF7A  }
0x26: {  	[smem:$0x3F8B] =	sst s1;
	(tag) =	ssettag s2;
	_ =	strace s9  }
0x27: {  	s1 =	sld [smem:$0x3F9B]  }
0x28: {  	s2 =	sld [smem:$0x3F9C]  }
0x29: {  	s4 =	sld [smem:$0x3F9E]  }
0x2a: {  	p0 =	seq.s32 s5, $0x0;
	s5 =	sld [smem:$0x3F9F]  }
0x2b: {  	s6 =	sld [smem:$0x3FA0]  }
0x2c: {  	s7 =	sld [smem:$0x3FA1]  }
0x2d: {  	s3 =	simm.s32 $0x108;
	s8 =	sld [smem:$0x3FA2]  }
0x2e: {  	s3 =	simm.s32 @!p0 $0x1082;
	s9 =	sld [smem:$0x3FA3]  }
0x2f: {  	lr =	sadd.s32 s0, s3;
	s0 =	sld [smem:$0x3F9A]  }
0x30: {  	s3 =	sld [smem:$0x3F9D]  }
0x31: {  	[smem:$0x3FA6] =	sst s10  }
0x32: {  	s10 =	sld [smem:$0x3FA4];
	_ =	sdelay $0x3  }
0x33: {  	p0 =	seq.s32 s10, $0x1;
	s10 =	sld [smem:$0x3FA6];
	_ =	sdelay $0x3  }
0x34: {  	[smem:$0x3FA6] =	sst s10  }
0x35: {  	s10 =	sld [smem:$0x3FA5];
	_ =	sdelay $0x3  }
0x36: {  	p1 =	seq.s32 s10, $0x1;
	s10 =	sld [smem:$0x3FA6];
	_ =	sdelay $0x3  }
0x37: {  	[smem:$0x3FA6] =	sst s10  }
0x38: {  	s10 =	sld [smem:$0x3FA7]  }
0x39: {  	_ = 	snop;
	(pc) =	sbr.ind lr, $3  }
0x3a: {  	_ = 	snop  }
0x3b: {  	_ = 	snop  }
0x3c: {  	p2 =	seq.s32 s10, $0x1;
	s10 =	sld [smem:$0x3FA6]  }
0x3d: {  	_ =	shalt  }
0x3e: {  	_ =	shalt  }
0x3f: {  	_ =	shalt  }
0x40: {  	_ =	shalt  }
0x41: {  	_ =	shalt  }
0x42: {  	_ =	shalt  }
0x43: {  	_ =	shalt  }
0x44: {  	_ =	shalt  }
0x45: {  	_ =	shalt  }
0x46: {  	_ =	shalt  }
0x47: {  	_ =	shalt  }
0x48: {  	_ =	shalt  }
0x49: {  	_ =	shalt  }
0x4a: {  	_ =	shalt  }
0x4b: {  	_ =	shalt  }
0x4c: {  	_ =	shalt  }
0x4d: {  	_ =	shalt  }
0x4e: {  	_ =	shalt  }
0x4f: {  	_ =	shalt  }
0x50: {  	_ =	shalt  }
0x51: {  	_ =	shalt  }
0x52: {  	_ =	shalt  }
0x53: {  	_ =	shalt  }
0x54: {  	_ =	shalt  }
0x55: {  	_ =	shalt  }
0x56: {  	_ =	shalt  }
0x57: {  	_ =	shalt  }
0x58: {  	_ =	shalt  }
0x59: {  	_ =	shalt  }
0x5a: {  	_ =	shalt  }
0x5b: {  	_ =	shalt  }
0x5c: {  	_ =	shalt  }
0x5d: {  	_ =	shalt  }
0x5e: {  	_ =	shalt  }
0x5f: {  	_ =	shalt  }
0x60: {  	_ =	shalt  }
0x61: {  	_ =	shalt  }
0x62: {  	_ =	shalt  }
0x63: {  	_ =	shalt  }
0x64: {  	_ =	shalt  }
0x65: {  	_ =	shalt  }
0x66: {  	_ =	shalt  }
0x67: {  	_ =	shalt  }
0x68: {  	_ =	shalt  }
0x69: {  	_ =	shalt  }
0x6a: {  	_ =	shalt  }
0x6b: {  	_ =	shalt  }
0x6c: {  	_ =	shalt  }
0x6d: {  	_ =	shalt  }
0x6e: {  	_ =	shalt  }
0x6f: {  	_ =	shalt  }
0x70: {  	_ =	shalt  }
0x71: {  	_ =	shalt  }
0x72: {  	_ =	shalt  }
0x73: {  	_ =	shalt  }
0x74: {  	_ =	shalt  }
0x75: {  	_ =	shalt  }
0x76: {  	_ =	shalt  }
0x77: {  	_ =	shalt  }
0x78: {  	_ =	shalt  }
0x79: {  	_ =	shalt  }
0x7a: {  	_ =	shalt  }
0x7b: {  	_ =	shalt  }
0x7c: {  	_ =	shalt  }
0x7d: {  	_ =	shalt  }
0x7e: {  	_ =	shalt  }
0x7f: {  	_ =	shalt  }
0x80: {  	_ =	shalt  }
0x81: {  	_ =	shalt  }
0x82: {  	_ =	shalt  }
0x83: {  	_ =	shalt  }
0x84: {  	_ =	shalt  }
0x85: {  	_ =	shalt  }
0x86: {  	_ =	shalt  }
0x87: {  	_ =	shalt  }
.Lfunc_end0:
.L_simem_size_0:
called_computation_lowered:
.L_overlay_start_0:
0x88: {  	s2 =	sld [smem:$0x3FD9]  }
0x89: {  	s3 =	sld [smem:$0x3FFE];
	_ =	sdelay $0x1  }
0x8a: {  	s1 =	srdreg.scid  }
0x8b: {  	s0 =	sand.u32 $0x1, s1  }
0x8c: {  	s16 =	sshll.u32 s0, $0xA;
	s2 =	sadd.s32 s3, s2  }
0x8d: {  	s2 =	sadd.s32 s2, s16  }
0x8e: {  	[smem:$0x3FB2] =	sst s2  }
0x8f: {  	_ = 	snop  }
0x90: {  	(tm) =	ssettm $0x1  }
0x91: {  	s17 =	sld [smem:$0x3FFB];
	_ =	sdelay $0x3  }
0x92: {  	_ =	strace s17  }
0x93: {  	s2 =	sld [smem:$0x3FFC];
	_ =	sdelay $0x3  }
0x94: {  	_ =	strace s2  }
0x95: {  	s2 =	sld [smem:$0x3FFD];
	_ =	sdelay $0x3  }
0x96: {  	_ =	strace s2  }
0x97: {  	_ =	strace $0x8FFFFFFF  }
0x98: {  	s18 =	sld [smem:$0x3FDB];
	_ =	sdelay $0x1  }
0x99: {  	s19 =	simm.s32 $_scs_section_size  }
0x9a: {  	s4 =	simm.s32 $_size__tile_overlayer_lowered;
	s5 =	simm.s32 $_tile_overlayer_lowered  }
0x9b: {  	s22 =	simm.s32 $0x1BFF;
	s21 =	sshll.u32 s5, $0x1;
	s2 =	sadd.s32 s19, s18  }
0x9c: {  	s6 =	simm.s32 $0x0;
	s20 =	sshll.u32 s4, $0x1;
	s4 =	sadd.s32 s21, s2  }
0x9d: {  	[timem:s6], [sflag:s22] =	dma.local [hbm:s4], s20  }
0x9e: {  	_ =	swait.ge [sflag:s22], s20  }
0x9f: {  	s3 =	ssub.s32 $0x0, s20;
	[sflag:s22] =	ssyncset.done $0x0  }
0xa0: {  	[sflag:s22] =	ssyncadd.s32 s3;
	_ =	sdelay $0x1  }
0xa1: {  	s23 =	simm.s32 $0x1B8B  }
0xa2: {  	_ =	swait.ge [sflag:s23], $0x1  }
0xa3: {  	[sflag:s23] =	ssyncset.done $0x0  }
0xa4: {  	s25 =	simm.s32 $0x1B8E;
	s24 =	sld [smem:$0x3FFE];
	[sflag:s23] =	ssyncadd.s32 $0xFFFFFFFF  }
0xa5: {  	s26 =	simm.s32 $execute0_lowered;
	[smem:$0x3FD2] =	sst s25  }
0xa6: {  	s4 =	sshll.u32 s26, $0x1;
	_ =	strace $0x80000046;
	[dreg:$0x1] =	wrdreg $0xFFFFFFFF  }
0xa7: {  	s28 =	simm.s32 $_size_execute0_lowered;
	s2 =	sadd.s32 s2, s4;
	[dreg:$0x0] =	wrdreg $0x0  }
0xa8: {  	s4 =	sshll.u32 s28, $0x1;
	[dreg:$0x2] =	wrdreg s2  }
0xa9: {  	[dreg:$0x3] =	wrdreg s4  }
0xaa: {  	[dreg:$0x4] =	wrdreg $0xC0  }
0xab: {  	_ =	task [dreg:s6], $0x5FFFF  }
0xac: {  	[dreg:$0x1] =	wrdreg $0xFFFFFFFF  }
0xad: {  	[dreg:$0x0] =	wrdreg $0x60  }
0xae: {  	[dreg:$0x2] =	wrdreg s24  }
0xaf: {  	[dreg:$0x3] =	wrdreg $0x9  }
0xb0: {  	_ =	task.clear_ibuf [dreg:s6], $0x4FFFF;
	_ =	strace $0x90000046  }
0xb1: {  	s29 =	simm.s32 $0x9;
	_ =	strace $0x80000048  }
0xb2: {  	_ =	swait.ge [sflag:s29], $0x1  }
0xb3: {  	[sflag:s29] =	ssyncadd.s32 $0xFFFFFFFF  }
0xb4: {  	_ =	strace $0x90000048  }
0xb5: {  	_ =	sfence  }
0xb6: {  	s30 =	sld [smem:$0x0];
	_ =	sdelay $0x2  }
0xb7: {  	s31 =	sshll.u32 s1, $0xD;
	s1 =	sshrl.u32 s1, $0x2  }
0xb8: {  	s3 =	sand.u32 $0x4000, s31;
	s1 =	sadd.s32 s1, s30  }
0xb9: {  	s0 =	sor.u32 s3, s0;
	s1 =	sshll.u32 s1, $0x11  }
0xba: {  	s0 =	sor.u32 s1, s0  }
0xbb: {  	s0 =	sadd.s32 $0x8F2B, s0  }
0xbc: {  	[sflag:s0] =	ssyncadd.remote.s32 $0x1  }
0xbd: {  	_ =	sfence.sel $0xFFFF  }
0xbe: {  	[dreg:$0x0] =	wrdreg $0xFFFFFFFF;
	(pc) =	sbr.abs _section_cstart, $3  }
0xbf: {  	[dreg:$0x1] =	wrdreg $0xFFFFFFFF  }
0xc0: {  	_ =	task.clear_ibuf [dreg:s6], $0x2FFFF;
	_ =	strace $0x9FFFFFFF  }
0xc1: {  	(tm) =	ssettm $0x7FFFFFFF  }
tec
execute0_lowered:
.L_overlay_start_1:
0x0: {  	(tag) =	ssettag $0x1  }
0x1: {  	s4 =	rddreg [dreg:$0x0]  }
0x2: {  	s0 =	rddreg [dreg:$0x1]  }
0x3: {  	s3 =	srdreg.scid;
	s1 =	stileid.u32;
	s2 =	simm.s32 $0x0  }
0x4: {  	s10 =	simm.s32 $0x1;
	s11 =	simm.s32 $0x0;
	s6 =	smul.u32 $0x2710, s1  }
0x5: {  	s5 =	sand.u32 $0x1, s3;
	[smem:$0x7FF] =	sst s2;
	s8 =	smul.u32 $0x27100, s1  }
0x6: {  	s3 =	sadd.s32 $0x12200, s4;
	s7 =	smul.u32 $0x1388, s5;
	s9 =	ssub.s32 $0x2, s5  }
0x7: {  	_ =	strace $0x80000047;
	s5 =	smul.u32 $0x13880, s5;
	s31 =	sshrl.u32 s9, $0x1  }
0x8: {  	s30 =	sadd.s32 s8, s4;
	s6 =	sadd.s32 s7, s6;
	s8 =	ssub.s32 s9, s31  }
0x9: {  	s5 =	sadd.s32 s5, s30;
	s7 =	simm.s32 $0x2;
	s6 =	sshrl.u32 s6, $0x3  }
0xa: {  	s9 =	simm.s32 $0x100;
	s5 =	sadd.s32 $0x8A200, s5;
	s6 =	sadd.s32 s6, s4  }
0xb: {  	s4 =	smax.u32 s8, $0x1;
	s8 =	simm.s32 $0xC8;
	s6 =	sadd.s32 $0x7400, s6  }
.LBB2_1:
0xc: {  	s12 =	sadd.s32 $0x0, s6  }
0xd: {  	[tilespmem:s2], [sflag:$0x2] =	stream.linear.gather [hbm4b:s12+s2], $0xC8, $0x38;
	[tilespmem:$0x6500] =	vst v63  }
0xe: {  	_ =	swait.ge [sflag:s7], $0xC8  }
0xf: {  	[sflag:s7] =	ssyncset.done $0x0  }
0x10: {  	[sflag:s7] =	ssyncadd.s32 $0xFFFFFF38  }
0x11: {  	[tilespmem:s9], [sflag:$0x1] =	stream.indirect.gather [hbm4b:s3+s8], $0x80, s2, s8, $0xb8;
	[tilespmem:$0x6500] =	vst v63  }
0x12: {  	_ =	swait.ge [sflag:s10], $0x6400  }
0x13: {  	[sflag:s10] =	ssyncset.done $0x0  }
0x14: {  	[sflag:s10] =	ssyncadd.s32 $0xFFFF9C00  }
0x15: {  	[hbm4b:s5+s2] =	stream.linear.scatter [tilespmem:s9], [sflag:$0x2], $0x6400, $0x38;
	[tilespmem:$0x6500] =	vst v63  }
0x16: {  	s13 =	simm.s32 $0x19;
	_ =	swait.ge [sflag:s7], $0x6400  }
0x17: {  	s14 =	simm.s32 $0x32;
	s12 =	sadd.s32 $0xC80, s5;
	[sflag:s7] =	ssyncset.done $0x0  }
.LBB2_2:
0x18: {  	s15 =	sadd.s32 s13, s6  }
0x19: {  	[sflag:s7] =	ssyncadd.s32 $0xFFFF9C00;
	s13 =	smov.u32 s14;
	s16 =	sadd.s32 $0x19, s14  }
0x1a: {  	[tilespmem:s2], [sflag:$0x2] =	stream.linear.gather [hbm4b:s15+s2], $0xC8, $0x38;
	[tilespmem:$0x6500] =	vst v63  }
0x1b: {  	p0 =	sne.s32 s14, $0x258;
	_ =	swait.ge [sflag:s7], $0xC8  }
0x1c: {  	[sflag:s7] =	ssyncset.done $0x0  }
0x1d: {  	[sflag:s7] =	ssyncadd.s32 $0xFFFFFF38  }
0x1e: {  	[tilespmem:s9], [sflag:$0x1] =	stream.indirect.gather [hbm4b:s3+s8], $0x80, s2, s8, $0xb8;
	[tilespmem:$0x6500] =	vst v63  }
0x1f: {  	_ =	swait.ge [sflag:s10], $0x6400  }
.Ltmp0:
0x20: {  	[sflag:s10] =	ssyncset.done $0x0;
	(pc) =	sbr.rel @p0 .LBB2_2-.Ltmp0, $4  }
0x21: {  	[sflag:s10] =	ssyncadd.s32 $0xFFFF9C00  }
0x22: {  	[hbm4b:s12+s2] =	stream.linear.scatter [tilespmem:s9], [sflag:$0x2], $0x6400, $0x38;
	[tilespmem:$0x6500] =	vst v63  }
0x23: {  	_ =	swait.ge [sflag:s7], $0x6400  }
0x24: {  	s14 =	smov.u32 s16;
	s12 =	sadd.s32 $0xC80, s12;
	[sflag:s7] =	ssyncset.done $0x0  }
0x25: {  	s13 =	sadd.s32 s13, s6;
	[sflag:s7] =	ssyncadd.s32 $0xFFFF9C00  }
0x26: {  	[tilespmem:s2], [sflag:$0x2] =	stream.linear.gather [hbm4b:s13+s2], $0xC8, $0x38;
	[tilespmem:$0x6500] =	vst v63  }
0x27: {  	_ =	swait.ge [sflag:s7], $0xC8  }
0x28: {  	[sflag:s7] =	ssyncset.done $0x0  }
0x29: {  	[sflag:s7] =	ssyncadd.s32 $0xFFFFFF38  }
0x2a: {  	[tilespmem:s9], [sflag:$0x1] =	stream.indirect.gather [hbm4b:s3+s8], $0x80, s2, s8, $0xb8;
	[tilespmem:$0x6500] =	vst v63  }
0x2b: {  	s11 =	sadd.s32 $0x1, s11;
	_ =	swait.ge [sflag:s10], $0x6400  }
0x2c: {  	p0 =	sne.s32 s11, s4;
	[sflag:s10] =	ssyncset.done $0x0  }
.Ltmp1:
0x2d: {  	[sflag:s10] =	ssyncadd.s32 $0xFFFF9C00;
	(pc) =	sbr.rel @p0 .LBB2_1-.Ltmp1, $4  }
0x2e: {  	[hbm4b:s12+s2] =	stream.linear.scatter [tilespmem:s9], [sflag:$0x2], $0x6400, $0x38;
	[tilespmem:$0x6500] =	vst v63  }
0x2f: {  	_ =	swait.ge [sflag:s7], $0x6400  }
0x30: {  	[sflag:s7] =	ssyncset.done $0x0  }
0x31: {  	[sflag:s7] =	ssyncadd.s32 $0xFFFF9C00  }
0x32: {  	_ =	sfence.sel $0x180000  }
0x33: {  	[bflag:$0x0] =	sbarrier.arrive $0xFFFF  }
0x34: {  	p0 =	sne.s32 s1, $0x0;
	_ =	strace $0x90000047  }
0x35: {  	s0 =	sadd.s32 @!p0 $0x100000, s0;
	[bflag:$0x2] =	sbarrier.arrive $0xFFFF  }
0x36: {  	[sflag:s0] =	ssyncadd.tile.s32 @!p0 $0x1;
	_ =	shalt  }
.Lfunc_end2:
_tile_overlayer_lowered:
.L_overlay_start_2:
0x37: {  	(tag) =	ssettag $0x2  }
0x38: {  	s0 =	rddreg [dreg:$0x0];
	s2 =	stileid.u32  }
0x39: {  	s1 =	rddreg [dreg:$0x1];
	p0 =	sne.s32 s2, $0x0  }
0x3a: {  	s3 =	rddreg [dreg:$0x2];
	[bflag:$0x3] =	sbarrier.arrive $0xFFFF;
	s2 =	simm.s32 @!p0 $0x1C02  }
0x3b: {  	[timem:s3], [sflag:s2] =	dma.local @!p0 [hbm:s0], s1  }
0x3c: {  	s0 =	simm.s32 @!p0 $0x2  }
0x3d: {  	_ =	swait.ge @!p0 [sflag:s0], s1  }
0x3e: {  	s1 =	ssub.s32 @!p0 $0x0, s1;
	[sflag:s0] =	ssyncset.done @!p0 $0x0  }
0x3f: {  	[sflag:s0] =	ssyncadd.s32 @!p0 s1  }
0x40: {  	[bflag:$0x3] =	sbarrier.arrive $0xFFFF  }
0x41: {  	_ =	shalt  }

// kernel: kernel.53.cloned.1.call-start
scs
__scs_entry_jumppad:
0x0: {  	(pc) =	sbr.rel $0x88, $3  }
0x1: {  	(tag) =	ssettag $0x0;
	lr =	simm.s32 $0x1  }
0x2: {  	[smem:$0x3F8B] =	sst lr;
	_ =	strace $0xD0000000  }
0x3: {  	_ = 	snop  }
0x4: {  	_ = 	snop  }
0x5: {  	_ = 	snop  }
0x6: {  	_ = 	snop  }
0x7: {  	_ = 	snop  }
__scs_overlays_trampoline_lowered:
0x8: {  	[smem:$0x3F9A] =	sst s0  }
0x9: {  	[smem:$0x3F9B] =	sst s1  }
0xa: {  	[smem:$0x3F9C] =	sst s2  }
0xb: {  	[smem:$0x3F9D] =	sst s3  }
0xc: {  	[smem:$0x3F9E] =	sst s4  }
0xd: {  	[smem:$0x3F9F] =	sst s5  }
0xe: {  	[smem:$0x3FA0] =	sst s6  }
0xf: {  	[smem:$0x3FA1] =	sst s7  }
0x10: {  	[smem:$0x3FA2] =	sst s8  }
0x11: {  	[smem:$0x3FA3] =	sst s9;
	s0 =	simm.s32 @!p0 $0x0  }
0x12: {  	s1 =	sld [smem:$0x3F89];
	s0 =	simm.s32 @p0 $0x1  }
0x13: {  	[smem:$0x3FA4] =	sst s0;
	s0 =	simm.s32 @!p1 $0x0  }
0x14: {  	s2 =	sld [smem:$0x3F88];
	s0 =	simm.s32 @p1 $0x1  }
0x15: {  	[smem:$0x3FA5] =	sst s0;
	s0 =	simm.s32 @!p2 $0x0  }
0x16: {  	s3 =	sld [smem:$0x3FDB];
	s0 =	simm.s32 @p2 $0x1  }
0x17: {  	s4 =	simm.s32 $0x1BF5;
	[smem:$0x3FA7] =	sst s0  }
0x18: {  	s0 =	sld [smem:$0x3F8A];
	_ =	swait.ge [sflag:s4], $0x0  }
0x19: {  	s7 =	sld [smem:$0x3F8B]  }
0x1a: {  	s8 =	sadd.s32 $0xFFFFE003, lr  }
0x1b: {  	s9 =	sadd.s32 $0xFFFFFEF7, lr;
	s5 =	simm.s32 $0xFFFFFFFF;
	p2 =	slt.u32 s8, $0xFFFFF086  }
0x1c: {  	p1 =	slt.u32 s9, $0xF7A;
	s5 =	simm.s32 @!p2 $0x0  }
0x1d: {  	s5 =	simm.s32 @p1 $0x1;
	p0 =	seq.s32 s7, s2  }
0x1e: {  	s7 =	smul.u32 @!p0 $0xF7A, s2;
	p2 =	seq.s32 @!p0 s5, $0x0  }
0x1f: {  	s9 =	smul.u32 $0xF7A, s1;
	s8 =	simm.s32 @!p0 $0x1BF5;
	p2 =	por !p2, p0  }
0x20: {  	[sflag:s8] =	ssyncset.s32 @!p0 $0xFFFFF086;
	s6 =	sadd.s32 @!p0 s3, s7;
	s7 =	simm.s32 @!p0 $0x108  }
0x21: {  	s3 =	sadd.s32 s3, s9;
	s6 =	sadd.s32 @!p0 $0x88, s6;
	s7 =	simm.s32 @p2 $0x1082  }
0x22: {  	[simem:s7], [sflag:s8] =	dma.local @!p0 [hbm:s6], $0xF7A  }
0x23: {  	s9 =	sor.u32 $0xD0000000, s2;
	s6 =	simm.s32 $0x108;
	_ =	swait.ge @!p0 [sflag:s8], $0x0  }
0x24: {  	s3 =	sadd.s32 $0x88, s3;
	s6 =	simm.s32 @!p1 $0x1082;
	[sflag:s4] =	ssyncset.s32 $0xFFFFF086  }
0x25: {  	[simem:s6], [sflag:s4] =	dma.local [hbm:s3], $0xF7A  }
0x26: {  	[smem:$0x3F8B] =	sst s1;
	(tag) =	ssettag s2;
	_ =	strace s9  }
0x27: {  	s1 =	sld [smem:$0x3F9B]  }
0x28: {  	s2 =	sld [smem:$0x3F9C]  }
0x29: {  	s4 =	sld [smem:$0x3F9E]  }
0x2a: {  	p0 =	seq.s32 s5, $0x0;
	s5 =	sld [smem:$0x3F9F]  }
0x2b: {  	s6 =	sld [smem:$0x3FA0]  }
0x2c: {  	s7 =	sld [smem:$0x3FA1]  }
0x2d: {  	s3 =	simm.s32 $0x108;
	s8 =	sld [smem:$0x3FA2]  }
0x2e: {  	s3 =	simm.s32 @!p0 $0x1082;
	s9 =	sld [smem:$0x3FA3]  }
0x2f: {  	lr =	sadd.s32 s0, s3;
	s0 =	sld [smem:$0x3F9A]  }
0x30: {  	s3 =	sld [smem:$0x3F9D]  }
0x31: {  	[smem:$0x3FA6] =	sst s10  }
0x32: {  	s10 =	sld [smem:$0x3FA4];
	_ =	sdelay $0x3  }
0x33: {  	p0 =	seq.s32 s10, $0x1;
	s10 =	sld [smem:$0x3FA6];
	_ =	sdelay $0x3  }
0x34: {  	[smem:$0x3FA6] =	sst s10  }
0x35: {  	s10 =	sld [smem:$0x3FA5];
	_ =	sdelay $0x3  }
0x36: {  	p1 =	seq.s32 s10, $0x1;
	s10 =	sld [smem:$0x3FA6];
	_ =	sdelay $0x3  }
0x37: {  	[smem:$0x3FA6] =	sst s10  }
0x38: {  	s10 =	sld [smem:$0x3FA7]  }
0x39: {  	_ = 	snop;
	(pc) =	sbr.ind lr, $3  }
0x3a: {  	_ = 	snop  }
0x3b: {  	_ = 	snop  }
0x3c: {  	p2 =	seq.s32 s10, $0x1;
	s10 =	sld [smem:$0x3FA6]  }
0x3d: {  	_ =	shalt  }
0x3e: {  	_ =	shalt  }
0x3f: {  	_ =	shalt  }
0x40: {  	_ =	shalt  }
0x41: {  	_ =	shalt  }
0x42: {  	_ =	shalt  }
0x43: {  	_ =	shalt  }
0x44: {  	_ =	shalt  }
0x45: {  	_ =	shalt  }
0x46: {  	_ =	shalt  }
0x47: {  	_ =	shalt  }
0x48: {  	_ =	shalt  }
0x49: {  	_ =	shalt  }
0x4a: {  	_ =	shalt  }
0x4b: {  	_ =	shalt  }
0x4c: {  	_ =	shalt  }
0x4d: {  	_ =	shalt  }
0x4e: {  	_ =	shalt  }
0x4f: {  	_ =	shalt  }
0x50: {  	_ =	shalt  }
0x51: {  	_ =	shalt  }
0x52: {  	_ =	shalt  }
0x53: {  	_ =	shalt  }
0x54: {  	_ =	shalt  }
0x55: {  	_ =	shalt  }
0x56: {  	_ =	shalt  }
0x57: {  	_ =	shalt  }
0x58: {  	_ =	shalt  }
0x59: {  	_ =	shalt  }
0x5a: {  	_ =	shalt  }
0x5b: {  	_ =	shalt  }
0x5c: {  	_ =	shalt  }
0x5d: {  	_ =	shalt  }
0x5e: {  	_ =	shalt  }
0x5f: {  	_ =	shalt  }
0x60: {  	_ =	shalt  }
0x61: {  	_ =	shalt  }
0x62: {  	_ =	shalt  }
0x63: {  	_ =	shalt  }
0x64: {  	_ =	shalt  }
0x65: {  	_ =	shalt  }
0x66: {  	_ =	shalt  }
0x67: {  	_ =	shalt  }
0x68: {  	_ =	shalt  }
0x69: {  	_ =	shalt  }
0x6a: {  	_ =	shalt  }
0x6b: {  	_ =	shalt  }
0x6c: {  	_ =	shalt  }
0x6d: {  	_ =	shalt  }
0x6e: {  	_ =	shalt  }
0x6f: {  	_ =	shalt  }
0x70: {  	_ =	shalt  }
0x71: {  	_ =	shalt  }
0x72: {  	_ =	shalt  }
0x73: {  	_ =	shalt  }
0x74: {  	_ =	shalt  }
0x75: {  	_ =	shalt  }
0x76: {  	_ =	shalt  }
0x77: {  	_ =	shalt  }
0x78: {  	_ =	shalt  }
0x79: {  	_ =	shalt  }
0x7a: {  	_ =	shalt  }
0x7b: {  	_ =	shalt  }
0x7c: {  	_ =	shalt  }
0x7d: {  	_ =	shalt  }
0x7e: {  	_ =	shalt  }
0x7f: {  	_ =	shalt  }
0x80: {  	_ =	shalt  }
0x81: {  	_ =	shalt  }
0x82: {  	_ =	shalt  }
0x83: {  	_ =	shalt  }
0x84: {  	_ =	shalt  }
0x85: {  	_ =	shalt  }
0x86: {  	_ =	shalt  }
0x87: {  	_ =	shalt  }
.Lfunc_end0:
.L_simem_size_0:
called_computation.1_lowered:
.L_overlay_start_0:
0x88: {  	s2 =	sld [smem:$0x3FD9]  }
0x89: {  	s3 =	sld [smem:$0x3FFE];
	_ =	sdelay $0x1  }
0x8a: {  	s1 =	srdreg.scid  }
0x8b: {  	s0 =	sand.u32 $0x1, s1  }
0x8c: {  	s17 =	sshll.u32 s0, $0xA;
	s2 =	sadd.s32 s3, s2  }
0x8d: {  	s2 =	sadd.s32 s2, s17  }
0x8e: {  	[smem:$0x3FB2] =	sst s2  }
0x8f: {  	_ = 	snop  }
0x90: {  	(tm) =	ssettm $0x1  }
0x91: {  	s18 =	sld [smem:$0x3FFB];
	_ =	sdelay $0x3  }
0x92: {  	_ =	strace s18  }
0x93: {  	s2 =	sld [smem:$0x3FFC];
	_ =	sdelay $0x3  }
0x94: {  	_ =	strace s2  }
0x95: {  	s2 =	sld [smem:$0x3FFD];
	_ =	sdelay $0x3  }
0x96: {  	_ =	strace s2  }
0x97: {  	_ =	strace $0x8FFFFFFF  }
0x98: {  	s19 =	sld [smem:$0x3FDB];
	_ =	sdelay $0x1  }
0x99: {  	s20 =	simm.s32 $_scs_section_size  }
0x9a: {  	s4 =	simm.s32 $_size__tile_overlayer_lowered;
	s5 =	simm.s32 $_tile_overlayer_lowered  }
0x9b: {  	s6 =	simm.s32 $0x1BFF;
	s21 =	sshll.u32 s5, $0x1;
	s3 =	sadd.s32 s20, s19  }
0x9c: {  	s22 =	simm.s32 $0x0;
	s4 =	sshll.u32 s4, $0x1;
	s5 =	sadd.s32 s21, s3  }
0x9d: {  	[timem:s22], [sflag:s6] =	dma.local [hbm:s5], s4  }
0x9e: {  	_ =	swait.ge [sflag:s6], s4  }
0x9f: {  	s4 =	ssub.s32 $0x0, s4;
	[sflag:s6] =	ssyncset.done $0x0  }
0xa0: {  	[sflag:s6] =	ssyncadd.s32 s4;
	_ =	sdelay $0x1  }
0xa1: {  	s23 =	simm.s32 $0x1B8B  }
0xa2: {  	_ =	swait.ge [sflag:s23], $0x1  }
0xa3: {  	[sflag:s23] =	ssyncset.done $0x0  }
0xa4: {  	[sflag:s23] =	ssyncadd.s32 $0xFFFFFFFF  }
0xa5: {  	s4 =	sld [smem:$0x0]  }
0xa6: {  	s5 =	sand.u32 $0xFFFFFFFE, s1  }
0xa7: {  	p0 =	sne.s32 s1, s5  }
0xa8: {  	s5 =	sshll.u32 @p0 s5, $0xE  }
0xa9: {  	s5 =	sadd.s32 @p0 $0x11B8D, s5;
	s6 =	sshll.u32 @p0 s4, $0x11  }
0xaa: {  	s5 =	sor.u32 @p0 s6, s5  }
0xab: {  	[sflag:s5] =	ssyncadd.remote.s32 @p0 $0x1;
	_ =	sdelay $0x1  }
0xac: {  	s5 =	simm.s32 @p0 $0x1B8D  }
0xad: {  	_ =	swait.eq @p0 [sflag:s5], $0x1  }
0xae: {  	[sflag:s5] =	ssyncadd.s32 @p0 $0xFFFFFFFF  }
0xaf: {  	s6 =	sshll.u32 @!p0 s1, $0xE  }
0xb0: {  	s6 =	sor.u32 @!p0 $0x4000, s6;
	s5 =	simm.s32 @!p0 $0x1B8D  }
0xb1: {  	s4 =	sshll.u32 @!p0 s4, $0x11;
	s6 =	sadd.s32 @!p0 $0x11B8D, s6;
	_ =	swait.eq @!p0 [sflag:s5], $0x1  }
0xb2: {  	s4 =	sor.u32 @!p0 s4, s6;
	[sflag:s5] =	ssyncadd.s32 @!p0 $0xFFFFFFFF  }
0xb3: {  	s25 =	simm.s32 $0x1B8E;
	s24 =	sld [smem:$0x3FFE];
	[sflag:s4] =	ssyncadd.remote.s32 @!p0 $0x1  }
0xb4: {  	s26 =	simm.s32 $execute0_lowered;
	[smem:$0x3FD2] =	sst s25  }
0xb5: {  	s5 =	sshll.u32 s26, $0x1;
	_ =	strace $0x80000049;
	[dreg:$0x1] =	wrdreg $0xFFFFFFFF  }
0xb6: {  	s28 =	simm.s32 $_size_execute0_lowered;
	s3 =	sadd.s32 s3, s5;
	[dreg:$0x0] =	wrdreg $0x0  }
0xb7: {  	s5 =	sshll.u32 s28, $0x1;
	[dreg:$0x2] =	wrdreg s3  }
0xb8: {  	[dreg:$0x3] =	wrdreg s5  }
0xb9: {  	[dreg:$0x4] =	wrdreg $0xC0  }
0xba: {  	_ =	task [dreg:s22], $0x5FFFF  }
0xbb: {  	[dreg:$0x1] =	wrdreg $0xFFFFFFFF  }
0xbc: {  	[dreg:$0x0] =	wrdreg $0x60  }
0xbd: {  	[dreg:$0x2] =	wrdreg s24  }
0xbe: {  	[dreg:$0x3] =	wrdreg $0xA  }
0xbf: {  	_ =	task.clear_ibuf [dreg:s22], $0x4FFFF;
	_ =	strace $0x90000049  }
0xc0: {  	s29 =	simm.s32 $0xA;
	_ =	strace $0x8000004B  }
0xc1: {  	_ =	swait.ge [sflag:s29], $0x1  }
0xc2: {  	[sflag:s29] =	ssyncadd.s32 $0xFFFFFFFF  }
0xc3: {  	_ =	strace $0x9000004B  }
0xc4: {  	_ =	sfence  }
0xc5: {  	s30 =	sld [smem:$0x0];
	_ =	sdelay $0x2  }
0xc6: {  	s31 =	sshll.u32 s1, $0xD;
	s1 =	sshrl.u32 s1, $0x2  }
0xc7: {  	s4 =	sand.u32 $0x4000, s31;
	s1 =	sadd.s32 s1, s30  }
0xc8: {  	s0 =	sor.u32 s4, s0;
	s1 =	sshll.u32 s1, $0x11  }
0xc9: {  	s0 =	sor.u32 s1, s0  }
0xca: {  	s0 =	sadd.s32 $0x8F2B, s0  }
0xcb: {  	[sflag:s0] =	ssyncadd.remote.s32 $0x1  }
0xcc: {  	_ =	sfence.sel $0xFFFF  }
0xcd: {  	[dreg:$0x0] =	wrdreg $0xFFFFFFFF;
	(pc) =	sbr.abs _section_cstart, $3  }
0xce: {  	[dreg:$0x1] =	wrdreg $0xFFFFFFFF  }
0xcf: {  	_ =	task.clear_ibuf [dreg:s22], $0x2FFFF;
	_ =	strace $0x9FFFFFFF  }
0xd0: {  	(tm) =	ssettm $0x7FFFFFFF  }
0xd1: {  	_ =	shalt  }
tec
execute0_lowered:
.L_overlay_start_1:
0x0: {  	(tag) =	ssettag $0x1  }
0x1: {  	s4 =	rddreg [dreg:$0x0]  }
0x2: {  	s0 =	rddreg [dreg:$0x1]  }
0x3: {  	s3 =	srdreg.scid;
	s1 =	stileid.u32;
	s2 =	simm.s32 $0x0  }
0x4: {  	s10 =	simm.s32 $0x1;
	s11 =	simm.s32 $0x0;
	s6 =	smul.u32 $0x2710, s1  }
0x5: {  	s5 =	sand.u32 $0x1, s3;
	[smem:$0x7FF] =	sst s2;
	s8 =	smul.u32 $0x27100, s1  }
0x6: {  	s3 =	sadd.s32 $0x39400, s4;
	s7 =	smul.u32 $0x1388, s5;
	s9 =	ssub.s32 $0x2, s5  }
0x7: {  	_ =	strace $0x8000004A;
	s5 =	smul.u32 $0x13880, s5;
	s31 =	sshrl.u32 s9, $0x1  }
0x8: {  	s30 =	sadd.s32 s8, s4;
	s6 =	sadd.s32 s7, s6;
	s8 =	ssub.s32 s9, s31  }
0x9: {  	s5 =	sadd.s32 s5, s30;
	s7 =	simm.s32 $0x2;
	s6 =	sshrl.u32 s6, $0x3  }
0xa: {  	s9 =	simm.s32 $0x100;
	s5 =	sadd.s32 $0x2FB200, s5;
	s6 =	sadd.s32 s6, s4  }
0xb: {  	s4 =	smax.u32 s8, $0x1;
	s8 =	simm.s32 $0xC8;
	s6 =	sadd.s32 $0x7400, s6  }
.LBB2_1:
0xc: {  	s12 =	sadd.s32 $0x0, s6  }
0xd: {  	[tilespmem:s2], [sflag:$0x2] =	stream.linear.gather [hbm4b:s12+s2], $0xC8, $0x38;
	[tilespmem:$0x6500] =	vst v63  }
0xe: {  	_ =	swait.ge [sflag:s7], $0xC8  }
0xf: {  	[sflag:s7] =	ssyncset.done $0x0  }
0x10: {  	[sflag:s7] =	ssyncadd.s32 $0xFFFFFF38  }
0x11: {  	[tilespmem:s9], [sflag:$0x1] =	stream.indirect.gather [hbm4b:s3+s8], $0x80, s2, s8, $0xb8;
	[tilespmem:$0x6500] =	vst v63  }
0x12: {  	_ =	swait.ge [sflag:s10], $0x6400  }
0x13: {  	[sflag:s10] =	ssyncset.done $0x0  }
0x14: {  	[sflag:s10] =	ssyncadd.s32 $0xFFFF9C00  }
0x15: {  	[hbm4b:s5+s2] =	stream.linear.scatter [tilespmem:s9], [sflag:$0x2], $0x6400, $0x38;
	[tilespmem:$0x6500] =	vst v63  }
0x16: {  	s13 =	simm.s32 $0x19;
	_ =	swait.ge [sflag:s7], $0x6400  }
0x17: {  	s14 =	simm.s32 $0x32;
	s12 =	sadd.s32 $0xC80, s5;
	[sflag:s7] =	ssyncset.done $0x0  }
.LBB2_2:
0x18: {  	s15 =	sadd.s32 s13, s6  }
0x19: {  	[sflag:s7] =	ssyncadd.s32 $0xFFFF9C00;
	s13 =	smov.u32 s14;
	s16 =	sadd.s32 $0x19, s14  }
0x1a: {  	[tilespmem:s2], [sflag:$0x2] =	stream.linear.gather [hbm4b:s15+s2], $0xC8, $0x38;
	[tilespmem:$0x6500] =	vst v63  }
0x1b: {  	p0 =	sne.s32 s14, $0x258;
	_ =	swait.ge [sflag:s7], $0xC8  }
0x1c: {  	[sflag:s7] =	ssyncset.done $0x0  }
0x1d: {  	[sflag:s7] =	ssyncadd.s32 $0xFFFFFF38  }
0x1e: {  	[tilespmem:s9], [sflag:$0x1] =	stream.indirect.gather [hbm4b:s3+s8], $0x80, s2, s8, $0xb8;
	[tilespmem:$0x6500] =	vst v63  }
0x1f: {  	_ =	swait.ge [sflag:s10], $0x6400  }
.Ltmp0:
0x20: {  	[sflag:s10] =	ssyncset.done $0x0;
	(pc) =	sbr.rel @p0 .LBB2_2-.Ltmp0, $4  }
0x21: {  	[sflag:s10] =	ssyncadd.s32 $0xFFFF9C00  }
0x22: {  	[hbm4b:s12+s2] =	stream.linear.scatter [tilespmem:s9], [sflag:$0x2], $0x6400, $0x38;
	[tilespmem:$0x6500] =	vst v63  }
0x23: {  	_ =	swait.ge [sflag:s7], $0x6400  }
0x24: {  	s14 =	smov.u32 s16;
	s12 =	sadd.s32 $0xC80, s12;
	[sflag:s7] =	ssyncset.done $0x0  }
0x25: {  	s13 =	sadd.s32 s13, s6;
	[sflag:s7] =	ssyncadd.s32 $0xFFFF9C00  }
0x26: {  	[tilespmem:s2], [sflag:$0x2] =	stream.linear.gather [hbm4b:s13+s2], $0xC8, $0x38;
	[tilespmem:$0x6500] =	vst v63  }
0x27: {  	_ =	swait.ge [sflag:s7], $0xC8  }
0x28: {  	[sflag:s7] =	ssyncset.done $0x0  }
0x29: {  	[sflag:s7] =	ssyncadd.s32 $0xFFFFFF38  }
0x2a: {  	[tilespmem:s9], [sflag:$0x1] =	stream.indirect.gather [hbm4b:s3+s8], $0x80, s2, s8, $0xb8;
	[tilespmem:$0x6500] =	vst v63  }
0x2b: {  	s11 =	sadd.s32 $0x1, s11;
	_ =	swait.ge [sflag:s10], $0x6400  }
0x2c: {  	p0 =	sne.s32 s11, s4;
	[sflag:s10] =	ssyncset.done $0x0  }
.Ltmp1:
0x2d: {  	[sflag:s10] =	ssyncadd.s32 $0xFFFF9C00;
	(pc) =	sbr.rel @p0 .LBB2_1-.Ltmp1, $4  }
0x2e: {  	[hbm4b:s12+s2] =	stream.linear.scatter [tilespmem:s9], [sflag:$0x2], $0x6400, $0x38;
	[tilespmem:$0x6500] =	vst v63  }
0x2f: {  	_ =	swait.ge [sflag:s7], $0x6400  }
0x30: {  	[sflag:s7] =	ssyncset.done $0x0  }
0x31: {  	[sflag:s7] =	ssyncadd.s32 $0xFFFF9C00  }
0x32: {  	_ =	sfence.sel $0x180000  }
0x33: {  	[bflag:$0x0] =	sbarrier.arrive $0xFFFF  }
0x34: {  	p0 =	sne.s32 s1, $0x0;
	_ =	strace $0x9000004A  }
0x35: {  	s0 =	sadd.s32 @!p0 $0x100000, s0;
	[bflag:$0x2] =	sbarrier.arrive $0xFFFF  }
0x36: {  	[sflag:s0] =	ssyncadd.tile.s32 @!p0 $0x1;
	_ =	shalt  }
.Lfunc_end2:
_tile_overlayer_lowered:
.L_overlay_start_2:
0x37: {  	(tag) =	ssettag $0x2  }
0x38: {  	s0 =	rddreg [dreg:$0x0];
	s2 =	stileid.u32  }
0x39: {  	s1 =	rddreg [dreg:$0x1];
	p0 =	sne.s32 s2, $0x0  }
0x3a: {  	s3 =	rddreg [dreg:$0x2];
	[bflag:$0x3] =	sbarrier.arrive $0xFFFF;
	s2 =	simm.s32 @!p0 $0x1C02  }
0x3b: {  	[timem:s3], [sflag:s2] =	dma.local @!p0 [hbm:s0], s1  }
0x3c: {  	s0 =	simm.s32 @!p0 $0x2  }
0x3d: {  	_ =	swait.ge @!p0 [sflag:s0], s1  }
0x3e: {  	s1 =	ssub.s32 @!p0 $0x0, s1;
	[sflag:s0] =	ssyncset.done @!p0 $0x0  }
0x3f: {  	[sflag:s0] =	ssyncadd.s32 @!p0 s1  }
0x40: {  	[bflag:$0x3] =	sbarrier.arrive $0xFFFF  }
0x41: {  	_ =	shalt  }

// kernel: kernel.56.cloned.1.call-start
scs
__scs_entry_jumppad:
0x0: {  	(pc) =	sbr.rel $0x88, $3  }
0x1: {  	(tag) =	ssettag $0x0;
	lr =	simm.s32 $0x1  }
0x2: {  	[smem:$0x3F8B] =	sst lr;
	_ =	strace $0xD0000000  }
0x3: {  	_ = 	snop  }
0x4: {  	_ = 	snop  }
0x5: {  	_ = 	snop  }
0x6: {  	_ = 	snop  }
0x7: {  	_ = 	snop  }
__scs_overlays_trampoline_lowered:
0x8: {  	[smem:$0x3F9A] =	sst s0  }
0x9: {  	[smem:$0x3F9B] =	sst s1  }
0xa: {  	[smem:$0x3F9C] =	sst s2  }
0xb: {  	[smem:$0x3F9D] =	sst s3  }
0xc: {  	[smem:$0x3F9E] =	sst s4  }
0xd: {  	[smem:$0x3F9F] =	sst s5  }
0xe: {  	[smem:$0x3FA0] =	sst s6  }
0xf: {  	[smem:$0x3FA1] =	sst s7  }
0x10: {  	[smem:$0x3FA2] =	sst s8  }
0x11: {  	[smem:$0x3FA3] =	sst s9;
	s0 =	simm.s32 @!p0 $0x0  }
0x12: {  	s1 =	sld [smem:$0x3F89];
	s0 =	simm.s32 @p0 $0x1  }
0x13: {  	[smem:$0x3FA4] =	sst s0;
	s0 =	simm.s32 @!p1 $0x0  }
0x14: {  	s2 =	sld [smem:$0x3F88];
	s0 =	simm.s32 @p1 $0x1  }
0x15: {  	[smem:$0x3FA5] =	sst s0;
	s0 =	simm.s32 @!p2 $0x0  }
0x16: {  	s3 =	sld [smem:$0x3FDB];
	s0 =	simm.s32 @p2 $0x1  }
0x17: {  	s4 =	simm.s32 $0x1BF5;
	[smem:$0x3FA7] =	sst s0  }
0x18: {  	s0 =	sld [smem:$0x3F8A];
	_ =	swait.ge [sflag:s4], $0x0  }
0x19: {  	s7 =	sld [smem:$0x3F8B]  }
0x1a: {  	s8 =	sadd.s32 $0xFFFFE003, lr  }
0x1b: {  	s9 =	sadd.s32 $0xFFFFFEF7, lr;
	s5 =	simm.s32 $0xFFFFFFFF;
	p2 =	slt.u32 s8, $0xFFFFF086  }
0x1c: {  	p1 =	slt.u32 s9, $0xF7A;
	s5 =	simm.s32 @!p2 $0x0  }
0x1d: {  	s5 =	simm.s32 @p1 $0x1;
	p0 =	seq.s32 s7, s2  }
0x1e: {  	s7 =	smul.u32 @!p0 $0xF7A, s2;
	p2 =	seq.s32 @!p0 s5, $0x0  }
0x1f: {  	s9 =	smul.u32 $0xF7A, s1;
	s8 =	simm.s32 @!p0 $0x1BF5;
	p2 =	por !p2, p0  }
0x20: {  	[sflag:s8] =	ssyncset.s32 @!p0 $0xFFFFF086;
	s6 =	sadd.s32 @!p0 s3, s7;
	s7 =	simm.s32 @!p0 $0x108  }
0x21: {  	s3 =	sadd.s32 s3, s9;
	s6 =	sadd.s32 @!p0 $0x88, s6;
	s7 =	simm.s32 @p2 $0x1082  }
0x22: {  	[simem:s7], [sflag:s8] =	dma.local @!p0 [hbm:s6], $0xF7A  }
0x23: {  	s9 =	sor.u32 $0xD0000000, s2;
	s6 =	simm.s32 $0x108;
	_ =	swait.ge @!p0 [sflag:s8], $0x0  }
0x24: {  	s3 =	sadd.s32 $0x88, s3;
	s6 =	simm.s32 @!p1 $0x1082;
	[sflag:s4] =	ssyncset.s32 $0xFFFFF086  }
0x25: {  	[simem:s6], [sflag:s4] =	dma.local [hbm:s3], $0xF7A  }
0x26: {  	[smem:$0x3F8B] =	sst s1;
	(tag) =	ssettag s2;
	_ =	strace s9  }
0x27: {  	s1 =	sld [smem:$0x3F9B]  }
0x28: {  	s2 =	sld [smem:$0x3F9C]  }
0x29: {  	s4 =	sld [smem:$0x3F9E]  }
0x2a: {  	p0 =	seq.s32 s5, $0x0;
	s5 =	sld [smem:$0x3F9F]  }
0x2b: {  	s6 =	sld [smem:$0x3FA0]  }
0x2c: {  	s7 =	sld [smem:$0x3FA1]  }
0x2d: {  	s3 =	simm.s32 $0x108;
	s8 =	sld [smem:$0x3FA2]  }
0x2e: {  	s3 =	simm.s32 @!p0 $0x1082;
	s9 =	sld [smem:$0x3FA3]  }
0x2f: {  	lr =	sadd.s32 s0, s3;
	s0 =	sld [smem:$0x3F9A]  }
0x30: {  	s3 =	sld [smem:$0x3F9D]  }
0x31: {  	[smem:$0x3FA6] =	sst s10  }
0x32: {  	s10 =	sld [smem:$0x3FA4];
	_ =	sdelay $0x3  }
0x33: {  	p0 =	seq.s32 s10, $0x1;
	s10 =	sld [smem:$0x3FA6];
	_ =	sdelay $0x3  }
0x34: {  	[smem:$0x3FA6] =	sst s10  }
0x35: {  	s10 =	sld [smem:$0x3FA5];
	_ =	sdelay $0x3  }
0x36: {  	p1 =	seq.s32 s10, $0x1;
	s10 =	sld [smem:$0x3FA6];
	_ =	sdelay $0x3  }
0x37: {  	[smem:$0x3FA6] =	sst s10  }
0x38: {  	s10 =	sld [smem:$0x3FA7]  }
0x39: {  	_ = 	snop;
	(pc) =	sbr.ind lr, $3  }
0x3a: {  	_ = 	snop  }
0x3b: {  	_ = 	snop  }
0x3c: {  	p2 =	seq.s32 s10, $0x1;
	s10 =	sld [smem:$0x3FA6]  }
0x3d: {  	_ =	shalt  }
0x3e: {  	_ =	shalt  }
0x3f: {  	_ =	shalt  }
0x40: {  	_ =	shalt  }
0x41: {  	_ =	shalt  }
0x42: {  	_ =	shalt  }
0x43: {  	_ =	shalt  }
0x44: {  	_ =	shalt  }
0x45: {  	_ =	shalt  }
0x46: {  	_ =	shalt  }
0x47: {  	_ =	shalt  }
0x48: {  	_ =	shalt  }
0x49: {  	_ =	shalt  }
0x4a: {  	_ =	shalt  }
0x4b: {  	_ =	shalt  }
0x4c: {  	_ =	shalt  }
0x4d: {  	_ =	shalt  }
0x4e: {  	_ =	shalt  }
0x4f: {  	_ =	shalt  }
0x50: {  	_ =	shalt  }
0x51: {  	_ =	shalt  }
0x52: {  	_ =	shalt  }
0x53: {  	_ =	shalt  }
0x54: {  	_ =	shalt  }
0x55: {  	_ =	shalt  }
0x56: {  	_ =	shalt  }
0x57: {  	_ =	shalt  }
0x58: {  	_ =	shalt  }
0x59: {  	_ =	shalt  }
0x5a: {  	_ =	shalt  }
0x5b: {  	_ =	shalt  }
0x5c: {  	_ =	shalt  }
0x5d: {  	_ =	shalt  }
0x5e: {  	_ =	shalt  }
0x5f: {  	_ =	shalt  }
0x60: {  	_ =	shalt  }
0x61: {  	_ =	shalt  }
0x62: {  	_ =	shalt  }
0x63: {  	_ =	shalt  }
0x64: {  	_ =	shalt  }
0x65: {  	_ =	shalt  }
0x66: {  	_ =	shalt  }
0x67: {  	_ =	shalt  }
0x68: {  	_ =	shalt  }
0x69: {  	_ =	shalt  }
0x6a: {  	_ =	shalt  }
0x6b: {  	_ =	shalt  }
0x6c: {  	_ =	shalt  }
0x6d: {  	_ =	shalt  }
0x6e: {  	_ =	shalt  }
0x6f: {  	_ =	shalt  }
0x70: {  	_ =	shalt  }
0x71: {  	_ =	shalt  }
0x72: {  	_ =	shalt  }
0x73: {  	_ =	shalt  }
0x74: {  	_ =	shalt  }
0x75: {  	_ =	shalt  }
0x76: {  	_ =	shalt  }
0x77: {  	_ =	shalt  }
0x78: {  	_ =	shalt  }
0x79: {  	_ =	shalt  }
0x7a: {  	_ =	shalt  }
0x7b: {  	_ =	shalt  }
0x7c: {  	_ =	shalt  }
0x7d: {  	_ =	shalt  }
0x7e: {  	_ =	shalt  }
0x7f: {  	_ =	shalt  }
0x80: {  	_ =	shalt  }
0x81: {  	_ =	shalt  }
0x82: {  	_ =	shalt  }
0x83: {  	_ =	shalt  }
0x84: {  	_ =	shalt  }
0x85: {  	_ =	shalt  }
0x86: {  	_ =	shalt  }
0x87: {  	_ =	shalt  }
.Lfunc_end0:
.L_simem_size_0:
called_computation.2_lowered:
.L_overlay_start_0:
0x88: {  	s2 =	sld [smem:$0x3FD9]  }
0x89: {  	s3 =	sld [smem:$0x3FFE];
	_ =	sdelay $0x1  }
0x8a: {  	s1 =	srdreg.scid  }
0x8b: {  	s0 =	sand.u32 $0x1, s1  }
0x8c: {  	s17 =	sshll.u32 s0, $0xA;
	s2 =	sadd.s32 s3, s2  }
0x8d: {  	s2 =	sadd.s32 s2, s17  }
0x8e: {  	[smem:$0x3FB2] =	sst s2  }
0x8f: {  	_ = 	snop  }
0x90: {  	(tm) =	ssettm $0x1  }
0x91: {  	s18 =	sld [smem:$0x3FFB];
	_ =	sdelay $0x3  }
0x92: {  	_ =	strace s18  }
0x93: {  	s2 =	sld [smem:$0x3FFC];
	_ =	sdelay $0x3  }
0x94: {  	_ =	strace s2  }
0x95: {  	s2 =	sld [smem:$0x3FFD];
	_ =	sdelay $0x3  }
0x96: {  	_ =	strace s2  }
0x97: {  	_ =	strace $0x8FFFFFFF  }
0x98: {  	s19 =	sld [smem:$0x3FDB];
	_ =	sdelay $0x1  }
0x99: {  	s20 =	simm.s32 $_scs_section_size  }
0x9a: {  	s4 =	simm.s32 $_size__tile_overlayer_lowered;
	s5 =	simm.s32 $_tile_overlayer_lowered  }
0x9b: {  	s6 =	simm.s32 $0x1BFF;
	s21 =	sshll.u32 s5, $0x1;
	s3 =	sadd.s32 s20, s19  }
0x9c: {  	s22 =	simm.s32 $0x0;
	s4 =	sshll.u32 s4, $0x1;
	s5 =	sadd.s32 s21, s3  }
0x9d: {  	[timem:s22], [sflag:s6] =	dma.local [hbm:s5], s4  }
0x9e: {  	_ =	swait.ge [sflag:s6], s4  }
0x9f: {  	s4 =	ssub.s32 $0x0, s4;
	[sflag:s6] =	ssyncset.done $0x0  }
0xa0: {  	[sflag:s6] =	ssyncadd.s32 s4;
	_ =	sdelay $0x1  }
0xa1: {  	s23 =	simm.s32 $0x1B8B  }
0xa2: {  	_ =	swait.ge [sflag:s23], $0x1  }
0xa3: {  	[sflag:s23] =	ssyncset.done $0x0  }
0xa4: {  	[sflag:s23] =	ssyncadd.s32 $0xFFFFFFFF  }
0xa5: {  	s4 =	sld [smem:$0x0]  }
0xa6: {  	s5 =	sand.u32 $0xFFFFFFFE, s1  }
0xa7: {  	p0 =	sne.s32 s1, s5  }
0xa8: {  	s5 =	sshll.u32 @p0 s5, $0xE  }
0xa9: {  	s5 =	sadd.s32 @p0 $0x11B8D, s5;
	s6 =	sshll.u32 @p0 s4, $0x11  }
0xaa: {  	s5 =	sor.u32 @p0 s6, s5  }
0xab: {  	[sflag:s5] =	ssyncadd.remote.s32 @p0 $0x1;
	_ =	sdelay $0x1  }
0xac: {  	s5 =	simm.s32 @p0 $0x1B8D  }
0xad: {  	_ =	swait.eq @p0 [sflag:s5], $0x1  }
0xae: {  	[sflag:s5] =	ssyncadd.s32 @p0 $0xFFFFFFFF  }
0xaf: {  	s6 =	sshll.u32 @!p0 s1, $0xE  }
0xb0: {  	s6 =	sor.u32 @!p0 $0x4000, s6;
	s5 =	simm.s32 @!p0 $0x1B8D  }
0xb1: {  	s4 =	sshll.u32 @!p0 s4, $0x11;
	s6 =	sadd.s32 @!p0 $0x11B8D, s6;
	_ =	swait.eq @!p0 [sflag:s5], $0x1  }
0xb2: {  	s4 =	sor.u32 @!p0 s4, s6;
	[sflag:s5] =	ssyncadd.s32 @!p0 $0xFFFFFFFF  }
0xb3: {  	s25 =	simm.s32 $0x1B8E;
	s24 =	sld [smem:$0x3FFE];
	[sflag:s4] =	ssyncadd.remote.s32 @!p0 $0x1  }
0xb4: {  	s26 =	simm.s32 $execute0_lowered;
	[smem:$0x3FD2] =	sst s25  }
0xb5: {  	s5 =	sshll.u32 s26, $0x1;
	_ =	strace $0x80000052;
	[dreg:$0x1] =	wrdreg $0xFFFFFFFF  }
0xb6: {  	s28 =	simm.s32 $_size_execute0_lowered;
	s3 =	sadd.s32 s3, s5;
	[dreg:$0x0] =	wrdreg $0x0  }
0xb7: {  	s5 =	sshll.u32 s28, $0x1;
	[dreg:$0x2] =	wrdreg s3  }
0xb8: {  	[dreg:$0x3] =	wrdreg s5  }
0xb9: {  	[dreg:$0x4] =	wrdreg $0xC0  }
0xba: {  	_ =	task [dreg:s22], $0x5FFFF  }
0xbb: {  	[dreg:$0x1] =	wrdreg $0xFFFFFFFF  }
0xbc: {  	[dreg:$0x0] =	wrdreg $0x60  }
0xbd: {  	[dreg:$0x2] =	wrdreg s24  }
0xbe: {  	[dreg:$0x3] =	wrdreg $0x9  }
0xbf: {  	_ =	task.clear_ibuf [dreg:s22], $0x4FFFF;
	_ =	strace $0x90000052  }
0xc0: {  	s29 =	simm.s32 $0x9;
	_ =	strace $0x80000054  }
0xc1: {  	_ =	swait.ge [sflag:s29], $0x1  }
0xc2: {  	[sflag:s29] =	ssyncadd.s32 $0xFFFFFFFF  }
0xc3: {  	_ =	strace $0x90000054  }
0xc4: {  	_ =	sfence  }
0xc5: {  	s30 =	sld [smem:$0x0];
	_ =	sdelay $0x2  }
0xc6: {  	s31 =	sshll.u32 s1, $0xD;
	s1 =	sshrl.u32 s1, $0x2  }
0xc7: {  	s4 =	sand.u32 $0x4000, s31;
	s1 =	sadd.s32 s1, s30  }
0xc8: {  	s0 =	sor.u32 s4, s0;
	s1 =	sshll.u32 s1, $0x11  }
0xc9: {  	s0 =	sor.u32 s1, s0  }
0xca: {  	s0 =	sadd.s32 $0x8F2B, s0  }
0xcb: {  	[sflag:s0] =	ssyncadd.remote.s32 $0x1  }
0xcc: {  	_ =	sfence.sel $0xFFFF  }
0xcd: {  	[dreg:$0x0] =	wrdreg $0xFFFFFFFF;
	(pc) =	sbr.abs _section_cstart, $3  }
0xce: {  	[dreg:$0x1] =	wrdreg $0xFFFFFFFF  }
0xcf: {  	_ =	task.clear_ibuf [dreg:s22], $0x2FFFF;
	_ =	strace $0x9FFFFFFF  }
0xd0: {  	(tm) =	ssettm $0x7FFFFFFF  }
0xd1: {  	_ =	shalt  }
tec
execute0_lowered:
.L_overlay_start_1:
0x0: {  	(tag) =	ssettag $0x1  }
0x1: {  	s4 =	rddreg [dreg:$0x0]  }
0x2: {  	s0 =	rddreg [dreg:$0x1]  }
0x3: {  	s3 =	srdreg.scid;
	s1 =	stileid.u32;
	s2 =	simm.s32 $0x0  }
0x4: {  	s10 =	simm.s32 $0x1;
	s11 =	simm.s32 $0x0;
	s6 =	smul.u32 $0x2710, s1  }
0x5: {  	s5 =	sand.u32 $0x1, s3;
	[smem:$0x7FF] =	sst s2;
	s8 =	smul.u32 $0x27100, s1  }
0x6: {  	s3 =	sadd.s32 $0x12200, s4;
	s7 =	smul.u32 $0x1388, s5;
	s9 =	ssub.s32 $0x2, s5  }
0x7: {  	_ =	strace $0x80000053;
	s5 =	smul.u32 $0x13880, s5;
	s31 =	sshrl.u32 s9, $0x1  }
0x8: {  	s30 =	sadd.s32 s8, s4;
	s6 =	sadd.s32 s7, s6;
	s8 =	ssub.s32 s9, s31  }
0x9: {  	s5 =	sadd.s32 s5, s30;
	s7 =	simm.s32 $0x2;
	s6 =	sshrl.u32 s6, $0x3  }
0xa: {  	s9 =	simm.s32 $0x100;
	s5 =	sadd.s32 $0x8A200, s5;
	s6 =	sadd.s32 s6, s4  }
0xb: {  	s4 =	smax.u32 s8, $0x1;
	s8 =	simm.s32 $0xC8;
	s6 =	sadd.s32 $0x7400, s6  }
.LBB2_1:
0xc: {  	s12 =	sadd.s32 $0x0, s6  }
0xd: {  	[tilespmem:s2], [sflag:$0x2] =	stream.linear.gather [hbm4b:s12+s2], $0xC8, $0x38;
	[tilespmem:$0x6500] =	vst v63  }
0xe: {  	_ =	swait.ge [sflag:s7], $0xC8  }
0xf: {  	[sflag:s7] =	ssyncset.done $0x0  }
0x10: {  	[sflag:s7] =	ssyncadd.s32 $0xFFFFFF38  }
0x11: {  	[tilespmem:s9], [sflag:$0x1] =	stream.indirect.gather [hbm4b:s3+s8], $0x80, s2, s8, $0xb8;
	[tilespmem:$0x6500] =	vst v63  }
0x12: {  	_ =	swait.ge [sflag:s10], $0x6400  }
0x13: {  	[sflag:s10] =	ssyncset.done $0x0  }
0x14: {  	[sflag:s10] =	ssyncadd.s32 $0xFFFF9C00  }
0x15: {  	[hbm4b:s5+s2] =	stream.linear.scatter [tilespmem:s9], [sflag:$0x2], $0x6400, $0x38;
	[tilespmem:$0x6500] =	vst v63  }
0x16: {  	s13 =	simm.s32 $0x19;
	_ =	swait.ge [sflag:s7], $0x6400  }
0x17: {  	s14 =	simm.s32 $0x32;
	s12 =	sadd.s32 $0xC80, s5;
	[sflag:s7] =	ssyncset.done $0x0  }
.LBB2_2:
0x18: {  	s15 =	sadd.s32 s13, s6  }
0x19: {  	[sflag:s7] =	ssyncadd.s32 $0xFFFF9C00;
	s13 =	smov.u32 s14;
	s16 =	sadd.s32 $0x19, s14  }
0x1a: {  	[tilespmem:s2], [sflag:$0x2] =	stream.linear.gather [hbm4b:s15+s2], $0xC8, $0x38;
	[tilespmem:$0x6500] =	vst v63  }
0x1b: {  	p0 =	sne.s32 s14, $0x258;
	_ =	swait.ge [sflag:s7], $0xC8  }
0x1c: {  	[sflag:s7] =	ssyncset.done $0x0  }
0x1d: {  	[sflag:s7] =	ssyncadd.s32 $0xFFFFFF38  }
0x1e: {  	[tilespmem:s9], [sflag:$0x1] =	stream.indirect.gather [hbm4b:s3+s8], $0x80, s2, s8, $0xb8;
	[tilespmem:$0x6500] =	vst v63  }
0x1f: {  	_ =	swait.ge [sflag:s10], $0x6400  }
.Ltmp0:
0x20: {  	[sflag:s10] =	ssyncset.done $0x0;
	(pc) =	sbr.rel @p0 .LBB2_2-.Ltmp0, $4  }
0x21: {  	[sflag:s10] =	ssyncadd.s32 $0xFFFF9C00  }
0x22: {  	[hbm4b:s12+s2] =	stream.linear.scatter [tilespmem:s9], [sflag:$0x2], $0x6400, $0x38;
	[tilespmem:$0x6500] =	vst v63  }
0x23: {  	_ =	swait.ge [sflag:s7], $0x6400  }
0x24: {  	s14 =	smov.u32 s16;
	s12 =	sadd.s32 $0xC80, s12;
	[sflag:s7] =	ssyncset.done $0x0  }
0x25: {  	s13 =	sadd.s32 s13, s6;
	[sflag:s7] =	ssyncadd.s32 $0xFFFF9C00  }
0x26: {  	[tilespmem:s2], [sflag:$0x2] =	stream.linear.gather [hbm4b:s13+s2], $0xC8, $0x38;
	[tilespmem:$0x6500] =	vst v63  }
0x27: {  	_ =	swait.ge [sflag:s7], $0xC8  }
0x28: {  	[sflag:s7] =	ssyncset.done $0x0  }
0x29: {  	[sflag:s7] =	ssyncadd.s32 $0xFFFFFF38  }
0x2a: {  	[tilespmem:s9], [sflag:$0x1] =	stream.indirect.gather [hbm4b:s3+s8], $0x80, s2, s8, $0xb8;
	[tilespmem:$0x6500] =	vst v63  }
0x2b: {  	s11 =	sadd.s32 $0x1, s11;
	_ =	swait.ge [sflag:s10], $0x6400  }
0x2c: {  	p0 =	sne.s32 s11, s4;
	[sflag:s10] =	ssyncset.done $0x0  }
.Ltmp1:
0x2d: {  	[sflag:s10] =	ssyncadd.s32 $0xFFFF9C00;
	(pc) =	sbr.rel @p0 .LBB2_1-.Ltmp1, $4  }
0x2e: {  	[hbm4b:s12+s2] =	stream.linear.scatter [tilespmem:s9], [sflag:$0x2], $0x6400, $0x38;
	[tilespmem:$0x6500] =	vst v63  }
0x2f: {  	_ =	swait.ge [sflag:s7], $0x6400  }
0x30: {  	[sflag:s7] =	ssyncset.done $0x0  }
0x31: {  	[sflag:s7] =	ssyncadd.s32 $0xFFFF9C00  }
0x32: {  	_ =	sfence.sel $0x180000  }
0x33: {  	[bflag:$0x0] =	sbarrier.arrive $0xFFFF  }
0x34: {  	p0 =	sne.s32 s1, $0x0;
	_ =	strace $0x90000053  }
0x35: {  	s0 =	sadd.s32 @!p0 $0x100000, s0;
	[bflag:$0x2] =	sbarrier.arrive $0xFFFF  }
0x36: {  	[sflag:s0] =	ssyncadd.tile.s32 @!p0 $0x1;
	_ =	shalt  }
.Lfunc_end2:
_tile_overlayer_lowered:
.L_overlay_start_2:
0x37: {  	(tag) =	ssettag $0x2  }
0x38: {  	s0 =	rddreg [dreg:$0x0];
	s2 =	stileid.u32  }
0x39: {  	s1 =	rddreg [dreg:$0x1];
	p0 =	sne.s32 s2, $0x0  }
0x3a: {  	s3 =	rddreg [dreg:$0x2];
	[bflag:$0x3] =	sbarrier.arrive $0xFFFF;
	s2 =	simm.s32 @!p0 $0x1C02  }
0x3b: {  	[timem:s3], [sflag:s2] =	dma.local @!p0 [hbm:s0], s1  }
0x3c: {  	s0 =	simm.s32 @!p0 $0x2  }
0x3d: {  	_ =	swait.ge @!p0 [sflag:s0], s1  }
0x3e: {  	s1 =	ssub.s32 @!p0 $0x0, s1;
	[sflag:s0] =	ssyncset.done @!p0 $0x0  }
0x3f: {  	[sflag:s0] =	ssyncadd.s32 @!p0 s1  }
0x40: {  	[bflag:$0x3] =	sbarrier.arrive $0xFFFF  }
0x41: {  	_ =	shalt  }

// kernel: kernel.59.cloned.1.call-start
scs
__scs_entry_jumppad:
0x0: {  	(pc) =	sbr.rel $0x88, $3  }
0x1: {  	(tag) =	ssettag $0x0;
	lr =	simm.s32 $0x1  }
0x2: {  	[smem:$0x3F8B] =	sst lr;
	_ =	strace $0xD0000000  }
0x3: {  	_ = 	snop  }
0x4: {  	_ = 	snop  }
0x5: {  	_ = 	snop  }
0x6: {  	_ = 	snop  }
0x7: {  	_ = 	snop  }
__scs_overlays_trampoline_lowered:
0x8: {  	[smem:$0x3F9A] =	sst s0  }
0x9: {  	[smem:$0x3F9B] =	sst s1  }
0xa: {  	[smem:$0x3F9C] =	sst s2  }
0xb: {  	[smem:$0x3F9D] =	sst s3  }
0xc: {  	[smem:$0x3F9E] =	sst s4  }
0xd: {  	[smem:$0x3F9F] =	sst s5  }
0xe: {  	[smem:$0x3FA0] =	sst s6  }
0xf: {  	[smem:$0x3FA1] =	sst s7  }
0x10: {  	[smem:$0x3FA2] =	sst s8  }
0x11: {  	[smem:$0x3FA3] =	sst s9;
	s0 =	simm.s32 @!p0 $0x0  }
0x12: {  	s1 =	sld [smem:$0x3F89];
	s0 =	simm.s32 @p0 $0x1  }
0x13: {  	[smem:$0x3FA4] =	sst s0;
	s0 =	simm.s32 @!p1 $0x0  }
0x14: {  	s2 =	sld [smem:$0x3F88];
	s0 =	simm.s32 @p1 $0x1  }
0x15: {  	[smem:$0x3FA5] =	sst s0;
	s0 =	simm.s32 @!p2 $0x0  }
0x16: {  	s3 =	sld [smem:$0x3FDB];
	s0 =	simm.s32 @p2 $0x1  }
0x17: {  	s4 =	simm.s32 $0x1BF5;
	[smem:$0x3FA7] =	sst s0  }
0x18: {  	s0 =	sld [smem:$0x3F8A];
	_ =	swait.ge [sflag:s4], $0x0  }
0x19: {  	s7 =	sld [smem:$0x3F8B]  }
0x1a: {  	s8 =	sadd.s32 $0xFFFFE003, lr  }
0x1b: {  	s9 =	sadd.s32 $0xFFFFFEF7, lr;
	s5 =	simm.s32 $0xFFFFFFFF;
	p2 =	slt.u32 s8, $0xFFFFF086  }
0x1c: {  	p1 =	slt.u32 s9, $0xF7A;
	s5 =	simm.s32 @!p2 $0x0  }
0x1d: {  	s5 =	simm.s32 @p1 $0x1;
	p0 =	seq.s32 s7, s2  }
0x1e: {  	s7 =	smul.u32 @!p0 $0xF7A, s2;
	p2 =	seq.s32 @!p0 s5, $0x0  }
0x1f: {  	s9 =	smul.u32 $0xF7A, s1;
	s8 =	simm.s32 @!p0 $0x1BF5;
	p2 =	por !p2, p0  }
0x20: {  	[sflag:s8] =	ssyncset.s32 @!p0 $0xFFFFF086;
	s6 =	sadd.s32 @!p0 s3, s7;
	s7 =	simm.s32 @!p0 $0x108  }
0x21: {  	s3 =	sadd.s32 s3, s9;
	s6 =	sadd.s32 @!p0 $0x88, s6;
	s7 =	simm.s32 @p2 $0x1082  }
0x22: {  	[simem:s7], [sflag:s8] =	dma.local @!p0 [hbm:s6], $0xF7A  }
0x23: {  	s9 =	sor.u32 $0xD0000000, s2;
	s6 =	simm.s32 $0x108;
	_ =	swait.ge @!p0 [sflag:s8], $0x0  }
0x24: {  	s3 =	sadd.s32 $0x88, s3;
	s6 =	simm.s32 @!p1 $0x1082;
	[sflag:s4] =	ssyncset.s32 $0xFFFFF086  }
0x25: {  	[simem:s6], [sflag:s4] =	dma.local [hbm:s3], $0xF7A  }
0x26: {  	[smem:$0x3F8B] =	sst s1;
	(tag) =	ssettag s2;
	_ =	strace s9  }
0x27: {  	s1 =	sld [smem:$0x3F9B]  }
0x28: {  	s2 =	sld [smem:$0x3F9C]  }
0x29: {  	s4 =	sld [smem:$0x3F9E]  }
0x2a: {  	p0 =	seq.s32 s5, $0x0;
	s5 =	sld [smem:$0x3F9F]  }
0x2b: {  	s6 =	sld [smem:$0x3FA0]  }
0x2c: {  	s7 =	sld [smem:$0x3FA1]  }
0x2d: {  	s3 =	simm.s32 $0x108;
	s8 =	sld [smem:$0x3FA2]  }
0x2e: {  	s3 =	simm.s32 @!p0 $0x1082;
	s9 =	sld [smem:$0x3FA3]  }
0x2f: {  	lr =	sadd.s32 s0, s3;
	s0 =	sld [smem:$0x3F9A]  }
0x30: {  	s3 =	sld [smem:$0x3F9D]  }
0x31: {  	[smem:$0x3FA6] =	sst s10  }
0x32: {  	s10 =	sld [smem:$0x3FA4];
	_ =	sdelay $0x3  }
0x33: {  	p0 =	seq.s32 s10, $0x1;
	s10 =	sld [smem:$0x3FA6];
	_ =	sdelay $0x3  }
0x34: {  	[smem:$0x3FA6] =	sst s10  }
0x35: {  	s10 =	sld [smem:$0x3FA5];
	_ =	sdelay $0x3  }
0x36: {  	p1 =	seq.s32 s10, $0x1;
	s10 =	sld [smem:$0x3FA6];
	_ =	sdelay $0x3  }
0x37: {  	[smem:$0x3FA6] =	sst s10  }
0x38: {  	s10 =	sld [smem:$0x3FA7]  }
0x39: {  	_ = 	snop;
	(pc) =	sbr.ind lr, $3  }
0x3a: {  	_ = 	snop  }
0x3b: {  	_ = 	snop  }
0x3c: {  	p2 =	seq.s32 s10, $0x1;
	s10 =	sld [smem:$0x3FA6]  }
0x3d: {  	_ =	shalt  }
0x3e: {  	_ =	shalt  }
0x3f: {  	_ =	shalt  }
0x40: {  	_ =	shalt  }
0x41: {  	_ =	shalt  }
0x42: {  	_ =	shalt  }
0x43: {  	_ =	shalt  }
0x44: {  	_ =	shalt  }
0x45: {  	_ =	shalt  }
0x46: {  	_ =	shalt  }
0x47: {  	_ =	shalt  }
0x48: {  	_ =	shalt  }
0x49: {  	_ =	shalt  }
0x4a: {  	_ =	shalt  }
0x4b: {  	_ =	shalt  }
0x4c: {  	_ =	shalt  }
0x4d: {  	_ =	shalt  }
0x4e: {  	_ =	shalt  }
0x4f: {  	_ =	shalt  }
0x50: {  	_ =	shalt  }
0x51: {  	_ =	shalt  }
0x52: {  	_ =	shalt  }
0x53: {  	_ =	shalt  }
0x54: {  	_ =	shalt  }
0x55: {  	_ =	shalt  }
0x56: {  	_ =	shalt  }
0x57: {  	_ =	shalt  }
0x58: {  	_ =	shalt  }
0x59: {  	_ =	shalt  }
0x5a: {  	_ =	shalt  }
0x5b: {  	_ =	shalt  }
0x5c: {  	_ =	shalt  }
0x5d: {  	_ =	shalt  }
0x5e: {  	_ =	shalt  }
0x5f: {  	_ =	shalt  }
0x60: {  	_ =	shalt  }
0x61: {  	_ =	shalt  }
0x62: {  	_ =	shalt  }
0x63: {  	_ =	shalt  }
0x64: {  	_ =	shalt  }
0x65: {  	_ =	shalt  }
0x66: {  	_ =	shalt  }
0x67: {  	_ =	shalt  }
0x68: {  	_ =	shalt  }
0x69: {  	_ =	shalt  }
0x6a: {  	_ =	shalt  }
0x6b: {  	_ =	shalt  }
0x6c: {  	_ =	shalt  }
0x6d: {  	_ =	shalt  }
0x6e: {  	_ =	shalt  }
0x6f: {  	_ =	shalt  }
0x70: {  	_ =	shalt  }
0x71: {  	_ =	shalt  }
0x72: {  	_ =	shalt  }
0x73: {  	_ =	shalt  }
0x74: {  	_ =	shalt  }
0x75: {  	_ =	shalt  }
0x76: {  	_ =	shalt  }
0x77: {  	_ =	shalt  }
0x78: {  	_ =	shalt  }
0x79: {  	_ =	shalt  }
0x7a: {  	_ =	shalt  }
0x7b: {  	_ =	shalt  }
0x7c: {  	_ =	shalt  }
0x7d: {  	_ =	shalt  }
0x7e: {  	_ =	shalt  }
0x7f: {  	_ =	shalt  }
0x80: {  	_ =	shalt  }
0x81: {  	_ =	shalt  }
0x82: {  	_ =	shalt  }
0x83: {  	_ =	shalt  }
0x84: {  	_ =	shalt  }
0x85: {  	_ =	shalt  }
0x86: {  	_ =	shalt  }
0x87: {  	_ =	shalt  }
.Lfunc_end0:
.L_simem_size_0:
called_computation.3_lowered:
.L_overlay_start_0:
0x88: {  	s2 =	sld [smem:$0x3FD9]  }
0x89: {  	s3 =	sld [smem:$0x3FFE];
	_ =	sdelay $0x1  }
0x8a: {  	s1 =	srdreg.scid  }
0x8b: {  	s0 =	sand.u32 $0x1, s1  }
0x8c: {  	s17 =	sshll.u32 s0, $0xA;
	s2 =	sadd.s32 s3, s2  }
0x8d: {  	s2 =	sadd.s32 s2, s17  }
0x8e: {  	[smem:$0x3FB2] =	sst s2  }
0x8f: {  	_ = 	snop  }
0x90: {  	(tm) =	ssettm $0x1  }
0x91: {  	s18 =	sld [smem:$0x3FFB];
	_ =	sdelay $0x3  }
0x92: {  	_ =	strace s18  }
0x93: {  	s2 =	sld [smem:$0x3FFC];
	_ =	sdelay $0x3  }
0x94: {  	_ =	strace s2  }
0x95: {  	s2 =	sld [smem:$0x3FFD];
	_ =	sdelay $0x3  }
0x96: {  	_ =	strace s2  }
0x97: {  	_ =	strace $0x8FFFFFFF  }
0x98: {  	s19 =	sld [smem:$0x3FDB];
	_ =	sdelay $0x1  }
0x99: {  	s20 =	simm.s32 $_scs_section_size  }
0x9a: {  	s4 =	simm.s32 $_size__tile_overlayer_lowered;
	s5 =	simm.s32 $_tile_overlayer_lowered  }
0x9b: {  	s6 =	simm.s32 $0x1BFF;
	s21 =	sshll.u32 s5, $0x1;
	s3 =	sadd.s32 s20, s19  }
0x9c: {  	s22 =	simm.s32 $0x0;
	s4 =	sshll.u32 s4, $0x1;
	s5 =	sadd.s32 s21, s3  }
0x9d: {  	[timem:s22], [sflag:s6] =	dma.local [hbm:s5], s4  }
0x9e: {  	_ =	swait.ge [sflag:s6], s4  }
0x9f: {  	s4 =	ssub.s32 $0x0, s4;
	[sflag:s6] =	ssyncset.done $0x0  }
0xa0: {  	[sflag:s6] =	ssyncadd.s32 s4;
	_ =	sdelay $0x1  }
0xa1: {  	s23 =	simm.s32 $0x1B8B  }
0xa2: {  	_ =	swait.ge [sflag:s23], $0x1  }
0xa3: {  	[sflag:s23] =	ssyncset.done $0x0  }
0xa4: {  	[sflag:s23] =	ssyncadd.s32 $0xFFFFFFFF  }
0xa5: {  	s4 =	sld [smem:$0x0]  }
0xa6: {  	s5 =	sand.u32 $0xFFFFFFFE, s1  }
0xa7: {  	p0 =	sne.s32 s1, s5  }
0xa8: {  	s5 =	sshll.u32 @p0 s5, $0xE  }
0xa9: {  	s5 =	sadd.s32 @p0 $0x11B8D, s5;
	s6 =	sshll.u32 @p0 s4, $0x11  }
0xaa: {  	s5 =	sor.u32 @p0 s6, s5  }
0xab: {  	[sflag:s5] =	ssyncadd.remote.s32 @p0 $0x1;
	_ =	sdelay $0x1  }
0xac: {  	s5 =	simm.s32 @p0 $0x1B8D  }
0xad: {  	_ =	swait.eq @p0 [sflag:s5], $0x1  }
0xae: {  	[sflag:s5] =	ssyncadd.s32 @p0 $0xFFFFFFFF  }
0xaf: {  	s6 =	sshll.u32 @!p0 s1, $0xE  }
0xb0: {  	s6 =	sor.u32 @!p0 $0x4000, s6;
	s5 =	simm.s32 @!p0 $0x1B8D  }
0xb1: {  	s4 =	sshll.u32 @!p0 s4, $0x11;
	s6 =	sadd.s32 @!p0 $0x11B8D, s6;
	_ =	swait.eq @!p0 [sflag:s5], $0x1  }
0xb2: {  	s4 =	sor.u32 @!p0 s4, s6;
	[sflag:s5] =	ssyncadd.s32 @!p0 $0xFFFFFFFF  }
0xb3: {  	s25 =	simm.s32 $0x1B8E;
	s24 =	sld [smem:$0x3FFE];
	[sflag:s4] =	ssyncadd.remote.s32 @!p0 $0x1  }
0xb4: {  	s26 =	simm.s32 $execute0_lowered;
	[smem:$0x3FD2] =	sst s25  }
0xb5: {  	s5 =	sshll.u32 s26, $0x1;
	_ =	strace $0x80000055;
	[dreg:$0x1] =	wrdreg $0xFFFFFFFF  }
0xb6: {  	s28 =	simm.s32 $_size_execute0_lowered;
	s3 =	sadd.s32 s3, s5;
	[dreg:$0x0] =	wrdreg $0x0  }
0xb7: {  	s5 =	sshll.u32 s28, $0x1;
	[dreg:$0x2] =	wrdreg s3  }
0xb8: {  	[dreg:$0x3] =	wrdreg s5  }
0xb9: {  	[dreg:$0x4] =	wrdreg $0xC0  }
0xba: {  	_ =	task [dreg:s22], $0x5FFFF  }
0xbb: {  	[dreg:$0x1] =	wrdreg $0xFFFFFFFF  }
0xbc: {  	[dreg:$0x0] =	wrdreg $0x60  }
0xbd: {  	[dreg:$0x2] =	wrdreg s24  }
0xbe: {  	[dreg:$0x3] =	wrdreg $0xA  }
0xbf: {  	_ =	task.clear_ibuf [dreg:s22], $0x4FFFF;
	_ =	strace $0x90000055  }
0xc0: {  	s29 =	simm.s32 $0xA;
	_ =	strace $0x80000057  }
0xc1: {  	_ =	swait.ge [sflag:s29], $0x1  }
0xc2: {  	[sflag:s29] =	ssyncadd.s32 $0xFFFFFFFF  }
0xc3: {  	_ =	strace $0x90000057  }
0xc4: {  	_ =	sfence  }
0xc5: {  	s30 =	sld [smem:$0x0];
	_ =	sdelay $0x2  }
0xc6: {  	s31 =	sshll.u32 s1, $0xD;
	s1 =	sshrl.u32 s1, $0x2  }
0xc7: {  	s4 =	sand.u32 $0x4000, s31;
	s1 =	sadd.s32 s1, s30  }
0xc8: {  	s0 =	sor.u32 s4, s0;
	s1 =	sshll.u32 s1, $0x11  }
0xc9: {  	s0 =	sor.u32 s1, s0  }
0xca: {  	s0 =	sadd.s32 $0x8F2B, s0  }
0xcb: {  	[sflag:s0] =	ssyncadd.remote.s32 $0x1  }
0xcc: {  	_ =	sfence.sel $0xFFFF  }
0xcd: {  	[dreg:$0x0] =	wrdreg $0xFFFFFFFF;
	(pc) =	sbr.abs _section_cstart, $3  }
0xce: {  	[dreg:$0x1] =	wrdreg $0xFFFFFFFF  }
0xcf: {  	_ =	task.clear_ibuf [dreg:s22], $0x2FFFF;
	_ =	strace $0x9FFFFFFF  }
0xd0: {  	(tm) =	ssettm $0x7FFFFFFF  }
0xd1: {  	_ =	shalt  }
tec
execute0_lowered:
.L_overlay_start_1:
0x0: {  	(tag) =	ssettag $0x1  }
0x1: {  	s4 =	rddreg [dreg:$0x0]  }
0x2: {  	s0 =	rddreg [dreg:$0x1]  }
0x3: {  	s3 =	srdreg.scid;
	s1 =	stileid.u32;
	s2 =	simm.s32 $0x0  }
0x4: {  	s10 =	simm.s32 $0x1;
	s11 =	simm.s32 $0x0;
	s6 =	smul.u32 $0x2710, s1  }
0x5: {  	s5 =	sand.u32 $0x1, s3;
	[smem:$0x7FF] =	sst s2;
	s8 =	smul.u32 $0x27100, s1  }
0x6: {  	s3 =	sadd.s32 $0x39400, s4;
	s7 =	smul.u32 $0x1388, s5;
	s9 =	ssub.s32 $0x2, s5  }
0x7: {  	_ =	strace $0x80000056;
	s5 =	smul.u32 $0x13880, s5;
	s31 =	sshrl.u32 s9, $0x1  }
0x8: {  	s30 =	sadd.s32 s8, s4;
	s6 =	sadd.s32 s7, s6;
	s8 =	ssub.s32 s9, s31  }
0x9: {  	s5 =	sadd.s32 s5, s30;
	s7 =	simm.s32 $0x2;
	s6 =	sshrl.u32 s6, $0x3  }
0xa: {  	s9 =	simm.s32 $0x100;
	s5 =	sadd.s32 $0x2FB200, s5;
	s6 =	sadd.s32 s6, s4  }
0xb: {  	s4 =	smax.u32 s8, $0x1;
	s8 =	simm.s32 $0xC8;
	s6 =	sadd.s32 $0x7400, s6  }
.LBB2_1:
0xc: {  	s12 =	sadd.s32 $0x0, s6  }
0xd: {  	[tilespmem:s2], [sflag:$0x2] =	stream.linear.gather [hbm4b:s12+s2], $0xC8, $0x38;
	[tilespmem:$0x6500] =	vst v63  }
0xe: {  	_ =	swait.ge [sflag:s7], $0xC8  }
0xf: {  	[sflag:s7] =	ssyncset.done $0x0  }
0x10: {  	[sflag:s7] =	ssyncadd.s32 $0xFFFFFF38  }
0x11: {  	[tilespmem:s9], [sflag:$0x1] =	stream.indirect.gather [hbm4b:s3+s8], $0x80, s2, s8, $0xb8;
	[tilespmem:$0x6500] =	vst v63  }
0x12: {  	_ =	swait.ge [sflag:s10], $0x6400  }
0x13: {  	[sflag:s10] =	ssyncset.done $0x0  }
0x14: {  	[sflag:s10] =	ssyncadd.s32 $0xFFFF9C00  }
0x15: {  	[hbm4b:s5+s2] =	stream.linear.scatter [tilespmem:s9], [sflag:$0x2], $0x6400, $0x38;
	[tilespmem:$0x6500] =	vst v63  }
0x16: {  	s13 =	simm.s32 $0x19;
	_ =	swait.ge [sflag:s7], $0x6400  }
0x17: {  	s14 =	simm.s32 $0x32;
	s12 =	sadd.s32 $0xC80, s5;
	[sflag:s7] =	ssyncset.done $0x0  }
.LBB2_2:
0x18: {  	s15 =	sadd.s32 s13, s6  }
0x19: {  	[sflag:s7] =	ssyncadd.s32 $0xFFFF9C00;
	s13 =	smov.u32 s14;
	s16 =	sadd.s32 $0x19, s14  }
0x1a: {  	[tilespmem:s2], [sflag:$0x2] =	stream.linear.gather [hbm4b:s15+s2], $0xC8, $0x38;
	[tilespmem:$0x6500] =	vst v63  }
0x1b: {  	p0 =	sne.s32 s14, $0x258;
	_ =	swait.ge [sflag:s7], $0xC8  }
0x1c: {  	[sflag:s7] =	ssyncset.done $0x0  }
0x1d: {  	[sflag:s7] =	ssyncadd.s32 $0xFFFFFF38  }
0x1e: {  	[tilespmem:s9], [sflag:$0x1] =	stream.indirect.gather [hbm4b:s3+s8], $0x80, s2, s8, $0xb8;
	[tilespmem:$0x6500] =	vst v63  }
0x1f: {  	_ =	swait.ge [sflag:s10], $0x6400  }
.Ltmp0:
0x20: {  	[sflag:s10] =	ssyncset.done $0x0;
	(pc) =	sbr.rel @p0 .LBB2_2-.Ltmp0, $4  }
0x21: {  	[sflag:s10] =	ssyncadd.s32 $0xFFFF9C00  }
0x22: {  	[hbm4b:s12+s2] =	stream.linear.scatter [tilespmem:s9], [sflag:$0x2], $0x6400, $0x38;
	[tilespmem:$0x6500] =	vst v63  }
0x23: {  	_ =	swait.ge [sflag:s7], $0x6400  }
0x24: {  	s14 =	smov.u32 s16;
	s12 =	sadd.s32 $0xC80, s12;
	[sflag:s7] =	ssyncset.done $0x0  }
0x25: {  	s13 =	sadd.s32 s13, s6;
	[sflag:s7] =	ssyncadd.s32 $0xFFFF9C00  }
0x26: {  	[tilespmem:s2], [sflag:$0x2] =	stream.linear.gather [hbm4b:s13+s2], $0xC8, $0x38;
	[tilespmem:$0x6500] =	vst v63  }
0x27: {  	_ =	swait.ge [sflag:s7], $0xC8  }
0x28: {  	[sflag:s7] =	ssyncset.done $0x0  }
0x29: {  	[sflag:s7] =	ssyncadd.s32 $0xFFFFFF38  }
0x2a: {  	[tilespmem:s9], [sflag:$0x1] =	stream.indirect.gather [hbm4b:s3+s8], $0x80, s2, s8, $0xb8;
	[tilespmem:$0x6500] =	vst v63  }
0x2b: {  	s11 =	sadd.s32 $0x1, s11;
	_ =	swait.ge [sflag:s10], $0x6400  }
0x2c: {  	p0 =	sne.s32 s11, s4;
	[sflag:s10] =	ssyncset.done $0x0  }
.Ltmp1:
0x2d: {  	[sflag:s10] =	ssyncadd.s32 $0xFFFF9C00;
	(pc) =	sbr.rel @p0 .LBB2_1-.Ltmp1, $4  }
0x2e: {  	[hbm4b:s12+s2] =	stream.linear.scatter [tilespmem:s9], [sflag:$0x2], $0x6400, $0x38;
	[tilespmem:$0x6500] =	vst v63  }
0x2f: {  	_ =	swait.ge [sflag:s7], $0x6400  }
0x30: {  	[sflag:s7] =	ssyncset.done $0x0  }
0x31: {  	[sflag:s7] =	ssyncadd.s32 $0xFFFF9C00  }
0x32: {  	_ =	sfence.sel $0x180000  }
0x33: {  	[bflag:$0x0] =	sbarrier.arrive $0xFFFF  }
0x34: {  	p0 =	sne.s32 s1, $0x0;
	_ =	strace $0x90000056  }
0x35: {  	s0 =	sadd.s32 @!p0 $0x100000, s0;
	[bflag:$0x2] =	sbarrier.arrive $0xFFFF  }
0x36: {  	[sflag:s0] =	ssyncadd.tile.s32 @!p0 $0x1;
	_ =	shalt  }
.Lfunc_end2:
_tile_overlayer_lowered:
.L_overlay_start_2:
0x37: {  	(tag) =	ssettag $0x2  }
0x38: {  	s0 =	rddreg [dreg:$0x0];
	s2 =	stileid.u32  }
0x39: {  	s1 =	rddreg [dreg:$0x1];
	p0 =	sne.s32 s2, $0x0  }
0x3a: {  	s3 =	rddreg [dreg:$0x2];
	[bflag:$0x3] =	sbarrier.arrive $0xFFFF;
	s2 =	simm.s32 @!p0 $0x1C02  }
0x3b: {  	[timem:s3], [sflag:s2] =	dma.local @!p0 [hbm:s0], s1  }
0x3c: {  	s0 =	simm.s32 @!p0 $0x2  }
0x3d: {  	_ =	swait.ge @!p0 [sflag:s0], s1  }
0x3e: {  	s1 =	ssub.s32 @!p0 $0x0, s1;
	[sflag:s0] =	ssyncset.done @!p0 $0x0  }
0x3f: {  	[sflag:s0] =	ssyncadd.s32 @!p0 s1  }
0x40: {  	[bflag:$0x3] =	sbarrier.arrive $0xFFFF  }
0x41: {  	_ =	shalt  }

// kernel: kernel.62.cloned.1.call-start
scs
__scs_entry_jumppad:
0x0: {  	(pc) =	sbr.rel $0x88, $3  }
0x1: {  	(tag) =	ssettag $0x0;
	lr =	simm.s32 $0x1  }
0x2: {  	[smem:$0x3F8B] =	sst lr;
	_ =	strace $0xD0000000  }
0x3: {  	_ = 	snop  }
0x4: {  	_ = 	snop  }
0x5: {  	_ = 	snop  }
0x6: {  	_ = 	snop  }
0x7: {  	_ = 	snop  }
__scs_overlays_trampoline_lowered:
0x8: {  	[smem:$0x3F9A] =	sst s0  }
0x9: {  	[smem:$0x3F9B] =	sst s1  }
0xa: {  	[smem:$0x3F9C] =	sst s2  }
0xb: {  	[smem:$0x3F9D] =	sst s3  }
0xc: {  	[smem:$0x3F9E] =	sst s4  }
0xd: {  	[smem:$0x3F9F] =	sst s5  }
0xe: {  	[smem:$0x3FA0] =	sst s6  }
0xf: {  	[smem:$0x3FA1] =	sst s7  }
0x10: {  	[smem:$0x3FA2] =	sst s8  }
0x11: {  	[smem:$0x3FA3] =	sst s9;
	s0 =	simm.s32 @!p0 $0x0  }
0x12: {  	s1 =	sld [smem:$0x3F89];
	s0 =	simm.s32 @p0 $0x1  }
0x13: {  	[smem:$0x3FA4] =	sst s0;
	s0 =	simm.s32 @!p1 $0x0  }
0x14: {  	s2 =	sld [smem:$0x3F88];
	s0 =	simm.s32 @p1 $0x1  }
0x15: {  	[smem:$0x3FA5] =	sst s0;
	s0 =	simm.s32 @!p2 $0x0  }
0x16: {  	s3 =	sld [smem:$0x3FDB];
	s0 =	simm.s32 @p2 $0x1  }
0x17: {  	s4 =	simm.s32 $0x1BF5;
	[smem:$0x3FA7] =	sst s0  }
0x18: {  	s0 =	sld [smem:$0x3F8A];
	_ =	swait.ge [sflag:s4], $0x0  }
0x19: {  	s7 =	sld [smem:$0x3F8B]  }
0x1a: {  	s8 =	sadd.s32 $0xFFFFE003, lr  }
0x1b: {  	s9 =	sadd.s32 $0xFFFFFEF7, lr;
	s5 =	simm.s32 $0xFFFFFFFF;
	p2 =	slt.u32 s8, $0xFFFFF086  }
0x1c: {  	p1 =	slt.u32 s9, $0xF7A;
	s5 =	simm.s32 @!p2 $0x0  }
0x1d: {  	s5 =	simm.s32 @p1 $0x1;
	p0 =	seq.s32 s7, s2  }
0x1e: {  	s7 =	smul.u32 @!p0 $0xF7A, s2;
	p2 =	seq.s32 @!p0 s5, $0x0  }
0x1f: {  	s9 =	smul.u32 $0xF7A, s1;
	s8 =	simm.s32 @!p0 $0x1BF5;
	p2 =	por !p2, p0  }
0x20: {  	[sflag:s8] =	ssyncset.s32 @!p0 $0xFFFFF086;
	s6 =	sadd.s32 @!p0 s3, s7;
	s7 =	simm.s32 @!p0 $0x108  }
0x21: {  	s3 =	sadd.s32 s3, s9;
	s6 =	sadd.s32 @!p0 $0x88, s6;
	s7 =	simm.s32 @p2 $0x1082  }
0x22: {  	[simem:s7], [sflag:s8] =	dma.local @!p0 [hbm:s6], $0xF7A  }
0x23: {  	s9 =	sor.u32 $0xD0000000, s2;
	s6 =	simm.s32 $0x108;
	_ =	swait.ge @!p0 [sflag:s8], $0x0  }
0x24: {  	s3 =	sadd.s32 $0x88, s3;
	s6 =	simm.s32 @!p1 $0x1082;
	[sflag:s4] =	ssyncset.s32 $0xFFFFF086  }
0x25: {  	[simem:s6], [sflag:s4] =	dma.local [hbm:s3], $0xF7A  }
0x26: {  	[smem:$0x3F8B] =	sst s1;
	(tag) =	ssettag s2;
	_ =	strace s9  }
0x27: {  	s1 =	sld [smem:$0x3F9B]  }
0x28: {  	s2 =	sld [smem:$0x3F9C]  }
0x29: {  	s4 =	sld [smem:$0x3F9E]  }
0x2a: {  	p0 =	seq.s32 s5, $0x0;
	s5 =	sld [smem:$0x3F9F]  }
0x2b: {  	s6 =	sld [smem:$0x3FA0]  }
0x2c: {  	s7 =	sld [smem:$0x3FA1]  }
0x2d: {  	s3 =	simm.s32 $0x108;
	s8 =	sld [smem:$0x3FA2]  }
0x2e: {  	s3 =	simm.s32 @!p0 $0x1082;
	s9 =	sld [smem:$0x3FA3]  }
0x2f: {  	lr =	sadd.s32 s0, s3;
	s0 =	sld [smem:$0x3F9A]  }
0x30: {  	s3 =	sld [smem:$0x3F9D]  }
0x31: {  	[smem:$0x3FA6] =	sst s10  }
0x32: {  	s10 =	sld [smem:$0x3FA4];
	_ =	sdelay $0x3  }
0x33: {  	p0 =	seq.s32 s10, $0x1;
	s10 =	sld [smem:$0x3FA6];
	_ =	sdelay $0x3  }
0x34: {  	[smem:$0x3FA6] =	sst s10  }
0x35: {  	s10 =	sld [smem:$0x3FA5];
	_ =	sdelay $0x3  }
0x36: {  	p1 =	seq.s32 s10, $0x1;
	s10 =	sld [smem:$0x3FA6];
	_ =	sdelay $0x3  }
0x37: {  	[smem:$0x3FA6] =	sst s10  }
0x38: {  	s10 =	sld [smem:$0x3FA7]  }
0x39: {  	_ = 	snop;
	(pc) =	sbr.ind lr, $3  }
0x3a: {  	_ = 	snop  }
0x3b: {  	_ = 	snop  }
0x3c: {  	p2 =	seq.s32 s10, $0x1;
	s10 =	sld [smem:$0x3FA6]  }
0x3d: {  	_ =	shalt  }
0x3e: {  	_ =	shalt  }
0x3f: {  	_ =	shalt  }
0x40: {  	_ =	shalt  }
0x41: {  	_ =	shalt  }
0x42: {  	_ =	shalt  }
0x43: {  	_ =	shalt  }
0x44: {  	_ =	shalt  }
0x45: {  	_ =	shalt  }
0x46: {  	_ =	shalt  }
0x47: {  	_ =	shalt  }
0x48: {  	_ =	shalt  }
0x49: {  	_ =	shalt  }
0x4a: {  	_ =	shalt  }
0x4b: {  	_ =	shalt  }
0x4c: {  	_ =	shalt  }
0x4d: {  	_ =	shalt  }
0x4e: {  	_ =	shalt  }
0x4f: {  	_ =	shalt  }
0x50: {  	_ =	shalt  }
0x51: {  	_ =	shalt  }
0x52: {  	_ =	shalt  }
0x53: {  	_ =	shalt  }
0x54: {  	_ =	shalt  }
0x55: {  	_ =	shalt  }
0x56: {  	_ =	shalt  }
0x57: {  	_ =	shalt  }
0x58: {  	_ =	shalt  }
0x59: {  	_ =	shalt  }
0x5a: {  	_ =	shalt  }
0x5b: {  	_ =	shalt  }
0x5c: {  	_ =	shalt  }
0x5d: {  	_ =	shalt  }
0x5e: {  	_ =	shalt  }
0x5f: {  	_ =	shalt  }
0x60: {  	_ =	shalt  }
0x61: {  	_ =	shalt  }
0x62: {  	_ =	shalt  }
0x63: {  	_ =	shalt  }
0x64: {  	_ =	shalt  }
0x65: {  	_ =	shalt  }
0x66: {  	_ =	shalt  }
0x67: {  	_ =	shalt  }
0x68: {  	_ =	shalt  }
0x69: {  	_ =	shalt  }
0x6a: {  	_ =	shalt  }
0x6b: {  	_ =	shalt  }
0x6c: {  	_ =	shalt  }
0x6d: {  	_ =	shalt  }
0x6e: {  	_ =	shalt  }
0x6f: {  	_ =	shalt  }
0x70: {  	_ =	shalt  }
0x71: {  	_ =	shalt  }
0x72: {  	_ =	shalt  }
0x73: {  	_ =	shalt  }
0x74: {  	_ =	shalt  }
0x75: {  	_ =	shalt  }
0x76: {  	_ =	shalt  }
0x77: {  	_ =	shalt  }
0x78: {  	_ =	shalt  }
0x79: {  	_ =	shalt  }
0x7a: {  	_ =	shalt  }
0x7b: {  	_ =	shalt  }
0x7c: {  	_ =	shalt  }
0x7d: {  	_ =	shalt  }
0x7e: {  	_ =	shalt  }
0x7f: {  	_ =	shalt  }
0x80: {  	_ =	shalt  }
0x81: {  	_ =	shalt  }
0x82: {  	_ =	shalt  }
0x83: {  	_ =	shalt  }
0x84: {  	_ =	shalt  }
0x85: {  	_ =	shalt  }
0x86: {  	_ =	shalt  }
0x87: {  	_ =	shalt  }
.Lfunc_end0:
.L_simem_size_0:
called_computation.4_lowered:
.L_overlay_start_0:
0x88: {  	s2 =	sld [smem:$0x3FD9]  }
0x89: {  	s3 =	sld [smem:$0x3FFE];
	_ =	sdelay $0x1  }
0x8a: {  	s1 =	srdreg.scid  }
0x8b: {  	s0 =	sand.u32 $0x1, s1  }
0x8c: {  	s17 =	sshll.u32 s0, $0xA;
	s2 =	sadd.s32 s3, s2  }
0x8d: {  	s2 =	sadd.s32 s2, s17  }
0x8e: {  	[smem:$0x3FB2] =	sst s2  }
0x8f: {  	_ = 	snop  }
0x90: {  	(tm) =	ssettm $0x1  }
0x91: {  	s18 =	sld [smem:$0x3FFB];
	_ =	sdelay $0x3  }
0x92: {  	_ =	strace s18  }
0x93: {  	s2 =	sld [smem:$0x3FFC];
	_ =	sdelay $0x3  }
0x94: {  	_ =	strace s2  }
0x95: {  	s2 =	sld [smem:$0x3FFD];
	_ =	sdelay $0x3  }
0x96: {  	_ =	strace s2  }
0x97: {  	_ =	strace $0x8FFFFFFF  }
0x98: {  	s19 =	sld [smem:$0x3FDB];
	_ =	sdelay $0x1  }
0x99: {  	s20 =	simm.s32 $_scs_section_size  }
0x9a: {  	s4 =	simm.s32 $_size__tile_overlayer_lowered;
	s5 =	simm.s32 $_tile_overlayer_lowered  }
0x9b: {  	s6 =	simm.s32 $0x1BFF;
	s21 =	sshll.u32 s5, $0x1;
	s3 =	sadd.s32 s20, s19  }
0x9c: {  	s22 =	simm.s32 $0x0;
	s4 =	sshll.u32 s4, $0x1;
	s5 =	sadd.s32 s21, s3  }
0x9d: {  	[timem:s22], [sflag:s6] =	dma.local [hbm:s5], s4  }
0x9e: {  	_ =	swait.ge [sflag:s6], s4  }
0x9f: {  	s4 =	ssub.s32 $0x0, s4;
	[sflag:s6] =	ssyncset.done $0x0  }
0xa0: {  	[sflag:s6] =	ssyncadd.s32 s4;
	_ =	sdelay $0x1  }
0xa1: {  	s23 =	simm.s32 $0x1B8B  }
0xa2: {  	_ =	swait.ge [sflag:s23], $0x1  }
0xa3: {  	[sflag:s23] =	ssyncset.done $0x0  }
0xa4: {  	[sflag:s23] =	ssyncadd.s32 $0xFFFFFFFF  }
0xa5: {  	s4 =	sld [smem:$0x0]  }
0xa6: {  	s5 =	sand.u32 $0xFFFFFFFE, s1  }
0xa7: {  	p0 =	sne.s32 s1, s5  }
0xa8: {  	s5 =	sshll.u32 @p0 s5, $0xE  }
0xa9: {  	s5 =	sadd.s32 @p0 $0x11B8D, s5;
	s6 =	sshll.u32 @p0 s4, $0x11  }
0xaa: {  	s5 =	sor.u32 @p0 s6, s5  }
0xab: {  	[sflag:s5] =	ssyncadd.remote.s32 @p0 $0x1;
	_ =	sdelay $0x1  }
0xac: {  	s5 =	simm.s32 @p0 $0x1B8D  }
0xad: {  	_ =	swait.eq @p0 [sflag:s5], $0x1  }
0xae: {  	[sflag:s5] =	ssyncadd.s32 @p0 $0xFFFFFFFF  }
0xaf: {  	s6 =	sshll.u32 @!p0 s1, $0xE  }
0xb0: {  	s6 =	sor.u32 @!p0 $0x4000, s6;
	s5 =	simm.s32 @!p0 $0x1B8D  }
0xb1: {  	s4 =	sshll.u32 @!p0 s4, $0x11;
	s6 =	sadd.s32 @!p0 $0x11B8D, s6;
	_ =	swait.eq @!p0 [sflag:s5], $0x1  }
0xb2: {  	s4 =	sor.u32 @!p0 s4, s6;
	[sflag:s5] =	ssyncadd.s32 @!p0 $0xFFFFFFFF  }
0xb3: {  	s25 =	simm.s32 $0x1B8E;
	s24 =	sld [smem:$0x3FFE];
	[sflag:s4] =	ssyncadd.remote.s32 @!p0 $0x1  }
0xb4: {  	s26 =	simm.s32 $execute0_lowered;
	[smem:$0x3FD2] =	sst s25  }
0xb5: {  	s5 =	sshll.u32 s26, $0x1;
	_ =	strace $0x8000005E;
	[dreg:$0x1] =	wrdreg $0xFFFFFFFF  }
0xb6: {  	s28 =	simm.s32 $_size_execute0_lowered;
	s3 =	sadd.s32 s3, s5;
	[dreg:$0x0] =	wrdreg $0x0  }
0xb7: {  	s5 =	sshll.u32 s28, $0x1;
	[dreg:$0x2] =	wrdreg s3  }
0xb8: {  	[dreg:$0x3] =	wrdreg s5  }
0xb9: {  	[dreg:$0x4] =	wrdreg $0xC0  }
0xba: {  	_ =	task [dreg:s22], $0x5FFFF  }
0xbb: {  	[dreg:$0x1] =	wrdreg $0xFFFFFFFF  }
0xbc: {  	[dreg:$0x0] =	wrdreg $0x60  }
0xbd: {  	[dreg:$0x2] =	wrdreg s24  }
0xbe: {  	[dreg:$0x3] =	wrdreg $0x9  }
0xbf: {  	_ =	task.clear_ibuf [dreg:s22], $0x4FFFF;
	_ =	strace $0x9000005E  }
0xc0: {  	s29 =	simm.s32 $0x9;
	_ =	strace $0x80000060  }
0xc1: {  	_ =	swait.ge [sflag:s29], $0x1  }
0xc2: {  	[sflag:s29] =	ssyncadd.s32 $0xFFFFFFFF  }
0xc3: {  	_ =	strace $0x90000060  }
0xc4: {  	_ =	sfence  }
0xc5: {  	s30 =	sld [smem:$0x0];
	_ =	sdelay $0x2  }
0xc6: {  	s31 =	sshll.u32 s1, $0xD;
	s1 =	sshrl.u32 s1, $0x2  }
0xc7: {  	s4 =	sand.u32 $0x4000, s31;
	s1 =	sadd.s32 s1, s30  }
0xc8: {  	s0 =	sor.u32 s4, s0;
	s1 =	sshll.u32 s1, $0x11  }
0xc9: {  	s0 =	sor.u32 s1, s0  }
0xca: {  	s0 =	sadd.s32 $0x8F2B, s0  }
0xcb: {  	[sflag:s0] =	ssyncadd.remote.s32 $0x1  }
0xcc: {  	_ =	sfence.sel $0xFFFF  }
0xcd: {  	[dreg:$0x0] =	wrdreg $0xFFFFFFFF;
	(pc) =	sbr.abs _section_cstart, $3  }
0xce: {  	[dreg:$0x1] =	wrdreg $0xFFFFFFFF  }
0xcf: {  	_ =	task.clear_ibuf [dreg:s22], $0x2FFFF;
	_ =	strace $0x9FFFFFFF  }
0xd0: {  	(tm) =	ssettm $0x7FFFFFFF  }
0xd1: {  	_ =	shalt  }
tec
execute0_lowered:
.L_overlay_start_1:
0x0: {  	(tag) =	ssettag $0x1  }
0x1: {  	s1 =	srdreg.scid  }
0x2: {  	s1 =	sand.u32 $0x1, s1  }
0x3: {  	p0 =	seq.s32 s1, $0x1  }
.Ltmp0:
0x4: {  	_ = 	snop;
	(pc) =	sbr.rel @p0 .LBB2_2-.Ltmp0, $4  }
0x5: {  	_ = 	snop  }
0x6: {  	s3 =	rddreg [dreg:$0x0];
	s2 =	simm.s32 $0x0  }
0x7: {  	[smem:$0x7FF] =	sst s2  }
0x8: {  	s0 =	rddreg [dreg:$0x1];
	_ =	strace $0x8000005F;
	s1 =	stileid.u32  }
0x9: {  	s4 =	smul.u32 $0x19, s1  }
0xa: {  	s5 =	sadd.s32 $0x62000, s3  }
0xb: {  	s4 =	sadd.s32 s5, s4  }
0xc: {  	[tilespmem:s2], [sflag:$0x2] =	stream.linear.gather [hbm4b:s4+s2], $0xC8, $0x38;
	[tilespmem:$0xC900] =	vst v63  }
0xd: {  	s4 =	simm.s32 $0x2  }
0xe: {  	_ =	swait.ge [sflag:s4], $0xC8  }
0xf: {  	[sflag:s4] =	ssyncset.done $0x0  }
0x10: {  	[sflag:s4] =	ssyncadd.s32 $0xFFFFFF38  }
0x11: {  	v0 =	vld [tilespmem:$0x0];
	_ =	sdelay $0x4  }
0x12: {  	v1 =	vshll.u32 v0, $0x1  }
0x13: {  	v2 =	vlaneseq.u32;
	v0 =	vand.u32 $0x7, v0;
	v1 =	vand.u32 $0xFFFFFFF0, v1  }
0x14: {  	v50 =	vand.u32 $0x7, v2;
	v51 =	vshrl.u32 v2, $0x3;
	v3 =	vor.u32 v0, v1  }
0x15: {  	v1 =	vmul.u32 $0x8, v51;
	v4 =	vperm.xlane v3, v50  }
0x16: {  	v2 =	vor.u32 $0x8, v2  }
0x17: {  	v3 =	vperm.xlane v3, v2;
	v4 =	vadd.s32 v1, v4;
	_ =	sdelay $0x1  }
0x18: {  	v3 =	vadd.s32 v1, v3;
	_ =	sdelay $0x1  }
0x19: {  	s6 =	sadd.s32 $0x7400, s3;
	vm0 =	vmmov $0xffff;
	s5 =	simm.s32 $0x100  }
0x1a: {  	[tilespmem:s5], [sflag:$0x1] =	stream.indirect_vreg.gather [hbm4b:s6+s2], $0x80, v4, vm0, $0xb8;
	[tilespmem:$0xC900] =	vst v63  }
0x1b: {  	s7 =	simm.s32 $0x900  }
0x1c: {  	[tilespmem:s7], [sflag:$0x1] =	stream.indirect_vreg.gather [hbm4b:s6+s2], $0x80, v3, vm0, $0xb8;
	[tilespmem:$0xC900] =	vst v63  }
0x1d: {  	v3 =	vld [tilespmem:$0x10];
	_ =	sdelay $0x4  }
0x1e: {  	v52 =	vshll.u32 v3, $0x1  }
0x1f: {  	v3 =	vand.u32 $0x7, v3;
	v4 =	vand.u32 $0xFFFFFFF0, v52  }
0x20: {  	v3 =	vor.u32 v3, v4  }
0x21: {  	v4 =	vperm.xlane v3, v50;
	_ =	sdelay $0x1  }
0x22: {  	v3 =	vperm.xlane v3, v2;
	v4 =	vadd.s32 v1, v4;
	_ =	sdelay $0x1  }
0x23: {  	v3 =	vadd.s32 v1, v3;
	_ =	sdelay $0x1  }
0x24: {  	s29 =	simm.s32 $0x1100  }
0x25: {  	[tilespmem:s29], [sflag:$0x1] =	stream.indirect_vreg.gather [hbm4b:s6+s2], $0x80, v4, vm0, $0xb8;
	[tilespmem:$0xC900] =	vst v63  }
0x26: {  	s30 =	simm.s32 $0x1900  }
0x27: {  	[tilespmem:s30], [sflag:$0x1] =	stream.indirect_vreg.gather [hbm4b:s6+s2], $0x80, v3, vm0, $0xb8;
	[tilespmem:$0xC900] =	vst v63  }
0x28: {  	v3 =	vld [tilespmem:$0x20];
	_ =	sdelay $0x4  }
0x29: {  	v53 =	vshll.u32 v3, $0x1  }
0x2a: {  	v3 =	vand.u32 $0x7, v3;
	v4 =	vand.u32 $0xFFFFFFF0, v53  }
0x2b: {  	v3 =	vor.u32 v3, v4  }
0x2c: {  	v4 =	vperm.xlane v3, v50;
	_ =	sdelay $0x1  }
0x2d: {  	v3 =	vperm.xlane v3, v2;
	v4 =	vadd.s32 v1, v4;
	_ =	sdelay $0x1  }
0x2e: {  	v3 =	vadd.s32 v1, v3;
	_ =	sdelay $0x1  }
0x2f: {  	s31 =	simm.s32 $0x2100  }
0x30: {  	[tilespmem:s31], [sflag:$0x1] =	stream.indirect_vreg.gather [hbm4b:s6+s2], $0x80, v4, vm0, $0xb8;
	[tilespmem:$0xC900] =	vst v63  }
0x31: {  	s8 =	simm.s32 $0x2900  }
0x32: {  	[tilespmem:s8], [sflag:$0x1] =	stream.indirect_vreg.gather [hbm4b:s6+s2], $0x80, v3, vm0, $0xb8;
	[tilespmem:$0xC900] =	vst v63  }
0x33: {  	v3 =	vld [tilespmem:$0x30];
	_ =	sdelay $0x4  }
0x34: {  	v54 =	vshll.u32 v3, $0x1  }
0x35: {  	v3 =	vand.u32 $0x7, v3;
	v4 =	vand.u32 $0xFFFFFFF0, v54  }
0x36: {  	v3 =	vor.u32 v3, v4  }
0x37: {  	v4 =	vperm.xlane v3, v50;
	_ =	sdelay $0x1  }
0x38: {  	v3 =	vperm.xlane v3, v2;
	v4 =	vadd.s32 v1, v4;
	_ =	sdelay $0x1  }
0x39: {  	v3 =	vadd.s32 v1, v3;
	_ =	sdelay $0x1  }
0x3a: {  	s9 =	simm.s32 $0x3100  }
0x3b: {  	[tilespmem:s9], [sflag:$0x1] =	stream.indirect_vreg.gather [hbm4b:s6+s2], $0x80, v4, vm0, $0xb8;
	[tilespmem:$0xC900] =	vst v63  }
0x3c: {  	s10 =	simm.s32 $0x3900  }
0x3d: {  	[tilespmem:s10], [sflag:$0x1] =	stream.indirect_vreg.gather [hbm4b:s6+s2], $0x80, v3, vm0, $0xb8;
	[tilespmem:$0xC900] =	vst v63  }
0x3e: {  	v3 =	vld [tilespmem:$0x40];
	_ =	sdelay $0x4  }
0x3f: {  	v55 =	vshll.u32 v3, $0x1  }
0x40: {  	v3 =	vand.u32 $0x7, v3;
	v4 =	vand.u32 $0xFFFFFFF0, v55  }
0x41: {  	v3 =	vor.u32 v3, v4  }
0x42: {  	v4 =	vperm.xlane v3, v50;
	_ =	sdelay $0x1  }
0x43: {  	v3 =	vperm.xlane v3, v2;
	v4 =	vadd.s32 v1, v4;
	_ =	sdelay $0x1  }
0x44: {  	v3 =	vadd.s32 v1, v3;
	_ =	sdelay $0x1  }
0x45: {  	s11 =	simm.s32 $0x4100  }
0x46: {  	[tilespmem:s11], [sflag:$0x1] =	stream.indirect_vreg.gather [hbm4b:s6+s2], $0x80, v4, vm0, $0xb8;
	[tilespmem:$0xC900] =	vst v63  }
0x47: {  	s12 =	simm.s32 $0x4900  }
0x48: {  	[tilespmem:s12], [sflag:$0x1] =	stream.indirect_vreg.gather [hbm4b:s6+s2], $0x80, v3, vm0, $0xb8;
	[tilespmem:$0xC900] =	vst v63  }
0x49: {  	v3 =	vld [tilespmem:$0x50];
	_ =	sdelay $0x4  }
0x4a: {  	v56 =	vshll.u32 v3, $0x1  }
0x4b: {  	v3 =	vand.u32 $0x7, v3;
	v4 =	vand.u32 $0xFFFFFFF0, v56  }
0x4c: {  	v3 =	vor.u32 v3, v4  }
0x4d: {  	v4 =	vperm.xlane v3, v50;
	_ =	sdelay $0x1  }
0x4e: {  	v3 =	vperm.xlane v3, v2;
	v4 =	vadd.s32 v1, v4;
	_ =	sdelay $0x1  }
0x4f: {  	v3 =	vadd.s32 v1, v3;
	_ =	sdelay $0x1  }
0x50: {  	s13 =	simm.s32 $0x5100  }
0x51: {  	[tilespmem:s13], [sflag:$0x1] =	stream.indirect_vreg.gather [hbm4b:s6+s2], $0x80, v4, vm0, $0xb8;
	[tilespmem:$0xC900] =	vst v63  }
0x52: {  	s14 =	simm.s32 $0x5900  }
0x53: {  	[tilespmem:s14], [sflag:$0x1] =	stream.indirect_vreg.gather [hbm4b:s6+s2], $0x80, v3, vm0, $0xb8;
	[tilespmem:$0xC900] =	vst v63  }
0x54: {  	v3 =	vld [tilespmem:$0x60];
	_ =	sdelay $0x4  }
0x55: {  	v57 =	vshll.u32 v3, $0x1  }
0x56: {  	v3 =	vand.u32 $0x7, v3;
	v4 =	vand.u32 $0xFFFFFFF0, v57  }
0x57: {  	v3 =	vor.u32 v3, v4  }
0x58: {  	v4 =	vperm.xlane v3, v50;
	_ =	sdelay $0x1  }
0x59: {  	v3 =	vperm.xlane v3, v2;
	v4 =	vadd.s32 v1, v4;
	_ =	sdelay $0x1  }
0x5a: {  	v3 =	vadd.s32 v1, v3;
	_ =	sdelay $0x1  }
0x5b: {  	s15 =	simm.s32 $0x6100  }
0x5c: {  	[tilespmem:s15], [sflag:$0x1] =	stream.indirect_vreg.gather [hbm4b:s6+s2], $0x80, v4, vm0, $0xb8;
	[tilespmem:$0xC900] =	vst v63  }
0x5d: {  	s16 =	simm.s32 $0x6900  }
0x5e: {  	[tilespmem:s16], [sflag:$0x1] =	stream.indirect_vreg.gather [hbm4b:s6+s2], $0x80, v3, vm0, $0xb8;
	[tilespmem:$0xC900] =	vst v63  }
0x5f: {  	v3 =	vld [tilespmem:$0x70];
	_ =	sdelay $0x4  }
0x60: {  	v58 =	vshll.u32 v3, $0x1  }
0x61: {  	v3 =	vand.u32 $0x7, v3;
	v4 =	vand.u32 $0xFFFFFFF0, v58  }
0x62: {  	v3 =	vor.u32 v3, v4  }
0x63: {  	v4 =	vperm.xlane v3, v50;
	_ =	sdelay $0x1  }
0x64: {  	v3 =	vperm.xlane v3, v2;
	v4 =	vadd.s32 v1, v4;
	_ =	sdelay $0x1  }
0x65: {  	v3 =	vadd.s32 v1, v3;
	_ =	sdelay $0x1  }
0x66: {  	s17 =	simm.s32 $0x7100  }
0x67: {  	[tilespmem:s17], [sflag:$0x1] =	stream.indirect_vreg.gather [hbm4b:s6+s2], $0x80, v4, vm0, $0xb8;
	[tilespmem:$0xC900] =	vst v63  }
0x68: {  	s18 =	simm.s32 $0x7900  }
0x69: {  	[tilespmem:s18], [sflag:$0x1] =	stream.indirect_vreg.gather [hbm4b:s6+s2], $0x80, v3, vm0, $0xb8;
	[tilespmem:$0xC900] =	vst v63  }
0x6a: {  	v3 =	vld [tilespmem:$0x80];
	_ =	sdelay $0x4  }
0x6b: {  	v59 =	vshll.u32 v3, $0x1  }
0x6c: {  	v3 =	vand.u32 $0x7, v3;
	v4 =	vand.u32 $0xFFFFFFF0, v59  }
0x6d: {  	v3 =	vor.u32 v3, v4  }
0x6e: {  	v4 =	vperm.xlane v3, v50;
	_ =	sdelay $0x1  }
0x6f: {  	v3 =	vperm.xlane v3, v2;
	v4 =	vadd.s32 v1, v4;
	_ =	sdelay $0x1  }
0x70: {  	v3 =	vadd.s32 v1, v3;
	_ =	sdelay $0x1  }
0x71: {  	s19 =	simm.s32 $0x8100  }
0x72: {  	[tilespmem:s19], [sflag:$0x1] =	stream.indirect_vreg.gather [hbm4b:s6+s2], $0x80, v4, vm0, $0xb8;
	[tilespmem:$0xC900] =	vst v63  }
0x73: {  	s20 =	simm.s32 $0x8900  }
0x74: {  	[tilespmem:s20], [sflag:$0x1] =	stream.indirect_vreg.gather [hbm4b:s6+s2], $0x80, v3, vm0, $0xb8;
	[tilespmem:$0xC900] =	vst v63  }
0x75: {  	v3 =	vld [tilespmem:$0x90];
	_ =	sdelay $0x4  }
0x76: {  	v60 =	vshll.u32 v3, $0x1  }
0x77: {  	v3 =	vand.u32 $0x7, v3;
	v4 =	vand.u32 $0xFFFFFFF0, v60  }
0x78: {  	v3 =	vor.u32 v3, v4  }
0x79: {  	v4 =	vperm.xlane v3, v50;
	_ =	sdelay $0x1  }
0x7a: {  	v3 =	vperm.xlane v3, v2;
	v4 =	vadd.s32 v1, v4;
	_ =	sdelay $0x1  }
0x7b: {  	v3 =	vadd.s32 v1, v3;
	_ =	sdelay $0x1  }
0x7c: {  	s21 =	simm.s32 $0x9100  }
0x7d: {  	[tilespmem:s21], [sflag:$0x1] =	stream.indirect_vreg.gather [hbm4b:s6+s2], $0x80, v4, vm0, $0xb8;
	[tilespmem:$0xC900] =	vst v63  }
0x7e: {  	s22 =	simm.s32 $0x9900  }
0x7f: {  	[tilespmem:s22], [sflag:$0x1] =	stream.indirect_vreg.gather [hbm4b:s6+s2], $0x80, v3, vm0, $0xb8;
	[tilespmem:$0xC900] =	vst v63  }
0x80: {  	v3 =	vld [tilespmem:$0xA0];
	_ =	sdelay $0x4  }
0x81: {  	v61 =	vshll.u32 v3, $0x1  }
0x82: {  	v3 =	vand.u32 $0x7, v3;
	v4 =	vand.u32 $0xFFFFFFF0, v61  }
0x83: {  	v3 =	vor.u32 v3, v4  }
0x84: {  	v4 =	vperm.xlane v3, v50;
	_ =	sdelay $0x1  }
0x85: {  	v3 =	vperm.xlane v3, v2;
	v4 =	vadd.s32 v1, v4;
	_ =	sdelay $0x1  }
0x86: {  	v3 =	vadd.s32 v1, v3;
	_ =	sdelay $0x1  }
0x87: {  	s23 =	simm.s32 $0xA100  }
0x88: {  	[tilespmem:s23], [sflag:$0x1] =	stream.indirect_vreg.gather [hbm4b:s6+s2], $0x80, v4, vm0, $0xb8;
	[tilespmem:$0xC900] =	vst v63  }
0x89: {  	s24 =	simm.s32 $0xA900  }
0x8a: {  	[tilespmem:s24], [sflag:$0x1] =	stream.indirect_vreg.gather [hbm4b:s6+s2], $0x80, v3, vm0, $0xb8;
	[tilespmem:$0xC900] =	vst v63  }
0x8b: {  	v3 =	vld [tilespmem:$0xB0];
	_ =	sdelay $0x4  }
0x8c: {  	v62 =	vshll.u32 v3, $0x1  }
0x8d: {  	v3 =	vand.u32 $0x7, v3;
	v4 =	vand.u32 $0xFFFFFFF0, v62  }
0x8e: {  	v3 =	vor.u32 v3, v4  }
0x8f: {  	v4 =	vperm.xlane v3, v50;
	_ =	sdelay $0x1  }
0x90: {  	v2 =	vperm.xlane v3, v2;
	v4 =	vadd.s32 v1, v4;
	_ =	sdelay $0x1  }
0x91: {  	v2 =	vadd.s32 v1, v2;
	_ =	sdelay $0x1  }
0x92: {  	s25 =	simm.s32 $0xB100  }
0x93: {  	[tilespmem:s25], [sflag:$0x1] =	stream.indirect_vreg.gather [hbm4b:s6+s2], $0x80, v4, vm0, $0xb8;
	[tilespmem:$0xC900] =	vst v63  }
0x94: {  	s26 =	simm.s32 $0xB900  }
0x95: {  	[tilespmem:s26], [sflag:$0x1] =	stream.indirect_vreg.gather [hbm4b:s6+s2], $0x80, v2, vm0, $0xb8;
	[tilespmem:$0xC900] =	vst v63  }
0x96: {  	v2 =	vld.msk [tilespmem:$0xC0], $0xff;
	_ =	sdelay $0x4  }
0x97: {  	v63 =	vshll.u32 v2, $0x1  }
0x98: {  	v2 =	vand.u32 $0x7, v2;
	v3 =	vand.u32 $0xFFFFFFF0, v63  }
0x99: {  	v2 =	vor.u32 v2, v3  }
0x9a: {  	v0 =	vperm.xlane v2, v50;
	_ =	sdelay $0x1  }
0x9b: {  	v0 =	vadd.s32 v1, v0;
	_ =	sdelay $0x3  }
0x9c: {  	s28 =	simm.s32 $0xC100;
	s29 =	simm.s32 $0x1  }
0x9d: {  	[tilespmem:s28], [sflag:$0x1] =	stream.indirect_vreg.gather [hbm4b:s6+s2], $0x80, v0, vm0, $0xb8;
	[tilespmem:$0xC900] =	vst v63  }
0x9e: {  	s30 =	smul.u32 $0x1900, s1;
	_ =	swait.ge [sflag:s29], $0xC800  }
0x9f: {  	s31 =	sadd.s32 $0x593800, s3;
	[sflag:s29] =	ssyncset.done $0x0  }
0xa0: {  	s3 =	sadd.s32 s31, s30;
	[sflag:s29] =	ssyncadd.s32 $0xFFFF3800  }
0xa1: {  	[hbm4b:s3+s2] =	stream.linear.scatter [tilespmem:s5], [sflag:$0x2], $0xC800, $0x38;
	[tilespmem:$0xC900] =	vst v63  }
0xa2: {  	_ =	swait.ge [sflag:s4], $0xC800  }
0xa3: {  	[sflag:s4] =	ssyncset.done $0x0  }
0xa4: {  	[sflag:s4] =	ssyncadd.s32 $0xFFFF3800  }
.LBB2_2:
0xa5: {  	_ =	sfence.sel $0x180000  }
0xa6: {  	[bflag:$0x0] =	sbarrier.arrive $0xFFFF  }
0xa7: {  	p0 =	sne.s32 s1, $0x0;
	_ =	strace $0x9000005F  }
0xa8: {  	s0 =	sadd.s32 @!p0 $0x100000, s0;
	[bflag:$0x2] =	sbarrier.arrive $0xFFFF  }
0xa9: {  	[sflag:s0] =	ssyncadd.tile.s32 @!p0 $0x1;
	_ =	shalt  }
.Lfunc_end2:
_tile_overlayer_lowered:
.L_overlay_start_2:
0xaa: {  	(tag) =	ssettag $0x2  }
0xab: {  	s0 =	rddreg [dreg:$0x0];
	s2 =	stileid.u32  }
0xac: {  	s1 =	rddreg [dreg:$0x1];
	p0 =	sne.s32 s2, $0x0  }
0xad: {  	s3 =	rddreg [dreg:$0x2];
	[bflag:$0x3] =	sbarrier.arrive $0xFFFF;
	s2 =	simm.s32 @!p0 $0x1C02  }
0xae: {  	[timem:s3], [sflag:s2] =	dma.local @!p0 [hbm:s0], s1  }
0xaf: {  	s0 =	simm.s32 @!p0 $0x2  }
0xb0: {  	_ =	swait.ge @!p0 [sflag:s0], s1  }
0xb1: {  	s1 =	ssub.s32 @!p0 $0x0, s1;
	[sflag:s0] =	ssyncset.done @!p0 $0x0  }
0xb2: {  	[sflag:s0] =	ssyncadd.s32 @!p0 s1  }
0xb3: {  	[bflag:$0x3] =	sbarrier.arrive $0xFFFF  }
0xb4: {  	_ =	shalt  }

// kernel: kernel.65.cloned.1.call-start
scs
__scs_entry_jumppad:
0x0: {  	(pc) =	sbr.rel $0x88, $3  }
0x1: {  	(tag) =	ssettag $0x0;
	lr =	simm.s32 $0x1  }
0x2: {  	[smem:$0x3F8B] =	sst lr;
	_ =	strace $0xD0000000  }
0x3: {  	_ = 	snop  }
0x4: {  	_ = 	snop  }
0x5: {  	_ = 	snop  }
0x6: {  	_ = 	snop  }
0x7: {  	_ = 	snop  }
__scs_overlays_trampoline_lowered:
0x8: {  	[smem:$0x3F9A] =	sst s0  }
0x9: {  	[smem:$0x3F9B] =	sst s1  }
0xa: {  	[smem:$0x3F9C] =	sst s2  }
0xb: {  	[smem:$0x3F9D] =	sst s3  }
0xc: {  	[smem:$0x3F9E] =	sst s4  }
0xd: {  	[smem:$0x3F9F] =	sst s5  }
0xe: {  	[smem:$0x3FA0] =	sst s6  }
0xf: {  	[smem:$0x3FA1] =	sst s7  }
0x10: {  	[smem:$0x3FA2] =	sst s8  }
0x11: {  	[smem:$0x3FA3] =	sst s9;
	s0 =	simm.s32 @!p0 $0x0  }
0x12: {  	s1 =	sld [smem:$0x3F89];
	s0 =	simm.s32 @p0 $0x1  }
0x13: {  	[smem:$0x3FA4] =	sst s0;
	s0 =	simm.s32 @!p1 $0x0  }
0x14: {  	s2 =	sld [smem:$0x3F88];
	s0 =	simm.s32 @p1 $0x1  }
0x15: {  	[smem:$0x3FA5] =	sst s0;
	s0 =	simm.s32 @!p2 $0x0  }
0x16: {  	s3 =	sld [smem:$0x3FDB];
	s0 =	simm.s32 @p2 $0x1  }
0x17: {  	s4 =	simm.s32 $0x1BF5;
	[smem:$0x3FA7] =	sst s0  }
0x18: {  	s0 =	sld [smem:$0x3F8A];
	_ =	swait.ge [sflag:s4], $0x0  }
0x19: {  	s7 =	sld [smem:$0x3F8B]  }
0x1a: {  	s8 =	sadd.s32 $0xFFFFE003, lr  }
0x1b: {  	s9 =	sadd.s32 $0xFFFFFEF7, lr;
	s5 =	simm.s32 $0xFFFFFFFF;
	p2 =	slt.u32 s8, $0xFFFFF086  }
0x1c: {  	p1 =	slt.u32 s9, $0xF7A;
	s5 =	simm.s32 @!p2 $0x0  }
0x1d: {  	s5 =	simm.s32 @p1 $0x1;
	p0 =	seq.s32 s7, s2  }
0x1e: {  	s7 =	smul.u32 @!p0 $0xF7A, s2;
	p2 =	seq.s32 @!p0 s5, $0x0  }
0x1f: {  	s9 =	smul.u32 $0xF7A, s1;
	s8 =	simm.s32 @!p0 $0x1BF5;
	p2 =	por !p2, p0  }
0x20: {  	[sflag:s8] =	ssyncset.s32 @!p0 $0xFFFFF086;
	s6 =	sadd.s32 @!p0 s3, s7;
	s7 =	simm.s32 @!p0 $0x108  }
0x21: {  	s3 =	sadd.s32 s3, s9;
	s6 =	sadd.s32 @!p0 $0x88, s6;
	s7 =	simm.s32 @p2 $0x1082  }
0x22: {  	[simem:s7], [sflag:s8] =	dma.local @!p0 [hbm:s6], $0xF7A  }
0x23: {  	s9 =	sor.u32 $0xD0000000, s2;
	s6 =	simm.s32 $0x108;
	_ =	swait.ge @!p0 [sflag:s8], $0x0  }
0x24: {  	s3 =	sadd.s32 $0x88, s3;
	s6 =	simm.s32 @!p1 $0x1082;
	[sflag:s4] =	ssyncset.s32 $0xFFFFF086  }
0x25: {  	[simem:s6], [sflag:s4] =	dma.local [hbm:s3], $0xF7A  }
0x26: {  	[smem:$0x3F8B] =	sst s1;
	(tag) =	ssettag s2;
	_ =	strace s9  }
0x27: {  	s1 =	sld [smem:$0x3F9B]  }
0x28: {  	s2 =	sld [smem:$0x3F9C]  }
0x29: {  	s4 =	sld [smem:$0x3F9E]  }
0x2a: {  	p0 =	seq.s32 s5, $0x0;
	s5 =	sld [smem:$0x3F9F]  }
0x2b: {  	s6 =	sld [smem:$0x3FA0]  }
0x2c: {  	s7 =	sld [smem:$0x3FA1]  }
0x2d: {  	s3 =	simm.s32 $0x108;
	s8 =	sld [smem:$0x3FA2]  }
0x2e: {  	s3 =	simm.s32 @!p0 $0x1082;
	s9 =	sld [smem:$0x3FA3]  }
0x2f: {  	lr =	sadd.s32 s0, s3;
	s0 =	sld [smem:$0x3F9A]  }
0x30: {  	s3 =	sld [smem:$0x3F9D]  }
0x31: {  	[smem:$0x3FA6] =	sst s10  }
0x32: {  	s10 =	sld [smem:$0x3FA4];
	_ =	sdelay $0x3  }
0x33: {  	p0 =	seq.s32 s10, $0x1;
	s10 =	sld [smem:$0x3FA6];
	_ =	sdelay $0x3  }
0x34: {  	[smem:$0x3FA6] =	sst s10  }
0x35: {  	s10 =	sld [smem:$0x3FA5];
	_ =	sdelay $0x3  }
0x36: {  	p1 =	seq.s32 s10, $0x1;
	s10 =	sld [smem:$0x3FA6];
	_ =	sdelay $0x3  }
0x37: {  	[smem:$0x3FA6] =	sst s10  }
0x38: {  	s10 =	sld [smem:$0x3FA7]  }
0x39: {  	_ = 	snop;
	(pc) =	sbr.ind lr, $3  }
0x3a: {  	_ = 	snop  }
0x3b: {  	_ = 	snop  }
0x3c: {  	p2 =	seq.s32 s10, $0x1;
	s10 =	sld [smem:$0x3FA6]  }
0x3d: {  	_ =	shalt  }
0x3e: {  	_ =	shalt  }
0x3f: {  	_ =	shalt  }
0x40: {  	_ =	shalt  }
0x41: {  	_ =	shalt  }
0x42: {  	_ =	shalt  }
0x43: {  	_ =	shalt  }
0x44: {  	_ =	shalt  }
0x45: {  	_ =	shalt  }
0x46: {  	_ =	shalt  }
0x47: {  	_ =	shalt  }
0x48: {  	_ =	shalt  }
0x49: {  	_ =	shalt  }
0x4a: {  	_ =	shalt  }
0x4b: {  	_ =	shalt  }
0x4c: {  	_ =	shalt  }
0x4d: {  	_ =	shalt  }
0x4e: {  	_ =	shalt  }
0x4f: {  	_ =	shalt  }
0x50: {  	_ =	shalt  }
0x51: {  	_ =	shalt  }
0x52: {  	_ =	shalt  }
0x53: {  	_ =	shalt  }
0x54: {  	_ =	shalt  }
0x55: {  	_ =	shalt  }
0x56: {  	_ =	shalt  }
0x57: {  	_ =	shalt  }
0x58: {  	_ =	shalt  }
0x59: {  	_ =	shalt  }
0x5a: {  	_ =	shalt  }
0x5b: {  	_ =	shalt  }
0x5c: {  	_ =	shalt  }
0x5d: {  	_ =	shalt  }
0x5e: {  	_ =	shalt  }
0x5f: {  	_ =	shalt  }
0x60: {  	_ =	shalt  }
0x61: {  	_ =	shalt  }
0x62: {  	_ =	shalt  }
0x63: {  	_ =	shalt  }
0x64: {  	_ =	shalt  }
0x65: {  	_ =	shalt  }
0x66: {  	_ =	shalt  }
0x67: {  	_ =	shalt  }
0x68: {  	_ =	shalt  }
0x69: {  	_ =	shalt  }
0x6a: {  	_ =	shalt  }
0x6b: {  	_ =	shalt  }
0x6c: {  	_ =	shalt  }
0x6d: {  	_ =	shalt  }
0x6e: {  	_ =	shalt  }
0x6f: {  	_ =	shalt  }
0x70: {  	_ =	shalt  }
0x71: {  	_ =	shalt  }
0x72: {  	_ =	shalt  }
0x73: {  	_ =	shalt  }
0x74: {  	_ =	shalt  }
0x75: {  	_ =	shalt  }
0x76: {  	_ =	shalt  }
0x77: {  	_ =	shalt  }
0x78: {  	_ =	shalt  }
0x79: {  	_ =	shalt  }
0x7a: {  	_ =	shalt  }
0x7b: {  	_ =	shalt  }
0x7c: {  	_ =	shalt  }
0x7d: {  	_ =	shalt  }
0x7e: {  	_ =	shalt  }
0x7f: {  	_ =	shalt  }
0x80: {  	_ =	shalt  }
0x81: {  	_ =	shalt  }
0x82: {  	_ =	shalt  }
0x83: {  	_ =	shalt  }
0x84: {  	_ =	shalt  }
0x85: {  	_ =	shalt  }
0x86: {  	_ =	shalt  }
0x87: {  	_ =	shalt  }
.Lfunc_end0:
.L_simem_size_0:
called_computation.5_lowered:
.L_overlay_start_0:
0x88: {  	s2 =	sld [smem:$0x3FD9]  }
0x89: {  	s3 =	sld [smem:$0x3FFE];
	_ =	sdelay $0x1  }
0x8a: {  	s1 =	srdreg.scid  }
0x8b: {  	s0 =	sand.u32 $0x1, s1  }
0x8c: {  	s17 =	sshll.u32 s0, $0xA;
	s2 =	sadd.s32 s3, s2  }
0x8d: {  	s2 =	sadd.s32 s2, s17  }
0x8e: {  	[smem:$0x3FB2] =	sst s2  }
0x8f: {  	_ = 	snop  }
0x90: {  	(tm) =	ssettm $0x1  }
0x91: {  	s18 =	sld [smem:$0x3FFB];
	_ =	sdelay $0x3  }
0x92: {  	_ =	strace s18  }
0x93: {  	s2 =	sld [smem:$0x3FFC];
	_ =	sdelay $0x3  }
0x94: {  	_ =	strace s2  }
0x95: {  	s2 =	sld [smem:$0x3FFD];
	_ =	sdelay $0x3  }
0x96: {  	_ =	strace s2  }
0x97: {  	_ =	strace $0x8FFFFFFF  }
0x98: {  	s19 =	sld [smem:$0x3FDB];
	_ =	sdelay $0x1  }
0x99: {  	s20 =	simm.s32 $_scs_section_size  }
0x9a: {  	s4 =	simm.s32 $_size__tile_overlayer_lowered;
	s5 =	simm.s32 $_tile_overlayer_lowered  }
0x9b: {  	s6 =	simm.s32 $0x1BFF;
	s21 =	sshll.u32 s5, $0x1;
	s3 =	sadd.s32 s20, s19  }
0x9c: {  	s22 =	simm.s32 $0x0;
	s4 =	sshll.u32 s4, $0x1;
	s5 =	sadd.s32 s21, s3  }
0x9d: {  	[timem:s22], [sflag:s6] =	dma.local [hbm:s5], s4  }
0x9e: {  	_ =	swait.ge [sflag:s6], s4  }
0x9f: {  	s4 =	ssub.s32 $0x0, s4;
	[sflag:s6] =	ssyncset.done $0x0  }
0xa0: {  	[sflag:s6] =	ssyncadd.s32 s4;
	_ =	sdelay $0x1  }
0xa1: {  	s23 =	simm.s32 $0x1B8B  }
0xa2: {  	_ =	swait.ge [sflag:s23], $0x1  }
0xa3: {  	[sflag:s23] =	ssyncset.done $0x0  }
0xa4: {  	[sflag:s23] =	ssyncadd.s32 $0xFFFFFFFF  }
0xa5: {  	s4 =	sld [smem:$0x0]  }
0xa6: {  	s5 =	sand.u32 $0xFFFFFFFE, s1  }
0xa7: {  	p0 =	sne.s32 s1, s5  }
0xa8: {  	s5 =	sshll.u32 @p0 s5, $0xE  }
0xa9: {  	s5 =	sadd.s32 @p0 $0x11B8D, s5;
	s6 =	sshll.u32 @p0 s4, $0x11  }
0xaa: {  	s5 =	sor.u32 @p0 s6, s5  }
0xab: {  	[sflag:s5] =	ssyncadd.remote.s32 @p0 $0x1;
	_ =	sdelay $0x1  }
0xac: {  	s5 =	simm.s32 @p0 $0x1B8D  }
0xad: {  	_ =	swait.eq @p0 [sflag:s5], $0x1  }
0xae: {  	[sflag:s5] =	ssyncadd.s32 @p0 $0xFFFFFFFF  }
0xaf: {  	s6 =	sshll.u32 @!p0 s1, $0xE  }
0xb0: {  	s6 =	sor.u32 @!p0 $0x4000, s6;
	s5 =	simm.s32 @!p0 $0x1B8D  }
0xb1: {  	s4 =	sshll.u32 @!p0 s4, $0x11;
	s6 =	sadd.s32 @!p0 $0x11B8D, s6;
	_ =	swait.eq @!p0 [sflag:s5], $0x1  }
0xb2: {  	s4 =	sor.u32 @!p0 s4, s6;
	[sflag:s5] =	ssyncadd.s32 @!p0 $0xFFFFFFFF  }
0xb3: {  	s25 =	simm.s32 $0x1B8E;
	s24 =	sld [smem:$0x3FFE];
	[sflag:s4] =	ssyncadd.remote.s32 @!p0 $0x1  }
0xb4: {  	s26 =	simm.s32 $execute0_lowered;
	[smem:$0x3FD2] =	sst s25  }
0xb5: {  	s5 =	sshll.u32 s26, $0x1;
	_ =	strace $0x8000004C;
	[dreg:$0x1] =	wrdreg $0xFFFFFFFF  }
0xb6: {  	s28 =	simm.s32 $_size_execute0_lowered;
	s3 =	sadd.s32 s3, s5;
	[dreg:$0x0] =	wrdreg $0x0  }
0xb7: {  	s5 =	sshll.u32 s28, $0x1;
	[dreg:$0x2] =	wrdreg s3  }
0xb8: {  	[dreg:$0x3] =	wrdreg s5  }
0xb9: {  	[dreg:$0x4] =	wrdreg $0xC0  }
0xba: {  	_ =	task [dreg:s22], $0x5FFFF  }
0xbb: {  	[dreg:$0x1] =	wrdreg $0xFFFFFFFF  }
0xbc: {  	[dreg:$0x0] =	wrdreg $0x60  }
0xbd: {  	[dreg:$0x2] =	wrdreg s24  }
0xbe: {  	[dreg:$0x3] =	wrdreg $0xB  }
0xbf: {  	_ =	task.clear_ibuf [dreg:s22], $0x4FFFF;
	_ =	strace $0x9000004C  }
0xc0: {  	s29 =	simm.s32 $0xB;
	_ =	strace $0x8000004E  }
0xc1: {  	_ =	swait.ge [sflag:s29], $0x1  }
0xc2: {  	[sflag:s29] =	ssyncadd.s32 $0xFFFFFFFF  }
0xc3: {  	_ =	strace $0x9000004E  }
0xc4: {  	_ =	sfence  }
0xc5: {  	s30 =	sld [smem:$0x0];
	_ =	sdelay $0x2  }
0xc6: {  	s31 =	sshll.u32 s1, $0xD;
	s1 =	sshrl.u32 s1, $0x2  }
0xc7: {  	s4 =	sand.u32 $0x4000, s31;
	s1 =	sadd.s32 s1, s30  }
0xc8: {  	s0 =	sor.u32 s4, s0;
	s1 =	sshll.u32 s1, $0x11  }
0xc9: {  	s0 =	sor.u32 s1, s0  }
0xca: {  	s0 =	sadd.s32 $0x8F2B, s0  }
0xcb: {  	[sflag:s0] =	ssyncadd.remote.s32 $0x1  }
0xcc: {  	_ =	sfence.sel $0xFFFF  }
0xcd: {  	[dreg:$0x0] =	wrdreg $0xFFFFFFFF;
	(pc) =	sbr.abs _section_cstart, $3  }
0xce: {  	[dreg:$0x1] =	wrdreg $0xFFFFFFFF  }
0xcf: {  	_ =	task.clear_ibuf [dreg:s22], $0x2FFFF;
	_ =	strace $0x9FFFFFFF  }
0xd0: {  	(tm) =	ssettm $0x7FFFFFFF  }
0xd1: {  	_ =	shalt  }
tec
execute0_lowered:
.L_overlay_start_1:
0x0: {  	(tag) =	ssettag $0x1  }
0x1: {  	s0 =	srdreg.scid;
	s4 =	stileid.u32  }
0x2: {  	s6 =	rddreg [dreg:$0x0];
	s2 =	simm.s32 $0x0;
	s13 =	simm.s32 $0x880  }
0x3: {  	s15 =	simm.s32 $0x1080;
	s16 =	simm.s32 $0x1880;
	[smem:$0x7FF] =	sst s2  }
0x4: {  	s17 =	simm.s32 $0x2080;
	_ =	strace $0x8000004D;
	[dreg:$0x3] =	wrdreg s13  }
0x5: {  	s18 =	simm.s32 $0x2880;
	s19 =	simm.s32 $0x3080;
	[dreg:$0x4] =	wrdreg s15  }
0x6: {  	s20 =	simm.s32 $0x3880;
	s21 =	simm.s32 $0x4080;
	[dreg:$0x5] =	wrdreg s16  }
0x7: {  	s22 =	simm.s32 $0x4880;
	s23 =	simm.s32 $0x5080;
	[dreg:$0x6] =	wrdreg s17  }
0x8: {  	s24 =	simm.s32 $0x5880;
	s9 =	simm.s32 $0x2;
	[dreg:$0x7] =	wrdreg s18  }
0x9: {  	s25 =	simm.s32 $0x6080;
	s10 =	simm.s32 $0x80;
	[dreg:$0x8] =	wrdreg s19  }
0xa: {  	s26 =	simm.s32 $0x6880;
	s11 =	simm.s32 $0x7080;
	[dreg:$0x9] =	wrdreg s20  }
0xb: {  	s12 =	simm.s32 $0x7880;
	s28 =	simm.s32 $0xF080;
	[dreg:$0xa] =	wrdreg s21  }
0xc: {  	s29 =	simm.s32 $0xF880;
	s30 =	simm.s32 $0x1;
	[dreg:$0xb] =	wrdreg s22  }
0xd: {  	s31 =	simm.s32 $0x0;
	s1 =	smul.u32 $0xC80, s4;
	[dreg:$0xc] =	wrdreg s23  }
0xe: {  	s0 =	sand.u32 $0x1, s0;
	s4 =	smul.u32 $0x64000, s4;
	[dreg:$0xd] =	wrdreg s24  }
0xf: {  	s3 =	smul.u32 $0x640, s0;
	s14 =	ssub.s32 $0x2, s0;
	[dreg:$0xe] =	wrdreg s25  }
0x10: {  	s0 =	smul.u32 $0x32000, s0;
	[dreg:$0xf] =	wrdreg s26;
	s13 =	simm.s32 $0x8080  }
0x11: {  	s15 =	simm.s32 $0x9080;
	s16 =	simm.s32 $0x9880;
	s17 =	simm.s32 $0xA080  }
0x12: {  	s18 =	simm.s32 $0xA880;
	s19 =	simm.s32 $0xB080;
	s20 =	simm.s32 $0xB880  }
0x13: {  	s21 =	simm.s32 $0xC080;
	s22 =	simm.s32 $0xC880;
	s23 =	simm.s32 $0xD080  }
0x14: {  	s24 =	simm.s32 $0xD880;
	s25 =	simm.s32 $0xE080;
	s26 =	simm.s32 $0xE880  }
0x15: {  	s8 =	sadd.s32 s4, s6;
	s5 =	sshrl.u32 s14, $0x1;
	s4 =	sadd.s32 $0x5D7500, s6  }
0x16: {  	s1 =	sadd.s32 s3, s1;
	s3 =	sadd.s32 $0x5D7400, s6;
	s7 =	ssub.s32 s14, s5  }
0x17: {  	s0 =	sadd.s32 s0, s8;
	s1 =	sshrl.u32 s1, $0x3;
	s7 =	smax.u32 s7, $0x1  }
0x18: {  	v2 =	vlaneseq.u32;
	s0 =	sadd.s32 $0x63CE00, s0;
	s1 =	sadd.s32 s1, s6;
	[dreg:$0x10] =	wrdreg s7  }
0x19: {  	vm0 =	vmmov $0xffff;
	v1 =	vshrl.u32 v2, $0x3;
	s5 =	sadd.s32 $0x5D7600, s6;
	[dreg:$0x11] =	wrdreg s0;
	s1 =	sadd.s32 $0x60600, s1  }
0x1a: {  	v0 =	vand.u32 $0x7, v2;
	v2 =	vor.u32 $0x8, v2;
	v1 =	vmul.u32 $0x8, v1;
	s14 =	simm.s32 $0x8880;
	s6 =	sadd.s32 $0x5D7700, s6;
	[dreg:$0x2] =	wrdreg s1  }
.LBB2_1:
0x1b: {  	s8 =	rddreg [dreg:$0x11];
	s0 =	simm.s32 $0x0  }
.LBB2_2:
0x1c: {  	s7 =	rddreg [dreg:$0x2]  }
0x1d: {  	s7 =	sadd.s32 s0, s7  }
0x1e: {  	[tilespmem:s2], [sflag:$0x2] =	stream.linear.gather [hbm4b:s7+s2], $0x40, $0x38;
	[tilespmem:$0x10080] =	vst v63  }
0x1f: {  	_ =	swait.ge [sflag:s9], $0x40  }
0x20: {  	[sflag:s9] =	ssyncset.done $0x0  }
0x21: {  	[sflag:s9] =	ssyncadd.s32 $0xFFFFFFC0  }
0x22: {  	v3 =	vld [tilespmem:$0x0];
	_ =	sdelay $0x4  }
0x23: {  	v4 =	vshll.u32 v3, $0x3  }
0x24: {  	v3 =	vand.u32 $0x7, v3;
	v4 =	vand.u32 $0xFFFFFFC0, v4  }
0x25: {  	v3 =	vor.u32 v3, v4  }
0x26: {  	v4 =	vperm.xlane v3, v0;
	_ =	sdelay $0x1  }
0x27: {  	v4 =	vadd.s32 v1, v4;
	_ =	sdelay $0x4  }
0x28: {  	[tilespmem:s10], [sflag:$0x1] =	stream.indirect_vreg.gather [hbm4b:s3+s2], $0x80, v4, vm0, $0xb8;
	[tilespmem:$0x10080] =	vst v63  }
0x29: {  	s7 =	rddreg [dreg:$0x3];
	v3 =	vperm.xlane v3, v2  }
0x2a: {  	[tilespmem:s7], [sflag:$0x1] =	stream.indirect_vreg.gather [hbm4b:s4+s2], $0x80, v4, vm0, $0xb8;
	[tilespmem:$0x10080] =	vst v63  }
0x2b: {  	s1 =	rddreg [dreg:$0x4];
	v3 =	vadd.s32 v1, v3  }
0x2c: {  	[tilespmem:s1], [sflag:$0x1] =	stream.indirect_vreg.gather [hbm4b:s5+s2], $0x80, v4, vm0, $0xb8;
	[tilespmem:$0x10080] =	vst v63  }
0x2d: {  	s7 =	rddreg [dreg:$0x5]  }
0x2e: {  	[tilespmem:s7], [sflag:$0x1] =	stream.indirect_vreg.gather [hbm4b:s6+s2], $0x80, v4, vm0, $0xb8;
	[tilespmem:$0x10080] =	vst v63  }
0x2f: {  	s1 =	rddreg [dreg:$0x6]  }
0x30: {  	[tilespmem:s1], [sflag:$0x1] =	stream.indirect_vreg.gather [hbm4b:s3+s2], $0x80, v3, vm0, $0xb8;
	[tilespmem:$0x10080] =	vst v63  }
0x31: {  	s7 =	rddreg [dreg:$0x7]  }
0x32: {  	[tilespmem:s7], [sflag:$0x1] =	stream.indirect_vreg.gather [hbm4b:s4+s2], $0x80, v3, vm0, $0xb8;
	[tilespmem:$0x10080] =	vst v63  }
0x33: {  	s1 =	rddreg [dreg:$0x8]  }
0x34: {  	[tilespmem:s1], [sflag:$0x1] =	stream.indirect_vreg.gather [hbm4b:s5+s2], $0x80, v3, vm0, $0xb8;
	[tilespmem:$0x10080] =	vst v63  }
0x35: {  	s7 =	rddreg [dreg:$0x9]  }
0x36: {  	[tilespmem:s7], [sflag:$0x1] =	stream.indirect_vreg.gather [hbm4b:s6+s2], $0x80, v3, vm0, $0xb8;
	[tilespmem:$0x10080] =	vst v63  }
0x37: {  	v3 =	vld [tilespmem:$0x10];
	_ =	sdelay $0x4  }
0x38: {  	v61 =	vshll.u32 v3, $0x3  }
0x39: {  	v3 =	vand.u32 $0x7, v3;
	v4 =	vand.u32 $0xFFFFFFC0, v61  }
0x3a: {  	v3 =	vor.u32 v3, v4  }
0x3b: {  	v4 =	vperm.xlane v3, v0;
	_ =	sdelay $0x1  }
0x3c: {  	v4 =	vadd.s32 v1, v4;
	_ =	sdelay $0x3  }
0x3d: {  	s1 =	rddreg [dreg:$0xa]  }
0x3e: {  	[tilespmem:s1], [sflag:$0x1] =	stream.indirect_vreg.gather [hbm4b:s3+s2], $0x80, v4, vm0, $0xb8;
	[tilespmem:$0x10080] =	vst v63  }
0x3f: {  	s7 =	rddreg [dreg:$0xb];
	v3 =	vperm.xlane v3, v2  }
0x40: {  	[tilespmem:s7], [sflag:$0x1] =	stream.indirect_vreg.gather [hbm4b:s4+s2], $0x80, v4, vm0, $0xb8;
	[tilespmem:$0x10080] =	vst v63  }
0x41: {  	v3 =	vadd.s32 v1, v3;
	s1 =	rddreg [dreg:$0xc]  }
0x42: {  	[tilespmem:s1], [sflag:$0x1] =	stream.indirect_vreg.gather [hbm4b:s5+s2], $0x80, v4, vm0, $0xb8;
	[tilespmem:$0x10080] =	vst v63  }
0x43: {  	s7 =	rddreg [dreg:$0xd]  }
0x44: {  	[tilespmem:s7], [sflag:$0x1] =	stream.indirect_vreg.gather [hbm4b:s6+s2], $0x80, v4, vm0, $0xb8;
	[tilespmem:$0x10080] =	vst v63  }
0x45: {  	s1 =	rddreg [dreg:$0xe]  }
0x46: {  	[tilespmem:s1], [sflag:$0x1] =	stream.indirect_vreg.gather [hbm4b:s3+s2], $0x80, v3, vm0, $0xb8;
	[tilespmem:$0x10080] =	vst v63  }
0x47: {  	s7 =	rddreg [dreg:$0xf]  }
0x48: {  	[tilespmem:s7], [sflag:$0x1] =	stream.indirect_vreg.gather [hbm4b:s4+s2], $0x80, v3, vm0, $0xb8;
	[tilespmem:$0x10080] =	vst v63  }
0x49: {  	_ = 	snop  }
0x4a: {  	[tilespmem:s11], [sflag:$0x1] =	stream.indirect_vreg.gather [hbm4b:s5+s2], $0x80, v3, vm0, $0xb8;
	[tilespmem:$0x10080] =	vst v63  }
0x4b: {  	_ = 	snop  }
0x4c: {  	[tilespmem:s12], [sflag:$0x1] =	stream.indirect_vreg.gather [hbm4b:s6+s2], $0x80, v3, vm0, $0xb8;
	[tilespmem:$0x10080] =	vst v63  }
0x4d: {  	v3 =	vld [tilespmem:$0x20];
	_ =	sdelay $0x4  }
0x4e: {  	v62 =	vshll.u32 v3, $0x3  }
0x4f: {  	v3 =	vand.u32 $0x7, v3;
	v4 =	vand.u32 $0xFFFFFFC0, v62  }
0x50: {  	v3 =	vor.u32 v3, v4  }
0x51: {  	v4 =	vperm.xlane v3, v0;
	_ =	sdelay $0x1  }
0x52: {  	v4 =	vadd.s32 v1, v4;
	_ =	sdelay $0x4  }
0x53: {  	[tilespmem:s13], [sflag:$0x1] =	stream.indirect_vreg.gather [hbm4b:s3+s2], $0x80, v4, vm0, $0xb8;
	[tilespmem:$0x10080] =	vst v63  }
0x54: {  	v3 =	vperm.xlane v3, v2  }
0x55: {  	[tilespmem:s14], [sflag:$0x1] =	stream.indirect_vreg.gather [hbm4b:s4+s2], $0x80, v4, vm0, $0xb8;
	[tilespmem:$0x10080] =	vst v63  }
0x56: {  	v3 =	vadd.s32 v1, v3  }
0x57: {  	[tilespmem:s15], [sflag:$0x1] =	stream.indirect_vreg.gather [hbm4b:s5+s2], $0x80, v4, vm0, $0xb8;
	[tilespmem:$0x10080] =	vst v63  }
0x58: {  	_ = 	snop  }
0x59: {  	[tilespmem:s16], [sflag:$0x1] =	stream.indirect_vreg.gather [hbm4b:s6+s2], $0x80, v4, vm0, $0xb8;
	[tilespmem:$0x10080] =	vst v63  }
0x5a: {  	_ = 	snop  }
0x5b: {  	[tilespmem:s17], [sflag:$0x1] =	stream.indirect_vreg.gather [hbm4b:s3+s2], $0x80, v3, vm0, $0xb8;
	[tilespmem:$0x10080] =	vst v63  }
0x5c: {  	_ = 	snop  }
0x5d: {  	[tilespmem:s18], [sflag:$0x1] =	stream.indirect_vreg.gather [hbm4b:s4+s2], $0x80, v3, vm0, $0xb8;
	[tilespmem:$0x10080] =	vst v63  }
0x5e: {  	_ = 	snop  }
0x5f: {  	[tilespmem:s19], [sflag:$0x1] =	stream.indirect_vreg.gather [hbm4b:s5+s2], $0x80, v3, vm0, $0xb8;
	[tilespmem:$0x10080] =	vst v63  }
0x60: {  	_ = 	snop  }
0x61: {  	[tilespmem:s20], [sflag:$0x1] =	stream.indirect_vreg.gather [hbm4b:s6+s2], $0x80, v3, vm0, $0xb8;
	[tilespmem:$0x10080] =	vst v63  }
0x62: {  	v3 =	vld [tilespmem:$0x30];
	_ =	sdelay $0x4  }
0x63: {  	v63 =	vshll.u32 v3, $0x3  }
0x64: {  	v3 =	vand.u32 $0x7, v3;
	v4 =	vand.u32 $0xFFFFFFC0, v63  }
0x65: {  	v3 =	vor.u32 v3, v4  }
0x66: {  	v4 =	vperm.xlane v3, v0;
	_ =	sdelay $0x1  }
0x67: {  	v4 =	vadd.s32 v1, v4;
	_ =	sdelay $0x4  }
0x68: {  	[tilespmem:s21], [sflag:$0x1] =	stream.indirect_vreg.gather [hbm4b:s3+s2], $0x80, v4, vm0, $0xb8;
	[tilespmem:$0x10080] =	vst v63  }
0x69: {  	v3 =	vperm.xlane v3, v2  }
0x6a: {  	[tilespmem:s22], [sflag:$0x1] =	stream.indirect_vreg.gather [hbm4b:s4+s2], $0x80, v4, vm0, $0xb8;
	[tilespmem:$0x10080] =	vst v63  }
0x6b: {  	v3 =	vadd.s32 v1, v3  }
0x6c: {  	[tilespmem:s23], [sflag:$0x1] =	stream.indirect_vreg.gather [hbm4b:s5+s2], $0x80, v4, vm0, $0xb8;
	[tilespmem:$0x10080] =	vst v63  }
0x6d: {  	_ = 	snop  }
0x6e: {  	[tilespmem:s24], [sflag:$0x1] =	stream.indirect_vreg.gather [hbm4b:s6+s2], $0x80, v4, vm0, $0xb8;
	[tilespmem:$0x10080] =	vst v63  }
0x6f: {  	_ = 	snop  }
0x70: {  	[tilespmem:s25], [sflag:$0x1] =	stream.indirect_vreg.gather [hbm4b:s3+s2], $0x80, v3, vm0, $0xb8;
	[tilespmem:$0x10080] =	vst v63  }
0x71: {  	_ = 	snop  }
0x72: {  	[tilespmem:s26], [sflag:$0x1] =	stream.indirect_vreg.gather [hbm4b:s4+s2], $0x80, v3, vm0, $0xb8;
	[tilespmem:$0x10080] =	vst v63  }
0x73: {  	_ = 	snop  }
0x74: {  	[tilespmem:s28], [sflag:$0x1] =	stream.indirect_vreg.gather [hbm4b:s5+s2], $0x80, v3, vm0, $0xb8;
	[tilespmem:$0x10080] =	vst v63  }
0x75: {  	_ = 	snop  }
0x76: {  	[tilespmem:s29], [sflag:$0x1] =	stream.indirect_vreg.gather [hbm4b:s6+s2], $0x80, v3, vm0, $0xb8;
	[tilespmem:$0x10080] =	vst v63  }
0x77: {  	_ =	swait.ge [sflag:s30], $0x10000  }
0x78: {  	p0 =	sne.s32 s0, $0xC0;
	[sflag:s30] =	ssyncset.done $0x0  }
.Ltmp0:
0x79: {  	[sflag:s30] =	ssyncadd.s32 $0xFFFF0000;
	(pc) =	sbr.rel @p0 .LBB2_2-.Ltmp0, $4  }
0x7a: {  	[hbm4b:s8+s2] =	stream.linear.scatter [tilespmem:s10], [sflag:$0x2], $0x10000, $0x38;
	[tilespmem:$0x10080] =	vst v63  }
0x7b: {  	_ =	swait.ge [sflag:s9], $0x10000  }
0x7c: {  	[sflag:s9] =	ssyncset.done $0x0  }
0x7d: {  	s0 =	sadd.s32 $0x8, s0;
	s8 =	sadd.s32 $0x2000, s8;
	[sflag:s9] =	ssyncadd.s32 $0xFFFF0000  }
0x7e: {  	s31 =	sadd.s32 $0x1, s31;
	s0 =	rddreg [dreg:$0x10]  }
0x7f: {  	p0 =	sne.s32 s31, s0  }
.Ltmp1:
0x80: {  	_ = 	snop;
	(pc) =	sbr.rel @p0 .LBB2_1-.Ltmp1, $1  }
0x81: {  	_ =	sdelay $0x3  }
0x82: {  	_ =	sfence.sel $0x180000  }
0x83: {  	[bflag:$0x0] =	sbarrier.arrive $0xFFFF  }
0x84: {  	_ =	strace $0x9000004D  }
0x85: {  	s0 =	stileid.u32;
	[bflag:$0x2] =	sbarrier.arrive $0xFFFF  }
0x86: {  	p0 =	sne.s32 s0, $0x0;
	s0 =	rddreg [dreg:$0x1]  }
0x87: {  	s0 =	sadd.s32 @!p0 $0x100000, s0  }
0x88: {  	[sflag:s0] =	ssyncadd.tile.s32 @!p0 $0x1;
	_ =	shalt  }
.Lfunc_end2:
_tile_overlayer_lowered:
.L_overlay_start_2:
0x89: {  	(tag) =	ssettag $0x2  }
0x8a: {  	s0 =	rddreg [dreg:$0x0];
	s2 =	stileid.u32  }
0x8b: {  	s1 =	rddreg [dreg:$0x1];
	p0 =	sne.s32 s2, $0x0  }
0x8c: {  	s3 =	rddreg [dreg:$0x2];
	[bflag:$0x3] =	sbarrier.arrive $0xFFFF;
	s2 =	simm.s32 @!p0 $0x1C02  }
0x8d: {  	[timem:s3], [sflag:s2] =	dma.local @!p0 [hbm:s0], s1  }
0x8e: {  	s0 =	simm.s32 @!p0 $0x2  }
0x8f: {  	_ =	swait.ge @!p0 [sflag:s0], s1  }
0x90: {  	s1 =	ssub.s32 @!p0 $0x0, s1;
	[sflag:s0] =	ssyncset.done @!p0 $0x0  }
0x91: {  	[sflag:s0] =	ssyncadd.s32 @!p0 s1  }
0x92: {  	[bflag:$0x3] =	sbarrier.arrive $0xFFFF  }
0x93: {  	_ =	shalt  }

// kernel: kernel.68.cloned.1.call-start
scs
__scs_entry_jumppad:
0x0: {  	(pc) =	sbr.rel $0x88, $3  }
0x1: {  	(tag) =	ssettag $0x0;
	lr =	simm.s32 $0x1  }
0x2: {  	[smem:$0x3F8B] =	sst lr;
	_ =	strace $0xD0000000  }
0x3: {  	_ = 	snop  }
0x4: {  	_ = 	snop  }
0x5: {  	_ = 	snop  }
0x6: {  	_ = 	snop  }
0x7: {  	_ = 	snop  }
__scs_overlays_trampoline_lowered:
0x8: {  	[smem:$0x3F9A] =	sst s0  }
0x9: {  	[smem:$0x3F9B] =	sst s1  }
0xa: {  	[smem:$0x3F9C] =	sst s2  }
0xb: {  	[smem:$0x3F9D] =	sst s3  }
0xc: {  	[smem:$0x3F9E] =	sst s4  }
0xd: {  	[smem:$0x3F9F] =	sst s5  }
0xe: {  	[smem:$0x3FA0] =	sst s6  }
0xf: {  	[smem:$0x3FA1] =	sst s7  }
0x10: {  	[smem:$0x3FA2] =	sst s8  }
0x11: {  	[smem:$0x3FA3] =	sst s9;
	s0 =	simm.s32 @!p0 $0x0  }
0x12: {  	s1 =	sld [smem:$0x3F89];
	s0 =	simm.s32 @p0 $0x1  }
0x13: {  	[smem:$0x3FA4] =	sst s0;
	s0 =	simm.s32 @!p1 $0x0  }
0x14: {  	s2 =	sld [smem:$0x3F88];
	s0 =	simm.s32 @p1 $0x1  }
0x15: {  	[smem:$0x3FA5] =	sst s0;
	s0 =	simm.s32 @!p2 $0x0  }
0x16: {  	s3 =	sld [smem:$0x3FDB];
	s0 =	simm.s32 @p2 $0x1  }
0x17: {  	s4 =	simm.s32 $0x1BF5;
	[smem:$0x3FA7] =	sst s0  }
0x18: {  	s0 =	sld [smem:$0x3F8A];
	_ =	swait.ge [sflag:s4], $0x0  }
0x19: {  	s7 =	sld [smem:$0x3F8B]  }
0x1a: {  	s8 =	sadd.s32 $0xFFFFE003, lr  }
0x1b: {  	s9 =	sadd.s32 $0xFFFFFEF7, lr;
	s5 =	simm.s32 $0xFFFFFFFF;
	p2 =	slt.u32 s8, $0xFFFFF086  }
0x1c: {  	p1 =	slt.u32 s9, $0xF7A;
	s5 =	simm.s32 @!p2 $0x0  }
0x1d: {  	s5 =	simm.s32 @p1 $0x1;
	p0 =	seq.s32 s7, s2  }
0x1e: {  	s7 =	smul.u32 @!p0 $0xF7A, s2;
	p2 =	seq.s32 @!p0 s5, $0x0  }
0x1f: {  	s9 =	smul.u32 $0xF7A, s1;
	s8 =	simm.s32 @!p0 $0x1BF5;
	p2 =	por !p2, p0  }
0x20: {  	[sflag:s8] =	ssyncset.s32 @!p0 $0xFFFFF086;
	s6 =	sadd.s32 @!p0 s3, s7;
	s7 =	simm.s32 @!p0 $0x108  }
0x21: {  	s3 =	sadd.s32 s3, s9;
	s6 =	sadd.s32 @!p0 $0x88, s6;
	s7 =	simm.s32 @p2 $0x1082  }
0x22: {  	[simem:s7], [sflag:s8] =	dma.local @!p0 [hbm:s6], $0xF7A  }
0x23: {  	s9 =	sor.u32 $0xD0000000, s2;
	s6 =	simm.s32 $0x108;
	_ =	swait.ge @!p0 [sflag:s8], $0x0  }
0x24: {  	s3 =	sadd.s32 $0x88, s3;
	s6 =	simm.s32 @!p1 $0x1082;
	[sflag:s4] =	ssyncset.s32 $0xFFFFF086  }
0x25: {  	[simem:s6], [sflag:s4] =	dma.local [hbm:s3], $0xF7A  }
0x26: {  	[smem:$0x3F8B] =	sst s1;
	(tag) =	ssettag s2;
	_ =	strace s9  }
0x27: {  	s1 =	sld [smem:$0x3F9B]  }
0x28: {  	s2 =	sld [smem:$0x3F9C]  }
0x29: {  	s4 =	sld [smem:$0x3F9E]  }
0x2a: {  	p0 =	seq.s32 s5, $0x0;
	s5 =	sld [smem:$0x3F9F]  }
0x2b: {  	s6 =	sld [smem:$0x3FA0]  }
0x2c: {  	s7 =	sld [smem:$0x3FA1]  }
0x2d: {  	s3 =	simm.s32 $0x108;
	s8 =	sld [smem:$0x3FA2]  }
0x2e: {  	s3 =	simm.s32 @!p0 $0x1082;
	s9 =	sld [smem:$0x3FA3]  }
0x2f: {  	lr =	sadd.s32 s0, s3;
	s0 =	sld [smem:$0x3F9A]  }
0x30: {  	s3 =	sld [smem:$0x3F9D]  }
0x31: {  	[smem:$0x3FA6] =	sst s10  }
0x32: {  	s10 =	sld [smem:$0x3FA4];
	_ =	sdelay $0x3  }
0x33: {  	p0 =	seq.s32 s10, $0x1;
	s10 =	sld [smem:$0x3FA6];
	_ =	sdelay $0x3  }
0x34: {  	[smem:$0x3FA6] =	sst s10  }
0x35: {  	s10 =	sld [smem:$0x3FA5];
	_ =	sdelay $0x3  }
0x36: {  	p1 =	seq.s32 s10, $0x1;
	s10 =	sld [smem:$0x3FA6];
	_ =	sdelay $0x3  }
0x37: {  	[smem:$0x3FA6] =	sst s10  }
0x38: {  	s10 =	sld [smem:$0x3FA7]  }
0x39: {  	_ = 	snop;
	(pc) =	sbr.ind lr, $3  }
0x3a: {  	_ = 	snop  }
0x3b: {  	_ = 	snop  }
0x3c: {  	p2 =	seq.s32 s10, $0x1;
	s10 =	sld [smem:$0x3FA6]  }
0x3d: {  	_ =	shalt  }
0x3e: {  	_ =	shalt  }
0x3f: {  	_ =	shalt  }
0x40: {  	_ =	shalt  }
0x41: {  	_ =	shalt  }
0x42: {  	_ =	shalt  }
0x43: {  	_ =	shalt  }
0x44: {  	_ =	shalt  }
0x45: {  	_ =	shalt  }
0x46: {  	_ =	shalt  }
0x47: {  	_ =	shalt  }
0x48: {  	_ =	shalt  }
0x49: {  	_ =	shalt  }
0x4a: {  	_ =	shalt  }
0x4b: {  	_ =	shalt  }
0x4c: {  	_ =	shalt  }
0x4d: {  	_ =	shalt  }
0x4e: {  	_ =	shalt  }
0x4f: {  	_ =	shalt  }
0x50: {  	_ =	shalt  }
0x51: {  	_ =	shalt  }
0x52: {  	_ =	shalt  }
0x53: {  	_ =	shalt  }
0x54: {  	_ =	shalt  }
0x55: {  	_ =	shalt  }
0x56: {  	_ =	shalt  }
0x57: {  	_ =	shalt  }
0x58: {  	_ =	shalt  }
0x59: {  	_ =	shalt  }
0x5a: {  	_ =	shalt  }
0x5b: {  	_ =	shalt  }
0x5c: {  	_ =	shalt  }
0x5d: {  	_ =	shalt  }
0x5e: {  	_ =	shalt  }
0x5f: {  	_ =	shalt  }
0x60: {  	_ =	shalt  }
0x61: {  	_ =	shalt  }
0x62: {  	_ =	shalt  }
0x63: {  	_ =	shalt  }
0x64: {  	_ =	shalt  }
0x65: {  	_ =	shalt  }
0x66: {  	_ =	shalt  }
0x67: {  	_ =	shalt  }
0x68: {  	_ =	shalt  }
0x69: {  	_ =	shalt  }
0x6a: {  	_ =	shalt  }
0x6b: {  	_ =	shalt  }
0x6c: {  	_ =	shalt  }
0x6d: {  	_ =	shalt  }
0x6e: {  	_ =	shalt  }
0x6f: {  	_ =	shalt  }
0x70: {  	_ =	shalt  }
0x71: {  	_ =	shalt  }
0x72: {  	_ =	shalt  }
0x73: {  	_ =	shalt  }
0x74: {  	_ =	shalt  }
0x75: {  	_ =	shalt  }
0x76: {  	_ =	shalt  }
0x77: {  	_ =	shalt  }
0x78: {  	_ =	shalt  }
0x79: {  	_ =	shalt  }
0x7a: {  	_ =	shalt  }
0x7b: {  	_ =	shalt  }
0x7c: {  	_ =	shalt  }
0x7d: {  	_ =	shalt  }
0x7e: {  	_ =	shalt  }
0x7f: {  	_ =	shalt  }
0x80: {  	_ =	shalt  }
0x81: {  	_ =	shalt  }
0x82: {  	_ =	shalt  }
0x83: {  	_ =	shalt  }
0x84: {  	_ =	shalt  }
0x85: {  	_ =	shalt  }
0x86: {  	_ =	shalt  }
0x87: {  	_ =	shalt  }
.Lfunc_end0:
.L_simem_size_0:
called_computation.6_lowered:
.L_overlay_start_0:
0x88: {  	s2 =	sld [smem:$0x3FD9]  }
0x89: {  	s3 =	sld [smem:$0x3FFE];
	_ =	sdelay $0x1  }
0x8a: {  	s1 =	srdreg.scid  }
0x8b: {  	s0 =	sand.u32 $0x1, s1  }
0x8c: {  	s17 =	sshll.u32 s0, $0xA;
	s2 =	sadd.s32 s3, s2  }
0x8d: {  	s2 =	sadd.s32 s2, s17  }
0x8e: {  	[smem:$0x3FB2] =	sst s2  }
0x8f: {  	_ = 	snop  }
0x90: {  	(tm) =	ssettm $0x1  }
0x91: {  	s18 =	sld [smem:$0x3FFB];
	_ =	sdelay $0x3  }
0x92: {  	_ =	strace s18  }
0x93: {  	s2 =	sld [smem:$0x3FFC];
	_ =	sdelay $0x3  }
0x94: {  	_ =	strace s2  }
0x95: {  	s2 =	sld [smem:$0x3FFD];
	_ =	sdelay $0x3  }
0x96: {  	_ =	strace s2  }
0x97: {  	_ =	strace $0x8FFFFFFF  }
0x98: {  	s19 =	sld [smem:$0x3FDB];
	_ =	sdelay $0x1  }
0x99: {  	s20 =	simm.s32 $_scs_section_size  }
0x9a: {  	s4 =	simm.s32 $_size__tile_overlayer_lowered;
	s5 =	simm.s32 $_tile_overlayer_lowered  }
0x9b: {  	s6 =	simm.s32 $0x1BFF;
	s21 =	sshll.u32 s5, $0x1;
	s3 =	sadd.s32 s20, s19  }
0x9c: {  	s22 =	simm.s32 $0x0;
	s4 =	sshll.u32 s4, $0x1;
	s5 =	sadd.s32 s21, s3  }
0x9d: {  	[timem:s22], [sflag:s6] =	dma.local [hbm:s5], s4  }
0x9e: {  	_ =	swait.ge [sflag:s6], s4  }
0x9f: {  	s4 =	ssub.s32 $0x0, s4;
	[sflag:s6] =	ssyncset.done $0x0  }
0xa0: {  	[sflag:s6] =	ssyncadd.s32 s4;
	_ =	sdelay $0x1  }
0xa1: {  	s23 =	simm.s32 $0x1B8B  }
0xa2: {  	_ =	swait.ge [sflag:s23], $0x1  }
0xa3: {  	[sflag:s23] =	ssyncset.done $0x0  }
0xa4: {  	[sflag:s23] =	ssyncadd.s32 $0xFFFFFFFF  }
0xa5: {  	s4 =	sld [smem:$0x0]  }
0xa6: {  	s5 =	sand.u32 $0xFFFFFFFE, s1  }
0xa7: {  	p0 =	sne.s32 s1, s5  }
0xa8: {  	s5 =	sshll.u32 @p0 s5, $0xE  }
0xa9: {  	s5 =	sadd.s32 @p0 $0x11B8D, s5;
	s6 =	sshll.u32 @p0 s4, $0x11  }
0xaa: {  	s5 =	sor.u32 @p0 s6, s5  }
0xab: {  	[sflag:s5] =	ssyncadd.remote.s32 @p0 $0x1;
	_ =	sdelay $0x1  }
0xac: {  	s5 =	simm.s32 @p0 $0x1B8D  }
0xad: {  	_ =	swait.eq @p0 [sflag:s5], $0x1  }
0xae: {  	[sflag:s5] =	ssyncadd.s32 @p0 $0xFFFFFFFF  }
0xaf: {  	s6 =	sshll.u32 @!p0 s1, $0xE  }
0xb0: {  	s6 =	sor.u32 @!p0 $0x4000, s6;
	s5 =	simm.s32 @!p0 $0x1B8D  }
0xb1: {  	s4 =	sshll.u32 @!p0 s4, $0x11;
	s6 =	sadd.s32 @!p0 $0x11B8D, s6;
	_ =	swait.eq @!p0 [sflag:s5], $0x1  }
0xb2: {  	s4 =	sor.u32 @!p0 s4, s6;
	[sflag:s5] =	ssyncadd.s32 @!p0 $0xFFFFFFFF  }
0xb3: {  	s25 =	simm.s32 $0x1B8E;
	s24 =	sld [smem:$0x3FFE];
	[sflag:s4] =	ssyncadd.remote.s32 @!p0 $0x1  }
0xb4: {  	s26 =	simm.s32 $execute0_lowered;
	[smem:$0x3FD2] =	sst s25  }
0xb5: {  	s5 =	sshll.u32 s26, $0x1;
	_ =	strace $0x8000004F;
	[dreg:$0x1] =	wrdreg $0xFFFFFFFF  }
0xb6: {  	s28 =	simm.s32 $_size_execute0_lowered;
	s3 =	sadd.s32 s3, s5;
	[dreg:$0x0] =	wrdreg $0x0  }
0xb7: {  	s5 =	sshll.u32 s28, $0x1;
	[dreg:$0x2] =	wrdreg s3  }
0xb8: {  	[dreg:$0x3] =	wrdreg s5  }
0xb9: {  	[dreg:$0x4] =	wrdreg $0xC0  }
0xba: {  	_ =	task [dreg:s22], $0x5FFFF  }
0xbb: {  	[dreg:$0x1] =	wrdreg $0xFFFFFFFF  }
0xbc: {  	[dreg:$0x0] =	wrdreg $0x60  }
0xbd: {  	[dreg:$0x2] =	wrdreg s24  }
0xbe: {  	[dreg:$0x3] =	wrdreg $0xC  }
0xbf: {  	_ =	task.clear_ibuf [dreg:s22], $0x4FFFF;
	_ =	strace $0x9000004F  }
0xc0: {  	s29 =	simm.s32 $0xC;
	_ =	strace $0x80000051  }
0xc1: {  	_ =	swait.ge [sflag:s29], $0x1  }
0xc2: {  	[sflag:s29] =	ssyncadd.s32 $0xFFFFFFFF  }
0xc3: {  	_ =	strace $0x90000051  }
0xc4: {  	_ =	sfence  }
0xc5: {  	s30 =	sld [smem:$0x0];
	_ =	sdelay $0x2  }
0xc6: {  	s31 =	sshll.u32 s1, $0xD;
	s1 =	sshrl.u32 s1, $0x2  }
0xc7: {  	s4 =	sand.u32 $0x4000, s31;
	s1 =	sadd.s32 s1, s30  }
0xc8: {  	s0 =	sor.u32 s4, s0;
	s1 =	sshll.u32 s1, $0x11  }
0xc9: {  	s0 =	sor.u32 s1, s0  }
0xca: {  	s0 =	sadd.s32 $0x8F2B, s0  }
0xcb: {  	[sflag:s0] =	ssyncadd.remote.s32 $0x1  }
0xcc: {  	_ =	sfence.sel $0xFFFF  }
0xcd: {  	[dreg:$0x0] =	wrdreg $0xFFFFFFFF;
	(pc) =	sbr.abs _section_cstart, $3  }
0xce: {  	[dreg:$0x1] =	wrdreg $0xFFFFFFFF  }
0xcf: {  	_ =	task.clear_ibuf [dreg:s22], $0x2FFFF;
	_ =	strace $0x9FFFFFFF  }
0xd0: {  	(tm) =	ssettm $0x7FFFFFFF  }
0xd1: {  	_ =	shalt  }
tec
execute0_lowered:
.L_overlay_start_1:
0x0: {  	(tag) =	ssettag $0x1  }
0x1: {  	s1 =	srdreg.scid;
	s0 =	stileid.u32  }
0x2: {  	s17 =	sand.u32 $0x1, s1;
	s26 =	sshll.u32 s0, $0x1  }
0x3: {  	s9 =	sor.u32 s17, s26  }
0x4: {  	s10 =	rddreg [dreg:$0x0];
	s18 =	smul.u32 $0x640, s9  }
0x5: {  	s2 =	simm.s32 $0x0;
	s1 =	rddreg [dreg:$0x1]  }
0x6: {  	[smem:$0x7FF] =	sst s2;
	s16 =	sadd.s32 $0x63B400, s10;
	s3 =	sshrl.u32 s18, $0x3  }
0x7: {  	_ =	strace $0x80000050;
	s4 =	sadd.s32 s16, s3;
	s3 =	simm.s32 $0x2  }
0x8: {  	[tilespmem:s2], [sflag:$0x2] =	stream.linear.gather [hbm4b:s4+s2], $0x140, $0x38;
	[tilespmem:$0xA180] =	vst v63  }
0x9: {  	_ =	swait.ge [sflag:s3], $0x140  }
0xa: {  	s6 =	simm.s32 $0x140;
	s7 =	simm.s32 $0x180;
	[sflag:s3] =	ssyncset.done $0x0  }
0xb: {  	s8 =	simm.s32 $0x1;
	s5 =	sadd.s32 $0x56F400, s10;
	[sflag:s3] =	ssyncadd.s32 $0xFFFFFEC0  }
0xc: {  	[tilespmem:s7], [sflag:$0x1] =	stream.indirect.gather [hbm4b:s5+s6], $0x80, s2, s6, $0xb8;
	[tilespmem:$0xA180] =	vst v63  }
0xd: {  	s9 =	smul.u32 $0x6400, s9;
	_ =	swait.ge [sflag:s8], $0xA000  }
0xe: {  	s19 =	sadd.s32 $0xC7CE00, s10;
	[sflag:s8] =	ssyncset.done $0x0  }
0xf: {  	s9 =	sadd.s32 s19, s9;
	[sflag:s8] =	ssyncadd.s32 $0xFFFF6000  }
0x10: {  	[hbm4b:s9+s2] =	stream.linear.scatter [tilespmem:s7], [sflag:$0x2], $0xA000, $0x38;
	[tilespmem:$0xA180] =	vst v63  }
0x11: {  	s11 =	sadd.s32 $0x140, s18;
	_ =	swait.ge [sflag:s3], $0xA000  }
0x12: {  	s28 =	sshrl.u32 s11, $0x3;
	[sflag:s3] =	ssyncset.done $0x0  }
0x13: {  	s10 =	sadd.s32 s16, s28;
	[sflag:s3] =	ssyncadd.s32 $0xFFFF6000  }
0x14: {  	[tilespmem:s2], [sflag:$0x2] =	stream.linear.gather [hbm4b:s10+s2], $0x140, $0x38;
	[tilespmem:$0xA180] =	vst v63  }
0x15: {  	_ =	swait.ge [sflag:s3], $0x140  }
0x16: {  	[sflag:s3] =	ssyncset.done $0x0  }
0x17: {  	[sflag:s3] =	ssyncadd.s32 $0xFFFFFEC0  }
0x18: {  	[tilespmem:s7], [sflag:$0x1] =	stream.indirect.gather [hbm4b:s5+s6], $0x80, s2, s6, $0xb8;
	[tilespmem:$0xA180] =	vst v63  }
0x19: {  	_ =	swait.ge [sflag:s8], $0xA000  }
0x1a: {  	s11 =	sshll.u32 s11, $0x4;
	[sflag:s8] =	ssyncset.done $0x0  }
0x1b: {  	s11 =	sadd.s32 s19, s11;
	[sflag:s8] =	ssyncadd.s32 $0xFFFF6000  }
0x1c: {  	[hbm4b:s11+s2] =	stream.linear.scatter [tilespmem:s7], [sflag:$0x2], $0xA000, $0x38;
	[tilespmem:$0xA180] =	vst v63  }
0x1d: {  	s13 =	sadd.s32 $0x280, s18;
	_ =	swait.ge [sflag:s3], $0xA000  }
0x1e: {  	s12 =	sshrl.u32 s13, $0x3;
	[sflag:s3] =	ssyncset.done $0x0  }
0x1f: {  	s12 =	sadd.s32 s16, s12;
	[sflag:s3] =	ssyncadd.s32 $0xFFFF6000  }
0x20: {  	[tilespmem:s2], [sflag:$0x2] =	stream.linear.gather [hbm4b:s12+s2], $0x140, $0x38;
	[tilespmem:$0xA180] =	vst v63  }
0x21: {  	_ =	swait.ge [sflag:s3], $0x140  }
0x22: {  	[sflag:s3] =	ssyncset.done $0x0  }
0x23: {  	[sflag:s3] =	ssyncadd.s32 $0xFFFFFEC0  }
0x24: {  	[tilespmem:s7], [sflag:$0x1] =	stream.indirect.gather [hbm4b:s5+s6], $0x80, s2, s6, $0xb8;
	[tilespmem:$0xA180] =	vst v63  }
0x25: {  	_ =	swait.ge [sflag:s8], $0xA000  }
0x26: {  	s13 =	sshll.u32 s13, $0x4;
	[sflag:s8] =	ssyncset.done $0x0  }
0x27: {  	s13 =	sadd.s32 s19, s13;
	[sflag:s8] =	ssyncadd.s32 $0xFFFF6000  }
0x28: {  	[hbm4b:s13+s2] =	stream.linear.scatter [tilespmem:s7], [sflag:$0x2], $0xA000, $0x38;
	[tilespmem:$0xA180] =	vst v63  }
0x29: {  	s15 =	sadd.s32 $0x3C0, s18;
	_ =	swait.ge [sflag:s3], $0xA000  }
0x2a: {  	s14 =	sshrl.u32 s15, $0x3;
	[sflag:s3] =	ssyncset.done $0x0  }
0x2b: {  	s14 =	sadd.s32 s16, s14;
	[sflag:s3] =	ssyncadd.s32 $0xFFFF6000  }
0x2c: {  	[tilespmem:s2], [sflag:$0x2] =	stream.linear.gather [hbm4b:s14+s2], $0x140, $0x38;
	[tilespmem:$0xA180] =	vst v63  }
0x2d: {  	_ =	swait.ge [sflag:s3], $0x140  }
0x2e: {  	[sflag:s3] =	ssyncset.done $0x0  }
0x2f: {  	[sflag:s3] =	ssyncadd.s32 $0xFFFFFEC0  }
0x30: {  	[tilespmem:s7], [sflag:$0x1] =	stream.indirect.gather [hbm4b:s5+s6], $0x80, s2, s6, $0xb8;
	[tilespmem:$0xA180] =	vst v63  }
0x31: {  	_ =	swait.ge [sflag:s8], $0xA000  }
0x32: {  	s15 =	sshll.u32 s15, $0x4;
	[sflag:s8] =	ssyncset.done $0x0  }
0x33: {  	s15 =	sadd.s32 s19, s15;
	[sflag:s8] =	ssyncadd.s32 $0xFFFF6000  }
0x34: {  	[hbm4b:s15+s2] =	stream.linear.scatter [tilespmem:s7], [sflag:$0x2], $0xA000, $0x38;
	[tilespmem:$0xA180] =	vst v63  }
0x35: {  	s18 =	sadd.s32 $0x500, s18;
	_ =	swait.ge [sflag:s3], $0xA000  }
0x36: {  	s20 =	sshrl.u32 s18, $0x3;
	[sflag:s3] =	ssyncset.done $0x0  }
0x37: {  	s17 =	ssub.s32 $0x2, s17;
	s16 =	sadd.s32 s16, s20;
	[sflag:s3] =	ssyncadd.s32 $0xFFFF6000  }
0x38: {  	[tilespmem:s2], [sflag:$0x2] =	stream.linear.gather [hbm4b:s16+s2], $0x140, $0x38;
	[tilespmem:$0xA180] =	vst v63  }
0x39: {  	s29 =	sshrl.u32 s17, $0x1;
	_ =	swait.ge [sflag:s3], $0x140  }
0x3a: {  	s20 =	ssub.s32 s17, s29;
	[sflag:s3] =	ssyncset.done $0x0  }
0x3b: {  	s31 =	smax.u32 s20, $0x1;
	[sflag:s3] =	ssyncadd.s32 $0xFFFFFEC0  }
0x3c: {  	[tilespmem:s7], [sflag:$0x1] =	stream.indirect.gather [hbm4b:s5+s6], $0x80, s2, s6, $0xb8;
	[tilespmem:$0xA180] =	vst v63  }
0x3d: {  	p0 =	sne.s32 s31, $0x1;
	_ =	swait.ge [sflag:s8], $0xA000  }
.Ltmp0:
0x3e: {  	s30 =	sshll.u32 s18, $0x4;
	[sflag:s8] =	ssyncset.done $0x0;
	(pc) =	sbr.rel @!p0 .LBB2_2-.Ltmp0, $4  }
0x3f: {  	s17 =	sadd.s32 s19, s30;
	[sflag:s8] =	ssyncadd.s32 $0xFFFF6000  }
0x40: {  	[hbm4b:s17+s2] =	stream.linear.scatter [tilespmem:s7], [sflag:$0x2], $0xA000, $0x38;
	[tilespmem:$0xA180] =	vst v63  }
0x41: {  	_ =	swait.ge [sflag:s3], $0xA000  }
0x42: {  	s18 =	sadd.s32 $0xFFFFFFFF, s31;
	[sflag:s3] =	ssyncset.done $0x0  }
.LBB2_1:
0x43: {  	p0 =	sne.s32 s18, $0x1;
	s18 =	sadd.s32 $0xFFFFFFFF, s18;
	[sflag:s3] =	ssyncadd.s32 $0xFFFF6000  }
0x44: {  	[tilespmem:s2], [sflag:$0x2] =	stream.linear.gather [hbm4b:s4+s2], $0x140, $0x38;
	[tilespmem:$0xA180] =	vst v63  }
0x45: {  	_ =	swait.ge [sflag:s3], $0x140  }
0x46: {  	[sflag:s3] =	ssyncset.done $0x0  }
0x47: {  	[sflag:s3] =	ssyncadd.s32 $0xFFFFFEC0  }
0x48: {  	[tilespmem:s7], [sflag:$0x1] =	stream.indirect.gather [hbm4b:s5+s6], $0x80, s2, s6, $0xb8;
	[tilespmem:$0xA180] =	vst v63  }
0x49: {  	_ =	swait.ge [sflag:s8], $0xA000  }
0x4a: {  	[sflag:s8] =	ssyncset.done $0x0  }
0x4b: {  	[sflag:s8] =	ssyncadd.s32 $0xFFFF6000  }
0x4c: {  	[hbm4b:s9+s2] =	stream.linear.scatter [tilespmem:s7], [sflag:$0x2], $0xA000, $0x38;
	[tilespmem:$0xA180] =	vst v63  }
0x4d: {  	_ =	swait.ge [sflag:s3], $0xA000  }
0x4e: {  	[sflag:s3] =	ssyncset.done $0x0  }
0x4f: {  	[sflag:s3] =	ssyncadd.s32 $0xFFFF6000  }
0x50: {  	[tilespmem:s2], [sflag:$0x2] =	stream.linear.gather [hbm4b:s10+s2], $0x140, $0x38;
	[tilespmem:$0xA180] =	vst v63  }
0x51: {  	_ =	swait.ge [sflag:s3], $0x140  }
0x52: {  	[sflag:s3] =	ssyncset.done $0x0  }
0x53: {  	[sflag:s3] =	ssyncadd.s32 $0xFFFFFEC0  }
0x54: {  	[tilespmem:s7], [sflag:$0x1] =	stream.indirect.gather [hbm4b:s5+s6], $0x80, s2, s6, $0xb8;
	[tilespmem:$0xA180] =	vst v63  }
0x55: {  	_ =	swait.ge [sflag:s8], $0xA000  }
0x56: {  	[sflag:s8] =	ssyncset.done $0x0  }
0x57: {  	[sflag:s8] =	ssyncadd.s32 $0xFFFF6000  }
0x58: {  	[hbm4b:s11+s2] =	stream.linear.scatter [tilespmem:s7], [sflag:$0x2], $0xA000, $0x38;
	[tilespmem:$0xA180] =	vst v63  }
0x59: {  	_ =	swait.ge [sflag:s3], $0xA000  }
0x5a: {  	[sflag:s3] =	ssyncset.done $0x0  }
0x5b: {  	[sflag:s3] =	ssyncadd.s32 $0xFFFF6000  }
0x5c: {  	[tilespmem:s2], [sflag:$0x2] =	stream.linear.gather [hbm4b:s12+s2], $0x140, $0x38;
	[tilespmem:$0xA180] =	vst v63  }
0x5d: {  	_ =	swait.ge [sflag:s3], $0x140  }
0x5e: {  	[sflag:s3] =	ssyncset.done $0x0  }
0x5f: {  	[sflag:s3] =	ssyncadd.s32 $0xFFFFFEC0  }
0x60: {  	[tilespmem:s7], [sflag:$0x1] =	stream.indirect.gather [hbm4b:s5+s6], $0x80, s2, s6, $0xb8;
	[tilespmem:$0xA180] =	vst v63  }
0x61: {  	_ =	swait.ge [sflag:s8], $0xA000  }
0x62: {  	[sflag:s8] =	ssyncset.done $0x0  }
0x63: {  	[sflag:s8] =	ssyncadd.s32 $0xFFFF6000  }
0x64: {  	[hbm4b:s13+s2] =	stream.linear.scatter [tilespmem:s7], [sflag:$0x2], $0xA000, $0x38;
	[tilespmem:$0xA180] =	vst v63  }
0x65: {  	_ =	swait.ge [sflag:s3], $0xA000  }
0x66: {  	[sflag:s3] =	ssyncset.done $0x0  }
0x67: {  	[sflag:s3] =	ssyncadd.s32 $0xFFFF6000  }
0x68: {  	[tilespmem:s2], [sflag:$0x2] =	stream.linear.gather [hbm4b:s14+s2], $0x140, $0x38;
	[tilespmem:$0xA180] =	vst v63  }
0x69: {  	_ =	swait.ge [sflag:s3], $0x140  }
0x6a: {  	[sflag:s3] =	ssyncset.done $0x0  }
0x6b: {  	[sflag:s3] =	ssyncadd.s32 $0xFFFFFEC0  }
0x6c: {  	[tilespmem:s7], [sflag:$0x1] =	stream.indirect.gather [hbm4b:s5+s6], $0x80, s2, s6, $0xb8;
	[tilespmem:$0xA180] =	vst v63  }
0x6d: {  	_ =	swait.ge [sflag:s8], $0xA000  }
0x6e: {  	[sflag:s8] =	ssyncset.done $0x0  }
0x6f: {  	[sflag:s8] =	ssyncadd.s32 $0xFFFF6000  }
0x70: {  	[hbm4b:s15+s2] =	stream.linear.scatter [tilespmem:s7], [sflag:$0x2], $0xA000, $0x38;
	[tilespmem:$0xA180] =	vst v63  }
0x71: {  	_ =	swait.ge [sflag:s3], $0xA000  }
0x72: {  	[sflag:s3] =	ssyncset.done $0x0  }
0x73: {  	[sflag:s3] =	ssyncadd.s32 $0xFFFF6000  }
0x74: {  	[tilespmem:s2], [sflag:$0x2] =	stream.linear.gather [hbm4b:s16+s2], $0x140, $0x38;
	[tilespmem:$0xA180] =	vst v63  }
0x75: {  	_ =	swait.ge [sflag:s3], $0x140  }
0x76: {  	[sflag:s3] =	ssyncset.done $0x0  }
0x77: {  	[sflag:s3] =	ssyncadd.s32 $0xFFFFFEC0  }
0x78: {  	[tilespmem:s7], [sflag:$0x1] =	stream.indirect.gather [hbm4b:s5+s6], $0x80, s2, s6, $0xb8;
	[tilespmem:$0xA180] =	vst v63  }
0x79: {  	_ =	swait.ge [sflag:s8], $0xA000  }
.Ltmp1:
0x7a: {  	[sflag:s8] =	ssyncset.done $0x0;
	(pc) =	sbr.rel @p0 .LBB2_1-.Ltmp1, $4  }
0x7b: {  	[sflag:s8] =	ssyncadd.s32 $0xFFFF6000  }
0x7c: {  	[hbm4b:s17+s2] =	stream.linear.scatter [tilespmem:s7], [sflag:$0x2], $0xA000, $0x38;
	[tilespmem:$0xA180] =	vst v63  }
0x7d: {  	_ =	swait.ge [sflag:s3], $0xA000  }
0x7e: {  	[sflag:s3] =	ssyncset.done $0x0  }
.LBB2_2:
0x7f: {  	[sflag:s3] =	ssyncadd.s32 $0xFFFF6000  }
0x80: {  	_ =	sfence.sel $0x180000  }
0x81: {  	[bflag:$0x0] =	sbarrier.arrive $0xFFFF  }
0x82: {  	p0 =	sne.s32 s0, $0x0;
	_ =	strace $0x90000050  }
0x83: {  	s0 =	sadd.s32 @!p0 $0x100000, s1;
	[bflag:$0x2] =	sbarrier.arrive $0xFFFF  }
0x84: {  	[sflag:s0] =	ssyncadd.tile.s32 @!p0 $0x1;
	_ =	shalt  }
.Lfunc_end2:
_tile_overlayer_lowered:
.L_overlay_start_2:
0x85: {  	(tag) =	ssettag $0x2  }
0x86: {  	s0 =	rddreg [dreg:$0x0];
	s2 =	stileid.u32  }
0x87: {  	s1 =	rddreg [dreg:$0x1];
	p0 =	sne.s32 s2, $0x0  }
0x88: {  	s3 =	rddreg [dreg:$0x2];
	[bflag:$0x3] =	sbarrier.arrive $0xFFFF;
	s2 =	simm.s32 @!p0 $0x1C02  }
0x89: {  	[timem:s3], [sflag:s2] =	dma.local @!p0 [hbm:s0], s1  }
0x8a: {  	s0 =	simm.s32 @!p0 $0x2  }
0x8b: {  	_ =	swait.ge @!p0 [sflag:s0], s1  }
0x8c: {  	s1 =	ssub.s32 @!p0 $0x0, s1;
	[sflag:s0] =	ssyncset.done @!p0 $0x0  }
0x8d: {  	[sflag:s0] =	ssyncadd.s32 @!p0 s1  }
0x8e: {  	[bflag:$0x3] =	sbarrier.arrive $0xFFFF  }
0x8f: {  	_ =	shalt  }

// kernel: kernel.71.cloned.1.call-start
scs
__scs_entry_jumppad:
0x0: {  	(pc) =	sbr.rel $0x88, $3  }
0x1: {  	(tag) =	ssettag $0x0;
	lr =	simm.s32 $0x1  }
0x2: {  	[smem:$0x3F8B] =	sst lr;
	_ =	strace $0xD0000000  }
0x3: {  	_ = 	snop  }
0x4: {  	_ = 	snop  }
0x5: {  	_ = 	snop  }
0x6: {  	_ = 	snop  }
0x7: {  	_ = 	snop  }
__scs_overlays_trampoline_lowered:
0x8: {  	[smem:$0x3F9A] =	sst s0  }
0x9: {  	[smem:$0x3F9B] =	sst s1  }
0xa: {  	[smem:$0x3F9C] =	sst s2  }
0xb: {  	[smem:$0x3F9D] =	sst s3  }
0xc: {  	[smem:$0x3F9E] =	sst s4  }
0xd: {  	[smem:$0x3F9F] =	sst s5  }
0xe: {  	[smem:$0x3FA0] =	sst s6  }
0xf: {  	[smem:$0x3FA1] =	sst s7  }
0x10: {  	[smem:$0x3FA2] =	sst s8  }
0x11: {  	[smem:$0x3FA3] =	sst s9;
	s0 =	simm.s32 @!p0 $0x0  }
0x12: {  	s1 =	sld [smem:$0x3F89];
	s0 =	simm.s32 @p0 $0x1  }
0x13: {  	[smem:$0x3FA4] =	sst s0;
	s0 =	simm.s32 @!p1 $0x0  }
0x14: {  	s2 =	sld [smem:$0x3F88];
	s0 =	simm.s32 @p1 $0x1  }
0x15: {  	[smem:$0x3FA5] =	sst s0;
	s0 =	simm.s32 @!p2 $0x0  }
0x16: {  	s3 =	sld [smem:$0x3FDB];
	s0 =	simm.s32 @p2 $0x1  }
0x17: {  	s4 =	simm.s32 $0x1BF5;
	[smem:$0x3FA7] =	sst s0  }
0x18: {  	s0 =	sld [smem:$0x3F8A];
	_ =	swait.ge [sflag:s4], $0x0  }
0x19: {  	s7 =	sld [smem:$0x3F8B]  }
0x1a: {  	s8 =	sadd.s32 $0xFFFFE003, lr  }
0x1b: {  	s9 =	sadd.s32 $0xFFFFFEF7, lr;
	s5 =	simm.s32 $0xFFFFFFFF;
	p2 =	slt.u32 s8, $0xFFFFF086  }
0x1c: {  	p1 =	slt.u32 s9, $0xF7A;
	s5 =	simm.s32 @!p2 $0x0  }
0x1d: {  	s5 =	simm.s32 @p1 $0x1;
	p0 =	seq.s32 s7, s2  }
0x1e: {  	s7 =	smul.u32 @!p0 $0xF7A, s2;
	p2 =	seq.s32 @!p0 s5, $0x0  }
0x1f: {  	s9 =	smul.u32 $0xF7A, s1;
	s8 =	simm.s32 @!p0 $0x1BF5;
	p2 =	por !p2, p0  }
0x20: {  	[sflag:s8] =	ssyncset.s32 @!p0 $0xFFFFF086;
	s6 =	sadd.s32 @!p0 s3, s7;
	s7 =	simm.s32 @!p0 $0x108  }
0x21: {  	s3 =	sadd.s32 s3, s9;
	s6 =	sadd.s32 @!p0 $0x88, s6;
	s7 =	simm.s32 @p2 $0x1082  }
0x22: {  	[simem:s7], [sflag:s8] =	dma.local @!p0 [hbm:s6], $0xF7A  }
0x23: {  	s9 =	sor.u32 $0xD0000000, s2;
	s6 =	simm.s32 $0x108;
	_ =	swait.ge @!p0 [sflag:s8], $0x0  }
0x24: {  	s3 =	sadd.s32 $0x88, s3;
	s6 =	simm.s32 @!p1 $0x1082;
	[sflag:s4] =	ssyncset.s32 $0xFFFFF086  }
0x25: {  	[simem:s6], [sflag:s4] =	dma.local [hbm:s3], $0xF7A  }
0x26: {  	[smem:$0x3F8B] =	sst s1;
	(tag) =	ssettag s2;
	_ =	strace s9  }
0x27: {  	s1 =	sld [smem:$0x3F9B]  }
0x28: {  	s2 =	sld [smem:$0x3F9C]  }
0x29: {  	s4 =	sld [smem:$0x3F9E]  }
0x2a: {  	p0 =	seq.s32 s5, $0x0;
	s5 =	sld [smem:$0x3F9F]  }
0x2b: {  	s6 =	sld [smem:$0x3FA0]  }
0x2c: {  	s7 =	sld [smem:$0x3FA1]  }
0x2d: {  	s3 =	simm.s32 $0x108;
	s8 =	sld [smem:$0x3FA2]  }
0x2e: {  	s3 =	simm.s32 @!p0 $0x1082;
	s9 =	sld [smem:$0x3FA3]  }
0x2f: {  	lr =	sadd.s32 s0, s3;
	s0 =	sld [smem:$0x3F9A]  }
0x30: {  	s3 =	sld [smem:$0x3F9D]  }
0x31: {  	[smem:$0x3FA6] =	sst s10  }
0x32: {  	s10 =	sld [smem:$0x3FA4];
	_ =	sdelay $0x3  }
0x33: {  	p0 =	seq.s32 s10, $0x1;
	s10 =	sld [smem:$0x3FA6];
	_ =	sdelay $0x3  }
0x34: {  	[smem:$0x3FA6] =	sst s10  }
0x35: {  	s10 =	sld [smem:$0x3FA5];
	_ =	sdelay $0x3  }
0x36: {  	p1 =	seq.s32 s10, $0x1;
	s10 =	sld [smem:$0x3FA6];
	_ =	sdelay $0x3  }
0x37: {  	[smem:$0x3FA6] =	sst s10  }
0x38: {  	s10 =	sld [smem:$0x3FA7]  }
0x39: {  	_ = 	snop;
	(pc) =	sbr.ind lr, $3  }
0x3a: {  	_ = 	snop  }
0x3b: {  	_ = 	snop  }
0x3c: {  	p2 =	seq.s32 s10, $0x1;
	s10 =	sld [smem:$0x3FA6]  }
0x3d: {  	_ =	shalt  }
0x3e: {  	_ =	shalt  }
0x3f: {  	_ =	shalt  }
0x40: {  	_ =	shalt  }
0x41: {  	_ =	shalt  }
0x42: {  	_ =	shalt  }
0x43: {  	_ =	shalt  }
0x44: {  	_ =	shalt  }
0x45: {  	_ =	shalt  }
0x46: {  	_ =	shalt  }
0x47: {  	_ =	shalt  }
0x48: {  	_ =	shalt  }
0x49: {  	_ =	shalt  }
0x4a: {  	_ =	shalt  }
0x4b: {  	_ =	shalt  }
0x4c: {  	_ =	shalt  }
0x4d: {  	_ =	shalt  }
0x4e: {  	_ =	shalt  }
0x4f: {  	_ =	shalt  }
0x50: {  	_ =	shalt  }
0x51: {  	_ =	shalt  }
0x52: {  	_ =	shalt  }
0x53: {  	_ =	shalt  }
0x54: {  	_ =	shalt  }
0x55: {  	_ =	shalt  }
0x56: {  	_ =	shalt  }
0x57: {  	_ =	shalt  }
0x58: {  	_ =	shalt  }
0x59: {  	_ =	shalt  }
0x5a: {  	_ =	shalt  }
0x5b: {  	_ =	shalt  }
0x5c: {  	_ =	shalt  }
0x5d: {  	_ =	shalt  }
0x5e: {  	_ =	shalt  }
0x5f: {  	_ =	shalt  }
0x60: {  	_ =	shalt  }
0x61: {  	_ =	shalt  }
0x62: {  	_ =	shalt  }
0x63: {  	_ =	shalt  }
0x64: {  	_ =	shalt  }
0x65: {  	_ =	shalt  }
0x66: {  	_ =	shalt  }
0x67: {  	_ =	shalt  }
0x68: {  	_ =	shalt  }
0x69: {  	_ =	shalt  }
0x6a: {  	_ =	shalt  }
0x6b: {  	_ =	shalt  }
0x6c: {  	_ =	shalt  }
0x6d: {  	_ =	shalt  }
0x6e: {  	_ =	shalt  }
0x6f: {  	_ =	shalt  }
0x70: {  	_ =	shalt  }
0x71: {  	_ =	shalt  }
0x72: {  	_ =	shalt  }
0x73: {  	_ =	shalt  }
0x74: {  	_ =	shalt  }
0x75: {  	_ =	shalt  }
0x76: {  	_ =	shalt  }
0x77: {  	_ =	shalt  }
0x78: {  	_ =	shalt  }
0x79: {  	_ =	shalt  }
0x7a: {  	_ =	shalt  }
0x7b: {  	_ =	shalt  }
0x7c: {  	_ =	shalt  }
0x7d: {  	_ =	shalt  }
0x7e: {  	_ =	shalt  }
0x7f: {  	_ =	shalt  }
0x80: {  	_ =	shalt  }
0x81: {  	_ =	shalt  }
0x82: {  	_ =	shalt  }
0x83: {  	_ =	shalt  }
0x84: {  	_ =	shalt  }
0x85: {  	_ =	shalt  }
0x86: {  	_ =	shalt  }
0x87: {  	_ =	shalt  }
.Lfunc_end0:
.L_simem_size_0:
called_computation.7_lowered:
.L_overlay_start_0:
0x88: {  	s2 =	sld [smem:$0x3FD9]  }
0x89: {  	s3 =	sld [smem:$0x3FFE];
	_ =	sdelay $0x1  }
0x8a: {  	s1 =	srdreg.scid  }
0x8b: {  	s0 =	sand.u32 $0x1, s1  }
0x8c: {  	s17 =	sshll.u32 s0, $0xA;
	s2 =	sadd.s32 s3, s2  }
0x8d: {  	s2 =	sadd.s32 s2, s17  }
0x8e: {  	[smem:$0x3FB2] =	sst s2  }
0x8f: {  	_ = 	snop  }
0x90: {  	(tm) =	ssettm $0x1  }
0x91: {  	s18 =	sld [smem:$0x3FFB];
	_ =	sdelay $0x3  }
0x92: {  	_ =	strace s18  }
0x93: {  	s2 =	sld [smem:$0x3FFC];
	_ =	sdelay $0x3  }
0x94: {  	_ =	strace s2  }
0x95: {  	s2 =	sld [smem:$0x3FFD];
	_ =	sdelay $0x3  }
0x96: {  	_ =	strace s2  }
0x97: {  	_ =	strace $0x8FFFFFFF  }
0x98: {  	s19 =	sld [smem:$0x3FDB];
	_ =	sdelay $0x1  }
0x99: {  	s20 =	simm.s32 $_scs_section_size  }
0x9a: {  	s4 =	simm.s32 $_size__tile_overlayer_lowered;
	s5 =	simm.s32 $_tile_overlayer_lowered  }
0x9b: {  	s6 =	simm.s32 $0x1BFF;
	s21 =	sshll.u32 s5, $0x1;
	s3 =	sadd.s32 s20, s19  }
0x9c: {  	s22 =	simm.s32 $0x0;
	s4 =	sshll.u32 s4, $0x1;
	s5 =	sadd.s32 s21, s3  }
0x9d: {  	[timem:s22], [sflag:s6] =	dma.local [hbm:s5], s4  }
0x9e: {  	_ =	swait.ge [sflag:s6], s4  }
0x9f: {  	s4 =	ssub.s32 $0x0, s4;
	[sflag:s6] =	ssyncset.done $0x0  }
0xa0: {  	[sflag:s6] =	ssyncadd.s32 s4;
	_ =	sdelay $0x1  }
0xa1: {  	s23 =	simm.s32 $0x1B8B  }
0xa2: {  	_ =	swait.ge [sflag:s23], $0x1  }
0xa3: {  	[sflag:s23] =	ssyncset.done $0x0  }
0xa4: {  	[sflag:s23] =	ssyncadd.s32 $0xFFFFFFFF  }
0xa5: {  	s4 =	sld [smem:$0x0]  }
0xa6: {  	s5 =	sand.u32 $0xFFFFFFFE, s1  }
0xa7: {  	p0 =	sne.s32 s1, s5  }
0xa8: {  	s5 =	sshll.u32 @p0 s5, $0xE  }
0xa9: {  	s5 =	sadd.s32 @p0 $0x11B8D, s5;
	s6 =	sshll.u32 @p0 s4, $0x11  }
0xaa: {  	s5 =	sor.u32 @p0 s6, s5  }
0xab: {  	[sflag:s5] =	ssyncadd.remote.s32 @p0 $0x1;
	_ =	sdelay $0x1  }
0xac: {  	s5 =	simm.s32 @p0 $0x1B8D  }
0xad: {  	_ =	swait.eq @p0 [sflag:s5], $0x1  }
0xae: {  	[sflag:s5] =	ssyncadd.s32 @p0 $0xFFFFFFFF  }
0xaf: {  	s6 =	sshll.u32 @!p0 s1, $0xE  }
0xb0: {  	s6 =	sor.u32 @!p0 $0x4000, s6;
	s5 =	simm.s32 @!p0 $0x1B8D  }
0xb1: {  	s4 =	sshll.u32 @!p0 s4, $0x11;
	s6 =	sadd.s32 @!p0 $0x11B8D, s6;
	_ =	swait.eq @!p0 [sflag:s5], $0x1  }
0xb2: {  	s4 =	sor.u32 @!p0 s4, s6;
	[sflag:s5] =	ssyncadd.s32 @!p0 $0xFFFFFFFF  }
0xb3: {  	s25 =	simm.s32 $0x1B8E;
	s24 =	sld [smem:$0x3FFE];
	[sflag:s4] =	ssyncadd.remote.s32 @!p0 $0x1  }
0xb4: {  	s26 =	simm.s32 $execute0_lowered;
	[smem:$0x3FD2] =	sst s25  }
0xb5: {  	s5 =	sshll.u32 s26, $0x1;
	_ =	strace $0x80000058;
	[dreg:$0x1] =	wrdreg $0xFFFFFFFF  }
0xb6: {  	s28 =	simm.s32 $_size_execute0_lowered;
	s3 =	sadd.s32 s3, s5;
	[dreg:$0x0] =	wrdreg $0x0  }
0xb7: {  	s5 =	sshll.u32 s28, $0x1;
	[dreg:$0x2] =	wrdreg s3  }
0xb8: {  	[dreg:$0x3] =	wrdreg s5  }
0xb9: {  	[dreg:$0x4] =	wrdreg $0xC0  }
0xba: {  	_ =	task [dreg:s22], $0x5FFFF  }
0xbb: {  	[dreg:$0x1] =	wrdreg $0xFFFFFFFF  }
0xbc: {  	[dreg:$0x0] =	wrdreg $0x60  }
0xbd: {  	[dreg:$0x2] =	wrdreg s24  }
0xbe: {  	[dreg:$0x3] =	wrdreg $0xB  }
0xbf: {  	_ =	task.clear_ibuf [dreg:s22], $0x4FFFF;
	_ =	strace $0x90000058  }
0xc0: {  	s29 =	simm.s32 $0xB;
	_ =	strace $0x8000005A  }
0xc1: {  	_ =	swait.ge [sflag:s29], $0x1  }
0xc2: {  	[sflag:s29] =	ssyncadd.s32 $0xFFFFFFFF  }
0xc3: {  	_ =	strace $0x9000005A  }
0xc4: {  	_ =	sfence  }
0xc5: {  	s30 =	sld [smem:$0x0];
	_ =	sdelay $0x2  }
0xc6: {  	s31 =	sshll.u32 s1, $0xD;
	s1 =	sshrl.u32 s1, $0x2  }
0xc7: {  	s4 =	sand.u32 $0x4000, s31;
	s1 =	sadd.s32 s1, s30  }
0xc8: {  	s0 =	sor.u32 s4, s0;
	s1 =	sshll.u32 s1, $0x11  }
0xc9: {  	s0 =	sor.u32 s1, s0  }
0xca: {  	s0 =	sadd.s32 $0x8F2B, s0  }
0xcb: {  	[sflag:s0] =	ssyncadd.remote.s32 $0x1  }
0xcc: {  	_ =	sfence.sel $0xFFFF  }
0xcd: {  	[dreg:$0x0] =	wrdreg $0xFFFFFFFF;
	(pc) =	sbr.abs _section_cstart, $3  }
0xce: {  	[dreg:$0x1] =	wrdreg $0xFFFFFFFF  }
0xcf: {  	_ =	task.clear_ibuf [dreg:s22], $0x2FFFF;
	_ =	strace $0x9FFFFFFF  }
0xd0: {  	(tm) =	ssettm $0x7FFFFFFF  }
0xd1: {  	_ =	shalt  }
tec
execute0_lowered:
.L_overlay_start_1:
0x0: {  	(tag) =	ssettag $0x1  }
0x1: {  	s0 =	rddreg [dreg:$0x0]  }
0x2: {  	s1 =	srdreg.scid;
	s6 =	stileid.u32  }
0x3: {  	s2 =	simm.s32 $0x0;
	s24 =	simm.s32 $0x900;
	s25 =	simm.s32 $0x1100  }
0x4: {  	s26 =	simm.s32 $0x1900;
	s9 =	simm.s32 $0x2900;
	s10 =	simm.s32 $0x3100  }
0x5: {  	s11 =	simm.s32 $0x3900;
	s12 =	simm.s32 $0x4100;
	s13 =	simm.s32 $0x4900  }
0x6: {  	s14 =	simm.s32 $0x5100;
	s15 =	simm.s32 $0x5900;
	s16 =	simm.s32 $0x6100  }
0x7: {  	s17 =	simm.s32 $0x6900;
	s18 =	simm.s32 $0x7100;
	s19 =	simm.s32 $0x7900  }
0x8: {  	s28 =	simm.s32 $0xB900;
	s29 =	simm.s32 $0xC100;
	s30 =	simm.s32 $0x1  }
0x9: {  	s31 =	simm.s32 $0x0;
	s1 =	sand.u32 $0x1, s1;
	s4 =	smul.u32 $0xC80, s6  }
0xa: {  	[smem:$0x7FF] =	sst s2;
	s3 =	sadd.s32 $0x56E000, s0;
	s20 =	smul.u32 $0x19000, s6  }
0xb: {  	s6 =	simm.s32 $0x2;
	_ =	strace $0x80000059;
	[dreg:$0x3] =	wrdreg s24  }
0xc: {  	s5 =	smul.u32 $0x640, s1;
	s21 =	ssub.s32 $0x2, s1;
	[dreg:$0x4] =	wrdreg s25  }
0xd: {  	s1 =	smul.u32 $0xC800, s1;
	[dreg:$0x5] =	wrdreg s26;
	s24 =	simm.s32 $0xA100  }
0xe: {  	s25 =	simm.s32 $0xA900;
	s7 =	sshrl.u32 s21, $0x1;
	s4 =	sadd.s32 s5, s4  }
0xf: {  	s26 =	simm.s32 $0xB100;
	s22 =	ssub.s32 s21, s7;
	s4 =	sshrl.u32 s4, $0x3  }
0x10: {  	s7 =	simm.s32 $0x100;
	s21 =	simm.s32 $0x8900;
	s8 =	sadd.s32 s4, s0  }
0x11: {  	s0 =	sadd.s32 s20, s0;
	s4 =	smax.u32 s22, $0x1;
	s20 =	simm.s32 $0x8100  }
0x12: {  	v2 =	vlaneseq.u32;
	[dreg:$0x6] =	wrdreg s4;
	s0 =	sadd.s32 s1, s0;
	s23 =	sadd.s32 $0x60600, s8  }
0x13: {  	vm0 =	vmmov $0xffff;
	v1 =	vshrl.u32 v2, $0x3;
	s22 =	simm.s32 $0x9100;
	s0 =	sadd.s32 $0x63CE00, s0;
	[dreg:$0x2] =	wrdreg s23  }
0x14: {  	v0 =	vand.u32 $0x7, v2;
	v2 =	vor.u32 $0x8, v2;
	v1 =	vmul.u32 $0x8, v1;
	s8 =	simm.s32 $0x2100;
	s23 =	simm.s32 $0x9900;
	[dreg:$0x7] =	wrdreg s0  }
.LBB2_1:
0x15: {  	s5 =	rddreg [dreg:$0x7];
	s1 =	simm.s32 $0x0  }
.LBB2_2:
0x16: {  	s4 =	rddreg [dreg:$0x2]  }
0x17: {  	s4 =	sadd.s32 s1, s4  }
0x18: {  	[tilespmem:s2], [sflag:$0x2] =	stream.linear.gather [hbm4b:s4+s2], $0xC8, $0x38;
	[tilespmem:$0xC900] =	vst v63  }
0x19: {  	_ =	swait.ge [sflag:s6], $0xC8  }
0x1a: {  	[sflag:s6] =	ssyncset.done $0x0  }
0x1b: {  	[sflag:s6] =	ssyncadd.s32 $0xFFFFFF38  }
0x1c: {  	v3 =	vld [tilespmem:$0x0];
	_ =	sdelay $0x4  }
0x1d: {  	v4 =	vshll.u32 v3, $0x1  }
0x1e: {  	v3 =	vand.u32 $0x7, v3;
	v4 =	vand.u32 $0xFFFFFFF0, v4  }
0x1f: {  	v3 =	vor.u32 v3, v4  }
0x20: {  	v4 =	vperm.xlane v3, v0;
	_ =	sdelay $0x1  }
0x21: {  	v3 =	vperm.xlane v3, v2;
	v4 =	vadd.s32 v1, v4;
	_ =	sdelay $0x1  }
0x22: {  	v3 =	vadd.s32 v1, v3;
	_ =	sdelay $0x2  }
0x23: {  	[tilespmem:s7], [sflag:$0x1] =	stream.indirect_vreg.gather [hbm4b:s3+s2], $0x80, v4, vm0, $0xb8;
	[tilespmem:$0xC900] =	vst v63  }
0x24: {  	s0 =	rddreg [dreg:$0x3]  }
0x25: {  	[tilespmem:s0], [sflag:$0x1] =	stream.indirect_vreg.gather [hbm4b:s3+s2], $0x80, v3, vm0, $0xb8;
	[tilespmem:$0xC900] =	vst v63  }
0x26: {  	v3 =	vld [tilespmem:$0x10];
	_ =	sdelay $0x4  }
0x27: {  	v52 =	vshll.u32 v3, $0x1  }
0x28: {  	v3 =	vand.u32 $0x7, v3;
	v4 =	vand.u32 $0xFFFFFFF0, v52  }
0x29: {  	v3 =	vor.u32 v3, v4  }
0x2a: {  	v4 =	vperm.xlane v3, v0;
	_ =	sdelay $0x1  }
0x2b: {  	v3 =	vperm.xlane v3, v2;
	v4 =	vadd.s32 v1, v4;
	_ =	sdelay $0x1  }
0x2c: {  	v3 =	vadd.s32 v1, v3;
	_ =	sdelay $0x1  }
0x2d: {  	s4 =	rddreg [dreg:$0x4]  }
0x2e: {  	[tilespmem:s4], [sflag:$0x1] =	stream.indirect_vreg.gather [hbm4b:s3+s2], $0x80, v4, vm0, $0xb8;
	[tilespmem:$0xC900] =	vst v63  }
0x2f: {  	s0 =	rddreg [dreg:$0x5]  }
0x30: {  	[tilespmem:s0], [sflag:$0x1] =	stream.indirect_vreg.gather [hbm4b:s3+s2], $0x80, v3, vm0, $0xb8;
	[tilespmem:$0xC900] =	vst v63  }
0x31: {  	v3 =	vld [tilespmem:$0x20];
	_ =	sdelay $0x4  }
0x32: {  	v53 =	vshll.u32 v3, $0x1  }
0x33: {  	v3 =	vand.u32 $0x7, v3;
	v4 =	vand.u32 $0xFFFFFFF0, v53  }
0x34: {  	v3 =	vor.u32 v3, v4  }
0x35: {  	v4 =	vperm.xlane v3, v0;
	_ =	sdelay $0x1  }
0x36: {  	v3 =	vperm.xlane v3, v2;
	v4 =	vadd.s32 v1, v4;
	_ =	sdelay $0x1  }
0x37: {  	v3 =	vadd.s32 v1, v3;
	_ =	sdelay $0x2  }
0x38: {  	[tilespmem:s8], [sflag:$0x1] =	stream.indirect_vreg.gather [hbm4b:s3+s2], $0x80, v4, vm0, $0xb8;
	[tilespmem:$0xC900] =	vst v63  }
0x39: {  	_ = 	snop  }
0x3a: {  	[tilespmem:s9], [sflag:$0x1] =	stream.indirect_vreg.gather [hbm4b:s3+s2], $0x80, v3, vm0, $0xb8;
	[tilespmem:$0xC900] =	vst v63  }
0x3b: {  	v3 =	vld [tilespmem:$0x30];
	_ =	sdelay $0x4  }
0x3c: {  	v54 =	vshll.u32 v3, $0x1  }
0x3d: {  	v3 =	vand.u32 $0x7, v3;
	v4 =	vand.u32 $0xFFFFFFF0, v54  }
0x3e: {  	v3 =	vor.u32 v3, v4  }
0x3f: {  	v4 =	vperm.xlane v3, v0;
	_ =	sdelay $0x1  }
0x40: {  	v3 =	vperm.xlane v3, v2;
	v4 =	vadd.s32 v1, v4;
	_ =	sdelay $0x1  }
0x41: {  	v3 =	vadd.s32 v1, v3;
	_ =	sdelay $0x2  }
0x42: {  	[tilespmem:s10], [sflag:$0x1] =	stream.indirect_vreg.gather [hbm4b:s3+s2], $0x80, v4, vm0, $0xb8;
	[tilespmem:$0xC900] =	vst v63  }
0x43: {  	_ = 	snop  }
0x44: {  	[tilespmem:s11], [sflag:$0x1] =	stream.indirect_vreg.gather [hbm4b:s3+s2], $0x80, v3, vm0, $0xb8;
	[tilespmem:$0xC900] =	vst v63  }
0x45: {  	v3 =	vld [tilespmem:$0x40];
	_ =	sdelay $0x4  }
0x46: {  	v55 =	vshll.u32 v3, $0x1  }
0x47: {  	v3 =	vand.u32 $0x7, v3;
	v4 =	vand.u32 $0xFFFFFFF0, v55  }
0x48: {  	v3 =	vor.u32 v3, v4  }
0x49: {  	v4 =	vperm.xlane v3, v0;
	_ =	sdelay $0x1  }
0x4a: {  	v3 =	vperm.xlane v3, v2;
	v4 =	vadd.s32 v1, v4;
	_ =	sdelay $0x1  }
0x4b: {  	v3 =	vadd.s32 v1, v3;
	_ =	sdelay $0x2  }
0x4c: {  	[tilespmem:s12], [sflag:$0x1] =	stream.indirect_vreg.gather [hbm4b:s3+s2], $0x80, v4, vm0, $0xb8;
	[tilespmem:$0xC900] =	vst v63  }
0x4d: {  	_ = 	snop  }
0x4e: {  	[tilespmem:s13], [sflag:$0x1] =	stream.indirect_vreg.gather [hbm4b:s3+s2], $0x80, v3, vm0, $0xb8;
	[tilespmem:$0xC900] =	vst v63  }
0x4f: {  	v3 =	vld [tilespmem:$0x50];
	_ =	sdelay $0x4  }
0x50: {  	v56 =	vshll.u32 v3, $0x1  }
0x51: {  	v3 =	vand.u32 $0x7, v3;
	v4 =	vand.u32 $0xFFFFFFF0, v56  }
0x52: {  	v3 =	vor.u32 v3, v4  }
0x53: {  	v4 =	vperm.xlane v3, v0;
	_ =	sdelay $0x1  }
0x54: {  	v3 =	vperm.xlane v3, v2;
	v4 =	vadd.s32 v1, v4;
	_ =	sdelay $0x1  }
0x55: {  	v3 =	vadd.s32 v1, v3;
	_ =	sdelay $0x2  }
0x56: {  	[tilespmem:s14], [sflag:$0x1] =	stream.indirect_vreg.gather [hbm4b:s3+s2], $0x80, v4, vm0, $0xb8;
	[tilespmem:$0xC900] =	vst v63  }
0x57: {  	_ = 	snop  }
0x58: {  	[tilespmem:s15], [sflag:$0x1] =	stream.indirect_vreg.gather [hbm4b:s3+s2], $0x80, v3, vm0, $0xb8;
	[tilespmem:$0xC900] =	vst v63  }
0x59: {  	v3 =	vld [tilespmem:$0x60];
	_ =	sdelay $0x4  }
0x5a: {  	v57 =	vshll.u32 v3, $0x1  }
0x5b: {  	v3 =	vand.u32 $0x7, v3;
	v4 =	vand.u32 $0xFFFFFFF0, v57  }
0x5c: {  	v3 =	vor.u32 v3, v4  }
0x5d: {  	v4 =	vperm.xlane v3, v0;
	_ =	sdelay $0x1  }
0x5e: {  	v3 =	vperm.xlane v3, v2;
	v4 =	vadd.s32 v1, v4;
	_ =	sdelay $0x1  }
0x5f: {  	v3 =	vadd.s32 v1, v3;
	_ =	sdelay $0x2  }
0x60: {  	[tilespmem:s16], [sflag:$0x1] =	stream.indirect_vreg.gather [hbm4b:s3+s2], $0x80, v4, vm0, $0xb8;
	[tilespmem:$0xC900] =	vst v63  }
0x61: {  	_ = 	snop  }
0x62: {  	[tilespmem:s17], [sflag:$0x1] =	stream.indirect_vreg.gather [hbm4b:s3+s2], $0x80, v3, vm0, $0xb8;
	[tilespmem:$0xC900] =	vst v63  }
0x63: {  	v3 =	vld [tilespmem:$0x70];
	_ =	sdelay $0x4  }
0x64: {  	v58 =	vshll.u32 v3, $0x1  }
0x65: {  	v3 =	vand.u32 $0x7, v3;
	v4 =	vand.u32 $0xFFFFFFF0, v58  }
0x66: {  	v3 =	vor.u32 v3, v4  }
0x67: {  	v4 =	vperm.xlane v3, v0;
	_ =	sdelay $0x1  }
0x68: {  	v3 =	vperm.xlane v3, v2;
	v4 =	vadd.s32 v1, v4;
	_ =	sdelay $0x1  }
0x69: {  	v3 =	vadd.s32 v1, v3;
	_ =	sdelay $0x2  }
0x6a: {  	[tilespmem:s18], [sflag:$0x1] =	stream.indirect_vreg.gather [hbm4b:s3+s2], $0x80, v4, vm0, $0xb8;
	[tilespmem:$0xC900] =	vst v63  }
0x6b: {  	_ = 	snop  }
0x6c: {  	[tilespmem:s19], [sflag:$0x1] =	stream.indirect_vreg.gather [hbm4b:s3+s2], $0x80, v3, vm0, $0xb8;
	[tilespmem:$0xC900] =	vst v63  }
0x6d: {  	v3 =	vld [tilespmem:$0x80];
	_ =	sdelay $0x4  }
0x6e: {  	v59 =	vshll.u32 v3, $0x1  }
0x6f: {  	v3 =	vand.u32 $0x7, v3;
	v4 =	vand.u32 $0xFFFFFFF0, v59  }
0x70: {  	v3 =	vor.u32 v3, v4  }
0x71: {  	v4 =	vperm.xlane v3, v0;
	_ =	sdelay $0x1  }
0x72: {  	v3 =	vperm.xlane v3, v2;
	v4 =	vadd.s32 v1, v4;
	_ =	sdelay $0x1  }
0x73: {  	v3 =	vadd.s32 v1, v3;
	_ =	sdelay $0x2  }
0x74: {  	[tilespmem:s20], [sflag:$0x1] =	stream.indirect_vreg.gather [hbm4b:s3+s2], $0x80, v4, vm0, $0xb8;
	[tilespmem:$0xC900] =	vst v63  }
0x75: {  	_ = 	snop  }
0x76: {  	[tilespmem:s21], [sflag:$0x1] =	stream.indirect_vreg.gather [hbm4b:s3+s2], $0x80, v3, vm0, $0xb8;
	[tilespmem:$0xC900] =	vst v63  }
0x77: {  	v3 =	vld [tilespmem:$0x90];
	_ =	sdelay $0x4  }
0x78: {  	v60 =	vshll.u32 v3, $0x1  }
0x79: {  	v3 =	vand.u32 $0x7, v3;
	v4 =	vand.u32 $0xFFFFFFF0, v60  }
0x7a: {  	v3 =	vor.u32 v3, v4  }
0x7b: {  	v4 =	vperm.xlane v3, v0;
	_ =	sdelay $0x1  }
0x7c: {  	v3 =	vperm.xlane v3, v2;
	v4 =	vadd.s32 v1, v4;
	_ =	sdelay $0x1  }
0x7d: {  	v3 =	vadd.s32 v1, v3;
	_ =	sdelay $0x2  }
0x7e: {  	[tilespmem:s22], [sflag:$0x1] =	stream.indirect_vreg.gather [hbm4b:s3+s2], $0x80, v4, vm0, $0xb8;
	[tilespmem:$0xC900] =	vst v63  }
0x7f: {  	_ = 	snop  }
0x80: {  	[tilespmem:s23], [sflag:$0x1] =	stream.indirect_vreg.gather [hbm4b:s3+s2], $0x80, v3, vm0, $0xb8;
	[tilespmem:$0xC900] =	vst v63  }
0x81: {  	v3 =	vld [tilespmem:$0xA0];
	_ =	sdelay $0x4  }
0x82: {  	v61 =	vshll.u32 v3, $0x1  }
0x83: {  	v3 =	vand.u32 $0x7, v3;
	v4 =	vand.u32 $0xFFFFFFF0, v61  }
0x84: {  	v3 =	vor.u32 v3, v4  }
0x85: {  	v4 =	vperm.xlane v3, v0;
	_ =	sdelay $0x1  }
0x86: {  	v3 =	vperm.xlane v3, v2;
	v4 =	vadd.s32 v1, v4;
	_ =	sdelay $0x1  }
0x87: {  	v3 =	vadd.s32 v1, v3;
	_ =	sdelay $0x2  }
0x88: {  	[tilespmem:s24], [sflag:$0x1] =	stream.indirect_vreg.gather [hbm4b:s3+s2], $0x80, v4, vm0, $0xb8;
	[tilespmem:$0xC900] =	vst v63  }
0x89: {  	_ = 	snop  }
0x8a: {  	[tilespmem:s25], [sflag:$0x1] =	stream.indirect_vreg.gather [hbm4b:s3+s2], $0x80, v3, vm0, $0xb8;
	[tilespmem:$0xC900] =	vst v63  }
0x8b: {  	v3 =	vld [tilespmem:$0xB0];
	_ =	sdelay $0x4  }
0x8c: {  	v62 =	vshll.u32 v3, $0x1  }
0x8d: {  	v3 =	vand.u32 $0x7, v3;
	v4 =	vand.u32 $0xFFFFFFF0, v62  }
0x8e: {  	v3 =	vor.u32 v3, v4  }
0x8f: {  	v4 =	vperm.xlane v3, v0;
	_ =	sdelay $0x1  }
0x90: {  	v3 =	vperm.xlane v3, v2;
	v4 =	vadd.s32 v1, v4;
	_ =	sdelay $0x1  }
0x91: {  	v3 =	vadd.s32 v1, v3;
	_ =	sdelay $0x2  }
0x92: {  	[tilespmem:s26], [sflag:$0x1] =	stream.indirect_vreg.gather [hbm4b:s3+s2], $0x80, v4, vm0, $0xb8;
	[tilespmem:$0xC900] =	vst v63  }
0x93: {  	_ = 	snop  }
0x94: {  	[tilespmem:s28], [sflag:$0x1] =	stream.indirect_vreg.gather [hbm4b:s3+s2], $0x80, v3, vm0, $0xb8;
	[tilespmem:$0xC900] =	vst v63  }
0x95: {  	v3 =	vld.msk [tilespmem:$0xC0], $0xff;
	_ =	sdelay $0x4  }
0x96: {  	v63 =	vshll.u32 v3, $0x1  }
0x97: {  	v3 =	vand.u32 $0x7, v3;
	v4 =	vand.u32 $0xFFFFFFF0, v63  }
0x98: {  	v3 =	vor.u32 v3, v4  }
0x99: {  	v3 =	vperm.xlane v3, v0;
	_ =	sdelay $0x1  }
0x9a: {  	v3 =	vadd.s32 v1, v3;
	_ =	sdelay $0x4  }
0x9b: {  	[tilespmem:s29], [sflag:$0x1] =	stream.indirect_vreg.gather [hbm4b:s3+s2], $0x80, v3, vm0, $0xb8;
	[tilespmem:$0xC900] =	vst v63  }
0x9c: {  	_ =	swait.ge [sflag:s30], $0xC800  }
0x9d: {  	p0 =	sne.s32 s1, $0xAF;
	[sflag:s30] =	ssyncset.done $0x0  }
.Ltmp0:
0x9e: {  	[sflag:s30] =	ssyncadd.s32 $0xFFFF3800;
	(pc) =	sbr.rel @p0 .LBB2_2-.Ltmp0, $4  }
0x9f: {  	[hbm4b:s5+s2] =	stream.linear.scatter [tilespmem:s7], [sflag:$0x2], $0xC800, $0x38;
	[tilespmem:$0xC900] =	vst v63  }
0xa0: {  	_ =	swait.ge [sflag:s6], $0xC800  }
0xa1: {  	[sflag:s6] =	ssyncset.done $0x0  }
0xa2: {  	s1 =	sadd.s32 $0x19, s1;
	s5 =	sadd.s32 $0x1900, s5;
	[sflag:s6] =	ssyncadd.s32 $0xFFFF3800  }
0xa3: {  	s31 =	sadd.s32 $0x1, s31;
	s0 =	rddreg [dreg:$0x6]  }
0xa4: {  	p0 =	sne.s32 s31, s0  }
.Ltmp1:
0xa5: {  	_ = 	snop;
	(pc) =	sbr.rel @p0 .LBB2_1-.Ltmp1, $1  }
0xa6: {  	_ =	sdelay $0x3  }
0xa7: {  	_ =	sfence.sel $0x180000  }
0xa8: {  	[bflag:$0x0] =	sbarrier.arrive $0xFFFF  }
0xa9: {  	_ =	strace $0x90000059  }
0xaa: {  	s0 =	stileid.u32;
	[bflag:$0x2] =	sbarrier.arrive $0xFFFF  }
0xab: {  	p0 =	sne.s32 s0, $0x0;
	s0 =	rddreg [dreg:$0x1]  }
0xac: {  	s0 =	sadd.s32 @!p0 $0x100000, s0  }
0xad: {  	[sflag:s0] =	ssyncadd.tile.s32 @!p0 $0x1;
	_ =	shalt  }
.Lfunc_end2:
_tile_overlayer_lowered:
.L_overlay_start_2:
0xae: {  	(tag) =	ssettag $0x2  }
0xaf: {  	s0 =	rddreg [dreg:$0x0];
	s2 =	stileid.u32  }
0xb0: {  	s1 =	rddreg [dreg:$0x1];
	p0 =	sne.s32 s2, $0x0  }
0xb1: {  	s3 =	rddreg [dreg:$0x2];
	[bflag:$0x3] =	sbarrier.arrive $0xFFFF;
	s2 =	simm.s32 @!p0 $0x1C02  }
0xb2: {  	[timem:s3], [sflag:s2] =	dma.local @!p0 [hbm:s0], s1  }
0xb3: {  	s0 =	simm.s32 @!p0 $0x2  }
0xb4: {  	_ =	swait.ge @!p0 [sflag:s0], s1  }
0xb5: {  	s1 =	ssub.s32 @!p0 $0x0, s1;
	[sflag:s0] =	ssyncset.done @!p0 $0x0  }
0xb6: {  	[sflag:s0] =	ssyncadd.s32 @!p0 s1  }
0xb7: {  	[bflag:$0x3] =	sbarrier.arrive $0xFFFF  }
0xb8: {  	_ =	shalt  }

// kernel: kernel.74.cloned.1.call-start
scs
__scs_entry_jumppad:
0x0: {  	(pc) =	sbr.rel $0x88, $3  }
0x1: {  	(tag) =	ssettag $0x0;
	lr =	simm.s32 $0x1  }
0x2: {  	[smem:$0x3F8B] =	sst lr;
	_ =	strace $0xD0000000  }
0x3: {  	_ = 	snop  }
0x4: {  	_ = 	snop  }
0x5: {  	_ = 	snop  }
0x6: {  	_ = 	snop  }
0x7: {  	_ = 	snop  }
__scs_overlays_trampoline_lowered:
0x8: {  	[smem:$0x3F9A] =	sst s0  }
0x9: {  	[smem:$0x3F9B] =	sst s1  }
0xa: {  	[smem:$0x3F9C] =	sst s2  }
0xb: {  	[smem:$0x3F9D] =	sst s3  }
0xc: {  	[smem:$0x3F9E] =	sst s4  }
0xd: {  	[smem:$0x3F9F] =	sst s5  }
0xe: {  	[smem:$0x3FA0] =	sst s6  }
0xf: {  	[smem:$0x3FA1] =	sst s7  }
0x10: {  	[smem:$0x3FA2] =	sst s8  }
0x11: {  	[smem:$0x3FA3] =	sst s9;
	s0 =	simm.s32 @!p0 $0x0  }
0x12: {  	s1 =	sld [smem:$0x3F89];
	s0 =	simm.s32 @p0 $0x1  }
0x13: {  	[smem:$0x3FA4] =	sst s0;
	s0 =	simm.s32 @!p1 $0x0  }
0x14: {  	s2 =	sld [smem:$0x3F88];
	s0 =	simm.s32 @p1 $0x1  }
0x15: {  	[smem:$0x3FA5] =	sst s0;
	s0 =	simm.s32 @!p2 $0x0  }
0x16: {  	s3 =	sld [smem:$0x3FDB];
	s0 =	simm.s32 @p2 $0x1  }
0x17: {  	s4 =	simm.s32 $0x1BF5;
	[smem:$0x3FA7] =	sst s0  }
0x18: {  	s0 =	sld [smem:$0x3F8A];
	_ =	swait.ge [sflag:s4], $0x0  }
0x19: {  	s7 =	sld [smem:$0x3F8B]  }
0x1a: {  	s8 =	sadd.s32 $0xFFFFE003, lr  }
0x1b: {  	s9 =	sadd.s32 $0xFFFFFEF7, lr;
	s5 =	simm.s32 $0xFFFFFFFF;
	p2 =	slt.u32 s8, $0xFFFFF086  }
0x1c: {  	p1 =	slt.u32 s9, $0xF7A;
	s5 =	simm.s32 @!p2 $0x0  }
0x1d: {  	s5 =	simm.s32 @p1 $0x1;
	p0 =	seq.s32 s7, s2  }
0x1e: {  	s7 =	smul.u32 @!p0 $0xF7A, s2;
	p2 =	seq.s32 @!p0 s5, $0x0  }
0x1f: {  	s9 =	smul.u32 $0xF7A, s1;
	s8 =	simm.s32 @!p0 $0x1BF5;
	p2 =	por !p2, p0  }
0x20: {  	[sflag:s8] =	ssyncset.s32 @!p0 $0xFFFFF086;
	s6 =	sadd.s32 @!p0 s3, s7;
	s7 =	simm.s32 @!p0 $0x108  }
0x21: {  	s3 =	sadd.s32 s3, s9;
	s6 =	sadd.s32 @!p0 $0x88, s6;
	s7 =	simm.s32 @p2 $0x1082  }
0x22: {  	[simem:s7], [sflag:s8] =	dma.local @!p0 [hbm:s6], $0xF7A  }
0x23: {  	s9 =	sor.u32 $0xD0000000, s2;
	s6 =	simm.s32 $0x108;
	_ =	swait.ge @!p0 [sflag:s8], $0x0  }
0x24: {  	s3 =	sadd.s32 $0x88, s3;
	s6 =	simm.s32 @!p1 $0x1082;
	[sflag:s4] =	ssyncset.s32 $0xFFFFF086  }
0x25: {  	[simem:s6], [sflag:s4] =	dma.local [hbm:s3], $0xF7A  }
0x26: {  	[smem:$0x3F8B] =	sst s1;
	(tag) =	ssettag s2;
	_ =	strace s9  }
0x27: {  	s1 =	sld [smem:$0x3F9B]  }
0x28: {  	s2 =	sld [smem:$0x3F9C]  }
0x29: {  	s4 =	sld [smem:$0x3F9E]  }
0x2a: {  	p0 =	seq.s32 s5, $0x0;
	s5 =	sld [smem:$0x3F9F]  }
0x2b: {  	s6 =	sld [smem:$0x3FA0]  }
0x2c: {  	s7 =	sld [smem:$0x3FA1]  }
0x2d: {  	s3 =	simm.s32 $0x108;
	s8 =	sld [smem:$0x3FA2]  }
0x2e: {  	s3 =	simm.s32 @!p0 $0x1082;
	s9 =	sld [smem:$0x3FA3]  }
0x2f: {  	lr =	sadd.s32 s0, s3;
	s0 =	sld [smem:$0x3F9A]  }
0x30: {  	s3 =	sld [smem:$0x3F9D]  }
0x31: {  	[smem:$0x3FA6] =	sst s10  }
0x32: {  	s10 =	sld [smem:$0x3FA4];
	_ =	sdelay $0x3  }
0x33: {  	p0 =	seq.s32 s10, $0x1;
	s10 =	sld [smem:$0x3FA6];
	_ =	sdelay $0x3  }
0x34: {  	[smem:$0x3FA6] =	sst s10  }
0x35: {  	s10 =	sld [smem:$0x3FA5];
	_ =	sdelay $0x3  }
0x36: {  	p1 =	seq.s32 s10, $0x1;
	s10 =	sld [smem:$0x3FA6];
	_ =	sdelay $0x3  }
0x37: {  	[smem:$0x3FA6] =	sst s10  }
0x38: {  	s10 =	sld [smem:$0x3FA7]  }
0x39: {  	_ = 	snop;
	(pc) =	sbr.ind lr, $3  }
0x3a: {  	_ = 	snop  }
0x3b: {  	_ = 	snop  }
0x3c: {  	p2 =	seq.s32 s10, $0x1;
	s10 =	sld [smem:$0x3FA6]  }
0x3d: {  	_ =	shalt  }
0x3e: {  	_ =	shalt  }
0x3f: {  	_ =	shalt  }
0x40: {  	_ =	shalt  }
0x41: {  	_ =	shalt  }
0x42: {  	_ =	shalt  }
0x43: {  	_ =	shalt  }
0x44: {  	_ =	shalt  }
0x45: {  	_ =	shalt  }
0x46: {  	_ =	shalt  }
0x47: {  	_ =	shalt  }
0x48: {  	_ =	shalt  }
0x49: {  	_ =	shalt  }
0x4a: {  	_ =	shalt  }
0x4b: {  	_ =	shalt  }
0x4c: {  	_ =	shalt  }
0x4d: {  	_ =	shalt  }
0x4e: {  	_ =	shalt  }
0x4f: {  	_ =	shalt  }
0x50: {  	_ =	shalt  }
0x51: {  	_ =	shalt  }
0x52: {  	_ =	shalt  }
0x53: {  	_ =	shalt  }
0x54: {  	_ =	shalt  }
0x55: {  	_ =	shalt  }
0x56: {  	_ =	shalt  }
0x57: {  	_ =	shalt  }
0x58: {  	_ =	shalt  }
0x59: {  	_ =	shalt  }
0x5a: {  	_ =	shalt  }
0x5b: {  	_ =	shalt  }
0x5c: {  	_ =	shalt  }
0x5d: {  	_ =	shalt  }
0x5e: {  	_ =	shalt  }
0x5f: {  	_ =	shalt  }
0x60: {  	_ =	shalt  }
0x61: {  	_ =	shalt  }
0x62: {  	_ =	shalt  }
0x63: {  	_ =	shalt  }
0x64: {  	_ =	shalt  }
0x65: {  	_ =	shalt  }
0x66: {  	_ =	shalt  }
0x67: {  	_ =	shalt  }
0x68: {  	_ =	shalt  }
0x69: {  	_ =	shalt  }
0x6a: {  	_ =	shalt  }
0x6b: {  	_ =	shalt  }
0x6c: {  	_ =	shalt  }
0x6d: {  	_ =	shalt  }
0x6e: {  	_ =	shalt  }
0x6f: {  	_ =	shalt  }
0x70: {  	_ =	shalt  }
0x71: {  	_ =	shalt  }
0x72: {  	_ =	shalt  }
0x73: {  	_ =	shalt  }
0x74: {  	_ =	shalt  }
0x75: {  	_ =	shalt  }
0x76: {  	_ =	shalt  }
0x77: {  	_ =	shalt  }
0x78: {  	_ =	shalt  }
0x79: {  	_ =	shalt  }
0x7a: {  	_ =	shalt  }
0x7b: {  	_ =	shalt  }
0x7c: {  	_ =	shalt  }
0x7d: {  	_ =	shalt  }
0x7e: {  	_ =	shalt  }
0x7f: {  	_ =	shalt  }
0x80: {  	_ =	shalt  }
0x81: {  	_ =	shalt  }
0x82: {  	_ =	shalt  }
0x83: {  	_ =	shalt  }
0x84: {  	_ =	shalt  }
0x85: {  	_ =	shalt  }
0x86: {  	_ =	shalt  }
0x87: {  	_ =	shalt  }
.Lfunc_end0:
.L_simem_size_0:
called_computation.8_lowered:
.L_overlay_start_0:
0x88: {  	s2 =	sld [smem:$0x3FD9]  }
0x89: {  	s3 =	sld [smem:$0x3FFE];
	_ =	sdelay $0x1  }
0x8a: {  	s1 =	srdreg.scid  }
0x8b: {  	s0 =	sand.u32 $0x1, s1  }
0x8c: {  	s17 =	sshll.u32 s0, $0xA;
	s2 =	sadd.s32 s3, s2  }
0x8d: {  	s2 =	sadd.s32 s2, s17  }
0x8e: {  	[smem:$0x3FB2] =	sst s2  }
0x8f: {  	_ = 	snop  }
0x90: {  	(tm) =	ssettm $0x1  }
0x91: {  	s18 =	sld [smem:$0x3FFB];
	_ =	sdelay $0x3  }
0x92: {  	_ =	strace s18  }
0x93: {  	s2 =	sld [smem:$0x3FFC];
	_ =	sdelay $0x3  }
0x94: {  	_ =	strace s2  }
0x95: {  	s2 =	sld [smem:$0x3FFD];
	_ =	sdelay $0x3  }
0x96: {  	_ =	strace s2  }
0x97: {  	_ =	strace $0x8FFFFFFF  }
0x98: {  	s19 =	sld [smem:$0x3FDB];
	_ =	sdelay $0x1  }
0x99: {  	s20 =	simm.s32 $_scs_section_size  }
0x9a: {  	s4 =	simm.s32 $_size__tile_overlayer_lowered;
	s5 =	simm.s32 $_tile_overlayer_lowered  }
0x9b: {  	s6 =	simm.s32 $0x1BFF;
	s21 =	sshll.u32 s5, $0x1;
	s3 =	sadd.s32 s20, s19  }
0x9c: {  	s22 =	simm.s32 $0x0;
	s4 =	sshll.u32 s4, $0x1;
	s5 =	sadd.s32 s21, s3  }
0x9d: {  	[timem:s22], [sflag:s6] =	dma.local [hbm:s5], s4  }
0x9e: {  	_ =	swait.ge [sflag:s6], s4  }
0x9f: {  	s4 =	ssub.s32 $0x0, s4;
	[sflag:s6] =	ssyncset.done $0x0  }
0xa0: {  	[sflag:s6] =	ssyncadd.s32 s4;
	_ =	sdelay $0x1  }
0xa1: {  	s23 =	simm.s32 $0x1B8B  }
0xa2: {  	_ =	swait.ge [sflag:s23], $0x1  }
0xa3: {  	[sflag:s23] =	ssyncset.done $0x0  }
0xa4: {  	[sflag:s23] =	ssyncadd.s32 $0xFFFFFFFF  }
0xa5: {  	s4 =	sld [smem:$0x0]  }
0xa6: {  	s5 =	sand.u32 $0xFFFFFFFE, s1  }
0xa7: {  	p0 =	sne.s32 s1, s5  }
0xa8: {  	s5 =	sshll.u32 @p0 s5, $0xE  }
0xa9: {  	s5 =	sadd.s32 @p0 $0x11B8D, s5;
	s6 =	sshll.u32 @p0 s4, $0x11  }
0xaa: {  	s5 =	sor.u32 @p0 s6, s5  }
0xab: {  	[sflag:s5] =	ssyncadd.remote.s32 @p0 $0x1;
	_ =	sdelay $0x1  }
0xac: {  	s5 =	simm.s32 @p0 $0x1B8D  }
0xad: {  	_ =	swait.eq @p0 [sflag:s5], $0x1  }
0xae: {  	[sflag:s5] =	ssyncadd.s32 @p0 $0xFFFFFFFF  }
0xaf: {  	s6 =	sshll.u32 @!p0 s1, $0xE  }
0xb0: {  	s6 =	sor.u32 @!p0 $0x4000, s6;
	s5 =	simm.s32 @!p0 $0x1B8D  }
0xb1: {  	s4 =	sshll.u32 @!p0 s4, $0x11;
	s6 =	sadd.s32 @!p0 $0x11B8D, s6;
	_ =	swait.eq @!p0 [sflag:s5], $0x1  }
0xb2: {  	s4 =	sor.u32 @!p0 s4, s6;
	[sflag:s5] =	ssyncadd.s32 @!p0 $0xFFFFFFFF  }
0xb3: {  	s25 =	simm.s32 $0x1B8E;
	s24 =	sld [smem:$0x3FFE];
	[sflag:s4] =	ssyncadd.remote.s32 @!p0 $0x1  }
0xb4: {  	s26 =	simm.s32 $execute0_lowered;
	[smem:$0x3FD2] =	sst s25  }
0xb5: {  	s5 =	sshll.u32 s26, $0x1;
	_ =	strace $0x8000005B;
	[dreg:$0x1] =	wrdreg $0xFFFFFFFF  }
0xb6: {  	s28 =	simm.s32 $_size_execute0_lowered;
	s3 =	sadd.s32 s3, s5;
	[dreg:$0x0] =	wrdreg $0x0  }
0xb7: {  	s5 =	sshll.u32 s28, $0x1;
	[dreg:$0x2] =	wrdreg s3  }
0xb8: {  	[dreg:$0x3] =	wrdreg s5  }
0xb9: {  	[dreg:$0x4] =	wrdreg $0xC0  }
0xba: {  	_ =	task [dreg:s22], $0x5FFFF  }
0xbb: {  	[dreg:$0x1] =	wrdreg $0xFFFFFFFF  }
0xbc: {  	[dreg:$0x0] =	wrdreg $0x60  }
0xbd: {  	[dreg:$0x2] =	wrdreg s24  }
0xbe: {  	[dreg:$0x3] =	wrdreg $0xC  }
0xbf: {  	_ =	task.clear_ibuf [dreg:s22], $0x4FFFF;
	_ =	strace $0x9000005B  }
0xc0: {  	s29 =	simm.s32 $0xC;
	_ =	strace $0x8000005D  }
0xc1: {  	_ =	swait.ge [sflag:s29], $0x1  }
0xc2: {  	[sflag:s29] =	ssyncadd.s32 $0xFFFFFFFF  }
0xc3: {  	_ =	strace $0x9000005D  }
0xc4: {  	_ =	sfence  }
0xc5: {  	s30 =	sld [smem:$0x0];
	_ =	sdelay $0x2  }
0xc6: {  	s31 =	sshll.u32 s1, $0xD;
	s1 =	sshrl.u32 s1, $0x2  }
0xc7: {  	s4 =	sand.u32 $0x4000, s31;
	s1 =	sadd.s32 s1, s30  }
0xc8: {  	s0 =	sor.u32 s4, s0;
	s1 =	sshll.u32 s1, $0x11  }
0xc9: {  	s0 =	sor.u32 s1, s0  }
0xca: {  	s0 =	sadd.s32 $0x8F2B, s0  }
0xcb: {  	[sflag:s0] =	ssyncadd.remote.s32 $0x1  }
0xcc: {  	_ =	sfence.sel $0xFFFF  }
0xcd: {  	[dreg:$0x0] =	wrdreg $0xFFFFFFFF;
	(pc) =	sbr.abs _section_cstart, $3  }
0xce: {  	[dreg:$0x1] =	wrdreg $0xFFFFFFFF  }
0xcf: {  	_ =	task.clear_ibuf [dreg:s22], $0x2FFFF;
	_ =	strace $0x9FFFFFFF  }
0xd0: {  	(tm) =	ssettm $0x7FFFFFFF  }
0xd1: {  	_ =	shalt  }
tec
execute0_lowered:
.L_overlay_start_1:
0x0: {  	(tag) =	ssettag $0x1  }
0x1: {  	s1 =	srdreg.scid;
	s0 =	stileid.u32  }
0x2: {  	s17 =	sand.u32 $0x1, s1;
	s26 =	sshll.u32 s0, $0x1  }
0x3: {  	s9 =	sor.u32 s17, s26  }
0x4: {  	s10 =	rddreg [dreg:$0x0];
	s18 =	smul.u32 $0x640, s9  }
0x5: {  	s2 =	simm.s32 $0x0;
	s1 =	rddreg [dreg:$0x1]  }
0x6: {  	[smem:$0x7FF] =	sst s2;
	s16 =	sadd.s32 $0x63B400, s10;
	s3 =	sshrl.u32 s18, $0x3  }
0x7: {  	_ =	strace $0x8000005C;
	s4 =	sadd.s32 s16, s3;
	s3 =	simm.s32 $0x2  }
0x8: {  	[tilespmem:s2], [sflag:$0x2] =	stream.linear.gather [hbm4b:s4+s2], $0x140, $0x38;
	[tilespmem:$0xA180] =	vst v63  }
0x9: {  	_ =	swait.ge [sflag:s3], $0x140  }
0xa: {  	s6 =	simm.s32 $0x140;
	s7 =	simm.s32 $0x180;
	[sflag:s3] =	ssyncset.done $0x0  }
0xb: {  	s8 =	simm.s32 $0x1;
	s5 =	sadd.s32 $0x587000, s10;
	[sflag:s3] =	ssyncadd.s32 $0xFFFFFEC0  }
0xc: {  	[tilespmem:s7], [sflag:$0x1] =	stream.indirect.gather [hbm4b:s5+s6], $0x80, s2, s6, $0xb8;
	[tilespmem:$0xA180] =	vst v63  }
0xd: {  	s9 =	smul.u32 $0x6400, s9;
	_ =	swait.ge [sflag:s8], $0xA000  }
0xe: {  	s19 =	sadd.s32 $0x7CCE00, s10;
	[sflag:s8] =	ssyncset.done $0x0  }
0xf: {  	s9 =	sadd.s32 s19, s9;
	[sflag:s8] =	ssyncadd.s32 $0xFFFF6000  }
0x10: {  	[hbm4b:s9+s2] =	stream.linear.scatter [tilespmem:s7], [sflag:$0x2], $0xA000, $0x38;
	[tilespmem:$0xA180] =	vst v63  }
0x11: {  	s11 =	sadd.s32 $0x140, s18;
	_ =	swait.ge [sflag:s3], $0xA000  }
0x12: {  	s28 =	sshrl.u32 s11, $0x3;
	[sflag:s3] =	ssyncset.done $0x0  }
0x13: {  	s10 =	sadd.s32 s16, s28;
	[sflag:s3] =	ssyncadd.s32 $0xFFFF6000  }
0x14: {  	[tilespmem:s2], [sflag:$0x2] =	stream.linear.gather [hbm4b:s10+s2], $0x140, $0x38;
	[tilespmem:$0xA180] =	vst v63  }
0x15: {  	_ =	swait.ge [sflag:s3], $0x140  }
0x16: {  	[sflag:s3] =	ssyncset.done $0x0  }
0x17: {  	[sflag:s3] =	ssyncadd.s32 $0xFFFFFEC0  }
0x18: {  	[tilespmem:s7], [sflag:$0x1] =	stream.indirect.gather [hbm4b:s5+s6], $0x80, s2, s6, $0xb8;
	[tilespmem:$0xA180] =	vst v63  }
0x19: {  	_ =	swait.ge [sflag:s8], $0xA000  }
0x1a: {  	s11 =	sshll.u32 s11, $0x4;
	[sflag:s8] =	ssyncset.done $0x0  }
0x1b: {  	s11 =	sadd.s32 s19, s11;
	[sflag:s8] =	ssyncadd.s32 $0xFFFF6000  }
0x1c: {  	[hbm4b:s11+s2] =	stream.linear.scatter [tilespmem:s7], [sflag:$0x2], $0xA000, $0x38;
	[tilespmem:$0xA180] =	vst v63  }
0x1d: {  	s13 =	sadd.s32 $0x280, s18;
	_ =	swait.ge [sflag:s3], $0xA000  }
0x1e: {  	s12 =	sshrl.u32 s13, $0x3;
	[sflag:s3] =	ssyncset.done $0x0  }
0x1f: {  	s12 =	sadd.s32 s16, s12;
	[sflag:s3] =	ssyncadd.s32 $0xFFFF6000  }
0x20: {  	[tilespmem:s2], [sflag:$0x2] =	stream.linear.gather [hbm4b:s12+s2], $0x140, $0x38;
	[tilespmem:$0xA180] =	vst v63  }
0x21: {  	_ =	swait.ge [sflag:s3], $0x140  }
0x22: {  	[sflag:s3] =	ssyncset.done $0x0  }
0x23: {  	[sflag:s3] =	ssyncadd.s32 $0xFFFFFEC0  }
0x24: {  	[tilespmem:s7], [sflag:$0x1] =	stream.indirect.gather [hbm4b:s5+s6], $0x80, s2, s6, $0xb8;
	[tilespmem:$0xA180] =	vst v63  }
0x25: {  	_ =	swait.ge [sflag:s8], $0xA000  }
0x26: {  	s13 =	sshll.u32 s13, $0x4;
	[sflag:s8] =	ssyncset.done $0x0  }
0x27: {  	s13 =	sadd.s32 s19, s13;
	[sflag:s8] =	ssyncadd.s32 $0xFFFF6000  }
0x28: {  	[hbm4b:s13+s2] =	stream.linear.scatter [tilespmem:s7], [sflag:$0x2], $0xA000, $0x38;
	[tilespmem:$0xA180] =	vst v63  }
0x29: {  	s15 =	sadd.s32 $0x3C0, s18;
	_ =	swait.ge [sflag:s3], $0xA000  }
0x2a: {  	s14 =	sshrl.u32 s15, $0x3;
	[sflag:s3] =	ssyncset.done $0x0  }
0x2b: {  	s14 =	sadd.s32 s16, s14;
	[sflag:s3] =	ssyncadd.s32 $0xFFFF6000  }
0x2c: {  	[tilespmem:s2], [sflag:$0x2] =	stream.linear.gather [hbm4b:s14+s2], $0x140, $0x38;
	[tilespmem:$0xA180] =	vst v63  }
0x2d: {  	_ =	swait.ge [sflag:s3], $0x140  }
0x2e: {  	[sflag:s3] =	ssyncset.done $0x0  }
0x2f: {  	[sflag:s3] =	ssyncadd.s32 $0xFFFFFEC0  }
0x30: {  	[tilespmem:s7], [sflag:$0x1] =	stream.indirect.gather [hbm4b:s5+s6], $0x80, s2, s6, $0xb8;
	[tilespmem:$0xA180] =	vst v63  }
0x31: {  	_ =	swait.ge [sflag:s8], $0xA000  }
0x32: {  	s15 =	sshll.u32 s15, $0x4;
	[sflag:s8] =	ssyncset.done $0x0  }
0x33: {  	s15 =	sadd.s32 s19, s15;
	[sflag:s8] =	ssyncadd.s32 $0xFFFF6000  }
0x34: {  	[hbm4b:s15+s2] =	stream.linear.scatter [tilespmem:s7], [sflag:$0x2], $0xA000, $0x38;
	[tilespmem:$0xA180] =	vst v63  }
0x35: {  	s18 =	sadd.s32 $0x500, s18;
	_ =	swait.ge [sflag:s3], $0xA000  }
0x36: {  	s20 =	sshrl.u32 s18, $0x3;
	[sflag:s3] =	ssyncset.done $0x0  }
0x37: {  	s17 =	ssub.s32 $0x2, s17;
	s16 =	sadd.s32 s16, s20;
	[sflag:s3] =	ssyncadd.s32 $0xFFFF6000  }
0x38: {  	[tilespmem:s2], [sflag:$0x2] =	stream.linear.gather [hbm4b:s16+s2], $0x140, $0x38;
	[tilespmem:$0xA180] =	vst v63  }
0x39: {  	s29 =	sshrl.u32 s17, $0x1;
	_ =	swait.ge [sflag:s3], $0x140  }
0x3a: {  	s20 =	ssub.s32 s17, s29;
	[sflag:s3] =	ssyncset.done $0x0  }
0x3b: {  	s31 =	smax.u32 s20, $0x1;
	[sflag:s3] =	ssyncadd.s32 $0xFFFFFEC0  }
0x3c: {  	[tilespmem:s7], [sflag:$0x1] =	stream.indirect.gather [hbm4b:s5+s6], $0x80, s2, s6, $0xb8;
	[tilespmem:$0xA180] =	vst v63  }
0x3d: {  	p0 =	sne.s32 s31, $0x1;
	_ =	swait.ge [sflag:s8], $0xA000  }
.Ltmp0:
0x3e: {  	s30 =	sshll.u32 s18, $0x4;
	[sflag:s8] =	ssyncset.done $0x0;
	(pc) =	sbr.rel @!p0 .LBB2_2-.Ltmp0, $4  }
0x3f: {  	s17 =	sadd.s32 s19, s30;
	[sflag:s8] =	ssyncadd.s32 $0xFFFF6000  }
0x40: {  	[hbm4b:s17+s2] =	stream.linear.scatter [tilespmem:s7], [sflag:$0x2], $0xA000, $0x38;
	[tilespmem:$0xA180] =	vst v63  }
0x41: {  	_ =	swait.ge [sflag:s3], $0xA000  }
0x42: {  	s18 =	sadd.s32 $0xFFFFFFFF, s31;
	[sflag:s3] =	ssyncset.done $0x0  }
.LBB2_1:
0x43: {  	p0 =	sne.s32 s18, $0x1;
	s18 =	sadd.s32 $0xFFFFFFFF, s18;
	[sflag:s3] =	ssyncadd.s32 $0xFFFF6000  }
0x44: {  	[tilespmem:s2], [sflag:$0x2] =	stream.linear.gather [hbm4b:s4+s2], $0x140, $0x38;
	[tilespmem:$0xA180] =	vst v63  }
0x45: {  	_ =	swait.ge [sflag:s3], $0x140  }
0x46: {  	[sflag:s3] =	ssyncset.done $0x0  }
0x47: {  	[sflag:s3] =	ssyncadd.s32 $0xFFFFFEC0  }
0x48: {  	[tilespmem:s7], [sflag:$0x1] =	stream.indirect.gather [hbm4b:s5+s6], $0x80, s2, s6, $0xb8;
	[tilespmem:$0xA180] =	vst v63  }
0x49: {  	_ =	swait.ge [sflag:s8], $0xA000  }
0x4a: {  	[sflag:s8] =	ssyncset.done $0x0  }
0x4b: {  	[sflag:s8] =	ssyncadd.s32 $0xFFFF6000  }
0x4c: {  	[hbm4b:s9+s2] =	stream.linear.scatter [tilespmem:s7], [sflag:$0x2], $0xA000, $0x38;
	[tilespmem:$0xA180] =	vst v63  }
0x4d: {  	_ =	swait.ge [sflag:s3], $0xA000  }
0x4e: {  	[sflag:s3] =	ssyncset.done $0x0  }
0x4f: {  	[sflag:s3] =	ssyncadd.s32 $0xFFFF6000  }
0x50: {  	[tilespmem:s2], [sflag:$0x2] =	stream.linear.gather [hbm4b:s10+s2], $0x140, $0x38;
	[tilespmem:$0xA180] =	vst v63  }
0x51: {  	_ =	swait.ge [sflag:s3], $0x140  }
0x52: {  	[sflag:s3] =	ssyncset.done $0x0  }
0x53: {  	[sflag:s3] =	ssyncadd.s32 $0xFFFFFEC0  }
0x54: {  	[tilespmem:s7], [sflag:$0x1] =	stream.indirect.gather [hbm4b:s5+s6], $0x80, s2, s6, $0xb8;
	[tilespmem:$0xA180] =	vst v63  }
0x55: {  	_ =	swait.ge [sflag:s8], $0xA000  }
0x56: {  	[sflag:s8] =	ssyncset.done $0x0  }
0x57: {  	[sflag:s8] =	ssyncadd.s32 $0xFFFF6000  }
0x58: {  	[hbm4b:s11+s2] =	stream.linear.scatter [tilespmem:s7], [sflag:$0x2], $0xA000, $0x38;
	[tilespmem:$0xA180] =	vst v63  }
0x59: {  	_ =	swait.ge [sflag:s3], $0xA000  }
0x5a: {  	[sflag:s3] =	ssyncset.done $0x0  }
0x5b: {  	[sflag:s3] =	ssyncadd.s32 $0xFFFF6000  }
0x5c: {  	[tilespmem:s2], [sflag:$0x2] =	stream.linear.gather [hbm4b:s12+s2], $0x140, $0x38;
	[tilespmem:$0xA180] =	vst v63  }
0x5d: {  	_ =	swait.ge [sflag:s3], $0x140  }
0x5e: {  	[sflag:s3] =	ssyncset.done $0x0  }
0x5f: {  	[sflag:s3] =	ssyncadd.s32 $0xFFFFFEC0  }
0x60: {  	[tilespmem:s7], [sflag:$0x1] =	stream.indirect.gather [hbm4b:s5+s6], $0x80, s2, s6, $0xb8;
	[tilespmem:$0xA180] =	vst v63  }
0x61: {  	_ =	swait.ge [sflag:s8], $0xA000  }
0x62: {  	[sflag:s8] =	ssyncset.done $0x0  }
0x63: {  	[sflag:s8] =	ssyncadd.s32 $0xFFFF6000  }
0x64: {  	[hbm4b:s13+s2] =	stream.linear.scatter [tilespmem:s7], [sflag:$0x2], $0xA000, $0x38;
	[tilespmem:$0xA180] =	vst v63  }
0x65: {  	_ =	swait.ge [sflag:s3], $0xA000  }
0x66: {  	[sflag:s3] =	ssyncset.done $0x0  }
0x67: {  	[sflag:s3] =	ssyncadd.s32 $0xFFFF6000  }
0x68: {  	[tilespmem:s2], [sflag:$0x2] =	stream.linear.gather [hbm4b:s14+s2], $0x140, $0x38;
	[tilespmem:$0xA180] =	vst v63  }
0x69: {  	_ =	swait.ge [sflag:s3], $0x140  }
0x6a: {  	[sflag:s3] =	ssyncset.done $0x0  }
0x6b: {  	[sflag:s3] =	ssyncadd.s32 $0xFFFFFEC0  }
0x6c: {  	[tilespmem:s7], [sflag:$0x1] =	stream.indirect.gather [hbm4b:s5+s6], $0x80, s2, s6, $0xb8;
	[tilespmem:$0xA180] =	vst v63  }
0x6d: {  	_ =	swait.ge [sflag:s8], $0xA000  }
0x6e: {  	[sflag:s8] =	ssyncset.done $0x0  }
0x6f: {  	[sflag:s8] =	ssyncadd.s32 $0xFFFF6000  }
0x70: {  	[hbm4b:s15+s2] =	stream.linear.scatter [tilespmem:s7], [sflag:$0x2], $0xA000, $0x38;
	[tilespmem:$0xA180] =	vst v63  }
0x71: {  	_ =	swait.ge [sflag:s3], $0xA000  }
0x72: {  	[sflag:s3] =	ssyncset.done $0x0  }
0x73: {  	[sflag:s3] =	ssyncadd.s32 $0xFFFF6000  }
0x74: {  	[tilespmem:s2], [sflag:$0x2] =	stream.linear.gather [hbm4b:s16+s2], $0x140, $0x38;
	[tilespmem:$0xA180] =	vst v63  }
0x75: {  	_ =	swait.ge [sflag:s3], $0x140  }
0x76: {  	[sflag:s3] =	ssyncset.done $0x0  }
0x77: {  	[sflag:s3] =	ssyncadd.s32 $0xFFFFFEC0  }
0x78: {  	[tilespmem:s7], [sflag:$0x1] =	stream.indirect.gather [hbm4b:s5+s6], $0x80, s2, s6, $0xb8;
	[tilespmem:$0xA180] =	vst v63  }
0x79: {  	_ =	swait.ge [sflag:s8], $0xA000  }
.Ltmp1:
0x7a: {  	[sflag:s8] =	ssyncset.done $0x0;
	(pc) =	sbr.rel @p0 .LBB2_1-.Ltmp1, $4  }
0x7b: {  	[sflag:s8] =	ssyncadd.s32 $0xFFFF6000  }
0x7c: {  	[hbm4b:s17+s2] =	stream.linear.scatter [tilespmem:s7], [sflag:$0x2], $0xA000, $0x38;
	[tilespmem:$0xA180] =	vst v63  }
0x7d: {  	_ =	swait.ge [sflag:s3], $0xA000  }
0x7e: {  	[sflag:s3] =	ssyncset.done $0x0  }
.LBB2_2:
0x7f: {  	[sflag:s3] =	ssyncadd.s32 $0xFFFF6000  }
0x80: {  	_ =	sfence.sel $0x180000  }
0x81: {  	[bflag:$0x0] =	sbarrier.arrive $0xFFFF  }
0x82: {  	p0 =	sne.s32 s0, $0x0;
	_ =	strace $0x9000005C  }
0x83: {  	s0 =	sadd.s32 @!p0 $0x100000, s1;
	[bflag:$0x2] =	sbarrier.arrive $0xFFFF  }
0x84: {  	[sflag:s0] =	ssyncadd.tile.s32 @!p0 $0x1;
	_ =	shalt  }
.Lfunc_end2:
_tile_overlayer_lowered:
.L_overlay_start_2:
0x85: {  	(tag) =	ssettag $0x2  }
0x86: {  	s0 =	rddreg [dreg:$0x0];
	s2 =	stileid.u32  }
0x87: {  	s1 =	rddreg [dreg:$0x1];
	p0 =	sne.s32 s2, $0x0  }
0x88: {  	s3 =	rddreg [dreg:$0x2];
	[bflag:$0x3] =	sbarrier.arrive $0xFFFF;
	s2 =	simm.s32 @!p0 $0x1C02  }
0x89: {  	[timem:s3], [sflag:s2] =	dma.local @!p0 [hbm:s0], s1  }
0x8a: {  	s0 =	simm.s32 @!p0 $0x2  }
0x8b: {  	_ =	swait.ge @!p0 [sflag:s0], s1  }
0x8c: {  	s1 =	ssub.s32 @!p0 $0x0, s1;
	[sflag:s0] =	ssyncset.done @!p0 $0x0  }
0x8d: {  	[sflag:s0] =	ssyncadd.s32 @!p0 s1  }
0x8e: {  	[bflag:$0x3] =	sbarrier.arrive $0xFFFF  }
0x8f: {  	_ =	shalt  }

// kernel: kernel.77.cloned.1.call-start
scs
__scs_entry_jumppad:
0x0: {  	(pc) =	sbr.rel $0x88, $3  }
0x1: {  	(tag) =	ssettag $0x0;
	lr =	simm.s32 $0x1  }
0x2: {  	[smem:$0x3F8B] =	sst lr;
	_ =	strace $0xD0000000  }
0x3: {  	_ = 	snop  }
0x4: {  	_ = 	snop  }
0x5: {  	_ = 	snop  }
0x6: {  	_ = 	snop  }
0x7: {  	_ = 	snop  }
__scs_overlays_trampoline_lowered:
0x8: {  	[smem:$0x3F9A] =	sst s0  }
0x9: {  	[smem:$0x3F9B] =	sst s1  }
0xa: {  	[smem:$0x3F9C] =	sst s2  }
0xb: {  	[smem:$0x3F9D] =	sst s3  }
0xc: {  	[smem:$0x3F9E] =	sst s4  }
0xd: {  	[smem:$0x3F9F] =	sst s5  }
0xe: {  	[smem:$0x3FA0] =	sst s6  }
0xf: {  	[smem:$0x3FA1] =	sst s7  }
0x10: {  	[smem:$0x3FA2] =	sst s8  }
0x11: {  	[smem:$0x3FA3] =	sst s9;
	s0 =	simm.s32 @!p0 $0x0  }
0x12: {  	s1 =	sld [smem:$0x3F89];
	s0 =	simm.s32 @p0 $0x1  }
0x13: {  	[smem:$0x3FA4] =	sst s0;
	s0 =	simm.s32 @!p1 $0x0  }
0x14: {  	s2 =	sld [smem:$0x3F88];
	s0 =	simm.s32 @p1 $0x1  }
0x15: {  	[smem:$0x3FA5] =	sst s0;
	s0 =	simm.s32 @!p2 $0x0  }
0x16: {  	s3 =	sld [smem:$0x3FDB];
	s0 =	simm.s32 @p2 $0x1  }
0x17: {  	s4 =	simm.s32 $0x1BF5;
	[smem:$0x3FA7] =	sst s0  }
0x18: {  	s0 =	sld [smem:$0x3F8A];
	_ =	swait.ge [sflag:s4], $0x0  }
0x19: {  	s7 =	sld [smem:$0x3F8B]  }
0x1a: {  	s8 =	sadd.s32 $0xFFFFE003, lr  }
0x1b: {  	s9 =	sadd.s32 $0xFFFFFEF7, lr;
	s5 =	simm.s32 $0xFFFFFFFF;
	p2 =	slt.u32 s8, $0xFFFFF086  }
0x1c: {  	p1 =	slt.u32 s9, $0xF7A;
	s5 =	simm.s32 @!p2 $0x0  }
0x1d: {  	s5 =	simm.s32 @p1 $0x1;
	p0 =	seq.s32 s7, s2  }
0x1e: {  	s7 =	smul.u32 @!p0 $0xF7A, s2;
	p2 =	seq.s32 @!p0 s5, $0x0  }
0x1f: {  	s9 =	smul.u32 $0xF7A, s1;
	s8 =	simm.s32 @!p0 $0x1BF5;
	p2 =	por !p2, p0  }
0x20: {  	[sflag:s8] =	ssyncset.s32 @!p0 $0xFFFFF086;
	s6 =	sadd.s32 @!p0 s3, s7;
	s7 =	simm.s32 @!p0 $0x108  }
0x21: {  	s3 =	sadd.s32 s3, s9;
	s6 =	sadd.s32 @!p0 $0x88, s6;
	s7 =	simm.s32 @p2 $0x1082  }
0x22: {  	[simem:s7], [sflag:s8] =	dma.local @!p0 [hbm:s6], $0xF7A  }
0x23: {  	s9 =	sor.u32 $0xD0000000, s2;
	s6 =	simm.s32 $0x108;
	_ =	swait.ge @!p0 [sflag:s8], $0x0  }
0x24: {  	s3 =	sadd.s32 $0x88, s3;
	s6 =	simm.s32 @!p1 $0x1082;
	[sflag:s4] =	ssyncset.s32 $0xFFFFF086  }
0x25: {  	[simem:s6], [sflag:s4] =	dma.local [hbm:s3], $0xF7A  }
0x26: {  	[smem:$0x3F8B] =	sst s1;
	(tag) =	ssettag s2;
	_ =	strace s9  }
0x27: {  	s1 =	sld [smem:$0x3F9B]  }
0x28: {  	s2 =	sld [smem:$0x3F9C]  }
0x29: {  	s4 =	sld [smem:$0x3F9E]  }
0x2a: {  	p0 =	seq.s32 s5, $0x0;
	s5 =	sld [smem:$0x3F9F]  }
0x2b: {  	s6 =	sld [smem:$0x3FA0]  }
0x2c: {  	s7 =	sld [smem:$0x3FA1]  }
0x2d: {  	s3 =	simm.s32 $0x108;
	s8 =	sld [smem:$0x3FA2]  }
0x2e: {  	s3 =	simm.s32 @!p0 $0x1082;
	s9 =	sld [smem:$0x3FA3]  }
0x2f: {  	lr =	sadd.s32 s0, s3;
	s0 =	sld [smem:$0x3F9A]  }
0x30: {  	s3 =	sld [smem:$0x3F9D]  }
0x31: {  	[smem:$0x3FA6] =	sst s10  }
0x32: {  	s10 =	sld [smem:$0x3FA4];
	_ =	sdelay $0x3  }
0x33: {  	p0 =	seq.s32 s10, $0x1;
	s10 =	sld [smem:$0x3FA6];
	_ =	sdelay $0x3  }
0x34: {  	[smem:$0x3FA6] =	sst s10  }
0x35: {  	s10 =	sld [smem:$0x3FA5];
	_ =	sdelay $0x3  }
0x36: {  	p1 =	seq.s32 s10, $0x1;
	s10 =	sld [smem:$0x3FA6];
	_ =	sdelay $0x3  }
0x37: {  	[smem:$0x3FA6] =	sst s10  }
0x38: {  	s10 =	sld [smem:$0x3FA7]  }
0x39: {  	_ = 	snop;
	(pc) =	sbr.ind lr, $3  }
0x3a: {  	_ = 	snop  }
0x3b: {  	_ = 	snop  }
0x3c: {  	p2 =	seq.s32 s10, $0x1;
	s10 =	sld [smem:$0x3FA6]  }
0x3d: {  	_ =	shalt  }
0x3e: {  	_ =	shalt  }
0x3f: {  	_ =	shalt  }
0x40: {  	_ =	shalt  }
0x41: {  	_ =	shalt  }
0x42: {  	_ =	shalt  }
0x43: {  	_ =	shalt  }
0x44: {  	_ =	shalt  }
0x45: {  	_ =	shalt  }
0x46: {  	_ =	shalt  }
0x47: {  	_ =	shalt  }
0x48: {  	_ =	shalt  }
0x49: {  	_ =	shalt  }
0x4a: {  	_ =	shalt  }
0x4b: {  	_ =	shalt  }
0x4c: {  	_ =	shalt  }
0x4d: {  	_ =	shalt  }
0x4e: {  	_ =	shalt  }
0x4f: {  	_ =	shalt  }
0x50: {  	_ =	shalt  }
0x51: {  	_ =	shalt  }
0x52: {  	_ =	shalt  }
0x53: {  	_ =	shalt  }
0x54: {  	_ =	shalt  }
0x55: {  	_ =	shalt  }
0x56: {  	_ =	shalt  }
0x57: {  	_ =	shalt  }
0x58: {  	_ =	shalt  }
0x59: {  	_ =	shalt  }
0x5a: {  	_ =	shalt  }
0x5b: {  	_ =	shalt  }
0x5c: {  	_ =	shalt  }
0x5d: {  	_ =	shalt  }
0x5e: {  	_ =	shalt  }
0x5f: {  	_ =	shalt  }
0x60: {  	_ =	shalt  }
0x61: {  	_ =	shalt  }
0x62: {  	_ =	shalt  }
0x63: {  	_ =	shalt  }
0x64: {  	_ =	shalt  }
0x65: {  	_ =	shalt  }
0x66: {  	_ =	shalt  }
0x67: {  	_ =	shalt  }
0x68: {  	_ =	shalt  }
0x69: {  	_ =	shalt  }
0x6a: {  	_ =	shalt  }
0x6b: {  	_ =	shalt  }
0x6c: {  	_ =	shalt  }
0x6d: {  	_ =	shalt  }
0x6e: {  	_ =	shalt  }
0x6f: {  	_ =	shalt  }
0x70: {  	_ =	shalt  }
0x71: {  	_ =	shalt  }
0x72: {  	_ =	shalt  }
0x73: {  	_ =	shalt  }
0x74: {  	_ =	shalt  }
0x75: {  	_ =	shalt  }
0x76: {  	_ =	shalt  }
0x77: {  	_ =	shalt  }
0x78: {  	_ =	shalt  }
0x79: {  	_ =	shalt  }
0x7a: {  	_ =	shalt  }
0x7b: {  	_ =	shalt  }
0x7c: {  	_ =	shalt  }
0x7d: {  	_ =	shalt  }
0x7e: {  	_ =	shalt  }
0x7f: {  	_ =	shalt  }
0x80: {  	_ =	shalt  }
0x81: {  	_ =	shalt  }
0x82: {  	_ =	shalt  }
0x83: {  	_ =	shalt  }
0x84: {  	_ =	shalt  }
0x85: {  	_ =	shalt  }
0x86: {  	_ =	shalt  }
0x87: {  	_ =	shalt  }
.Lfunc_end0:
.L_simem_size_0:
called_computation.9_lowered:
.L_overlay_start_0:
0x88: {  	s2 =	sld [smem:$0x3FD9]  }
0x89: {  	s3 =	sld [smem:$0x3FFE];
	_ =	sdelay $0x1  }
0x8a: {  	s1 =	srdreg.scid  }
0x8b: {  	s0 =	sand.u32 $0x1, s1  }
0x8c: {  	s17 =	sshll.u32 s0, $0xA;
	s2 =	sadd.s32 s3, s2  }
0x8d: {  	s2 =	sadd.s32 s2, s17  }
0x8e: {  	[smem:$0x3FB2] =	sst s2  }
0x8f: {  	_ = 	snop  }
0x90: {  	s18 =	sld [smem:$0x3FD0];
	(tm) =	ssettm $0x1  }
0x91: {  	s19 =	sld [smem:$0x3FFB];
	_ =	sdelay $0x3  }
0x92: {  	_ =	strace s19  }
0x93: {  	s2 =	sld [smem:$0x3FFC];
	_ =	sdelay $0x3  }
0x94: {  	_ =	strace s2  }
0x95: {  	s2 =	sld [smem:$0x3FFD];
	_ =	sdelay $0x3  }
0x96: {  	_ =	strace s2  }
0x97: {  	_ =	strace $0x8FFFFFFF  }
0x98: {  	s20 =	sld [smem:$0x3FDB];
	_ =	sdelay $0x1  }
0x99: {  	s4 =	simm.s32 $_scs_section_size  }
0x9a: {  	s5 =	simm.s32 $_size__tile_overlayer_lowered;
	s6 =	simm.s32 $_tile_overlayer_lowered  }
0x9b: {  	s7 =	simm.s32 $0x1BFF;
	s21 =	sshll.u32 s6, $0x1;
	s4 =	sadd.s32 s4, s20  }
0x9c: {  	s22 =	simm.s32 $0x0;
	s5 =	sshll.u32 s5, $0x1;
	s6 =	sadd.s32 s21, s4  }
0x9d: {  	[timem:s22], [sflag:s7] =	dma.local [hbm:s6], s5  }
0x9e: {  	_ =	swait.ge [sflag:s7], s5  }
0x9f: {  	s5 =	ssub.s32 $0x0, s5;
	[sflag:s7] =	ssyncset.done $0x0  }
0xa0: {  	[sflag:s7] =	ssyncadd.s32 s5;
	_ =	sdelay $0x1  }
0xa1: {  	s23 =	simm.s32 $0x1B8B  }
0xa2: {  	_ =	swait.ge [sflag:s23], $0x1  }
0xa3: {  	[sflag:s23] =	ssyncset.done $0x0  }
0xa4: {  	[sflag:s23] =	ssyncadd.s32 $0xFFFFFFFF  }
0xa5: {  	s5 =	sld [smem:$0x0]  }
0xa6: {  	s6 =	sand.u32 $0xFFFFFFFE, s1  }
0xa7: {  	p0 =	sne.s32 s1, s6  }
0xa8: {  	s6 =	sshll.u32 @p0 s6, $0xE  }
0xa9: {  	s6 =	sadd.s32 @p0 $0x11B8D, s6;
	s7 =	sshll.u32 @p0 s5, $0x11  }
0xaa: {  	s6 =	sor.u32 @p0 s7, s6  }
0xab: {  	[sflag:s6] =	ssyncadd.remote.s32 @p0 $0x1;
	_ =	sdelay $0x1  }
0xac: {  	s6 =	simm.s32 @p0 $0x1B8D  }
0xad: {  	_ =	swait.eq @p0 [sflag:s6], $0x1  }
0xae: {  	[sflag:s6] =	ssyncadd.s32 @p0 $0xFFFFFFFF  }
0xaf: {  	s7 =	sshll.u32 @!p0 s1, $0xE  }
0xb0: {  	s7 =	sor.u32 @!p0 $0x4000, s7;
	s6 =	simm.s32 @!p0 $0x1B8D  }
0xb1: {  	s5 =	sshll.u32 @!p0 s5, $0x11;
	s7 =	sadd.s32 @!p0 $0x11B8D, s7;
	_ =	swait.eq @!p0 [sflag:s6], $0x1  }
0xb2: {  	s5 =	sor.u32 @!p0 s5, s7;
	[sflag:s6] =	ssyncadd.s32 @!p0 $0xFFFFFFFF  }
0xb3: {  	s25 =	simm.s32 $0x1B8E;
	s24 =	sld [smem:$0x3FFE];
	[sflag:s5] =	ssyncadd.remote.s32 @!p0 $0x1  }
0xb4: {  	s26 =	simm.s32 $execute0_lowered;
	[smem:$0x3FD2] =	sst s25  }
0xb5: {  	s6 =	sshll.u32 s26, $0x1;
	_ =	strace $0x80000061;
	[dreg:$0x1] =	wrdreg $0xFFFFFFFF  }
0xb6: {  	s28 =	simm.s32 $_size_execute0_lowered;
	s4 =	sadd.s32 s4, s6;
	[dreg:$0x0] =	wrdreg $0x0  }
0xb7: {  	s6 =	sshll.u32 s28, $0x1;
	[dreg:$0x2] =	wrdreg s4  }
0xb8: {  	[dreg:$0x3] =	wrdreg s6  }
0xb9: {  	[dreg:$0x4] =	wrdreg $0xC0  }
0xba: {  	_ =	task [dreg:s22], $0x5FFFF  }
0xbb: {  	[dreg:$0x1] =	wrdreg $0xFFFFFFFF  }
0xbc: {  	[dreg:$0x0] =	wrdreg $0x60  }
0xbd: {  	[dreg:$0x2] =	wrdreg s24  }
0xbe: {  	[dreg:$0x3] =	wrdreg s18  }
0xbf: {  	[dreg:$0x4] =	wrdreg $0xA  }
0xc0: {  	_ =	task.clear_ibuf [dreg:s22], $0x5FFFF;
	_ =	strace $0x90000061  }
0xc1: {  	s29 =	simm.s32 $0xA;
	_ =	strace $0x80000063  }
0xc2: {  	_ =	swait.ge [sflag:s29], $0x1  }
0xc3: {  	[sflag:s29] =	ssyncadd.s32 $0xFFFFFFFF  }
0xc4: {  	_ =	strace $0x90000063  }
0xc5: {  	_ =	sfence  }
0xc6: {  	s30 =	sld [smem:$0x0];
	_ =	sdelay $0x2  }
0xc7: {  	s31 =	sshll.u32 s1, $0xD;
	s1 =	sshrl.u32 s1, $0x2  }
0xc8: {  	s4 =	sand.u32 $0x4000, s31;
	s1 =	sadd.s32 s1, s30  }
0xc9: {  	s0 =	sor.u32 s4, s0;
	s1 =	sshll.u32 s1, $0x11  }
0xca: {  	s0 =	sor.u32 s1, s0  }
0xcb: {  	s0 =	sadd.s32 $0x8F2B, s0  }
0xcc: {  	[sflag:s0] =	ssyncadd.remote.s32 $0x1  }
0xcd: {  	_ =	sfence.sel $0xFFFF  }
0xce: {  	[dreg:$0x0] =	wrdreg $0xFFFFFFFF;
	(pc) =	sbr.abs _section_cstart, $3  }
0xcf: {  	[dreg:$0x1] =	wrdreg $0xFFFFFFFF  }
0xd0: {  	_ =	task.clear_ibuf [dreg:s22], $0x2FFFF;
	_ =	strace $0x9FFFFFFF  }
0xd1: {  	(tm) =	ssettm $0x7FFFFFFF  }
tec
execute0_lowered:
.L_overlay_start_1:
0x0: {  	(tag) =	ssettag $0x1  }
0x1: {  	s1 =	srdreg.scid  }
0x2: {  	s1 =	sand.u32 $0x1, s1  }
0x3: {  	p0 =	seq.s32 s1, $0x1  }
.Ltmp0:
0x4: {  	_ = 	snop;
	(pc) =	sbr.rel @p0 .LBB2_2-.Ltmp0, $4  }
0x5: {  	s2 =	rddreg [dreg:$0x0]  }
0x6: {  	s4 =	rddreg [dreg:$0x1];
	s3 =	simm.s32 $0x0  }
0x7: {  	[smem:$0x7FF] =	sst s3  }
0x8: {  	s0 =	rddreg [dreg:$0x2];
	_ =	strace $0x80000062;
	s1 =	stileid.u32  }
0x9: {  	s5 =	smul.u32 $0x19, s1;
	_ =	sdelay $0x1  }
0xa: {  	s4 =	sadd.s32 s4, s5  }
0xb: {  	[tilespmem:s3], [sflag:$0x2] =	stream.linear.gather [hbm4b:s4+s3], $0xC8, $0x38;
	[tilespmem:$0xC900] =	vst v63  }
0xc: {  	s4 =	simm.s32 $0x2  }
0xd: {  	_ =	swait.ge [sflag:s4], $0xC8  }
0xe: {  	[sflag:s4] =	ssyncset.done $0x0  }
0xf: {  	[sflag:s4] =	ssyncadd.s32 $0xFFFFFF38  }
0x10: {  	v0 =	vld [tilespmem:$0x0];
	_ =	sdelay $0x4  }
0x11: {  	v1 =	vshll.u32 v0, $0x1  }
0x12: {  	v2 =	vlaneseq.u32;
	v0 =	vand.u32 $0x7, v0;
	v1 =	vand.u32 $0xFFFFFFF0, v1  }
0x13: {  	v50 =	vand.u32 $0x7, v2;
	v51 =	vshrl.u32 v2, $0x3;
	v3 =	vor.u32 v0, v1  }
0x14: {  	v1 =	vmul.u32 $0x8, v51;
	v4 =	vperm.xlane v3, v50  }
0x15: {  	v2 =	vor.u32 $0x8, v2  }
0x16: {  	v3 =	vperm.xlane v3, v2;
	v4 =	vadd.s32 v1, v4;
	_ =	sdelay $0x1  }
0x17: {  	v3 =	vadd.s32 v1, v3;
	_ =	sdelay $0x1  }
0x18: {  	s6 =	sadd.s32 $0x62200, s2;
	vm0 =	vmmov $0xffff;
	s5 =	simm.s32 $0x100  }
0x19: {  	[tilespmem:s5], [sflag:$0x1] =	stream.indirect_vreg.gather [hbm4b:s6+s3], $0x80, v4, vm0, $0xb8;
	[tilespmem:$0xC900] =	vst v63  }
0x1a: {  	s7 =	simm.s32 $0x900  }
0x1b: {  	[tilespmem:s7], [sflag:$0x1] =	stream.indirect_vreg.gather [hbm4b:s6+s3], $0x80, v3, vm0, $0xb8;
	[tilespmem:$0xC900] =	vst v63  }
0x1c: {  	v3 =	vld [tilespmem:$0x10];
	_ =	sdelay $0x4  }
0x1d: {  	v52 =	vshll.u32 v3, $0x1  }
0x1e: {  	v3 =	vand.u32 $0x7, v3;
	v4 =	vand.u32 $0xFFFFFFF0, v52  }
0x1f: {  	v3 =	vor.u32 v3, v4  }
0x20: {  	v4 =	vperm.xlane v3, v50;
	_ =	sdelay $0x1  }
0x21: {  	v3 =	vperm.xlane v3, v2;
	v4 =	vadd.s32 v1, v4;
	_ =	sdelay $0x1  }
0x22: {  	v3 =	vadd.s32 v1, v3;
	_ =	sdelay $0x1  }
0x23: {  	s29 =	simm.s32 $0x1100  }
0x24: {  	[tilespmem:s29], [sflag:$0x1] =	stream.indirect_vreg.gather [hbm4b:s6+s3], $0x80, v4, vm0, $0xb8;
	[tilespmem:$0xC900] =	vst v63  }
0x25: {  	s30 =	simm.s32 $0x1900  }
0x26: {  	[tilespmem:s30], [sflag:$0x1] =	stream.indirect_vreg.gather [hbm4b:s6+s3], $0x80, v3, vm0, $0xb8;
	[tilespmem:$0xC900] =	vst v63  }
0x27: {  	v3 =	vld [tilespmem:$0x20];
	_ =	sdelay $0x4  }
0x28: {  	v53 =	vshll.u32 v3, $0x1  }
0x29: {  	v3 =	vand.u32 $0x7, v3;
	v4 =	vand.u32 $0xFFFFFFF0, v53  }
0x2a: {  	v3 =	vor.u32 v3, v4  }
0x2b: {  	v4 =	vperm.xlane v3, v50;
	_ =	sdelay $0x1  }
0x2c: {  	v3 =	vperm.xlane v3, v2;
	v4 =	vadd.s32 v1, v4;
	_ =	sdelay $0x1  }
0x2d: {  	v3 =	vadd.s32 v1, v3;
	_ =	sdelay $0x1  }
0x2e: {  	s31 =	simm.s32 $0x2100  }
0x2f: {  	[tilespmem:s31], [sflag:$0x1] =	stream.indirect_vreg.gather [hbm4b:s6+s3], $0x80, v4, vm0, $0xb8;
	[tilespmem:$0xC900] =	vst v63  }
0x30: {  	s8 =	simm.s32 $0x2900  }
0x31: {  	[tilespmem:s8], [sflag:$0x1] =	stream.indirect_vreg.gather [hbm4b:s6+s3], $0x80, v3, vm0, $0xb8;
	[tilespmem:$0xC900] =	vst v63  }
0x32: {  	v3 =	vld [tilespmem:$0x30];
	_ =	sdelay $0x4  }
0x33: {  	v54 =	vshll.u32 v3, $0x1  }
0x34: {  	v3 =	vand.u32 $0x7, v3;
	v4 =	vand.u32 $0xFFFFFFF0, v54  }
0x35: {  	v3 =	vor.u32 v3, v4  }
0x36: {  	v4 =	vperm.xlane v3, v50;
	_ =	sdelay $0x1  }
0x37: {  	v3 =	vperm.xlane v3, v2;
	v4 =	vadd.s32 v1, v4;
	_ =	sdelay $0x1  }
0x38: {  	v3 =	vadd.s32 v1, v3;
	_ =	sdelay $0x1  }
0x39: {  	s9 =	simm.s32 $0x3100  }
0x3a: {  	[tilespmem:s9], [sflag:$0x1] =	stream.indirect_vreg.gather [hbm4b:s6+s3], $0x80, v4, vm0, $0xb8;
	[tilespmem:$0xC900] =	vst v63  }
0x3b: {  	s10 =	simm.s32 $0x3900  }
0x3c: {  	[tilespmem:s10], [sflag:$0x1] =	stream.indirect_vreg.gather [hbm4b:s6+s3], $0x80, v3, vm0, $0xb8;
	[tilespmem:$0xC900] =	vst v63  }
0x3d: {  	v3 =	vld [tilespmem:$0x40];
	_ =	sdelay $0x4  }
0x3e: {  	v55 =	vshll.u32 v3, $0x1  }
0x3f: {  	v3 =	vand.u32 $0x7, v3;
	v4 =	vand.u32 $0xFFFFFFF0, v55  }
0x40: {  	v3 =	vor.u32 v3, v4  }
0x41: {  	v4 =	vperm.xlane v3, v50;
	_ =	sdelay $0x1  }
0x42: {  	v3 =	vperm.xlane v3, v2;
	v4 =	vadd.s32 v1, v4;
	_ =	sdelay $0x1  }
0x43: {  	v3 =	vadd.s32 v1, v3;
	_ =	sdelay $0x1  }
0x44: {  	s11 =	simm.s32 $0x4100  }
0x45: {  	[tilespmem:s11], [sflag:$0x1] =	stream.indirect_vreg.gather [hbm4b:s6+s3], $0x80, v4, vm0, $0xb8;
	[tilespmem:$0xC900] =	vst v63  }
0x46: {  	s12 =	simm.s32 $0x4900  }
0x47: {  	[tilespmem:s12], [sflag:$0x1] =	stream.indirect_vreg.gather [hbm4b:s6+s3], $0x80, v3, vm0, $0xb8;
	[tilespmem:$0xC900] =	vst v63  }
0x48: {  	v3 =	vld [tilespmem:$0x50];
	_ =	sdelay $0x4  }
0x49: {  	v56 =	vshll.u32 v3, $0x1  }
0x4a: {  	v3 =	vand.u32 $0x7, v3;
	v4 =	vand.u32 $0xFFFFFFF0, v56  }
0x4b: {  	v3 =	vor.u32 v3, v4  }
0x4c: {  	v4 =	vperm.xlane v3, v50;
	_ =	sdelay $0x1  }
0x4d: {  	v3 =	vperm.xlane v3, v2;
	v4 =	vadd.s32 v1, v4;
	_ =	sdelay $0x1  }
0x4e: {  	v3 =	vadd.s32 v1, v3;
	_ =	sdelay $0x1  }
0x4f: {  	s13 =	simm.s32 $0x5100  }
0x50: {  	[tilespmem:s13], [sflag:$0x1] =	stream.indirect_vreg.gather [hbm4b:s6+s3], $0x80, v4, vm0, $0xb8;
	[tilespmem:$0xC900] =	vst v63  }
0x51: {  	s14 =	simm.s32 $0x5900  }
0x52: {  	[tilespmem:s14], [sflag:$0x1] =	stream.indirect_vreg.gather [hbm4b:s6+s3], $0x80, v3, vm0, $0xb8;
	[tilespmem:$0xC900] =	vst v63  }
0x53: {  	v3 =	vld [tilespmem:$0x60];
	_ =	sdelay $0x4  }
0x54: {  	v57 =	vshll.u32 v3, $0x1  }
0x55: {  	v3 =	vand.u32 $0x7, v3;
	v4 =	vand.u32 $0xFFFFFFF0, v57  }
0x56: {  	v3 =	vor.u32 v3, v4  }
0x57: {  	v4 =	vperm.xlane v3, v50;
	_ =	sdelay $0x1  }
0x58: {  	v3 =	vperm.xlane v3, v2;
	v4 =	vadd.s32 v1, v4;
	_ =	sdelay $0x1  }
0x59: {  	v3 =	vadd.s32 v1, v3;
	_ =	sdelay $0x1  }
0x5a: {  	s15 =	simm.s32 $0x6100  }
0x5b: {  	[tilespmem:s15], [sflag:$0x1] =	stream.indirect_vreg.gather [hbm4b:s6+s3], $0x80, v4, vm0, $0xb8;
	[tilespmem:$0xC900] =	vst v63  }
0x5c: {  	s16 =	simm.s32 $0x6900  }
0x5d: {  	[tilespmem:s16], [sflag:$0x1] =	stream.indirect_vreg.gather [hbm4b:s6+s3], $0x80, v3, vm0, $0xb8;
	[tilespmem:$0xC900] =	vst v63  }
0x5e: {  	v3 =	vld [tilespmem:$0x70];
	_ =	sdelay $0x4  }
0x5f: {  	v58 =	vshll.u32 v3, $0x1  }
0x60: {  	v3 =	vand.u32 $0x7, v3;
	v4 =	vand.u32 $0xFFFFFFF0, v58  }
0x61: {  	v3 =	vor.u32 v3, v4  }
0x62: {  	v4 =	vperm.xlane v3, v50;
	_ =	sdelay $0x1  }
0x63: {  	v3 =	vperm.xlane v3, v2;
	v4 =	vadd.s32 v1, v4;
	_ =	sdelay $0x1  }
0x64: {  	v3 =	vadd.s32 v1, v3;
	_ =	sdelay $0x1  }
0x65: {  	s17 =	simm.s32 $0x7100  }
0x66: {  	[tilespmem:s17], [sflag:$0x1] =	stream.indirect_vreg.gather [hbm4b:s6+s3], $0x80, v4, vm0, $0xb8;
	[tilespmem:$0xC900] =	vst v63  }
0x67: {  	s18 =	simm.s32 $0x7900  }
0x68: {  	[tilespmem:s18], [sflag:$0x1] =	stream.indirect_vreg.gather [hbm4b:s6+s3], $0x80, v3, vm0, $0xb8;
	[tilespmem:$0xC900] =	vst v63  }
0x69: {  	v3 =	vld [tilespmem:$0x80];
	_ =	sdelay $0x4  }
0x6a: {  	v59 =	vshll.u32 v3, $0x1  }
0x6b: {  	v3 =	vand.u32 $0x7, v3;
	v4 =	vand.u32 $0xFFFFFFF0, v59  }
0x6c: {  	v3 =	vor.u32 v3, v4  }
0x6d: {  	v4 =	vperm.xlane v3, v50;
	_ =	sdelay $0x1  }
0x6e: {  	v3 =	vperm.xlane v3, v2;
	v4 =	vadd.s32 v1, v4;
	_ =	sdelay $0x1  }
0x6f: {  	v3 =	vadd.s32 v1, v3;
	_ =	sdelay $0x1  }
0x70: {  	s19 =	simm.s32 $0x8100  }
0x71: {  	[tilespmem:s19], [sflag:$0x1] =	stream.indirect_vreg.gather [hbm4b:s6+s3], $0x80, v4, vm0, $0xb8;
	[tilespmem:$0xC900] =	vst v63  }
0x72: {  	s20 =	simm.s32 $0x8900  }
0x73: {  	[tilespmem:s20], [sflag:$0x1] =	stream.indirect_vreg.gather [hbm4b:s6+s3], $0x80, v3, vm0, $0xb8;
	[tilespmem:$0xC900] =	vst v63  }
0x74: {  	v3 =	vld [tilespmem:$0x90];
	_ =	sdelay $0x4  }
0x75: {  	v60 =	vshll.u32 v3, $0x1  }
0x76: {  	v3 =	vand.u32 $0x7, v3;
	v4 =	vand.u32 $0xFFFFFFF0, v60  }
0x77: {  	v3 =	vor.u32 v3, v4  }
0x78: {  	v4 =	vperm.xlane v3, v50;
	_ =	sdelay $0x1  }
0x79: {  	v3 =	vperm.xlane v3, v2;
	v4 =	vadd.s32 v1, v4;
	_ =	sdelay $0x1  }
0x7a: {  	v3 =	vadd.s32 v1, v3;
	_ =	sdelay $0x1  }
0x7b: {  	s21 =	simm.s32 $0x9100  }
0x7c: {  	[tilespmem:s21], [sflag:$0x1] =	stream.indirect_vreg.gather [hbm4b:s6+s3], $0x80, v4, vm0, $0xb8;
	[tilespmem:$0xC900] =	vst v63  }
0x7d: {  	s22 =	simm.s32 $0x9900  }
0x7e: {  	[tilespmem:s22], [sflag:$0x1] =	stream.indirect_vreg.gather [hbm4b:s6+s3], $0x80, v3, vm0, $0xb8;
	[tilespmem:$0xC900] =	vst v63  }
0x7f: {  	v3 =	vld [tilespmem:$0xA0];
	_ =	sdelay $0x4  }
0x80: {  	v61 =	vshll.u32 v3, $0x1  }
0x81: {  	v3 =	vand.u32 $0x7, v3;
	v4 =	vand.u32 $0xFFFFFFF0, v61  }
0x82: {  	v3 =	vor.u32 v3, v4  }
0x83: {  	v4 =	vperm.xlane v3, v50;
	_ =	sdelay $0x1  }
0x84: {  	v3 =	vperm.xlane v3, v2;
	v4 =	vadd.s32 v1, v4;
	_ =	sdelay $0x1  }
0x85: {  	v3 =	vadd.s32 v1, v3;
	_ =	sdelay $0x1  }
0x86: {  	s23 =	simm.s32 $0xA100  }
0x87: {  	[tilespmem:s23], [sflag:$0x1] =	stream.indirect_vreg.gather [hbm4b:s6+s3], $0x80, v4, vm0, $0xb8;
	[tilespmem:$0xC900] =	vst v63  }
0x88: {  	s24 =	simm.s32 $0xA900  }
0x89: {  	[tilespmem:s24], [sflag:$0x1] =	stream.indirect_vreg.gather [hbm4b:s6+s3], $0x80, v3, vm0, $0xb8;
	[tilespmem:$0xC900] =	vst v63  }
0x8a: {  	v3 =	vld [tilespmem:$0xB0];
	_ =	sdelay $0x4  }
0x8b: {  	v62 =	vshll.u32 v3, $0x1  }
0x8c: {  	v3 =	vand.u32 $0x7, v3;
	v4 =	vand.u32 $0xFFFFFFF0, v62  }
0x8d: {  	v3 =	vor.u32 v3, v4  }
0x8e: {  	v4 =	vperm.xlane v3, v50;
	_ =	sdelay $0x1  }
0x8f: {  	v2 =	vperm.xlane v3, v2;
	v4 =	vadd.s32 v1, v4;
	_ =	sdelay $0x1  }
0x90: {  	v2 =	vadd.s32 v1, v2;
	_ =	sdelay $0x1  }
0x91: {  	s25 =	simm.s32 $0xB100  }
0x92: {  	[tilespmem:s25], [sflag:$0x1] =	stream.indirect_vreg.gather [hbm4b:s6+s3], $0x80, v4, vm0, $0xb8;
	[tilespmem:$0xC900] =	vst v63  }
0x93: {  	s26 =	simm.s32 $0xB900  }
0x94: {  	[tilespmem:s26], [sflag:$0x1] =	stream.indirect_vreg.gather [hbm4b:s6+s3], $0x80, v2, vm0, $0xb8;
	[tilespmem:$0xC900] =	vst v63  }
0x95: {  	v2 =	vld.msk [tilespmem:$0xC0], $0xff;
	_ =	sdelay $0x4  }
0x96: {  	v63 =	vshll.u32 v2, $0x1  }
0x97: {  	v2 =	vand.u32 $0x7, v2;
	v3 =	vand.u32 $0xFFFFFFF0, v63  }
0x98: {  	v2 =	vor.u32 v2, v3  }
0x99: {  	v0 =	vperm.xlane v2, v50;
	_ =	sdelay $0x1  }
0x9a: {  	v0 =	vadd.s32 v1, v0;
	_ =	sdelay $0x3  }
0x9b: {  	s28 =	simm.s32 $0xC100;
	s29 =	simm.s32 $0x1  }
0x9c: {  	[tilespmem:s28], [sflag:$0x1] =	stream.indirect_vreg.gather [hbm4b:s6+s3], $0x80, v0, vm0, $0xb8;
	[tilespmem:$0xC900] =	vst v63  }
0x9d: {  	s30 =	smul.u32 $0x1900, s1;
	_ =	swait.ge [sflag:s29], $0xC800  }
0x9e: {  	s31 =	sadd.s32 $0x7B200, s2;
	[sflag:s29] =	ssyncset.done $0x0  }
0x9f: {  	s2 =	sadd.s32 s31, s30;
	[sflag:s29] =	ssyncadd.s32 $0xFFFF3800  }
0xa0: {  	[hbm4b:s2+s3] =	stream.linear.scatter [tilespmem:s5], [sflag:$0x2], $0xC800, $0x38;
	[tilespmem:$0xC900] =	vst v63  }
0xa1: {  	_ =	swait.ge [sflag:s4], $0xC800  }
0xa2: {  	[sflag:s4] =	ssyncset.done $0x0  }
0xa3: {  	[sflag:s4] =	ssyncadd.s32 $0xFFFF3800  }
.LBB2_2:
0xa4: {  	_ =	sfence.sel $0x180000  }
0xa5: {  	[bflag:$0x0] =	sbarrier.arrive $0xFFFF  }
0xa6: {  	p0 =	sne.s32 s1, $0x0;
	_ =	strace $0x90000062  }
0xa7: {  	s0 =	sadd.s32 @!p0 $0x100000, s0;
	[bflag:$0x2] =	sbarrier.arrive $0xFFFF  }
0xa8: {  	[sflag:s0] =	ssyncadd.tile.s32 @!p0 $0x1;
	_ =	shalt  }
.Lfunc_end2:
_tile_overlayer_lowered:
.L_overlay_start_2:
0xa9: {  	(tag) =	ssettag $0x2  }
0xaa: {  	s0 =	rddreg [dreg:$0x0];
	s2 =	stileid.u32  }
0xab: {  	s1 =	rddreg [dreg:$0x1];
	p0 =	sne.s32 s2, $0x0  }
0xac: {  	s3 =	rddreg [dreg:$0x2];
	[bflag:$0x3] =	sbarrier.arrive $0xFFFF;
	s2 =	simm.s32 @!p0 $0x1C02  }
0xad: {  	[timem:s3], [sflag:s2] =	dma.local @!p0 [hbm:s0], s1  }
0xae: {  	s0 =	simm.s32 @!p0 $0x2  }
0xaf: {  	_ =	swait.ge @!p0 [sflag:s0], s1  }
0xb0: {  	s1 =	ssub.s32 @!p0 $0x0, s1;
	[sflag:s0] =	ssyncset.done @!p0 $0x0  }
0xb1: {  	[sflag:s0] =	ssyncadd.s32 @!p0 s1  }
0xb2: {  	[bflag:$0x3] =	sbarrier.arrive $0xFFFF  }
0xb3: {  	_ =	shalt  }

</sc_bundles>
